<compile_context>
chip_gen: v7x
topology: tpu7x:2x2x1
jax: 0.10.2.dev20260603
libtpu: 0.0.44.dev20260713+nightly
codegen_flags: <defaults>
</compile_context>

<pallas_src>
import functools

import jax
import jax.numpy as jnp
from jax import lax
from jax.experimental import pallas as pl
from jax.experimental.pallas import tpu as pltpu
from jax.experimental.pallas import tpu_sc as plsc

N_NODES = 10000
N_EDGES = 160000
SEQ = 16
HID1 = 32
HID2 = 16

NC = 2
NS = 16
NW = NC * NS
CHUNK = 128
NCHUNK = 40
EPW = CHUNK * NCHUNK
E_PAD = EPW * NW
ROWS_PER_TILE = 640
N_PAD = ROWS_PER_TILE * NS



def _lstm_body(x_ref, wih1_ref, whh1_ref, b1_ref, wih2_ref, whh2_ref,
               b2_ref, w1_ref, dep_ref, out_ref):
    del dep_ref
    x = x_ref[...]
    wih1 = wih1_ref[...]
    whh1 = whh1_ref[...]
    b1 = b1_ref[...]
    wih2 = wih2_ref[...]
    whh2 = whh2_ref[...]
    b2 = b2_ref[...]
    B = x.shape[1]

    h = jnp.zeros((HID1, B), jnp.float32)
    c = jnp.zeros((HID1, B), jnp.float32)
    h1s = []
    for t in range(SEQ):
        gates = (wih1 * x[t:t + 1, :]
                 + jnp.dot(whh1, h, preferred_element_type=jnp.float32) + b1)
        sio = jax.nn.sigmoid(gates[0:96, :])
        g = jnp.tanh(gates[96:128, :])
        c = sio[32:64, :] * c + sio[0:32, :] * g
        h = sio[64:96, :] * jnp.tanh(c)
        h1s.append(h)

    h1l = jnp.concatenate(h1s, axis=1)
    g2in = jnp.dot(wih2, h1l, preferred_element_type=jnp.float32)

    h2 = jnp.zeros((HID2, B), jnp.float32)
    c2 = jnp.zeros((HID2, B), jnp.float32)
    h2s = []
    for t in range(SEQ):
        gates = (g2in[:, t * B:(t + 1) * B]
                 + jnp.dot(whh2, h2, preferred_element_type=jnp.float32) + b2)
        sio = jax.nn.sigmoid(gates[0:48, :])
        g = jnp.tanh(gates[48:64, :])
        c2 = sio[16:32, :] * c2 + sio[0:16, :] * g
        h2 = sio[32:48, :] * jnp.tanh(c2)
        h2s.append(h2)
    h2stack = jnp.concatenate(h2s, axis=0)
    acc = jnp.dot(w1_ref[...], h2stack,
                  preferred_element_type=jnp.float32)
    out_ref[...] = acc.T


def _lstm_project(xT, wih1, whh1, b1, wih2, whh2, b2, w1, dep):
    BN = 2048
    grid = (N_PAD // BN,)
    full = lambda shape: pl.BlockSpec(shape, lambda i: (0,) * len(shape))
    return pl.pallas_call(
        _lstm_body,
        grid=grid,
        in_specs=[
            pl.BlockSpec((SEQ, BN), lambda i: (0, i)),
            full((128, 1)), full((128, HID1)), full((128, 1)),
            full((64, HID1)), full((64, HID2)), full((64, 1)),
            full((16, SEQ * 16)),
            pl.BlockSpec((1, 1, 16), lambda i: (0, 0, 0)),
        ],
        out_specs=pl.BlockSpec((BN, 16), lambda i: (i, 0)),
        out_shape=jax.ShapeDtypeStruct((N_PAD, 16), jnp.float32),
    )(xT, wih1, whh1, b1, wih2, whh2, b2, w1, dep[:1, :1, :])


def _perm_gates(w, n):
    return w.reshape(4, n, *w.shape[1:])[jnp.array([0, 1, 3, 2])].reshape(w.shape)



NBUF = 8


def _zero_stripe(stripe_v, sh, s):
    def _zrow(i, _):
        stripe_v[i, :] = jnp.zeros((16,), jnp.float32)
        return 0
    lax.fori_loop(0, ROWS_PER_TILE, _zrow, 0)
    pltpu.sync_copy(stripe_v, sh.at[pl.ds(s * ROWS_PER_TILE, ROWS_PER_TILE)])


def _copy_out(sh, stripe_v, out_hbm, c, s):
    sl = pl.ds(s * ROWS_PER_TILE, ROWS_PER_TILE)
    pltpu.sync_copy(sh.at[sl], stripe_v)
    pltpu.sync_copy(stripe_v, out_hbm.at[c, sl])


def _agg_body(y_hbm, srcs_hbm, dsts_hbm, zeros_hbm, out_hbm, *rest):
    src_v, dst_v = rest[:2]
    rows = rest[2:2 + NBUF]
    stripe_v, y_sh, acc_sh = rest[2 + NBUF:5 + NBUF]
    sems = rest[5 + NBUF:]
    gsem = sems[:NBUF]
    ssem = sems[NBUF:]

    c = lax.axis_index("c")
    s = lax.axis_index("s")
    wid = s * NC + c

    sl = pl.ds(s * ROWS_PER_TILE, ROWS_PER_TILE)
    pltpu.sync_copy(y_hbm.at[sl], stripe_v)
    pltpu.sync_copy(stripe_v, y_sh.at[sl])
    pltpu.sync_copy(zeros_hbm, stripe_v)
    pltpu.sync_copy(stripe_v, acc_sh.at[sl])
    pltpu.sync_copy(srcs_hbm.at[wid], src_v)
    pltpu.sync_copy(dsts_hbm.at[wid], dst_v)
    plsc.subcore_barrier()

    for b in range(NBUF):
        pltpu.async_copy(y_sh.at[src_v.at[b]], rows[b], gsem[b])

    def _round(k, _):
        base = k * NBUF
        for b in range(NBUF):
            j = base + b
            pltpu.make_async_copy(y_sh.at[src_v.at[j]], rows[b],
                                  gsem[b]).wait()
            pltpu.async_copy(rows[b], acc_sh.at[dst_v.at[j]], ssem[b],
                             add=True)

        @pl.when(k < NCHUNK // NBUF - 1)
        def _refill():
            for b in range(NBUF):
                j = base + b
                pltpu.make_async_copy(rows[b], acc_sh.at[dst_v.at[j]],
                                      ssem[b]).wait()
                pltpu.async_copy(y_sh.at[src_v.at[j + NBUF]], rows[b],
                                 gsem[b])
        return 0
    lax.fori_loop(0, NCHUNK // NBUF, _round, 0)

    for b in range(NBUF):
        j = NCHUNK - NBUF + b
        pltpu.make_async_copy(rows[b], acc_sh.at[dst_v.at[j]], ssem[b]).wait()
    plsc.subcore_barrier()
    _copy_out(acc_sh, stripe_v, out_hbm, c, s)


def _deg_body(dsts_hbm, out_hbm, dst_v, stripe_v, ones_v, deg_sh, sem):
    c = lax.axis_index("c")
    s = lax.axis_index("s")
    wid = s * NC + c

    _zero_stripe(stripe_v, deg_sh, s)

    def _orow(i, _):
        ones_v[i, :] = jnp.ones((16,), jnp.float32)
        return 0
    lax.fori_loop(0, CHUNK, _orow, 0)
    pltpu.sync_copy(dsts_hbm.at[wid], dst_v)
    plsc.subcore_barrier()

    def _fire(j, _):
        pltpu.async_copy(ones_v, deg_sh.at[dst_v.at[j]], sem, add=True)
        return 0
    lax.fori_loop(0, NCHUNK, _fire, 0)

    def _drain(j, _):
        pltpu.make_async_copy(ones_v, deg_sh.at[dst_v.at[0]], sem).wait()
        return 0
    lax.fori_loop(0, NCHUNK, _drain, 0)
    plsc.subcore_barrier()
    _copy_out(deg_sh, stripe_v, out_hbm, c, s)


_PART = jax.ShapeDtypeStruct((NC, N_PAD, 16), jnp.float32)


@functools.lru_cache(maxsize=None)
def _make_agg():
    return pl.kernel(
        _agg_body,
        out_type=_PART,
        mesh=plsc.VectorSubcoreMesh(core_axis_name="c", subcore_axis_name="s",
                                    num_cores=NC, num_subcores=NS),
        scratch_types=(
            [
                pltpu.VMEM((NCHUNK, CHUNK), jnp.int32),
                pltpu.VMEM((NCHUNK, CHUNK), jnp.int32),
            ]
            + [pltpu.VMEM((CHUNK, 16), jnp.float32)] * NBUF
            + [
                pltpu.VMEM((ROWS_PER_TILE, 16), jnp.float32),
                pltpu.VMEM_SHARED((N_PAD, 16), jnp.float32),
                pltpu.VMEM_SHARED((N_PAD, 16), jnp.float32),
            ]
            + [pltpu.SemaphoreType.DMA] * (2 * NBUF)
        ),
        compiler_params=pltpu.CompilerParams(use_tc_tiling_on_sc=False),
    )


@functools.lru_cache(maxsize=None)
def _make_deg():
    return pl.kernel(
        _deg_body,
        out_type=_PART,
        mesh=plsc.VectorSubcoreMesh(core_axis_name="c", subcore_axis_name="s",
                                    num_cores=NC, num_subcores=NS),
        scratch_types=[
            pltpu.VMEM((NCHUNK, CHUNK), jnp.int32),
            pltpu.VMEM((ROWS_PER_TILE, 16), jnp.float32),
            pltpu.VMEM((CHUNK, 16), jnp.float32),
            pltpu.VMEM_SHARED((N_PAD, 16), jnp.float32),
            pltpu.SemaphoreType.DMA,
        ],
        compiler_params=pltpu.CompilerParams(use_tc_tiling_on_sc=False),
    )



NROW = N_PAD * 16 // 128


def _blockdiag(w):
    tiled = jnp.tile(w, (8, 8))
    r = lax.broadcasted_iota(jnp.int32, (128, 128), 0) // 16
    col = lax.broadcasted_iota(jnp.int32, (128, 128), 1) // 16
    return jnp.where(r == col, tiled, 0.0)


def _node_h(y_ref, p_ref, d_ref, b_ref):
    return ((p_ref[0, :, :] + p_ref[1, :, :] + y_ref[...])
            / (d_ref[0, :, :] + d_ref[1, :, :] + 1.0)
            + jnp.tile(b_ref[...], (1, 8)))


def _node_mid_body(y_ref, p_ref, d_ref, w_ref, b_ref, o_ref):
    o_ref[...] = jnp.dot(_node_h(y_ref, p_ref, d_ref, b_ref),
                         _blockdiag(w_ref[...]),
                         preferred_element_type=jnp.float32)


def _node_last_body(y_ref, p_ref, d_ref, b_ref, o_ref):
    o_ref[...] = jnp.maximum(_node_h(y_ref, p_ref, d_ref, b_ref), 0.0)


def _node_mid(y, p, d, w, b):
    return pl.pallas_call(
        _node_mid_body,
        out_shape=jax.ShapeDtypeStruct((NROW, 128), jnp.float32),
    )(y, p, d, w, b.reshape(1, 16))


def _node_last(y, p, d, b):
    return pl.pallas_call(
        _node_last_body,
        out_shape=jax.ShapeDtypeStruct((NROW, 128), jnp.float32),
    )(y, p, d, b.reshape(1, 16))



def kernel(in_feat, edge_index, W_ih1, W_hh1, b_ih1, b_hh1,
           W_ih2, W_hh2, b_ih2, b_hh2, W1, b1, W2, b2, W3, b3):
    f32 = jnp.float32
    src = edge_index[0].astype(jnp.int32)
    dst = edge_index[1].astype(jnp.int32)
    pad = E_PAD - N_EDGES
    srcs = jnp.concatenate([src, jnp.zeros((pad,), jnp.int32)])
    dsts = jnp.concatenate(
        [dst, N_NODES + (jnp.arange(pad, dtype=jnp.int32) % (N_PAD - N_NODES))])
    srcs = srcs.reshape(NW, NCHUNK, CHUNK)
    dsts = dsts.reshape(NW, NCHUNK, CHUNK)

    dp = _make_deg()(dsts)
    xT = jnp.zeros((SEQ, N_PAD), f32).at[:, :N_NODES].set(in_feat.T)
    y1 = _lstm_project(
        xT,
        _perm_gates(W_ih1, HID1),
        _perm_gates(W_hh1, HID1),
        _perm_gates((b_ih1 + b_hh1).reshape(128, 1), HID1),
        _perm_gates(W_ih2, HID2),
        _perm_gates(W_hh2, HID2),
        _perm_gates((b_ih2 + b_hh2).reshape(64, 1), HID2),
        W1.T,
        dp,
    )

    zrows = jnp.zeros((ROWS_PER_TILE, 16), f32)
    a1 = _make_agg()(y1, srcs, dsts, zrows)
    v = lambda p: p.reshape(NC, NROW, 128)
    d = v(dp)

    y2r = _node_mid(y1.reshape(NROW, 128), v(a1), d, W2, b1)
    a2 = _make_agg()(y2r.reshape(N_PAD, 16), srcs, dsts, zrows)
    y3r = _node_mid(y2r, v(a2), d, W3, b2)
    a3 = _make_agg()(y3r.reshape(N_PAD, 16), srcs, dsts, zrows)
    outr = _node_last(y3r, v(a3), d, b3)
    return outr.reshape(N_PAD, 16)[:N_NODES].astype(f32)

# --- scband reference (transcript-rebuilt; emitter-appended) ---
"""Pipeline reference for scband-graph-sage-73151882986168 (READ-ONLY COPY).

The authoritative reference and input builder live on the scoring server;
editing this copy changes nothing except your own understanding.
"""

import jax, jax.numpy as jnp
import numpy as np

N_NODES = 10000
N_EDGES = 160000
SEQ_LEN = 16
N_FEATURES = 1
EMBED_DIM = 16
HIDDEN_DIM = 2 * EMBED_DIM  # 32
IN_FEATS = SEQ_LEN * EMBED_DIM  # 256
OUT_FEATS = EMBED_DIM  # 16


def setup_inputs(seed: int = 0) -> dict:
    key = jax.random.key(seed)
    ks = jax.random.split(key, 20)
    inp = {}
    inp['in_feat'] = jax.random.normal(ks[0], (N_NODES, SEQ_LEN), dtype=jnp.float32)
    inp['edge_index'] = jax.random.randint(ks[1], (2, N_EDGES), 0, N_NODES, dtype=jnp.int64)
    s = 0.1
    # LSTM 1: input=1, hidden=32
    inp['W_ih1'] = jax.random.normal(ks[2], (4 * HIDDEN_DIM, N_FEATURES), dtype=jnp.float32) * s
    inp['W_hh1'] = jax.random.normal(ks[3], (4 * HIDDEN_DIM, HIDDEN_DIM), dtype=jnp.float32) * s
    inp['b_ih1'] = jax.random.normal(ks[4], (4 * HIDDEN_DIM,), dtype=jnp.float32) * s
    inp['b_hh1'] = jax.random.normal(ks[5], (4 * HIDDEN_DIM,), dtype=jnp.float32) * s
    # LSTM 2: input=32, hidden=16
    inp['W_ih2'] = jax.random.normal(ks[6], (4 * EMBED_DIM, HIDDEN_DIM), dtype=jnp.float32) * s
    inp['W_hh2'] = jax.random.normal(ks[7], (4 * EMBED_DIM, EMBED_DIM), dtype=jnp.float32) * s
    inp['b_ih2'] = jax.random.normal(ks[8], (4 * EMBED_DIM,), dtype=jnp.float32) * s
    inp['b_hh2'] = jax.random.normal(ks[9], (4 * EMBED_DIM,), dtype=jnp.float32) * s
    # SAGEConv 'gcn' layers: fc_neigh weight + bias
    inp['W1'] = jax.random.normal(ks[10], (IN_FEATS, OUT_FEATS), dtype=jnp.float32) * (1.0 / np.sqrt(IN_FEATS))
    inp['b1'] = jnp.zeros((OUT_FEATS,), dtype=jnp.float32)
    inp['W2'] = jax.random.normal(ks[11], (OUT_FEATS, OUT_FEATS), dtype=jnp.float32) * (1.0 / np.sqrt(OUT_FEATS))
    inp['b2'] = jnp.zeros((OUT_FEATS,), dtype=jnp.float32)
    inp['W3'] = jax.random.normal(ks[12], (OUT_FEATS, OUT_FEATS), dtype=jnp.float32) * (1.0 / np.sqrt(OUT_FEATS))
    inp['b3'] = jnp.zeros((OUT_FEATS,), dtype=jnp.float32)
    return inp


def _lstm(x, W_ih, W_hh, b_ih, b_hh):
    # x: [N, T, D]; PyTorch gate order: i, f, g, o
    N, T, D = x.shape
    H = W_hh.shape[1]
    h0 = jnp.zeros((N, H), dtype=x.dtype)
    c0 = jnp.zeros((N, H), dtype=x.dtype)

    def step(carry, xt):
        h, c = carry
        gates = xt @ W_ih.T + h @ W_hh.T + b_ih + b_hh
        i, f, g, o = jnp.split(gates, 4, axis=-1)
        i = jax.nn.sigmoid(i)
        f = jax.nn.sigmoid(f)
        g = jnp.tanh(g)
        o = jax.nn.sigmoid(o)
        c = f * c + i * g
        h = o * jnp.tanh(c)
        return (h, c), h

    _, ys = jax.lax.scan(step, (h0, c0), jnp.swapaxes(x, 0, 1))
    return jnp.swapaxes(ys, 0, 1)  # [N, T, H]


def _sage_gcn(x, src, dst, W, b, n_nodes):
    # DGL SAGEConv aggregator_type='gcn':
    # h_neigh = (sum_{j->i} x_j + x_i) / (in_deg(i) + 1); out = h_neigh @ W + b
    agg = jax.ops.segment_sum(x[src], dst, num_segments=n_nodes)
    deg = jax.ops.segment_sum(jnp.ones((src.shape[0],), dtype=x.dtype), dst, num_segments=n_nodes)
    h = (agg + x) / (deg[:, None] + 1.0)
    return h @ W + b


def reference(in_feat, edge_index, W_ih1, W_hh1, b_ih1, b_hh1, W_ih2, W_hh2, b_ih2, b_hh2, W1, b1, W2, b2, W3, b3):
    src = edge_index[0]
    dst = edge_index[1]
    x = in_feat[:, :, None]  # unsqueeze(2) -> [N, seq_len, 1]
    x = _lstm(x, W_ih1, W_hh1, b_ih1, b_hh1)  # [N, T, 2*emb]
    x = _lstm(x, W_ih2, W_hh2, b_ih2, b_hh2)  # [N, T, emb]
    x = x.reshape(x.shape[0], -1)  # [N, seq_len*emb]
    h = _sage_gcn(x, src, dst, W1, b1, N_NODES)
    h = _sage_gcn(h, src, dst, W2, b2, N_NODES)
    h = _sage_gcn(h, src, dst, W3, b3, N_NODES)
    return jax.nn.relu(h)

if __name__ == "__main__":
    import jax
    _d = setup_inputs()
    print(jax.jit(kernel)(*tuple(_d.values())))

</pallas_src>

<mosaic_0001>
#map = affine_map<(d0, d1) -> (0, 0, 0)>
module attributes {stable_mosaic.version = 14 : i64} {
  func.func @_deg_body(%arg0: i32, %arg1: i32, %arg2: memref<32x40x128xi32, #tpu.memory_space<hbm>>, %arg3: memref<2x10240x16xf32, #tpu.memory_space<hbm>>, %arg4: memref<40x128xi32, #tpu.memory_space<vmem>>, %arg5: memref<640x16xf32, #tpu.memory_space<vmem>>, %arg6: memref<128x16xf32, #tpu.memory_space<vmem>>, %arg7: memref<10240x16xf32, #tpu.memory_space<vmem_shared>>, %arg8: memref<!tpu.dma_semaphore, #tpu.memory_space<semaphore_mem>>) attributes {dimension_semantics = [#tpu.dimension_semantics<core_parallel>, #tpu.dimension_semantics<subcore_parallel>], iteration_bounds = array<i64: 2, 16>, scalar_prefetch = 0 : i64, scratch_operands = 5 : i64, tpu.core_type = #tpu.core_type<sc_vector_subcore>, window_params = [{transform_indices = #map}, {transform_indices = #map}]} {
    %mul3A = arith.constant 2 : i32
    %mul3A_0 = arith.muli %arg1, %mul3A : i32
    %add3A = arith.addi %mul3A_0, %arg0 : i32
    %scan3A = arith.constant 0 : i32
    %scan3A_1 = arith.constant 0 : i32
    %scan3A_2 = arith.constant 640 : i32
    %scan3A_3 = arith.addi %scan3A_1, %scan3A_2 : i32
    %scan3A_4 = arith.constant 1 : i32
    %scan3A_5 = scf.for %scan3A_33 = %scan3A_1 to %scan3A_3 step %scan3A_4 iter_args(%scan3A_34 = %scan3A) -> (i32)  : i32 {
      %broadcast_in_dim3A = arith.constant 0.000000e+00 : f32
      %broadcast_in_dim3A_35 = vector.broadcast %broadcast_in_dim3A : f32 to vector<16xf32>
      %swap3A = arith.index_cast %scan3A_33 : i32 to index
      %swap3A_36 = arith.constant 0 : index
      %swap3A_37 = tpu.vector_load %arg5[%swap3A, %swap3A_36] {strides = array<i32>} : memref<640x16xf32, #tpu.memory_space<vmem>>, vector<1x16xf32>,
      %swap3A_38 = vector.shape_cast %swap3A_37 : vector<1x16xf32> to vector<16xf32>
      %swap3A_39 = vector.shape_cast %broadcast_in_dim3A_35 : vector<16xf32> to vector<1x16xf32>
      tpu.vector_store %arg5[%swap3A, %swap3A_36], %swap3A_39 {strides = array<i32>} : memref<640x16xf32, #tpu.memory_space<vmem>>, vector<1x16xf32>,
      %scan3A_40 = arith.constant 0 : i32
      scf.yield %scan3A_40 : i32
    }
    %scan3A_6 = arith.constant 640 : i32
    %mul3A_7 = arith.constant 640 : i32
    %mul3A_8 = arith.muli %arg1, %mul3A_7 : i32
    "tpu.region"() ({
      %run_scoped3A = tpu.sem_alloc : memref<!tpu.dma_semaphore, #tpu.memory_space<semaphore_mem>>
      %dma_start3A = arith.constant 0 : i32
      %dma_start3A_33 = tpu.memref_slice %arg7[%mul3A_8, %dma_start3A] : memref<10240x16xf32, #tpu.memory_space<vmem_shared>> -> memref<640x16xf32, #tpu.memory_space<vmem_shared>>
      %dma_start3A_34 = arith.constant 0 : i32
      %dma_start3A_35 = tpu.memref_slice %arg7[%mul3A_8, %dma_start3A_34] : memref<10240x16xf32, #tpu.memory_space<vmem_shared>> -> memref<640x16xf32, #tpu.memory_space<vmem_shared>>
      tpu.enqueue_dma source(%arg5 : memref<640x16xf32, #tpu.memory_space<vmem>>) target(%dma_start3A_35 : memref<640x16xf32, #tpu.memory_space<vmem_shared>>) target_semaphore(%run_scoped3A : memref<!tpu.dma_semaphore, #tpu.memory_space<semaphore_mem>>)
      %dma_wait3A = arith.constant 0 : i32
      %dma_wait3A_36 = tpu.memref_slice %arg7[%mul3A_8, %dma_wait3A] : memref<10240x16xf32, #tpu.memory_space<vmem_shared>> -> memref<640x16xf32, #tpu.memory_space<vmem_shared>>
      %dma_wait3A_37 = arith.constant 0 : i32
      %dma_wait3A_38 = tpu.memref_slice %arg7[%mul3A_8, %dma_wait3A_37] : memref<10240x16xf32, #tpu.memory_space<vmem_shared>> -> memref<640x16xf32, #tpu.memory_space<vmem_shared>>
      tpu.wait_dma2 semaphore(%run_scoped3A : memref<!tpu.dma_semaphore, #tpu.memory_space<semaphore_mem>>) src(%arg5 : memref<640x16xf32, #tpu.memory_space<vmem>>) dst(%dma_wait3A_38 : memref<640x16xf32, #tpu.memory_space<vmem_shared>>)
      tpu.yield
    }) : () -> ()
    %scan3A_9 = arith.constant 0 : i32
    %scan3A_10 = arith.constant 0 : i32
    %scan3A_11 = arith.constant 128 : i32
    %scan3A_12 = arith.addi %scan3A_10, %scan3A_11 : i32
    %scan3A_13 = arith.constant 1 : i32
    %scan3A_14 = scf.for %scan3A_33 = %scan3A_10 to %scan3A_12 step %scan3A_13 iter_args(%scan3A_34 = %scan3A_9) -> (i32)  : i32 {
      %broadcast_in_dim3A = arith.constant 1.000000e+00 : f32
      %broadcast_in_dim3A_35 = vector.broadcast %broadcast_in_dim3A : f32 to vector<16xf32>
      %swap3A = arith.index_cast %scan3A_33 : i32 to index
      %swap3A_36 = arith.constant 0 : index
      %swap3A_37 = tpu.vector_load %arg6[%swap3A, %swap3A_36] {strides = array<i32>} : memref<128x16xf32, #tpu.memory_space<vmem>>, vector<1x16xf32>,
      %swap3A_38 = vector.shape_cast %swap3A_37 : vector<1x16xf32> to vector<16xf32>
      %swap3A_39 = vector.shape_cast %broadcast_in_dim3A_35 : vector<16xf32> to vector<1x16xf32>
      tpu.vector_store %arg6[%swap3A, %swap3A_36], %swap3A_39 {strides = array<i32>} : memref<128x16xf32, #tpu.memory_space<vmem>>, vector<1x16xf32>,
      %scan3A_40 = arith.constant 0 : i32
      scf.yield %scan3A_40 : i32
    }
    %scan3A_15 = arith.constant 128 : i32
    "tpu.region"() ({
      %run_scoped3A = tpu.sem_alloc : memref<!tpu.dma_semaphore, #tpu.memory_space<semaphore_mem>>
      %dma_start3A = arith.constant 0 : i32
      %dma_start3A_33 = arith.constant 0 : i32
      %dma_start3A_34 = tpu.memref_slice %arg2[%add3A, %dma_start3A, %dma_start3A_33] : memref<32x40x128xi32, #tpu.memory_space<hbm>> -> memref<1x40x128xi32, #tpu.memory_space<hbm>>
      %dma_start3A_35 = tpu.memref_squeeze %dma_start3A_34 : memref<1x40x128xi32, #tpu.memory_space<hbm>> -> memref<40x128xi32, #tpu.memory_space<hbm>>
      %dma_start3A_36 = arith.constant 0 : i32
      %dma_start3A_37 = arith.constant 0 : i32
      %dma_start3A_38 = tpu.memref_slice %arg2[%add3A, %dma_start3A_36, %dma_start3A_37] : memref<32x40x128xi32, #tpu.memory_space<hbm>> -> memref<1x40x128xi32, #tpu.memory_space<hbm>>
      %dma_start3A_39 = tpu.memref_squeeze %dma_start3A_38 : memref<1x40x128xi32, #tpu.memory_space<hbm>> -> memref<40x128xi32, #tpu.memory_space<hbm>>
      tpu.enqueue_dma source(%dma_start3A_39 : memref<40x128xi32, #tpu.memory_space<hbm>>) target(%arg4 : memref<40x128xi32, #tpu.memory_space<vmem>>) target_semaphore(%run_scoped3A : memref<!tpu.dma_semaphore, #tpu.memory_space<semaphore_mem>>)
      %dma_wait3A = arith.constant 0 : i32
      %dma_wait3A_40 = arith.constant 0 : i32
      %dma_wait3A_41 = tpu.memref_slice %arg2[%add3A, %dma_wait3A, %dma_wait3A_40] : memref<32x40x128xi32, #tpu.memory_space<hbm>> -> memref<1x40x128xi32, #tpu.memory_space<hbm>>
      %dma_wait3A_42 = tpu.memref_squeeze %dma_wait3A_41 : memref<1x40x128xi32, #tpu.memory_space<hbm>> -> memref<40x128xi32, #tpu.memory_space<hbm>>
      %dma_wait3A_43 = arith.constant 0 : i32
      %dma_wait3A_44 = arith.constant 0 : i32
      %dma_wait3A_45 = tpu.memref_slice %arg2[%add3A, %dma_wait3A_43, %dma_wait3A_44] : memref<32x40x128xi32, #tpu.memory_space<hbm>> -> memref<1x40x128xi32, #tpu.memory_space<hbm>>
      %dma_wait3A_46 = tpu.memref_squeeze %dma_wait3A_45 : memref<1x40x128xi32, #tpu.memory_space<hbm>> -> memref<40x128xi32, #tpu.memory_space<hbm>>
      tpu.wait_dma2 semaphore(%run_scoped3A : memref<!tpu.dma_semaphore, #tpu.memory_space<semaphore_mem>>) src(%dma_wait3A_46 : memref<40x128xi32, #tpu.memory_space<hbm>>) dst(%arg4 : memref<40x128xi32, #tpu.memory_space<vmem>>)
      tpu.yield
    }) : () -> ()
    %barrier3A = arith.constant 0 : index
    tpu.barrier barrier_id(%barrier3A)
    %scan3A_16 = arith.constant 0 : i32
    %scan3A_17 = arith.constant 0 : i32
    %scan3A_18 = arith.constant 40 : i32
    %scan3A_19 = arith.addi %scan3A_17, %scan3A_18 : i32
    %scan3A_20 = arith.constant 1 : i32
    %scan3A_21 = scf.for %scan3A_33 = %scan3A_17 to %scan3A_19 step %scan3A_20 iter_args(%scan3A_34 = %scan3A_16) -> (i32)  : i32 {
      %dma_start3A = arith.constant 0 : i32
      %dma_start3A_35 = tpu.memref_slice %arg4[%scan3A_33, %dma_start3A] : memref<40x128xi32, #tpu.memory_space<vmem>> -> memref<1x128xi32, #tpu.memory_space<vmem>>
      %dma_start3A_36 = tpu.memref_squeeze %dma_start3A_35 : memref<1x128xi32, #tpu.memory_space<vmem>> -> memref<128xi32, #tpu.memory_space<vmem>>
      %dma_start3A_37 = arith.constant 0 : i32
      %dma_start3A_38 = arith.constant 0 : i32
      %dma_start3A_39 = tpu.memref_slice %arg7[%dma_start3A_37, %dma_start3A_38] : memref<10240x16xf32, #tpu.memory_space<vmem_shared>> -> memref<10240x16xf32, #tpu.memory_space<vmem_shared>>
      tpu.enqueue_indirect_dma source(%arg6 : memref<128x16xf32, #tpu.memory_space<vmem>>) target(%dma_start3A_39 : memref<10240x16xf32, #tpu.memory_space<vmem_shared>>) offsets(%dma_start3A_36 : memref<128xi32, #tpu.memory_space<vmem>>) semaphore(%arg8 : memref<!tpu.dma_semaphore, #tpu.memory_space<semaphore_mem>>) {add = true}
      %scan3A_40 = arith.constant 0 : i32
      scf.yield %scan3A_40 : i32
    }
    %scan3A_22 = arith.constant 40 : i32
    %scan3A_23 = arith.constant 0 : i32
    %scan3A_24 = arith.constant 0 : i32
    %scan3A_25 = arith.constant 40 : i32
    %scan3A_26 = arith.addi %scan3A_24, %scan3A_25 : i32
    %scan3A_27 = arith.constant 1 : i32
    %scan3A_28 = scf.for %scan3A_33 = %scan3A_24 to %scan3A_26 step %scan3A_27 iter_args(%scan3A_34 = %scan3A_23) -> (i32)  : i32 {
      %dma_wait3A = arith.constant 0 : i32
      %dma_wait3A_35 = arith.constant 0 : i32
      %dma_wait3A_36 = tpu.memref_slice %arg4[%dma_wait3A, %dma_wait3A_35] : memref<40x128xi32, #tpu.memory_space<vmem>> -> memref<1x128xi32, #tpu.memory_space<vmem>>
      %dma_wait3A_37 = tpu.memref_squeeze %dma_wait3A_36 : memref<1x128xi32, #tpu.memory_space<vmem>> -> memref<128xi32, #tpu.memory_space<vmem>>
      %dma_wait3A_38 = arith.constant 0 : i32
      %dma_wait3A_39 = arith.constant 0 : i32
      %dma_wait3A_40 = tpu.memref_slice %arg7[%dma_wait3A_38, %dma_wait3A_39] : memref<10240x16xf32, #tpu.memory_space<vmem_shared>> -> memref<10240x16xf32, #tpu.memory_space<vmem_shared>>
      tpu.wait_indirect_dma semaphore(%arg8 : memref<!tpu.dma_semaphore, #tpu.memory_space<semaphore_mem>>) src(%arg6 : memref<128x16xf32, #tpu.memory_space<vmem>>) dst(%dma_wait3A_40 : memref<10240x16xf32, #tpu.memory_space<vmem_shared>>)
      %scan3A_41 = arith.constant 0 : i32
      scf.yield %scan3A_41 : i32
    }
    %scan3A_29 = arith.constant 40 : i32
    %barrier3A_30 = arith.constant 0 : index
    tpu.barrier barrier_id(%barrier3A_30)
    %mul3A_31 = arith.constant 640 : i32
    %mul3A_32 = arith.muli %arg1, %mul3A_31 : i32
    "tpu.region"() ({
      %run_scoped3A = tpu.sem_alloc : memref<!tpu.dma_semaphore, #tpu.memory_space<semaphore_mem>>
      %dma_start3A = arith.constant 0 : i32
      %dma_start3A_33 = tpu.memref_slice %arg7[%mul3A_32, %dma_start3A] : memref<10240x16xf32, #tpu.memory_space<vmem_shared>> -> memref<640x16xf32, #tpu.memory_space<vmem_shared>>
      %dma_start3A_34 = arith.constant 0 : i32
      %dma_start3A_35 = tpu.memref_slice %arg7[%mul3A_32, %dma_start3A_34] : memref<10240x16xf32, #tpu.memory_space<vmem_shared>> -> memref<640x16xf32, #tpu.memory_space<vmem_shared>>
      tpu.enqueue_dma source(%dma_start3A_35 : memref<640x16xf32, #tpu.memory_space<vmem_shared>>) target(%arg5 : memref<640x16xf32, #tpu.memory_space<vmem>>) target_semaphore(%run_scoped3A : memref<!tpu.dma_semaphore, #tpu.memory_space<semaphore_mem>>)
      %dma_wait3A = arith.constant 0 : i32
      %dma_wait3A_36 = tpu.memref_slice %arg7[%mul3A_32, %dma_wait3A] : memref<10240x16xf32, #tpu.memory_space<vmem_shared>> -> memref<640x16xf32, #tpu.memory_space<vmem_shared>>
      %dma_wait3A_37 = arith.constant 0 : i32
      %dma_wait3A_38 = tpu.memref_slice %arg7[%mul3A_32, %dma_wait3A_37] : memref<10240x16xf32, #tpu.memory_space<vmem_shared>> -> memref<640x16xf32, #tpu.memory_space<vmem_shared>>
      tpu.wait_dma2 semaphore(%run_scoped3A : memref<!tpu.dma_semaphore, #tpu.memory_space<semaphore_mem>>) src(%dma_wait3A_38 : memref<640x16xf32, #tpu.memory_space<vmem_shared>>) dst(%arg5 : memref<640x16xf32, #tpu.memory_space<vmem>>)
      tpu.yield
    }) : () -> ()
    "tpu.region"() ({
      %run_scoped3A = tpu.sem_alloc : memref<!tpu.dma_semaphore, #tpu.memory_space<semaphore_mem>>
      %dma_start3A = arith.constant 0 : i32
      %dma_start3A_33 = tpu.memref_slice %arg3[%arg0, %mul3A_32, %dma_start3A] : memref<2x10240x16xf32, #tpu.memory_space<hbm>> -> memref<1x640x16xf32, #tpu.memory_space<hbm>>
      %dma_start3A_34 = tpu.memref_squeeze %dma_start3A_33 : memref<1x640x16xf32, #tpu.memory_space<hbm>> -> memref<640x16xf32, #tpu.memory_space<hbm>>
      %dma_start3A_35 = arith.constant 0 : i32
      %dma_start3A_36 = tpu.memref_slice %arg3[%arg0, %mul3A_32, %dma_start3A_35] : memref<2x10240x16xf32, #tpu.memory_space<hbm>> -> memref<1x640x16xf32, #tpu.memory_space<hbm>>
      %dma_start3A_37 = tpu.memref_squeeze %dma_start3A_36 : memref<1x640x16xf32, #tpu.memory_space<hbm>> -> memref<640x16xf32, #tpu.memory_space<hbm>>
      tpu.enqueue_dma source(%arg5 : memref<640x16xf32, #tpu.memory_space<vmem>>) target(%dma_start3A_37 : memref<640x16xf32, #tpu.memory_space<hbm>>) target_semaphore(%run_scoped3A : memref<!tpu.dma_semaphore, #tpu.memory_space<semaphore_mem>>)
      %dma_wait3A = arith.constant 0 : i32
      %dma_wait3A_38 = tpu.memref_slice %arg3[%arg0, %mul3A_32, %dma_wait3A] : memref<2x10240x16xf32, #tpu.memory_space<hbm>> -> memref<1x640x16xf32, #tpu.memory_space<hbm>>
      %dma_wait3A_39 = tpu.memref_squeeze %dma_wait3A_38 : memref<1x640x16xf32, #tpu.memory_space<hbm>> -> memref<640x16xf32, #tpu.memory_space<hbm>>
      %dma_wait3A_40 = arith.constant 0 : i32
      %dma_wait3A_41 = tpu.memref_slice %arg3[%arg0, %mul3A_32, %dma_wait3A_40] : memref<2x10240x16xf32, #tpu.memory_space<hbm>> -> memref<1x640x16xf32, #tpu.memory_space<hbm>>
      %dma_wait3A_42 = tpu.memref_squeeze %dma_wait3A_41 : memref<1x640x16xf32, #tpu.memory_space<hbm>> -> memref<640x16xf32, #tpu.memory_space<hbm>>
      tpu.wait_dma2 semaphore(%run_scoped3A : memref<!tpu.dma_semaphore, #tpu.memory_space<semaphore_mem>>) src(%arg5 : memref<640x16xf32, #tpu.memory_space<vmem>>) dst(%dma_wait3A_42 : memref<640x16xf32, #tpu.memory_space<hbm>>)
      tpu.yield
    }) : () -> ()
    return
  }
}

#map = affine_map<(d0, d1) -> (0, 0)>
#map1 = affine_map<(d0, d1) -> (0, 0, 0)>
module attributes {stable_mosaic.version = 14 : i64} {
  func.func @_agg_body(%arg0: i32, %arg1: i32, %arg2: memref<10240x16xf32, #tpu.memory_space<hbm>>, %arg3: memref<32x40x128xi32, #tpu.memory_space<hbm>>, %arg4: memref<32x40x128xi32, #tpu.memory_space<hbm>>, %arg5: memref<640x16xf32, #tpu.memory_space<hbm>>, %arg6: memref<2x10240x16xf32, #tpu.memory_space<hbm>>, %arg7: memref<40x128xi32, #tpu.memory_space<vmem>>, %arg8: memref<40x128xi32, #tpu.memory_space<vmem>>, %arg9: memref<128x16xf32, #tpu.memory_space<vmem>>, %arg10: memref<128x16xf32, #tpu.memory_space<vmem>>, %arg11: memref<128x16xf32, #tpu.memory_space<vmem>>, %arg12: memref<128x16xf32, #tpu.memory_space<vmem>>, %arg13: memref<128x16xf32, #tpu.memory_space<vmem>>, %arg14: memref<128x16xf32, #tpu.memory_space<vmem>>, %arg15: memref<128x16xf32, #tpu.memory_space<vmem>>, %arg16: memref<128x16xf32, #tpu.memory_space<vmem>>, %arg17: memref<640x16xf32, #tpu.memory_space<vmem>>, %arg18: memref<10240x16xf32, #tpu.memory_space<vmem_shared>>, %arg19: memref<10240x16xf32, #tpu.memory_space<vmem_shared>>, %arg20: memref<!tpu.dma_semaphore, #tpu.memory_space<semaphore_mem>>, %arg21: memref<!tpu.dma_semaphore, #tpu.memory_space<semaphore_mem>>, %arg22: memref<!tpu.dma_semaphore, #tpu.memory_space<semaphore_mem>>, %arg23: memref<!tpu.dma_semaphore, #tpu.memory_space<semaphore_mem>>, %arg24: memref<!tpu.dma_semaphore, #tpu.memory_space<semaphore_mem>>, %arg25: memref<!tpu.dma_semaphore, #tpu.memory_space<semaphore_mem>>, %arg26: memref<!tpu.dma_semaphore, #tpu.memory_space<semaphore_mem>>, %arg27: memref<!tpu.dma_semaphore, #tpu.memory_space<semaphore_mem>>, %arg28: memref<!tpu.dma_semaphore, #tpu.memory_space<semaphore_mem>>, %arg29: memref<!tpu.dma_semaphore, #tpu.memory_space<semaphore_mem>>, %arg30: memref<!tpu.dma_semaphore, #tpu.memory_space<semaphore_mem>>, %arg31: memref<!tpu.dma_semaphore, #tpu.memory_space<semaphore_mem>>, %arg32: memref<!tpu.dma_semaphore, #tpu.memory_space<semaphore_mem>>, %arg33: memref<!tpu.dma_semaphore, #tpu.memory_space<semaphore_mem>>, %arg34: memref<!tpu.dma_semaphore, #tpu.memory_space<semaphore_mem>>, %arg35: memref<!tpu.dma_semaphore, #tpu.memory_space<semaphore_mem>>) attributes {dimension_semantics = [#tpu.dimension_semantics<core_parallel>, #tpu.dimension_semantics<subcore_parallel>], iteration_bounds = array<i64: 2, 16>, scalar_prefetch = 0 : i64, scratch_operands = 29 : i64, tpu.core_type = #tpu.core_type<sc_vector_subcore>, window_params = [{transform_indices = #map}, {transform_indices = #map1}, {transform_indices = #map1}, {transform_indices = #map}, {transform_indices = #map1}]} {
    %mul3A = arith.constant 2 : i32
    %mul3A_0 = arith.muli %arg1, %mul3A : i32
    %add3A = arith.addi %mul3A_0, %arg0 : i32
    %mul3A_1 = arith.constant 640 : i32
    %mul3A_2 = arith.muli %arg1, %mul3A_1 : i32
    "tpu.region"() ({
      %run_scoped3A = tpu.sem_alloc : memref<!tpu.dma_semaphore, #tpu.memory_space<semaphore_mem>>
      %dma_start3A_122 = arith.constant 0 : i32
      %dma_start3A_123 = tpu.memref_slice %arg2[%mul3A_2, %dma_start3A_122] : memref<10240x16xf32, #tpu.memory_space<hbm>> -> memref<640x16xf32, #tpu.memory_space<hbm>>
      %dma_start3A_124 = arith.constant 0 : i32
      %dma_start3A_125 = tpu.memref_slice %arg2[%mul3A_2, %dma_start3A_124] : memref<10240x16xf32, #tpu.memory_space<hbm>> -> memref<640x16xf32, #tpu.memory_space<hbm>>
      tpu.enqueue_dma source(%dma_start3A_125 : memref<640x16xf32, #tpu.memory_space<hbm>>) target(%arg17 : memref<640x16xf32, #tpu.memory_space<vmem>>) target_semaphore(%run_scoped3A : memref<!tpu.dma_semaphore, #tpu.memory_space<semaphore_mem>>)
      %dma_wait3A_126 = arith.constant 0 : i32
      %dma_wait3A_127 = tpu.memref_slice %arg2[%mul3A_2, %dma_wait3A_126] : memref<10240x16xf32, #tpu.memory_space<hbm>> -> memref<640x16xf32, #tpu.memory_space<hbm>>
      %dma_wait3A_128 = arith.constant 0 : i32
      %dma_wait3A_129 = tpu.memref_slice %arg2[%mul3A_2, %dma_wait3A_128] : memref<10240x16xf32, #tpu.memory_space<hbm>> -> memref<640x16xf32, #tpu.memory_space<hbm>>
      tpu.wait_dma2 semaphore(%run_scoped3A : memref<!tpu.dma_semaphore, #tpu.memory_space<semaphore_mem>>) src(%dma_wait3A_129 : memref<640x16xf32, #tpu.memory_space<hbm>>) dst(%arg17 : memref<640x16xf32, #tpu.memory_space<vmem>>)
      tpu.yield
    }) : () -> ()
    "tpu.region"() ({
      %run_scoped3A = tpu.sem_alloc : memref<!tpu.dma_semaphore, #tpu.memory_space<semaphore_mem>>
      %dma_start3A_122 = arith.constant 0 : i32
      %dma_start3A_123 = tpu.memref_slice %arg18[%mul3A_2, %dma_start3A_122] : memref<10240x16xf32, #tpu.memory_space<vmem_shared>> -> memref<640x16xf32, #tpu.memory_space<vmem_shared>>
      %dma_start3A_124 = arith.constant 0 : i32
      %dma_start3A_125 = tpu.memref_slice %arg18[%mul3A_2, %dma_start3A_124] : memref<10240x16xf32, #tpu.memory_space<vmem_shared>> -> memref<640x16xf32, #tpu.memory_space<vmem_shared>>
      tpu.enqueue_dma source(%arg17 : memref<640x16xf32, #tpu.memory_space<vmem>>) target(%dma_start3A_125 : memref<640x16xf32, #tpu.memory_space<vmem_shared>>) target_semaphore(%run_scoped3A : memref<!tpu.dma_semaphore, #tpu.memory_space<semaphore_mem>>)
      %dma_wait3A_126 = arith.constant 0 : i32
      %dma_wait3A_127 = tpu.memref_slice %arg18[%mul3A_2, %dma_wait3A_126] : memref<10240x16xf32, #tpu.memory_space<vmem_shared>> -> memref<640x16xf32, #tpu.memory_space<vmem_shared>>
      %dma_wait3A_128 = arith.constant 0 : i32
      %dma_wait3A_129 = tpu.memref_slice %arg18[%mul3A_2, %dma_wait3A_128] : memref<10240x16xf32, #tpu.memory_space<vmem_shared>> -> memref<640x16xf32, #tpu.memory_space<vmem_shared>>
      tpu.wait_dma2 semaphore(%run_scoped3A : memref<!tpu.dma_semaphore, #tpu.memory_space<semaphore_mem>>) src(%arg17 : memref<640x16xf32, #tpu.memory_space<vmem>>) dst(%dma_wait3A_129 : memref<640x16xf32, #tpu.memory_space<vmem_shared>>)
      tpu.yield
    }) : () -> ()
    "tpu.region"() ({
      %run_scoped3A = tpu.sem_alloc : memref<!tpu.dma_semaphore, #tpu.memory_space<semaphore_mem>>
      tpu.enqueue_dma source(%arg5 : memref<640x16xf32, #tpu.memory_space<hbm>>) target(%arg17 : memref<640x16xf32, #tpu.memory_space<vmem>>) target_semaphore(%run_scoped3A : memref<!tpu.dma_semaphore, #tpu.memory_space<semaphore_mem>>)
      tpu.wait_dma2 semaphore(%run_scoped3A : memref<!tpu.dma_semaphore, #tpu.memory_space<semaphore_mem>>) src(%arg5 : memref<640x16xf32, #tpu.memory_space<hbm>>) dst(%arg17 : memref<640x16xf32, #tpu.memory_space<vmem>>)
      tpu.yield
    }) : () -> ()
    "tpu.region"() ({
      %run_scoped3A = tpu.sem_alloc : memref<!tpu.dma_semaphore, #tpu.memory_space<semaphore_mem>>
      %dma_start3A_122 = arith.constant 0 : i32
      %dma_start3A_123 = tpu.memref_slice %arg19[%mul3A_2, %dma_start3A_122] : memref<10240x16xf32, #tpu.memory_space<vmem_shared>> -> memref<640x16xf32, #tpu.memory_space<vmem_shared>>
      %dma_start3A_124 = arith.constant 0 : i32
      %dma_start3A_125 = tpu.memref_slice %arg19[%mul3A_2, %dma_start3A_124] : memref<10240x16xf32, #tpu.memory_space<vmem_shared>> -> memref<640x16xf32, #tpu.memory_space<vmem_shared>>
      tpu.enqueue_dma source(%arg17 : memref<640x16xf32, #tpu.memory_space<vmem>>) target(%dma_start3A_125 : memref<640x16xf32, #tpu.memory_space<vmem_shared>>) target_semaphore(%run_scoped3A : memref<!tpu.dma_semaphore, #tpu.memory_space<semaphore_mem>>)
      %dma_wait3A_126 = arith.constant 0 : i32
      %dma_wait3A_127 = tpu.memref_slice %arg19[%mul3A_2, %dma_wait3A_126] : memref<10240x16xf32, #tpu.memory_space<vmem_shared>> -> memref<640x16xf32, #tpu.memory_space<vmem_shared>>
      %dma_wait3A_128 = arith.constant 0 : i32
      %dma_wait3A_129 = tpu.memref_slice %arg19[%mul3A_2, %dma_wait3A_128] : memref<10240x16xf32, #tpu.memory_space<vmem_shared>> -> memref<640x16xf32, #tpu.memory_space<vmem_shared>>
      tpu.wait_dma2 semaphore(%run_scoped3A : memref<!tpu.dma_semaphore, #tpu.memory_space<semaphore_mem>>) src(%arg17 : memref<640x16xf32, #tpu.memory_space<vmem>>) dst(%dma_wait3A_129 : memref<640x16xf32, #tpu.memory_space<vmem_shared>>)
      tpu.yield
    }) : () -> ()
    "tpu.region"() ({
      %run_scoped3A = tpu.sem_alloc : memref<!tpu.dma_semaphore, #tpu.memory_space<semaphore_mem>>
      %dma_start3A_122 = arith.constant 0 : i32
      %dma_start3A_123 = arith.constant 0 : i32
      %dma_start3A_124 = tpu.memref_slice %arg3[%add3A, %dma_start3A_122, %dma_start3A_123] : memref<32x40x128xi32, #tpu.memory_space<hbm>> -> memref<1x40x128xi32, #tpu.memory_space<hbm>>
      %dma_start3A_125 = tpu.memref_squeeze %dma_start3A_124 : memref<1x40x128xi32, #tpu.memory_space<hbm>> -> memref<40x128xi32, #tpu.memory_space<hbm>>
      %dma_start3A_126 = arith.constant 0 : i32
      %dma_start3A_127 = arith.constant 0 : i32
      %dma_start3A_128 = tpu.memref_slice %arg3[%add3A, %dma_start3A_126, %dma_start3A_127] : memref<32x40x128xi32, #tpu.memory_space<hbm>> -> memref<1x40x128xi32, #tpu.memory_space<hbm>>
      %dma_start3A_129 = tpu.memref_squeeze %dma_start3A_128 : memref<1x40x128xi32, #tpu.memory_space<hbm>> -> memref<40x128xi32, #tpu.memory_space<hbm>>
      tpu.enqueue_dma source(%dma_start3A_129 : memref<40x128xi32, #tpu.memory_space<hbm>>) target(%arg7 : memref<40x128xi32, #tpu.memory_space<vmem>>) target_semaphore(%run_scoped3A : memref<!tpu.dma_semaphore, #tpu.memory_space<semaphore_mem>>)
      %dma_wait3A_130 = arith.constant 0 : i32
      %dma_wait3A_131 = arith.constant 0 : i32
      %dma_wait3A_132 = tpu.memref_slice %arg3[%add3A, %dma_wait3A_130, %dma_wait3A_131] : memref<32x40x128xi32, #tpu.memory_space<hbm>> -> memref<1x40x128xi32, #tpu.memory_space<hbm>>
      %dma_wait3A_133 = tpu.memref_squeeze %dma_wait3A_132 : memref<1x40x128xi32, #tpu.memory_space<hbm>> -> memref<40x128xi32, #tpu.memory_space<hbm>>
      %dma_wait3A_134 = arith.constant 0 : i32
      %dma_wait3A_135 = arith.constant 0 : i32
      %dma_wait3A_136 = tpu.memref_slice %arg3[%add3A, %dma_wait3A_134, %dma_wait3A_135] : memref<32x40x128xi32, #tpu.memory_space<hbm>> -> memref<1x40x128xi32, #tpu.memory_space<hbm>>
      %dma_wait3A_137 = tpu.memref_squeeze %dma_wait3A_136 : memref<1x40x128xi32, #tpu.memory_space<hbm>> -> memref<40x128xi32, #tpu.memory_space<hbm>>
      tpu.wait_dma2 semaphore(%run_scoped3A : memref<!tpu.dma_semaphore, #tpu.memory_space<semaphore_mem>>) src(%dma_wait3A_137 : memref<40x128xi32, #tpu.memory_space<hbm>>) dst(%arg7 : memref<40x128xi32, #tpu.memory_space<vmem>>)
      tpu.yield
    }) : () -> ()
    "tpu.region"() ({
      %run_scoped3A = tpu.sem_alloc : memref<!tpu.dma_semaphore, #tpu.memory_space<semaphore_mem>>
      %dma_start3A_122 = arith.constant 0 : i32
      %dma_start3A_123 = arith.constant 0 : i32
      %dma_start3A_124 = tpu.memref_slice %arg4[%add3A, %dma_start3A_122, %dma_start3A_123] : memref<32x40x128xi32, #tpu.memory_space<hbm>> -> memref<1x40x128xi32, #tpu.memory_space<hbm>>
      %dma_start3A_125 = tpu.memref_squeeze %dma_start3A_124 : memref<1x40x128xi32, #tpu.memory_space<hbm>> -> memref<40x128xi32, #tpu.memory_space<hbm>>
      %dma_start3A_126 = arith.constant 0 : i32
      %dma_start3A_127 = arith.constant 0 : i32
      %dma_start3A_128 = tpu.memref_slice %arg4[%add3A, %dma_start3A_126, %dma_start3A_127] : memref<32x40x128xi32, #tpu.memory_space<hbm>> -> memref<1x40x128xi32, #tpu.memory_space<hbm>>
      %dma_start3A_129 = tpu.memref_squeeze %dma_start3A_128 : memref<1x40x128xi32, #tpu.memory_space<hbm>> -> memref<40x128xi32, #tpu.memory_space<hbm>>
      tpu.enqueue_dma source(%dma_start3A_129 : memref<40x128xi32, #tpu.memory_space<hbm>>) target(%arg8 : memref<40x128xi32, #tpu.memory_space<vmem>>) target_semaphore(%run_scoped3A : memref<!tpu.dma_semaphore, #tpu.memory_space<semaphore_mem>>)
      %dma_wait3A_130 = arith.constant 0 : i32
      %dma_wait3A_131 = arith.constant 0 : i32
      %dma_wait3A_132 = tpu.memref_slice %arg4[%add3A, %dma_wait3A_130, %dma_wait3A_131] : memref<32x40x128xi32, #tpu.memory_space<hbm>> -> memref<1x40x128xi32, #tpu.memory_space<hbm>>
      %dma_wait3A_133 = tpu.memref_squeeze %dma_wait3A_132 : memref<1x40x128xi32, #tpu.memory_space<hbm>> -> memref<40x128xi32, #tpu.memory_space<hbm>>
      %dma_wait3A_134 = arith.constant 0 : i32
      %dma_wait3A_135 = arith.constant 0 : i32
      %dma_wait3A_136 = tpu.memref_slice %arg4[%add3A, %dma_wait3A_134, %dma_wait3A_135] : memref<32x40x128xi32, #tpu.memory_space<hbm>> -> memref<1x40x128xi32, #tpu.memory_space<hbm>>
      %dma_wait3A_137 = tpu.memref_squeeze %dma_wait3A_136 : memref<1x40x128xi32, #tpu.memory_space<hbm>> -> memref<40x128xi32, #tpu.memory_space<hbm>>
      tpu.wait_dma2 semaphore(%run_scoped3A : memref<!tpu.dma_semaphore, #tpu.memory_space<semaphore_mem>>) src(%dma_wait3A_137 : memref<40x128xi32, #tpu.memory_space<hbm>>) dst(%arg8 : memref<40x128xi32, #tpu.memory_space<vmem>>)
      tpu.yield
    }) : () -> ()
    %barrier3A = arith.constant 0 : index
    tpu.barrier barrier_id(%barrier3A)
    %dma_start3A = arith.constant 0 : i32
    %dma_start3A_3 = arith.constant 0 : i32
    %dma_start3A_4 = tpu.memref_slice %arg7[%dma_start3A, %dma_start3A_3] : memref<40x128xi32, #tpu.memory_space<vmem>> -> memref<1x128xi32, #tpu.memory_space<vmem>>
    %dma_start3A_5 = tpu.memref_squeeze %dma_start3A_4 : memref<1x128xi32, #tpu.memory_space<vmem>> -> memref<128xi32, #tpu.memory_space<vmem>>
    %dma_start3A_6 = arith.constant 0 : i32
    %dma_start3A_7 = arith.constant 0 : i32
    %dma_start3A_8 = tpu.memref_slice %arg18[%dma_start3A_6, %dma_start3A_7] : memref<10240x16xf32, #tpu.memory_space<vmem_shared>> -> memref<10240x16xf32, #tpu.memory_space<vmem_shared>>
    tpu.enqueue_indirect_dma source(%dma_start3A_8 : memref<10240x16xf32, #tpu.memory_space<vmem_shared>>) target(%arg9 : memref<128x16xf32, #tpu.memory_space<vmem>>) offsets(%dma_start3A_5 : memref<128xi32, #tpu.memory_space<vmem>>) semaphore(%arg20 : memref<!tpu.dma_semaphore, #tpu.memory_space<semaphore_mem>>)
    %dma_start3A_9 = arith.constant 1 : i32
    %dma_start3A_10 = arith.constant 0 : i32
    %dma_start3A_11 = tpu.memref_slice %arg7[%dma_start3A_9, %dma_start3A_10] : memref<40x128xi32, #tpu.memory_space<vmem>> -> memref<1x128xi32, #tpu.memory_space<vmem>>
    %dma_start3A_12 = tpu.memref_squeeze %dma_start3A_11 : memref<1x128xi32, #tpu.memory_space<vmem>> -> memref<128xi32, #tpu.memory_space<vmem>>
    %dma_start3A_13 = arith.constant 0 : i32
    %dma_start3A_14 = arith.constant 0 : i32
    %dma_start3A_15 = tpu.memref_slice %arg18[%dma_start3A_13, %dma_start3A_14] : memref<10240x16xf32, #tpu.memory_space<vmem_shared>> -> memref<10240x16xf32, #tpu.memory_space<vmem_shared>>
    tpu.enqueue_indirect_dma source(%dma_start3A_15 : memref<10240x16xf32, #tpu.memory_space<vmem_shared>>) target(%arg10 : memref<128x16xf32, #tpu.memory_space<vmem>>) offsets(%dma_start3A_12 : memref<128xi32, #tpu.memory_space<vmem>>) semaphore(%arg21 : memref<!tpu.dma_semaphore, #tpu.memory_space<semaphore_mem>>)
    %dma_start3A_16 = arith.constant 2 : i32
    %dma_start3A_17 = arith.constant 0 : i32
    %dma_start3A_18 = tpu.memref_slice %arg7[%dma_start3A_16, %dma_start3A_17] : memref<40x128xi32, #tpu.memory_space<vmem>> -> memref<1x128xi32, #tpu.memory_space<vmem>>
    %dma_start3A_19 = tpu.memref_squeeze %dma_start3A_18 : memref<1x128xi32, #tpu.memory_space<vmem>> -> memref<128xi32, #tpu.memory_space<vmem>>
    %dma_start3A_20 = arith.constant 0 : i32
    %dma_start3A_21 = arith.constant 0 : i32
    %dma_start3A_22 = tpu.memref_slice %arg18[%dma_start3A_20, %dma_start3A_21] : memref<10240x16xf32, #tpu.memory_space<vmem_shared>> -> memref<10240x16xf32, #tpu.memory_space<vmem_shared>>
    tpu.enqueue_indirect_dma source(%dma_start3A_22 : memref<10240x16xf32, #tpu.memory_space<vmem_shared>>) target(%arg11 : memref<128x16xf32, #tpu.memory_space<vmem>>) offsets(%dma_start3A_19 : memref<128xi32, #tpu.memory_space<vmem>>) semaphore(%arg22 : memref<!tpu.dma_semaphore, #tpu.memory_space<semaphore_mem>>)
    %dma_start3A_23 = arith.constant 3 : i32
    %dma_start3A_24 = arith.constant 0 : i32
    %dma_start3A_25 = tpu.memref_slice %arg7[%dma_start3A_23, %dma_start3A_24] : memref<40x128xi32, #tpu.memory_space<vmem>> -> memref<1x128xi32, #tpu.memory_space<vmem>>
    %dma_start3A_26 = tpu.memref_squeeze %dma_start3A_25 : memref<1x128xi32, #tpu.memory_space<vmem>> -> memref<128xi32, #tpu.memory_space<vmem>>
    %dma_start3A_27 = arith.constant 0 : i32
    %dma_start3A_28 = arith.constant 0 : i32
    %dma_start3A_29 = tpu.memref_slice %arg18[%dma_start3A_27, %dma_start3A_28] : memref<10240x16xf32, #tpu.memory_space<vmem_shared>> -> memref<10240x16xf32, #tpu.memory_space<vmem_shared>>
    tpu.enqueue_indirect_dma source(%dma_start3A_29 : memref<10240x16xf32, #tpu.memory_space<vmem_shared>>) target(%arg12 : memref<128x16xf32, #tpu.memory_space<vmem>>) offsets(%dma_start3A_26 : memref<128xi32, #tpu.memory_space<vmem>>) semaphore(%arg23 : memref<!tpu.dma_semaphore, #tpu.memory_space<semaphore_mem>>)
    %dma_start3A_30 = arith.constant 4 : i32
    %dma_start3A_31 = arith.constant 0 : i32
    %dma_start3A_32 = tpu.memref_slice %arg7[%dma_start3A_30, %dma_start3A_31] : memref<40x128xi32, #tpu.memory_space<vmem>> -> memref<1x128xi32, #tpu.memory_space<vmem>>
    %dma_start3A_33 = tpu.memref_squeeze %dma_start3A_32 : memref<1x128xi32, #tpu.memory_space<vmem>> -> memref<128xi32, #tpu.memory_space<vmem>>
    %dma_start3A_34 = arith.constant 0 : i32
    %dma_start3A_35 = arith.constant 0 : i32
    %dma_start3A_36 = tpu.memref_slice %arg18[%dma_start3A_34, %dma_start3A_35] : memref<10240x16xf32, #tpu.memory_space<vmem_shared>> -> memref<10240x16xf32, #tpu.memory_space<vmem_shared>>
    tpu.enqueue_indirect_dma source(%dma_start3A_36 : memref<10240x16xf32, #tpu.memory_space<vmem_shared>>) target(%arg13 : memref<128x16xf32, #tpu.memory_space<vmem>>) offsets(%dma_start3A_33 : memref<128xi32, #tpu.memory_space<vmem>>) semaphore(%arg24 : memref<!tpu.dma_semaphore, #tpu.memory_space<semaphore_mem>>)
    %dma_start3A_37 = arith.constant 5 : i32
    %dma_start3A_38 = arith.constant 0 : i32
    %dma_start3A_39 = tpu.memref_slice %arg7[%dma_start3A_37, %dma_start3A_38] : memref<40x128xi32, #tpu.memory_space<vmem>> -> memref<1x128xi32, #tpu.memory_space<vmem>>
    %dma_start3A_40 = tpu.memref_squeeze %dma_start3A_39 : memref<1x128xi32, #tpu.memory_space<vmem>> -> memref<128xi32, #tpu.memory_space<vmem>>
    %dma_start3A_41 = arith.constant 0 : i32
    %dma_start3A_42 = arith.constant 0 : i32
    %dma_start3A_43 = tpu.memref_slice %arg18[%dma_start3A_41, %dma_start3A_42] : memref<10240x16xf32, #tpu.memory_space<vmem_shared>> -> memref<10240x16xf32, #tpu.memory_space<vmem_shared>>
    tpu.enqueue_indirect_dma source(%dma_start3A_43 : memref<10240x16xf32, #tpu.memory_space<vmem_shared>>) target(%arg14 : memref<128x16xf32, #tpu.memory_space<vmem>>) offsets(%dma_start3A_40 : memref<128xi32, #tpu.memory_space<vmem>>) semaphore(%arg25 : memref<!tpu.dma_semaphore, #tpu.memory_space<semaphore_mem>>)
    %dma_start3A_44 = arith.constant 6 : i32
    %dma_start3A_45 = arith.constant 0 : i32
    %dma_start3A_46 = tpu.memref_slice %arg7[%dma_start3A_44, %dma_start3A_45] : memref<40x128xi32, #tpu.memory_space<vmem>> -> memref<1x128xi32, #tpu.memory_space<vmem>>
    %dma_start3A_47 = tpu.memref_squeeze %dma_start3A_46 : memref<1x128xi32, #tpu.memory_space<vmem>> -> memref<128xi32, #tpu.memory_space<vmem>>
    %dma_start3A_48 = arith.constant 0 : i32
    %dma_start3A_49 = arith.constant 0 : i32
    %dma_start3A_50 = tpu.memref_slice %arg18[%dma_start3A_48, %dma_start3A_49] : memref<10240x16xf32, #tpu.memory_space<vmem_shared>> -> memref<10240x16xf32, #tpu.memory_space<vmem_shared>>
    tpu.enqueue_indirect_dma source(%dma_start3A_50 : memref<10240x16xf32, #tpu.memory_space<vmem_shared>>) target(%arg15 : memref<128x16xf32, #tpu.memory_space<vmem>>) offsets(%dma_start3A_47 : memref<128xi32, #tpu.memory_space<vmem>>) semaphore(%arg26 : memref<!tpu.dma_semaphore, #tpu.memory_space<semaphore_mem>>)
    %dma_start3A_51 = arith.constant 7 : i32
    %dma_start3A_52 = arith.constant 0 : i32
    %dma_start3A_53 = tpu.memref_slice %arg7[%dma_start3A_51, %dma_start3A_52] : memref<40x128xi32, #tpu.memory_space<vmem>> -> memref<1x128xi32, #tpu.memory_space<vmem>>
    %dma_start3A_54 = tpu.memref_squeeze %dma_start3A_53 : memref<1x128xi32, #tpu.memory_space<vmem>> -> memref<128xi32, #tpu.memory_space<vmem>>
    %dma_start3A_55 = arith.constant 0 : i32
    %dma_start3A_56 = arith.constant 0 : i32
    %dma_start3A_57 = tpu.memref_slice %arg18[%dma_start3A_55, %dma_start3A_56] : memref<10240x16xf32, #tpu.memory_space<vmem_shared>> -> memref<10240x16xf32, #tpu.memory_space<vmem_shared>>
    tpu.enqueue_indirect_dma source(%dma_start3A_57 : memref<10240x16xf32, #tpu.memory_space<vmem_shared>>) target(%arg16 : memref<128x16xf32, #tpu.memory_space<vmem>>) offsets(%dma_start3A_54 : memref<128xi32, #tpu.memory_space<vmem>>) semaphore(%arg27 : memref<!tpu.dma_semaphore, #tpu.memory_space<semaphore_mem>>)
    %scan3A = arith.constant 0 : i32
    %scan3A_58 = arith.constant 0 : i32
    %scan3A_59 = arith.constant 5 : i32
    %scan3A_60 = arith.addi %scan3A_58, %scan3A_59 : i32
    %scan3A_61 = arith.constant 1 : i32
    %scan3A_62 = scf.for %scan3A_122 = %scan3A_58 to %scan3A_60 step %scan3A_61 iter_args(%scan3A_123 = %scan3A) -> (i32)  : i32 {
      %mul3A_124 = arith.constant 8 : i32
      %mul3A_125 = arith.muli %scan3A_122, %mul3A_124 : i32
      %add3A_126 = arith.constant 0 : i32
      %add3A_127 = arith.addi %mul3A_125, %add3A_126 : i32
      %dma_wait3A_128 = arith.constant 0 : i32
      %dma_wait3A_129 = tpu.memref_slice %arg7[%add3A_127, %dma_wait3A_128] : memref<40x128xi32, #tpu.memory_space<vmem>> -> memref<1x128xi32, #tpu.memory_space<vmem>>
      %dma_wait3A_130 = tpu.memref_squeeze %dma_wait3A_129 : memref<1x128xi32, #tpu.memory_space<vmem>> -> memref<128xi32, #tpu.memory_space<vmem>>
      %dma_wait3A_131 = arith.constant 0 : i32
      %dma_wait3A_132 = arith.constant 0 : i32
      %dma_wait3A_133 = tpu.memref_slice %arg18[%dma_wait3A_131, %dma_wait3A_132] : memref<10240x16xf32, #tpu.memory_space<vmem_shared>> -> memref<10240x16xf32, #tpu.memory_space<vmem_shared>>
      tpu.wait_indirect_dma semaphore(%arg20 : memref<!tpu.dma_semaphore, #tpu.memory_space<semaphore_mem>>) src(%dma_wait3A_133 : memref<10240x16xf32, #tpu.memory_space<vmem_shared>>) dst(%arg9 : memref<128x16xf32, #tpu.memory_space<vmem>>)
      %dma_start3A_134 = arith.constant 0 : i32
      %dma_start3A_135 = tpu.memref_slice %arg8[%add3A_127, %dma_start3A_134] : memref<40x128xi32, #tpu.memory_space<vmem>> -> memref<1x128xi32, #tpu.memory_space<vmem>>
      %dma_start3A_136 = tpu.memref_squeeze %dma_start3A_135 : memref<1x128xi32, #tpu.memory_space<vmem>> -> memref<128xi32, #tpu.memory_space<vmem>>
      %dma_start3A_137 = arith.constant 0 : i32
      %dma_start3A_138 = arith.constant 0 : i32
      %dma_start3A_139 = tpu.memref_slice %arg19[%dma_start3A_137, %dma_start3A_138] : memref<10240x16xf32, #tpu.memory_space<vmem_shared>> -> memref<10240x16xf32, #tpu.memory_space<vmem_shared>>
      tpu.enqueue_indirect_dma source(%arg9 : memref<128x16xf32, #tpu.memory_space<vmem>>) target(%dma_start3A_139 : memref<10240x16xf32, #tpu.memory_space<vmem_shared>>) offsets(%dma_start3A_136 : memref<128xi32, #tpu.memory_space<vmem>>) semaphore(%arg28 : memref<!tpu.dma_semaphore, #tpu.memory_space<semaphore_mem>>) {add = true}
      %add3A_140 = arith.constant 1 : i32
      %add3A_141 = arith.addi %mul3A_125, %add3A_140 : i32
      %dma_wait3A_142 = arith.constant 0 : i32
      %dma_wait3A_143 = tpu.memref_slice %arg7[%add3A_141, %dma_wait3A_142] : memref<40x128xi32, #tpu.memory_space<vmem>> -> memref<1x128xi32, #tpu.memory_space<vmem>>
      %dma_wait3A_144 = tpu.memref_squeeze %dma_wait3A_143 : memref<1x128xi32, #tpu.memory_space<vmem>> -> memref<128xi32, #tpu.memory_space<vmem>>
      %dma_wait3A_145 = arith.constant 0 : i32
      %dma_wait3A_146 = arith.constant 0 : i32
      %dma_wait3A_147 = tpu.memref_slice %arg18[%dma_wait3A_145, %dma_wait3A_146] : memref<10240x16xf32, #tpu.memory_space<vmem_shared>> -> memref<10240x16xf32, #tpu.memory_space<vmem_shared>>
      tpu.wait_indirect_dma semaphore(%arg21 : memref<!tpu.dma_semaphore, #tpu.memory_space<semaphore_mem>>) src(%dma_wait3A_147 : memref<10240x16xf32, #tpu.memory_space<vmem_shared>>) dst(%arg10 : memref<128x16xf32, #tpu.memory_space<vmem>>)
      %dma_start3A_148 = arith.constant 0 : i32
      %dma_start3A_149 = tpu.memref_slice %arg8[%add3A_141, %dma_start3A_148] : memref<40x128xi32, #tpu.memory_space<vmem>> -> memref<1x128xi32, #tpu.memory_space<vmem>>
      %dma_start3A_150 = tpu.memref_squeeze %dma_start3A_149 : memref<1x128xi32, #tpu.memory_space<vmem>> -> memref<128xi32, #tpu.memory_space<vmem>>
      %dma_start3A_151 = arith.constant 0 : i32
      %dma_start3A_152 = arith.constant 0 : i32
      %dma_start3A_153 = tpu.memref_slice %arg19[%dma_start3A_151, %dma_start3A_152] : memref<10240x16xf32, #tpu.memory_space<vmem_shared>> -> memref<10240x16xf32, #tpu.memory_space<vmem_shared>>
      tpu.enqueue_indirect_dma source(%arg10 : memref<128x16xf32, #tpu.memory_space<vmem>>) target(%dma_start3A_153 : memref<10240x16xf32, #tpu.memory_space<vmem_shared>>) offsets(%dma_start3A_150 : memref<128xi32, #tpu.memory_space<vmem>>) semaphore(%arg29 : memref<!tpu.dma_semaphore, #tpu.memory_space<semaphore_mem>>) {add = true}
      %add3A_154 = arith.constant 2 : i32
      %add3A_155 = arith.addi %mul3A_125, %add3A_154 : i32
      %dma_wait3A_156 = arith.constant 0 : i32
      %dma_wait3A_157 = tpu.memref_slice %arg7[%add3A_155, %dma_wait3A_156] : memref<40x128xi32, #tpu.memory_space<vmem>> -> memref<1x128xi32, #tpu.memory_space<vmem>>
      %dma_wait3A_158 = tpu.memref_squeeze %dma_wait3A_157 : memref<1x128xi32, #tpu.memory_space<vmem>> -> memref<128xi32, #tpu.memory_space<vmem>>
      %dma_wait3A_159 = arith.constant 0 : i32
      %dma_wait3A_160 = arith.constant 0 : i32
      %dma_wait3A_161 = tpu.memref_slice %arg18[%dma_wait3A_159, %dma_wait3A_160] : memref<10240x16xf32, #tpu.memory_space<vmem_shared>> -> memref<10240x16xf32, #tpu.memory_space<vmem_shared>>
      tpu.wait_indirect_dma semaphore(%arg22 : memref<!tpu.dma_semaphore, #tpu.memory_space<semaphore_mem>>) src(%dma_wait3A_161 : memref<10240x16xf32, #tpu.memory_space<vmem_shared>>) dst(%arg11 : memref<128x16xf32, #tpu.memory_space<vmem>>)
      %dma_start3A_162 = arith.constant 0 : i32
      %dma_start3A_163 = tpu.memref_slice %arg8[%add3A_155, %dma_start3A_162] : memref<40x128xi32, #tpu.memory_space<vmem>> -> memref<1x128xi32, #tpu.memory_space<vmem>>
      %dma_start3A_164 = tpu.memref_squeeze %dma_start3A_163 : memref<1x128xi32, #tpu.memory_space<vmem>> -> memref<128xi32, #tpu.memory_space<vmem>>
      %dma_start3A_165 = arith.constant 0 : i32
      %dma_start3A_166 = arith.constant 0 : i32
      %dma_start3A_167 = tpu.memref_slice %arg19[%dma_start3A_165, %dma_start3A_166] : memref<10240x16xf32, #tpu.memory_space<vmem_shared>> -> memref<10240x16xf32, #tpu.memory_space<vmem_shared>>
      tpu.enqueue_indirect_dma source(%arg11 : memref<128x16xf32, #tpu.memory_space<vmem>>) target(%dma_start3A_167 : memref<10240x16xf32, #tpu.memory_space<vmem_shared>>) offsets(%dma_start3A_164 : memref<128xi32, #tpu.memory_space<vmem>>) semaphore(%arg30 : memref<!tpu.dma_semaphore, #tpu.memory_space<semaphore_mem>>) {add = true}
      %add3A_168 = arith.constant 3 : i32
      %add3A_169 = arith.addi %mul3A_125, %add3A_168 : i32
      %dma_wait3A_170 = arith.constant 0 : i32
      %dma_wait3A_171 = tpu.memref_slice %arg7[%add3A_169, %dma_wait3A_170] : memref<40x128xi32, #tpu.memory_space<vmem>> -> memref<1x128xi32, #tpu.memory_space<vmem>>
      %dma_wait3A_172 = tpu.memref_squeeze %dma_wait3A_171 : memref<1x128xi32, #tpu.memory_space<vmem>> -> memref<128xi32, #tpu.memory_space<vmem>>
      %dma_wait3A_173 = arith.constant 0 : i32
      %dma_wait3A_174 = arith.constant 0 : i32
      %dma_wait3A_175 = tpu.memref_slice %arg18[%dma_wait3A_173, %dma_wait3A_174] : memref<10240x16xf32, #tpu.memory_space<vmem_shared>> -> memref<10240x16xf32, #tpu.memory_space<vmem_shared>>
      tpu.wait_indirect_dma semaphore(%arg23 : memref<!tpu.dma_semaphore, #tpu.memory_space<semaphore_mem>>) src(%dma_wait3A_175 : memref<10240x16xf32, #tpu.memory_space<vmem_shared>>) dst(%arg12 : memref<128x16xf32, #tpu.memory_space<vmem>>)
      %dma_start3A_176 = arith.constant 0 : i32
      %dma_start3A_177 = tpu.memref_slice %arg8[%add3A_169, %dma_start3A_176] : memref<40x128xi32, #tpu.memory_space<vmem>> -> memref<1x128xi32, #tpu.memory_space<vmem>>
      %dma_start3A_178 = tpu.memref_squeeze %dma_start3A_177 : memref<1x128xi32, #tpu.memory_space<vmem>> -> memref<128xi32, #tpu.memory_space<vmem>>
      %dma_start3A_179 = arith.constant 0 : i32
      %dma_start3A_180 = arith.constant 0 : i32
      %dma_start3A_181 = tpu.memref_slice %arg19[%dma_start3A_179, %dma_start3A_180] : memref<10240x16xf32, #tpu.memory_space<vmem_shared>> -> memref<10240x16xf32, #tpu.memory_space<vmem_shared>>
      tpu.enqueue_indirect_dma source(%arg12 : memref<128x16xf32, #tpu.memory_space<vmem>>) target(%dma_start3A_181 : memref<10240x16xf32, #tpu.memory_space<vmem_shared>>) offsets(%dma_start3A_178 : memref<128xi32, #tpu.memory_space<vmem>>) semaphore(%arg31 : memref<!tpu.dma_semaphore, #tpu.memory_space<semaphore_mem>>) {add = true}
      %add3A_182 = arith.constant 4 : i32
      %add3A_183 = arith.addi %mul3A_125, %add3A_182 : i32
      %dma_wait3A_184 = arith.constant 0 : i32
      %dma_wait3A_185 = tpu.memref_slice %arg7[%add3A_183, %dma_wait3A_184] : memref<40x128xi32, #tpu.memory_space<vmem>> -> memref<1x128xi32, #tpu.memory_space<vmem>>
      %dma_wait3A_186 = tpu.memref_squeeze %dma_wait3A_185 : memref<1x128xi32, #tpu.memory_space<vmem>> -> memref<128xi32, #tpu.memory_space<vmem>>
      %dma_wait3A_187 = arith.constant 0 : i32
      %dma_wait3A_188 = arith.constant 0 : i32
      %dma_wait3A_189 = tpu.memref_slice %arg18[%dma_wait3A_187, %dma_wait3A_188] : memref<10240x16xf32, #tpu.memory_space<vmem_shared>> -> memref<10240x16xf32, #tpu.memory_space<vmem_shared>>
      tpu.wait_indirect_dma semaphore(%arg24 : memref<!tpu.dma_semaphore, #tpu.memory_space<semaphore_mem>>) src(%dma_wait3A_189 : memref<10240x16xf32, #tpu.memory_space<vmem_shared>>) dst(%arg13 : memref<128x16xf32, #tpu.memory_space<vmem>>)
      %dma_start3A_190 = arith.constant 0 : i32
      %dma_start3A_191 = tpu.memref_slice %arg8[%add3A_183, %dma_start3A_190] : memref<40x128xi32, #tpu.memory_space<vmem>> -> memref<1x128xi32, #tpu.memory_space<vmem>>
      %dma_start3A_192 = tpu.memref_squeeze %dma_start3A_191 : memref<1x128xi32, #tpu.memory_space<vmem>> -> memref<128xi32, #tpu.memory_space<vmem>>
      %dma_start3A_193 = arith.constant 0 : i32
      %dma_start3A_194 = arith.constant 0 : i32
      %dma_start3A_195 = tpu.memref_slice %arg19[%dma_start3A_193, %dma_start3A_194] : memref<10240x16xf32, #tpu.memory_space<vmem_shared>> -> memref<10240x16xf32, #tpu.memory_space<vmem_shared>>
      tpu.enqueue_indirect_dma source(%arg13 : memref<128x16xf32, #tpu.memory_space<vmem>>) target(%dma_start3A_195 : memref<10240x16xf32, #tpu.memory_space<vmem_shared>>) offsets(%dma_start3A_192 : memref<128xi32, #tpu.memory_space<vmem>>) semaphore(%arg32 : memref<!tpu.dma_semaphore, #tpu.memory_space<semaphore_mem>>) {add = true}
      %add3A_196 = arith.constant 5 : i32
      %add3A_197 = arith.addi %mul3A_125, %add3A_196 : i32
      %dma_wait3A_198 = arith.constant 0 : i32
      %dma_wait3A_199 = tpu.memref_slice %arg7[%add3A_197, %dma_wait3A_198] : memref<40x128xi32, #tpu.memory_space<vmem>> -> memref<1x128xi32, #tpu.memory_space<vmem>>
      %dma_wait3A_200 = tpu.memref_squeeze %dma_wait3A_199 : memref<1x128xi32, #tpu.memory_space<vmem>> -> memref<128xi32, #tpu.memory_space<vmem>>
      %dma_wait3A_201 = arith.constant 0 : i32
      %dma_wait3A_202 = arith.constant 0 : i32
      %dma_wait3A_203 = tpu.memref_slice %arg18[%dma_wait3A_201, %dma_wait3A_202] : memref<10240x16xf32, #tpu.memory_space<vmem_shared>> -> memref<10240x16xf32, #tpu.memory_space<vmem_shared>>
      tpu.wait_indirect_dma semaphore(%arg25 : memref<!tpu.dma_semaphore, #tpu.memory_space<semaphore_mem>>) src(%dma_wait3A_203 : memref<10240x16xf32, #tpu.memory_space<vmem_shared>>) dst(%arg14 : memref<128x16xf32, #tpu.memory_space<vmem>>)
      %dma_start3A_204 = arith.constant 0 : i32
      %dma_start3A_205 = tpu.memref_slice %arg8[%add3A_197, %dma_start3A_204] : memref<40x128xi32, #tpu.memory_space<vmem>> -> memref<1x128xi32, #tpu.memory_space<vmem>>
      %dma_start3A_206 = tpu.memref_squeeze %dma_start3A_205 : memref<1x128xi32, #tpu.memory_space<vmem>> -> memref<128xi32, #tpu.memory_space<vmem>>
      %dma_start3A_207 = arith.constant 0 : i32
      %dma_start3A_208 = arith.constant 0 : i32
      %dma_start3A_209 = tpu.memref_slice %arg19[%dma_start3A_207, %dma_start3A_208] : memref<10240x16xf32, #tpu.memory_space<vmem_shared>> -> memref<10240x16xf32, #tpu.memory_space<vmem_shared>>
      tpu.enqueue_indirect_dma source(%arg14 : memref<128x16xf32, #tpu.memory_space<vmem>>) target(%dma_start3A_209 : memref<10240x16xf32, #tpu.memory_space<vmem_shared>>) offsets(%dma_start3A_206 : memref<128xi32, #tpu.memory_space<vmem>>) semaphore(%arg33 : memref<!tpu.dma_semaphore, #tpu.memory_space<semaphore_mem>>) {add = true}
      %add3A_210 = arith.constant 6 : i32
      %add3A_211 = arith.addi %mul3A_125, %add3A_210 : i32
      %dma_wait3A_212 = arith.constant 0 : i32
      %dma_wait3A_213 = tpu.memref_slice %arg7[%add3A_211, %dma_wait3A_212] : memref<40x128xi32, #tpu.memory_space<vmem>> -> memref<1x128xi32, #tpu.memory_space<vmem>>
      %dma_wait3A_214 = tpu.memref_squeeze %dma_wait3A_213 : memref<1x128xi32, #tpu.memory_space<vmem>> -> memref<128xi32, #tpu.memory_space<vmem>>
      %dma_wait3A_215 = arith.constant 0 : i32
      %dma_wait3A_216 = arith.constant 0 : i32
      %dma_wait3A_217 = tpu.memref_slice %arg18[%dma_wait3A_215, %dma_wait3A_216] : memref<10240x16xf32, #tpu.memory_space<vmem_shared>> -> memref<10240x16xf32, #tpu.memory_space<vmem_shared>>
      tpu.wait_indirect_dma semaphore(%arg26 : memref<!tpu.dma_semaphore, #tpu.memory_space<semaphore_mem>>) src(%dma_wait3A_217 : memref<10240x16xf32, #tpu.memory_space<vmem_shared>>) dst(%arg15 : memref<128x16xf32, #tpu.memory_space<vmem>>)
      %dma_start3A_218 = arith.constant 0 : i32
      %dma_start3A_219 = tpu.memref_slice %arg8[%add3A_211, %dma_start3A_218] : memref<40x128xi32, #tpu.memory_space<vmem>> -> memref<1x128xi32, #tpu.memory_space<vmem>>
      %dma_start3A_220 = tpu.memref_squeeze %dma_start3A_219 : memref<1x128xi32, #tpu.memory_space<vmem>> -> memref<128xi32, #tpu.memory_space<vmem>>
      %dma_start3A_221 = arith.constant 0 : i32
      %dma_start3A_222 = arith.constant 0 : i32
      %dma_start3A_223 = tpu.memref_slice %arg19[%dma_start3A_221, %dma_start3A_222] : memref<10240x16xf32, #tpu.memory_space<vmem_shared>> -> memref<10240x16xf32, #tpu.memory_space<vmem_shared>>
      tpu.enqueue_indirect_dma source(%arg15 : memref<128x16xf32, #tpu.memory_space<vmem>>) target(%dma_start3A_223 : memref<10240x16xf32, #tpu.memory_space<vmem_shared>>) offsets(%dma_start3A_220 : memref<128xi32, #tpu.memory_space<vmem>>) semaphore(%arg34 : memref<!tpu.dma_semaphore, #tpu.memory_space<semaphore_mem>>) {add = true}
      %add3A_224 = arith.constant 7 : i32
      %add3A_225 = arith.addi %mul3A_125, %add3A_224 : i32
      %dma_wait3A_226 = arith.constant 0 : i32
      %dma_wait3A_227 = tpu.memref_slice %arg7[%add3A_225, %dma_wait3A_226] : memref<40x128xi32, #tpu.memory_space<vmem>> -> memref<1x128xi32, #tpu.memory_space<vmem>>
      %dma_wait3A_228 = tpu.memref_squeeze %dma_wait3A_227 : memref<1x128xi32, #tpu.memory_space<vmem>> -> memref<128xi32, #tpu.memory_space<vmem>>
      %dma_wait3A_229 = arith.constant 0 : i32
      %dma_wait3A_230 = arith.constant 0 : i32
      %dma_wait3A_231 = tpu.memref_slice %arg18[%dma_wait3A_229, %dma_wait3A_230] : memref<10240x16xf32, #tpu.memory_space<vmem_shared>> -> memref<10240x16xf32, #tpu.memory_space<vmem_shared>>
      tpu.wait_indirect_dma semaphore(%arg27 : memref<!tpu.dma_semaphore, #tpu.memory_space<semaphore_mem>>) src(%dma_wait3A_231 : memref<10240x16xf32, #tpu.memory_space<vmem_shared>>) dst(%arg16 : memref<128x16xf32, #tpu.memory_space<vmem>>)
      %dma_start3A_232 = arith.constant 0 : i32
      %dma_start3A_233 = tpu.memref_slice %arg8[%add3A_225, %dma_start3A_232] : memref<40x128xi32, #tpu.memory_space<vmem>> -> memref<1x128xi32, #tpu.memory_space<vmem>>
      %dma_start3A_234 = tpu.memref_squeeze %dma_start3A_233 : memref<1x128xi32, #tpu.memory_space<vmem>> -> memref<128xi32, #tpu.memory_space<vmem>>
      %dma_start3A_235 = arith.constant 0 : i32
      %dma_start3A_236 = arith.constant 0 : i32
      %dma_start3A_237 = tpu.memref_slice %arg19[%dma_start3A_235, %dma_start3A_236] : memref<10240x16xf32, #tpu.memory_space<vmem_shared>> -> memref<10240x16xf32, #tpu.memory_space<vmem_shared>>
      tpu.enqueue_indirect_dma source(%arg16 : memref<128x16xf32, #tpu.memory_space<vmem>>) target(%dma_start3A_237 : memref<10240x16xf32, #tpu.memory_space<vmem_shared>>) offsets(%dma_start3A_234 : memref<128xi32, #tpu.memory_space<vmem>>) semaphore(%arg35 : memref<!tpu.dma_semaphore, #tpu.memory_space<semaphore_mem>>) {add = true}
      %lt3A = arith.constant 4 : i32
      %lt3A_238 = arith.cmpi slt, %scan3A_122, %lt3A : i32
      %convert_element_type3A = arith.extui %lt3A_238 : i1 to i32
      %cond3A = arith.constant 0 : i32
      %cond3A_239 = arith.cmpi ne, %convert_element_type3A, %cond3A : i32
      scf.if %cond3A_239 {
        %add3A_241 = arith.constant 0 : i32
        %add3A_242 = arith.addi %mul3A_125, %add3A_241 : i32
        %dma_wait3A_243 = arith.constant 0 : i32
        %dma_wait3A_244 = tpu.memref_slice %arg8[%add3A_242, %dma_wait3A_243] : memref<40x128xi32, #tpu.memory_space<vmem>> -> memref<1x128xi32, #tpu.memory_space<vmem>>
        %dma_wait3A_245 = tpu.memref_squeeze %dma_wait3A_244 : memref<1x128xi32, #tpu.memory_space<vmem>> -> memref<128xi32, #tpu.memory_space<vmem>>
        %dma_wait3A_246 = arith.constant 0 : i32
        %dma_wait3A_247 = arith.constant 0 : i32
        %dma_wait3A_248 = tpu.memref_slice %arg19[%dma_wait3A_246, %dma_wait3A_247] : memref<10240x16xf32, #tpu.memory_space<vmem_shared>> -> memref<10240x16xf32, #tpu.memory_space<vmem_shared>>
        tpu.wait_indirect_dma semaphore(%arg28 : memref<!tpu.dma_semaphore, #tpu.memory_space<semaphore_mem>>) src(%arg9 : memref<128x16xf32, #tpu.memory_space<vmem>>) dst(%dma_wait3A_248 : memref<10240x16xf32, #tpu.memory_space<vmem_shared>>)
        %add3A_249 = arith.constant 8 : i32
        %add3A_250 = arith.addi %add3A_242, %add3A_249 : i32
        %dma_start3A_251 = arith.constant 0 : i32
        %dma_start3A_252 = tpu.memref_slice %arg7[%add3A_250, %dma_start3A_251] : memref<40x128xi32, #tpu.memory_space<vmem>> -> memref<1x128xi32, #tpu.memory_space<vmem>>
        %dma_start3A_253 = tpu.memref_squeeze %dma_start3A_252 : memref<1x128xi32, #tpu.memory_space<vmem>> -> memref<128xi32, #tpu.memory_space<vmem>>
        %dma_start3A_254 = arith.constant 0 : i32
        %dma_start3A_255 = arith.constant 0 : i32
        %dma_start3A_256 = tpu.memref_slice %arg18[%dma_start3A_254, %dma_start3A_255] : memref<10240x16xf32, #tpu.memory_space<vmem_shared>> -> memref<10240x16xf32, #tpu.memory_space<vmem_shared>>
        tpu.enqueue_indirect_dma source(%dma_start3A_256 : memref<10240x16xf32, #tpu.memory_space<vmem_shared>>) target(%arg9 : memref<128x16xf32, #tpu.memory_space<vmem>>) offsets(%dma_start3A_253 : memref<128xi32, #tpu.memory_space<vmem>>) semaphore(%arg20 : memref<!tpu.dma_semaphore, #tpu.memory_space<semaphore_mem>>)
        %add3A_257 = arith.constant 1 : i32
        %add3A_258 = arith.addi %mul3A_125, %add3A_257 : i32
        %dma_wait3A_259 = arith.constant 0 : i32
        %dma_wait3A_260 = tpu.memref_slice %arg8[%add3A_258, %dma_wait3A_259] : memref<40x128xi32, #tpu.memory_space<vmem>> -> memref<1x128xi32, #tpu.memory_space<vmem>>
        %dma_wait3A_261 = tpu.memref_squeeze %dma_wait3A_260 : memref<1x128xi32, #tpu.memory_space<vmem>> -> memref<128xi32, #tpu.memory_space<vmem>>
        %dma_wait3A_262 = arith.constant 0 : i32
        %dma_wait3A_263 = arith.constant 0 : i32
        %dma_wait3A_264 = tpu.memref_slice %arg19[%dma_wait3A_262, %dma_wait3A_263] : memref<10240x16xf32, #tpu.memory_space<vmem_shared>> -> memref<10240x16xf32, #tpu.memory_space<vmem_shared>>
        tpu.wait_indirect_dma semaphore(%arg29 : memref<!tpu.dma_semaphore, #tpu.memory_space<semaphore_mem>>) src(%arg10 : memref<128x16xf32, #tpu.memory_space<vmem>>) dst(%dma_wait3A_264 : memref<10240x16xf32, #tpu.memory_space<vmem_shared>>)
        %add3A_265 = arith.constant 8 : i32
        %add3A_266 = arith.addi %add3A_258, %add3A_265 : i32
        %dma_start3A_267 = arith.constant 0 : i32
        %dma_start3A_268 = tpu.memref_slice %arg7[%add3A_266, %dma_start3A_267] : memref<40x128xi32, #tpu.memory_space<vmem>> -> memref<1x128xi32, #tpu.memory_space<vmem>>
        %dma_start3A_269 = tpu.memref_squeeze %dma_start3A_268 : memref<1x128xi32, #tpu.memory_space<vmem>> -> memref<128xi32, #tpu.memory_space<vmem>>
        %dma_start3A_270 = arith.constant 0 : i32
        %dma_start3A_271 = arith.constant 0 : i32
        %dma_start3A_272 = tpu.memref_slice %arg18[%dma_start3A_270, %dma_start3A_271] : memref<10240x16xf32, #tpu.memory_space<vmem_shared>> -> memref<10240x16xf32, #tpu.memory_space<vmem_shared>>
        tpu.enqueue_indirect_dma source(%dma_start3A_272 : memref<10240x16xf32, #tpu.memory_space<vmem_shared>>) target(%arg10 : memref<128x16xf32, #tpu.memory_space<vmem>>) offsets(%dma_start3A_269 : memref<128xi32, #tpu.memory_space<vmem>>) semaphore(%arg21 : memref<!tpu.dma_semaphore, #tpu.memory_space<semaphore_mem>>)
        %add3A_273 = arith.constant 2 : i32
        %add3A_274 = arith.addi %mul3A_125, %add3A_273 : i32
        %dma_wait3A_275 = arith.constant 0 : i32
        %dma_wait3A_276 = tpu.memref_slice %arg8[%add3A_274, %dma_wait3A_275] : memref<40x128xi32, #tpu.memory_space<vmem>> -> memref<1x128xi32, #tpu.memory_space<vmem>>
        %dma_wait3A_277 = tpu.memref_squeeze %dma_wait3A_276 : memref<1x128xi32, #tpu.memory_space<vmem>> -> memref<128xi32, #tpu.memory_space<vmem>>
        %dma_wait3A_278 = arith.constant 0 : i32
        %dma_wait3A_279 = arith.constant 0 : i32
        %dma_wait3A_280 = tpu.memref_slice %arg19[%dma_wait3A_278, %dma_wait3A_279] : memref<10240x16xf32, #tpu.memory_space<vmem_shared>> -> memref<10240x16xf32, #tpu.memory_space<vmem_shared>>
        tpu.wait_indirect_dma semaphore(%arg30 : memref<!tpu.dma_semaphore, #tpu.memory_space<semaphore_mem>>) src(%arg11 : memref<128x16xf32, #tpu.memory_space<vmem>>) dst(%dma_wait3A_280 : memref<10240x16xf32, #tpu.memory_space<vmem_shared>>)
        %add3A_281 = arith.constant 8 : i32
        %add3A_282 = arith.addi %add3A_274, %add3A_281 : i32
        %dma_start3A_283 = arith.constant 0 : i32
        %dma_start3A_284 = tpu.memref_slice %arg7[%add3A_282, %dma_start3A_283] : memref<40x128xi32, #tpu.memory_space<vmem>> -> memref<1x128xi32, #tpu.memory_space<vmem>>
        %dma_start3A_285 = tpu.memref_squeeze %dma_start3A_284 : memref<1x128xi32, #tpu.memory_space<vmem>> -> memref<128xi32, #tpu.memory_space<vmem>>
        %dma_start3A_286 = arith.constant 0 : i32
        %dma_start3A_287 = arith.constant 0 : i32
        %dma_start3A_288 = tpu.memref_slice %arg18[%dma_start3A_286, %dma_start3A_287] : memref<10240x16xf32, #tpu.memory_space<vmem_shared>> -> memref<10240x16xf32, #tpu.memory_space<vmem_shared>>
        tpu.enqueue_indirect_dma source(%dma_start3A_288 : memref<10240x16xf32, #tpu.memory_space<vmem_shared>>) target(%arg11 : memref<128x16xf32, #tpu.memory_space<vmem>>) offsets(%dma_start3A_285 : memref<128xi32, #tpu.memory_space<vmem>>) semaphore(%arg22 : memref<!tpu.dma_semaphore, #tpu.memory_space<semaphore_mem>>)
        %add3A_289 = arith.constant 3 : i32
        %add3A_290 = arith.addi %mul3A_125, %add3A_289 : i32
        %dma_wait3A_291 = arith.constant 0 : i32
        %dma_wait3A_292 = tpu.memref_slice %arg8[%add3A_290, %dma_wait3A_291] : memref<40x128xi32, #tpu.memory_space<vmem>> -> memref<1x128xi32, #tpu.memory_space<vmem>>
        %dma_wait3A_293 = tpu.memref_squeeze %dma_wait3A_292 : memref<1x128xi32, #tpu.memory_space<vmem>> -> memref<128xi32, #tpu.memory_space<vmem>>
        %dma_wait3A_294 = arith.constant 0 : i32
        %dma_wait3A_295 = arith.constant 0 : i32
        %dma_wait3A_296 = tpu.memref_slice %arg19[%dma_wait3A_294, %dma_wait3A_295] : memref<10240x16xf32, #tpu.memory_space<vmem_shared>> -> memref<10240x16xf32, #tpu.memory_space<vmem_shared>>
        tpu.wait_indirect_dma semaphore(%arg31 : memref<!tpu.dma_semaphore, #tpu.memory_space<semaphore_mem>>) src(%arg12 : memref<128x16xf32, #tpu.memory_space<vmem>>) dst(%dma_wait3A_296 : memref<10240x16xf32, #tpu.memory_space<vmem_shared>>)
        %add3A_297 = arith.constant 8 : i32
        %add3A_298 = arith.addi %add3A_290, %add3A_297 : i32
        %dma_start3A_299 = arith.constant 0 : i32
        %dma_start3A_300 = tpu.memref_slice %arg7[%add3A_298, %dma_start3A_299] : memref<40x128xi32, #tpu.memory_space<vmem>> -> memref<1x128xi32, #tpu.memory_space<vmem>>
        %dma_start3A_301 = tpu.memref_squeeze %dma_start3A_300 : memref<1x128xi32, #tpu.memory_space<vmem>> -> memref<128xi32, #tpu.memory_space<vmem>>
        %dma_start3A_302 = arith.constant 0 : i32
        %dma_start3A_303 = arith.constant 0 : i32
        %dma_start3A_304 = tpu.memref_slice %arg18[%dma_start3A_302, %dma_start3A_303] : memref<10240x16xf32, #tpu.memory_space<vmem_shared>> -> memref<10240x16xf32, #tpu.memory_space<vmem_shared>>
        tpu.enqueue_indirect_dma source(%dma_start3A_304 : memref<10240x16xf32, #tpu.memory_space<vmem_shared>>) target(%arg12 : memref<128x16xf32, #tpu.memory_space<vmem>>) offsets(%dma_start3A_301 : memref<128xi32, #tpu.memory_space<vmem>>) semaphore(%arg23 : memref<!tpu.dma_semaphore, #tpu.memory_space<semaphore_mem>>)
        %add3A_305 = arith.constant 4 : i32
        %add3A_306 = arith.addi %mul3A_125, %add3A_305 : i32
        %dma_wait3A_307 = arith.constant 0 : i32
        %dma_wait3A_308 = tpu.memref_slice %arg8[%add3A_306, %dma_wait3A_307] : memref<40x128xi32, #tpu.memory_space<vmem>> -> memref<1x128xi32, #tpu.memory_space<vmem>>
        %dma_wait3A_309 = tpu.memref_squeeze %dma_wait3A_308 : memref<1x128xi32, #tpu.memory_space<vmem>> -> memref<128xi32, #tpu.memory_space<vmem>>
        %dma_wait3A_310 = arith.constant 0 : i32
        %dma_wait3A_311 = arith.constant 0 : i32
        %dma_wait3A_312 = tpu.memref_slice %arg19[%dma_wait3A_310, %dma_wait3A_311] : memref<10240x16xf32, #tpu.memory_space<vmem_shared>> -> memref<10240x16xf32, #tpu.memory_space<vmem_shared>>
        tpu.wait_indirect_dma semaphore(%arg32 : memref<!tpu.dma_semaphore, #tpu.memory_space<semaphore_mem>>) src(%arg13 : memref<128x16xf32, #tpu.memory_space<vmem>>) dst(%dma_wait3A_312 : memref<10240x16xf32, #tpu.memory_space<vmem_shared>>)
        %add3A_313 = arith.constant 8 : i32
        %add3A_314 = arith.addi %add3A_306, %add3A_313 : i32
        %dma_start3A_315 = arith.constant 0 : i32
        %dma_start3A_316 = tpu.memref_slice %arg7[%add3A_314, %dma_start3A_315] : memref<40x128xi32, #tpu.memory_space<vmem>> -> memref<1x128xi32, #tpu.memory_space<vmem>>
        %dma_start3A_317 = tpu.memref_squeeze %dma_start3A_316 : memref<1x128xi32, #tpu.memory_space<vmem>> -> memref<128xi32, #tpu.memory_space<vmem>>
        %dma_start3A_318 = arith.constant 0 : i32
        %dma_start3A_319 = arith.constant 0 : i32
        %dma_start3A_320 = tpu.memref_slice %arg18[%dma_start3A_318, %dma_start3A_319] : memref<10240x16xf32, #tpu.memory_space<vmem_shared>> -> memref<10240x16xf32, #tpu.memory_space<vmem_shared>>
        tpu.enqueue_indirect_dma source(%dma_start3A_320 : memref<10240x16xf32, #tpu.memory_space<vmem_shared>>) target(%arg13 : memref<128x16xf32, #tpu.memory_space<vmem>>) offsets(%dma_start3A_317 : memref<128xi32, #tpu.memory_space<vmem>>) semaphore(%arg24 : memref<!tpu.dma_semaphore, #tpu.memory_space<semaphore_mem>>)
        %add3A_321 = arith.constant 5 : i32
        %add3A_322 = arith.addi %mul3A_125, %add3A_321 : i32
        %dma_wait3A_323 = arith.constant 0 : i32
        %dma_wait3A_324 = tpu.memref_slice %arg8[%add3A_322, %dma_wait3A_323] : memref<40x128xi32, #tpu.memory_space<vmem>> -> memref<1x128xi32, #tpu.memory_space<vmem>>
        %dma_wait3A_325 = tpu.memref_squeeze %dma_wait3A_324 : memref<1x128xi32, #tpu.memory_space<vmem>> -> memref<128xi32, #tpu.memory_space<vmem>>
        %dma_wait3A_326 = arith.constant 0 : i32
        %dma_wait3A_327 = arith.constant 0 : i32
        %dma_wait3A_328 = tpu.memref_slice %arg19[%dma_wait3A_326, %dma_wait3A_327] : memref<10240x16xf32, #tpu.memory_space<vmem_shared>> -> memref<10240x16xf32, #tpu.memory_space<vmem_shared>>
        tpu.wait_indirect_dma semaphore(%arg33 : memref<!tpu.dma_semaphore, #tpu.memory_space<semaphore_mem>>) src(%arg14 : memref<128x16xf32, #tpu.memory_space<vmem>>) dst(%dma_wait3A_328 : memref<10240x16xf32, #tpu.memory_space<vmem_shared>>)
        %add3A_329 = arith.constant 8 : i32
        %add3A_330 = arith.addi %add3A_322, %add3A_329 : i32
        %dma_start3A_331 = arith.constant 0 : i32
        %dma_start3A_332 = tpu.memref_slice %arg7[%add3A_330, %dma_start3A_331] : memref<40x128xi32, #tpu.memory_space<vmem>> -> memref<1x128xi32, #tpu.memory_space<vmem>>
        %dma_start3A_333 = tpu.memref_squeeze %dma_start3A_332 : memref<1x128xi32, #tpu.memory_space<vmem>> -> memref<128xi32, #tpu.memory_space<vmem>>
        %dma_start3A_334 = arith.constant 0 : i32
        %dma_start3A_335 = arith.constant 0 : i32
        %dma_start3A_336 = tpu.memref_slice %arg18[%dma_start3A_334, %dma_start3A_335] : memref<10240x16xf32, #tpu.memory_space<vmem_shared>> -> memref<10240x16xf32, #tpu.memory_space<vmem_shared>>
        tpu.enqueue_indirect_dma source(%dma_start3A_336 : memref<10240x16xf32, #tpu.memory_space<vmem_shared>>) target(%arg14 : memref<128x16xf32, #tpu.memory_space<vmem>>) offsets(%dma_start3A_333 : memref<128xi32, #tpu.memory_space<vmem>>) semaphore(%arg25 : memref<!tpu.dma_semaphore, #tpu.memory_space<semaphore_mem>>)
        %add3A_337 = arith.constant 6 : i32
        %add3A_338 = arith.addi %mul3A_125, %add3A_337 : i32
        %dma_wait3A_339 = arith.constant 0 : i32
        %dma_wait3A_340 = tpu.memref_slice %arg8[%add3A_338, %dma_wait3A_339] : memref<40x128xi32, #tpu.memory_space<vmem>> -> memref<1x128xi32, #tpu.memory_space<vmem>>
        %dma_wait3A_341 = tpu.memref_squeeze %dma_wait3A_340 : memref<1x128xi32, #tpu.memory_space<vmem>> -> memref<128xi32, #tpu.memory_space<vmem>>
        %dma_wait3A_342 = arith.constant 0 : i32
        %dma_wait3A_343 = arith.constant 0 : i32
        %dma_wait3A_344 = tpu.memref_slice %arg19[%dma_wait3A_342, %dma_wait3A_343] : memref<10240x16xf32, #tpu.memory_space<vmem_shared>> -> memref<10240x16xf32, #tpu.memory_space<vmem_shared>>
        tpu.wait_indirect_dma semaphore(%arg34 : memref<!tpu.dma_semaphore, #tpu.memory_space<semaphore_mem>>) src(%arg15 : memref<128x16xf32, #tpu.memory_space<vmem>>) dst(%dma_wait3A_344 : memref<10240x16xf32, #tpu.memory_space<vmem_shared>>)
        %add3A_345 = arith.constant 8 : i32
        %add3A_346 = arith.addi %add3A_338, %add3A_345 : i32
        %dma_start3A_347 = arith.constant 0 : i32
        %dma_start3A_348 = tpu.memref_slice %arg7[%add3A_346, %dma_start3A_347] : memref<40x128xi32, #tpu.memory_space<vmem>> -> memref<1x128xi32, #tpu.memory_space<vmem>>
        %dma_start3A_349 = tpu.memref_squeeze %dma_start3A_348 : memref<1x128xi32, #tpu.memory_space<vmem>> -> memref<128xi32, #tpu.memory_space<vmem>>
        %dma_start3A_350 = arith.constant 0 : i32
        %dma_start3A_351 = arith.constant 0 : i32
        %dma_start3A_352 = tpu.memref_slice %arg18[%dma_start3A_350, %dma_start3A_351] : memref<10240x16xf32, #tpu.memory_space<vmem_shared>> -> memref<10240x16xf32, #tpu.memory_space<vmem_shared>>
        tpu.enqueue_indirect_dma source(%dma_start3A_352 : memref<10240x16xf32, #tpu.memory_space<vmem_shared>>) target(%arg15 : memref<128x16xf32, #tpu.memory_space<vmem>>) offsets(%dma_start3A_349 : memref<128xi32, #tpu.memory_space<vmem>>) semaphore(%arg26 : memref<!tpu.dma_semaphore, #tpu.memory_space<semaphore_mem>>)
        %add3A_353 = arith.constant 7 : i32
        %add3A_354 = arith.addi %mul3A_125, %add3A_353 : i32
        %dma_wait3A_355 = arith.constant 0 : i32
        %dma_wait3A_356 = tpu.memref_slice %arg8[%add3A_354, %dma_wait3A_355] : memref<40x128xi32, #tpu.memory_space<vmem>> -> memref<1x128xi32, #tpu.memory_space<vmem>>
        %dma_wait3A_357 = tpu.memref_squeeze %dma_wait3A_356 : memref<1x128xi32, #tpu.memory_space<vmem>> -> memref<128xi32, #tpu.memory_space<vmem>>
        %dma_wait3A_358 = arith.constant 0 : i32
        %dma_wait3A_359 = arith.constant 0 : i32
        %dma_wait3A_360 = tpu.memref_slice %arg19[%dma_wait3A_358, %dma_wait3A_359] : memref<10240x16xf32, #tpu.memory_space<vmem_shared>> -> memref<10240x16xf32, #tpu.memory_space<vmem_shared>>
        tpu.wait_indirect_dma semaphore(%arg35 : memref<!tpu.dma_semaphore, #tpu.memory_space<semaphore_mem>>) src(%arg16 : memref<128x16xf32, #tpu.memory_space<vmem>>) dst(%dma_wait3A_360 : memref<10240x16xf32, #tpu.memory_space<vmem_shared>>)
        %add3A_361 = arith.constant 8 : i32
        %add3A_362 = arith.addi %add3A_354, %add3A_361 : i32
        %dma_start3A_363 = arith.constant 0 : i32
        %dma_start3A_364 = tpu.memref_slice %arg7[%add3A_362, %dma_start3A_363] : memref<40x128xi32, #tpu.memory_space<vmem>> -> memref<1x128xi32, #tpu.memory_space<vmem>>
        %dma_start3A_365 = tpu.memref_squeeze %dma_start3A_364 : memref<1x128xi32, #tpu.memory_space<vmem>> -> memref<128xi32, #tpu.memory_space<vmem>>
        %dma_start3A_366 = arith.constant 0 : i32
        %dma_start3A_367 = arith.constant 0 : i32
        %dma_start3A_368 = tpu.memref_slice %arg18[%dma_start3A_366, %dma_start3A_367] : memref<10240x16xf32, #tpu.memory_space<vmem_shared>> -> memref<10240x16xf32, #tpu.memory_space<vmem_shared>>
        tpu.enqueue_indirect_dma source(%dma_start3A_368 : memref<10240x16xf32, #tpu.memory_space<vmem_shared>>) target(%arg16 : memref<128x16xf32, #tpu.memory_space<vmem>>) offsets(%dma_start3A_365 : memref<128xi32, #tpu.memory_space<vmem>>) semaphore(%arg27 : memref<!tpu.dma_semaphore, #tpu.memory_space<semaphore_mem>>)
      } else {
      }
      %scan3A_240 = arith.constant 0 : i32
      scf.yield %scan3A_240 : i32
    }
    %scan3A_63 = arith.constant 5 : i32
    %dma_wait3A = arith.constant 32 : i32
    %dma_wait3A_64 = arith.constant 0 : i32
    %dma_wait3A_65 = tpu.memref_slice %arg8[%dma_wait3A, %dma_wait3A_64] : memref<40x128xi32, #tpu.memory_space<vmem>> -> memref<1x128xi32, #tpu.memory_space<vmem>>
    %dma_wait3A_66 = tpu.memref_squeeze %dma_wait3A_65 : memref<1x128xi32, #tpu.memory_space<vmem>> -> memref<128xi32, #tpu.memory_space<vmem>>
    %dma_wait3A_67 = arith.constant 0 : i32
    %dma_wait3A_68 = arith.constant 0 : i32
    %dma_wait3A_69 = tpu.memref_slice %arg19[%dma_wait3A_67, %dma_wait3A_68] : memref<10240x16xf32, #tpu.memory_space<vmem_shared>> -> memref<10240x16xf32, #tpu.memory_space<vmem_shared>>
    tpu.wait_indirect_dma semaphore(%arg28 : memref<!tpu.dma_semaphore, #tpu.memory_space<semaphore_mem>>) src(%arg9 : memref<128x16xf32, #tpu.memory_space<vmem>>) dst(%dma_wait3A_69 : memref<10240x16xf32, #tpu.memory_space<vmem_shared>>)
    %dma_wait3A_70 = arith.constant 33 : i32
    %dma_wait3A_71 = arith.constant 0 : i32
    %dma_wait3A_72 = tpu.memref_slice %arg8[%dma_wait3A_70, %dma_wait3A_71] : memref<40x128xi32, #tpu.memory_space<vmem>> -> memref<1x128xi32, #tpu.memory_space<vmem>>
    %dma_wait3A_73 = tpu.memref_squeeze %dma_wait3A_72 : memref<1x128xi32, #tpu.memory_space<vmem>> -> memref<128xi32, #tpu.memory_space<vmem>>
    %dma_wait3A_74 = arith.constant 0 : i32
    %dma_wait3A_75 = arith.constant 0 : i32
    %dma_wait3A_76 = tpu.memref_slice %arg19[%dma_wait3A_74, %dma_wait3A_75] : memref<10240x16xf32, #tpu.memory_space<vmem_shared>> -> memref<10240x16xf32, #tpu.memory_space<vmem_shared>>
    tpu.wait_indirect_dma semaphore(%arg29 : memref<!tpu.dma_semaphore, #tpu.memory_space<semaphore_mem>>) src(%arg10 : memref<128x16xf32, #tpu.memory_space<vmem>>) dst(%dma_wait3A_76 : memref<10240x16xf32, #tpu.memory_space<vmem_shared>>)
    %dma_wait3A_77 = arith.constant 34 : i32
    %dma_wait3A_78 = arith.constant 0 : i32
    %dma_wait3A_79 = tpu.memref_slice %arg8[%dma_wait3A_77, %dma_wait3A_78] : memref<40x128xi32, #tpu.memory_space<vmem>> -> memref<1x128xi32, #tpu.memory_space<vmem>>
    %dma_wait3A_80 = tpu.memref_squeeze %dma_wait3A_79 : memref<1x128xi32, #tpu.memory_space<vmem>> -> memref<128xi32, #tpu.memory_space<vmem>>
    %dma_wait3A_81 = arith.constant 0 : i32
    %dma_wait3A_82 = arith.constant 0 : i32
    %dma_wait3A_83 = tpu.memref_slice %arg19[%dma_wait3A_81, %dma_wait3A_82] : memref<10240x16xf32, #tpu.memory_space<vmem_shared>> -> memref<10240x16xf32, #tpu.memory_space<vmem_shared>>
    tpu.wait_indirect_dma semaphore(%arg30 : memref<!tpu.dma_semaphore, #tpu.memory_space<semaphore_mem>>) src(%arg11 : memref<128x16xf32, #tpu.memory_space<vmem>>) dst(%dma_wait3A_83 : memref<10240x16xf32, #tpu.memory_space<vmem_shared>>)
    %dma_wait3A_84 = arith.constant 35 : i32
    %dma_wait3A_85 = arith.constant 0 : i32
    %dma_wait3A_86 = tpu.memref_slice %arg8[%dma_wait3A_84, %dma_wait3A_85] : memref<40x128xi32, #tpu.memory_space<vmem>> -> memref<1x128xi32, #tpu.memory_space<vmem>>
    %dma_wait3A_87 = tpu.memref_squeeze %dma_wait3A_86 : memref<1x128xi32, #tpu.memory_space<vmem>> -> memref<128xi32, #tpu.memory_space<vmem>>
    %dma_wait3A_88 = arith.constant 0 : i32
    %dma_wait3A_89 = arith.constant 0 : i32
    %dma_wait3A_90 = tpu.memref_slice %arg19[%dma_wait3A_88, %dma_wait3A_89] : memref<10240x16xf32, #tpu.memory_space<vmem_shared>> -> memref<10240x16xf32, #tpu.memory_space<vmem_shared>>
    tpu.wait_indirect_dma semaphore(%arg31 : memref<!tpu.dma_semaphore, #tpu.memory_space<semaphore_mem>>) src(%arg12 : memref<128x16xf32, #tpu.memory_space<vmem>>) dst(%dma_wait3A_90 : memref<10240x16xf32, #tpu.memory_space<vmem_shared>>)
    %dma_wait3A_91 = arith.constant 36 : i32
    %dma_wait3A_92 = arith.constant 0 : i32
    %dma_wait3A_93 = tpu.memref_slice %arg8[%dma_wait3A_91, %dma_wait3A_92] : memref<40x128xi32, #tpu.memory_space<vmem>> -> memref<1x128xi32, #tpu.memory_space<vmem>>
    %dma_wait3A_94 = tpu.memref_squeeze %dma_wait3A_93 : memref<1x128xi32, #tpu.memory_space<vmem>> -> memref<128xi32, #tpu.memory_space<vmem>>
    %dma_wait3A_95 = arith.constant 0 : i32
    %dma_wait3A_96 = arith.constant 0 : i32
    %dma_wait3A_97 = tpu.memref_slice %arg19[%dma_wait3A_95, %dma_wait3A_96] : memref<10240x16xf32, #tpu.memory_space<vmem_shared>> -> memref<10240x16xf32, #tpu.memory_space<vmem_shared>>
    tpu.wait_indirect_dma semaphore(%arg32 : memref<!tpu.dma_semaphore, #tpu.memory_space<semaphore_mem>>) src(%arg13 : memref<128x16xf32, #tpu.memory_space<vmem>>) dst(%dma_wait3A_97 : memref<10240x16xf32, #tpu.memory_space<vmem_shared>>)
    %dma_wait3A_98 = arith.constant 37 : i32
    %dma_wait3A_99 = arith.constant 0 : i32
    %dma_wait3A_100 = tpu.memref_slice %arg8[%dma_wait3A_98, %dma_wait3A_99] : memref<40x128xi32, #tpu.memory_space<vmem>> -> memref<1x128xi32, #tpu.memory_space<vmem>>
    %dma_wait3A_101 = tpu.memref_squeeze %dma_wait3A_100 : memref<1x128xi32, #tpu.memory_space<vmem>> -> memref<128xi32, #tpu.memory_space<vmem>>
    %dma_wait3A_102 = arith.constant 0 : i32
    %dma_wait3A_103 = arith.constant 0 : i32
    %dma_wait3A_104 = tpu.memref_slice %arg19[%dma_wait3A_102, %dma_wait3A_103] : memref<10240x16xf32, #tpu.memory_space<vmem_shared>> -> memref<10240x16xf32, #tpu.memory_space<vmem_shared>>
    tpu.wait_indirect_dma semaphore(%arg33 : memref<!tpu.dma_semaphore, #tpu.memory_space<semaphore_mem>>) src(%arg14 : memref<128x16xf32, #tpu.memory_space<vmem>>) dst(%dma_wait3A_104 : memref<10240x16xf32, #tpu.memory_space<vmem_shared>>)
    %dma_wait3A_105 = arith.constant 38 : i32
    %dma_wait3A_106 = arith.constant 0 : i32
    %dma_wait3A_107 = tpu.memref_slice %arg8[%dma_wait3A_105, %dma_wait3A_106] : memref<40x128xi32, #tpu.memory_space<vmem>> -> memref<1x128xi32, #tpu.memory_space<vmem>>
    %dma_wait3A_108 = tpu.memref_squeeze %dma_wait3A_107 : memref<1x128xi32, #tpu.memory_space<vmem>> -> memref<128xi32, #tpu.memory_space<vmem>>
    %dma_wait3A_109 = arith.constant 0 : i32
    %dma_wait3A_110 = arith.constant 0 : i32
    %dma_wait3A_111 = tpu.memref_slice %arg19[%dma_wait3A_109, %dma_wait3A_110] : memref<10240x16xf32, #tpu.memory_space<vmem_shared>> -> memref<10240x16xf32, #tpu.memory_space<vmem_shared>>
    tpu.wait_indirect_dma semaphore(%arg34 : memref<!tpu.dma_semaphore, #tpu.memory_space<semaphore_mem>>) src(%arg15 : memref<128x16xf32, #tpu.memory_space<vmem>>) dst(%dma_wait3A_111 : memref<10240x16xf32, #tpu.memory_space<vmem_shared>>)
    %dma_wait3A_112 = arith.constant 39 : i32
    %dma_wait3A_113 = arith.constant 0 : i32
    %dma_wait3A_114 = tpu.memref_slice %arg8[%dma_wait3A_112, %dma_wait3A_113] : memref<40x128xi32, #tpu.memory_space<vmem>> -> memref<1x128xi32, #tpu.memory_space<vmem>>
    %dma_wait3A_115 = tpu.memref_squeeze %dma_wait3A_114 : memref<1x128xi32, #tpu.memory_space<vmem>> -> memref<128xi32, #tpu.memory_space<vmem>>
    %dma_wait3A_116 = arith.constant 0 : i32
    %dma_wait3A_117 = arith.constant 0 : i32
    %dma_wait3A_118 = tpu.memref_slice %arg19[%dma_wait3A_116, %dma_wait3A_117] : memref<10240x16xf32, #tpu.memory_space<vmem_shared>> -> memref<10240x16xf32, #tpu.memory_space<vmem_shared>>
    tpu.wait_indirect_dma semaphore(%arg35 : memref<!tpu.dma_semaphore, #tpu.memory_space<semaphore_mem>>) src(%arg16 : memref<128x16xf32, #tpu.memory_space<vmem>>) dst(%dma_wait3A_118 : memref<10240x16xf32, #tpu.memory_space<vmem_shared>>)
    %barrier3A_119 = arith.constant 0 : index
    tpu.barrier barrier_id(%barrier3A_119)
    %mul3A_120 = arith.constant 640 : i32
    %mul3A_121 = arith.muli %arg1, %mul3A_120 : i32
    "tpu.region"() ({
      %run_scoped3A = tpu.sem_alloc : memref<!tpu.dma_semaphore, #tpu.memory_space<semaphore_mem>>
      %dma_start3A_122 = arith.constant 0 : i32
      %dma_start3A_123 = tpu.memref_slice %arg19[%mul3A_121, %dma_start3A_122] : memref<10240x16xf32, #tpu.memory_space<vmem_shared>> -> memref<640x16xf32, #tpu.memory_space<vmem_shared>>
      %dma_start3A_124 = arith.constant 0 : i32
      %dma_start3A_125 = tpu.memref_slice %arg19[%mul3A_121, %dma_start3A_124] : memref<10240x16xf32, #tpu.memory_space<vmem_shared>> -> memref<640x16xf32, #tpu.memory_space<vmem_shared>>
      tpu.enqueue_dma source(%dma_start3A_125 : memref<640x16xf32, #tpu.memory_space<vmem_shared>>) target(%arg17 : memref<640x16xf32, #tpu.memory_space<vmem>>) target_semaphore(%run_scoped3A : memref<!tpu.dma_semaphore, #tpu.memory_space<semaphore_mem>>)
      %dma_wait3A_126 = arith.constant 0 : i32
      %dma_wait3A_127 = tpu.memref_slice %arg19[%mul3A_121, %dma_wait3A_126] : memref<10240x16xf32, #tpu.memory_space<vmem_shared>> -> memref<640x16xf32, #tpu.memory_space<vmem_shared>>
      %dma_wait3A_128 = arith.constant 0 : i32
      %dma_wait3A_129 = tpu.memref_slice %arg19[%mul3A_121, %dma_wait3A_128] : memref<10240x16xf32, #tpu.memory_space<vmem_shared>> -> memref<640x16xf32, #tpu.memory_space<vmem_shared>>
      tpu.wait_dma2 semaphore(%run_scoped3A : memref<!tpu.dma_semaphore, #tpu.memory_space<semaphore_mem>>) src(%dma_wait3A_129 : memref<640x16xf32, #tpu.memory_space<vmem_shared>>) dst(%arg17 : memref<640x16xf32, #tpu.memory_space<vmem>>)
      tpu.yield
    }) : () -> ()
    "tpu.region"() ({
      %run_scoped3A = tpu.sem_alloc : memref<!tpu.dma_semaphore, #tpu.memory_space<semaphore_mem>>
      %dma_start3A_122 = arith.constant 0 : i32
      %dma_start3A_123 = tpu.memref_slice %arg6[%arg0, %mul3A_121, %dma_start3A_122] : memref<2x10240x16xf32, #tpu.memory_space<hbm>> -> memref<1x640x16xf32, #tpu.memory_space<hbm>>
      %dma_start3A_124 = tpu.memref_squeeze %dma_start3A_123 : memref<1x640x16xf32, #tpu.memory_space<hbm>> -> memref<640x16xf32, #tpu.memory_space<hbm>>
      %dma_start3A_125 = arith.constant 0 : i32
      %dma_start3A_126 = tpu.memref_slice %arg6[%arg0, %mul3A_121, %dma_start3A_125] : memref<2x10240x16xf32, #tpu.memory_space<hbm>> -> memref<1x640x16xf32, #tpu.memory_space<hbm>>
      %dma_start3A_127 = tpu.memref_squeeze %dma_start3A_126 : memref<1x640x16xf32, #tpu.memory_space<hbm>> -> memref<640x16xf32, #tpu.memory_space<hbm>>
      tpu.enqueue_dma source(%arg17 : memref<640x16xf32, #tpu.memory_space<vmem>>) target(%dma_start3A_127 : memref<640x16xf32, #tpu.memory_space<hbm>>) target_semaphore(%run_scoped3A : memref<!tpu.dma_semaphore, #tpu.memory_space<semaphore_mem>>)
      %dma_wait3A_128 = arith.constant 0 : i32
      %dma_wait3A_129 = tpu.memref_slice %arg6[%arg0, %mul3A_121, %dma_wait3A_128] : memref<2x10240x16xf32, #tpu.memory_space<hbm>> -> memref<1x640x16xf32, #tpu.memory_space<hbm>>
      %dma_wait3A_130 = tpu.memref_squeeze %dma_wait3A_129 : memref<1x640x16xf32, #tpu.memory_space<hbm>> -> memref<640x16xf32, #tpu.memory_space<hbm>>
      %dma_wait3A_131 = arith.constant 0 : i32
      %dma_wait3A_132 = tpu.memref_slice %arg6[%arg0, %mul3A_121, %dma_wait3A_131] : memref<2x10240x16xf32, #tpu.memory_space<hbm>> -> memref<1x640x16xf32, #tpu.memory_space<hbm>>
      %dma_wait3A_133 = tpu.memref_squeeze %dma_wait3A_132 : memref<1x640x16xf32, #tpu.memory_space<hbm>> -> memref<640x16xf32, #tpu.memory_space<hbm>>
      tpu.wait_dma2 semaphore(%run_scoped3A : memref<!tpu.dma_semaphore, #tpu.memory_space<semaphore_mem>>) src(%arg17 : memref<640x16xf32, #tpu.memory_space<vmem>>) dst(%dma_wait3A_133 : memref<640x16xf32, #tpu.memory_space<hbm>>)
      tpu.yield
    }) : () -> ()
    return
  }
}

#map = affine_map<(d0, d1) -> (0, 0)>
#map1 = affine_map<(d0, d1) -> (0, 0, 0)>
module attributes {stable_mosaic.version = 14 : i64} {
  func.func @_agg_body(%arg0: i32, %arg1: i32, %arg2: memref<10240x16xf32, #tpu.memory_space<hbm>>, %arg3: memref<32x40x128xi32, #tpu.memory_space<hbm>>, %arg4: memref<32x40x128xi32, #tpu.memory_space<hbm>>, %arg5: memref<640x16xf32, #tpu.memory_space<hbm>>, %arg6: memref<2x10240x16xf32, #tpu.memory_space<hbm>>, %arg7: memref<40x128xi32, #tpu.memory_space<vmem>>, %arg8: memref<40x128xi32, #tpu.memory_space<vmem>>, %arg9: memref<128x16xf32, #tpu.memory_space<vmem>>, %arg10: memref<128x16xf32, #tpu.memory_space<vmem>>, %arg11: memref<128x16xf32, #tpu.memory_space<vmem>>, %arg12: memref<128x16xf32, #tpu.memory_space<vmem>>, %arg13: memref<128x16xf32, #tpu.memory_space<vmem>>, %arg14: memref<128x16xf32, #tpu.memory_space<vmem>>, %arg15: memref<128x16xf32, #tpu.memory_space<vmem>>, %arg16: memref<128x16xf32, #tpu.memory_space<vmem>>, %arg17: memref<640x16xf32, #tpu.memory_space<vmem>>, %arg18: memref<10240x16xf32, #tpu.memory_space<vmem_shared>>, %arg19: memref<10240x16xf32, #tpu.memory_space<vmem_shared>>, %arg20: memref<!tpu.dma_semaphore, #tpu.memory_space<semaphore_mem>>, %arg21: memref<!tpu.dma_semaphore, #tpu.memory_space<semaphore_mem>>, %arg22: memref<!tpu.dma_semaphore, #tpu.memory_space<semaphore_mem>>, %arg23: memref<!tpu.dma_semaphore, #tpu.memory_space<semaphore_mem>>, %arg24: memref<!tpu.dma_semaphore, #tpu.memory_space<semaphore_mem>>, %arg25: memref<!tpu.dma_semaphore, #tpu.memory_space<semaphore_mem>>, %arg26: memref<!tpu.dma_semaphore, #tpu.memory_space<semaphore_mem>>, %arg27: memref<!tpu.dma_semaphore, #tpu.memory_space<semaphore_mem>>, %arg28: memref<!tpu.dma_semaphore, #tpu.memory_space<semaphore_mem>>, %arg29: memref<!tpu.dma_semaphore, #tpu.memory_space<semaphore_mem>>, %arg30: memref<!tpu.dma_semaphore, #tpu.memory_space<semaphore_mem>>, %arg31: memref<!tpu.dma_semaphore, #tpu.memory_space<semaphore_mem>>, %arg32: memref<!tpu.dma_semaphore, #tpu.memory_space<semaphore_mem>>, %arg33: memref<!tpu.dma_semaphore, #tpu.memory_space<semaphore_mem>>, %arg34: memref<!tpu.dma_semaphore, #tpu.memory_space<semaphore_mem>>, %arg35: memref<!tpu.dma_semaphore, #tpu.memory_space<semaphore_mem>>) attributes {dimension_semantics = [#tpu.dimension_semantics<core_parallel>, #tpu.dimension_semantics<subcore_parallel>], iteration_bounds = array<i64: 2, 16>, scalar_prefetch = 0 : i64, scratch_operands = 29 : i64, tpu.core_type = #tpu.core_type<sc_vector_subcore>, window_params = [{transform_indices = #map}, {transform_indices = #map1}, {transform_indices = #map1}, {transform_indices = #map}, {transform_indices = #map1}]} {
    %mul3A = arith.constant 2 : i32
    %mul3A_0 = arith.muli %arg1, %mul3A : i32
    %add3A = arith.addi %mul3A_0, %arg0 : i32
    %mul3A_1 = arith.constant 640 : i32
    %mul3A_2 = arith.muli %arg1, %mul3A_1 : i32
    "tpu.region"() ({
      %run_scoped3A = tpu.sem_alloc : memref<!tpu.dma_semaphore, #tpu.memory_space<semaphore_mem>>
      %dma_start3A_122 = arith.constant 0 : i32
      %dma_start3A_123 = tpu.memref_slice %arg2[%mul3A_2, %dma_start3A_122] : memref<10240x16xf32, #tpu.memory_space<hbm>> -> memref<640x16xf32, #tpu.memory_space<hbm>>
      %dma_start3A_124 = arith.constant 0 : i32
      %dma_start3A_125 = tpu.memref_slice %arg2[%mul3A_2, %dma_start3A_124] : memref<10240x16xf32, #tpu.memory_space<hbm>> -> memref<640x16xf32, #tpu.memory_space<hbm>>
      tpu.enqueue_dma source(%dma_start3A_125 : memref<640x16xf32, #tpu.memory_space<hbm>>) target(%arg17 : memref<640x16xf32, #tpu.memory_space<vmem>>) target_semaphore(%run_scoped3A : memref<!tpu.dma_semaphore, #tpu.memory_space<semaphore_mem>>)
      %dma_wait3A_126 = arith.constant 0 : i32
      %dma_wait3A_127 = tpu.memref_slice %arg2[%mul3A_2, %dma_wait3A_126] : memref<10240x16xf32, #tpu.memory_space<hbm>> -> memref<640x16xf32, #tpu.memory_space<hbm>>
      %dma_wait3A_128 = arith.constant 0 : i32
      %dma_wait3A_129 = tpu.memref_slice %arg2[%mul3A_2, %dma_wait3A_128] : memref<10240x16xf32, #tpu.memory_space<hbm>> -> memref<640x16xf32, #tpu.memory_space<hbm>>
      tpu.wait_dma2 semaphore(%run_scoped3A : memref<!tpu.dma_semaphore, #tpu.memory_space<semaphore_mem>>) src(%dma_wait3A_129 : memref<640x16xf32, #tpu.memory_space<hbm>>) dst(%arg17 : memref<640x16xf32, #tpu.memory_space<vmem>>)
      tpu.yield
    }) : () -> ()
    "tpu.region"() ({
      %run_scoped3A = tpu.sem_alloc : memref<!tpu.dma_semaphore, #tpu.memory_space<semaphore_mem>>
      %dma_start3A_122 = arith.constant 0 : i32
      %dma_start3A_123 = tpu.memref_slice %arg18[%mul3A_2, %dma_start3A_122] : memref<10240x16xf32, #tpu.memory_space<vmem_shared>> -> memref<640x16xf32, #tpu.memory_space<vmem_shared>>
      %dma_start3A_124 = arith.constant 0 : i32
      %dma_start3A_125 = tpu.memref_slice %arg18[%mul3A_2, %dma_start3A_124] : memref<10240x16xf32, #tpu.memory_space<vmem_shared>> -> memref<640x16xf32, #tpu.memory_space<vmem_shared>>
      tpu.enqueue_dma source(%arg17 : memref<640x16xf32, #tpu.memory_space<vmem>>) target(%dma_start3A_125 : memref<640x16xf32, #tpu.memory_space<vmem_shared>>) target_semaphore(%run_scoped3A : memref<!tpu.dma_semaphore, #tpu.memory_space<semaphore_mem>>)
      %dma_wait3A_126 = arith.constant 0 : i32
      %dma_wait3A_127 = tpu.memref_slice %arg18[%mul3A_2, %dma_wait3A_126] : memref<10240x16xf32, #tpu.memory_space<vmem_shared>> -> memref<640x16xf32, #tpu.memory_space<vmem_shared>>
      %dma_wait3A_128 = arith.constant 0 : i32
      %dma_wait3A_129 = tpu.memref_slice %arg18[%mul3A_2, %dma_wait3A_128] : memref<10240x16xf32, #tpu.memory_space<vmem_shared>> -> memref<640x16xf32, #tpu.memory_space<vmem_shared>>
      tpu.wait_dma2 semaphore(%run_scoped3A : memref<!tpu.dma_semaphore, #tpu.memory_space<semaphore_mem>>) src(%arg17 : memref<640x16xf32, #tpu.memory_space<vmem>>) dst(%dma_wait3A_129 : memref<640x16xf32, #tpu.memory_space<vmem_shared>>)
      tpu.yield
    }) : () -> ()
    "tpu.region"() ({
      %run_scoped3A = tpu.sem_alloc : memref<!tpu.dma_semaphore, #tpu.memory_space<semaphore_mem>>
      tpu.enqueue_dma source(%arg5 : memref<640x16xf32, #tpu.memory_space<hbm>>) target(%arg17 : memref<640x16xf32, #tpu.memory_space<vmem>>) target_semaphore(%run_scoped3A : memref<!tpu.dma_semaphore, #tpu.memory_space<semaphore_mem>>)
      tpu.wait_dma2 semaphore(%run_scoped3A : memref<!tpu.dma_semaphore, #tpu.memory_space<semaphore_mem>>) src(%arg5 : memref<640x16xf32, #tpu.memory_space<hbm>>) dst(%arg17 : memref<640x16xf32, #tpu.memory_space<vmem>>)
      tpu.yield
    }) : () -> ()
    "tpu.region"() ({
      %run_scoped3A = tpu.sem_alloc : memref<!tpu.dma_semaphore, #tpu.memory_space<semaphore_mem>>
      %dma_start3A_122 = arith.constant 0 : i32
      %dma_start3A_123 = tpu.memref_slice %arg19[%mul3A_2, %dma_start3A_122] : memref<10240x16xf32, #tpu.memory_space<vmem_shared>> -> memref<640x16xf32, #tpu.memory_space<vmem_shared>>
      %dma_start3A_124 = arith.constant 0 : i32
      %dma_start3A_125 = tpu.memref_slice %arg19[%mul3A_2, %dma_start3A_124] : memref<10240x16xf32, #tpu.memory_space<vmem_shared>> -> memref<640x16xf32, #tpu.memory_space<vmem_shared>>
      tpu.enqueue_dma source(%arg17 : memref<640x16xf32, #tpu.memory_space<vmem>>) target(%dma_start3A_125 : memref<640x16xf32, #tpu.memory_space<vmem_shared>>) target_semaphore(%run_scoped3A : memref<!tpu.dma_semaphore, #tpu.memory_space<semaphore_mem>>)
      %dma_wait3A_126 = arith.constant 0 : i32
      %dma_wait3A_127 = tpu.memref_slice %arg19[%mul3A_2, %dma_wait3A_126] : memref<10240x16xf32, #tpu.memory_space<vmem_shared>> -> memref<640x16xf32, #tpu.memory_space<vmem_shared>>
      %dma_wait3A_128 = arith.constant 0 : i32
      %dma_wait3A_129 = tpu.memref_slice %arg19[%mul3A_2, %dma_wait3A_128] : memref<10240x16xf32, #tpu.memory_space<vmem_shared>> -> memref<640x16xf32, #tpu.memory_space<vmem_shared>>
      tpu.wait_dma2 semaphore(%run_scoped3A : memref<!tpu.dma_semaphore, #tpu.memory_space<semaphore_mem>>) src(%arg17 : memref<640x16xf32, #tpu.memory_space<vmem>>) dst(%dma_wait3A_129 : memref<640x16xf32, #tpu.memory_space<vmem_shared>>)
      tpu.yield
    }) : () -> ()
    "tpu.region"() ({
      %run_scoped3A = tpu.sem_alloc : memref<!tpu.dma_semaphore, #tpu.memory_space<semaphore_mem>>
      %dma_start3A_122 = arith.constant 0 : i32
      %dma_start3A_123 = arith.constant 0 : i32
      %dma_start3A_124 = tpu.memref_slice %arg3[%add3A, %dma_start3A_122, %dma_start3A_123] : memref<32x40x128xi32, #tpu.memory_space<hbm>> -> memref<1x40x128xi32, #tpu.memory_space<hbm>>
      %dma_start3A_125 = tpu.memref_squeeze %dma_start3A_124 : memref<1x40x128xi32, #tpu.memory_space<hbm>> -> memref<40x128xi32, #tpu.memory_space<hbm>>
      %dma_start3A_126 = arith.constant 0 : i32
      %dma_start3A_127 = arith.constant 0 : i32
      %dma_start3A_128 = tpu.memref_slice %arg3[%add3A, %dma_start3A_126, %dma_start3A_127] : memref<32x40x128xi32, #tpu.memory_space<hbm>> -> memref<1x40x128xi32, #tpu.memory_space<hbm>>
      %dma_start3A_129 = tpu.memref_squeeze %dma_start3A_128 : memref<1x40x128xi32, #tpu.memory_space<hbm>> -> memref<40x128xi32, #tpu.memory_space<hbm>>
      tpu.enqueue_dma source(%dma_start3A_129 : memref<40x128xi32, #tpu.memory_space<hbm>>) target(%arg7 : memref<40x128xi32, #tpu.memory_space<vmem>>) target_semaphore(%run_scoped3A : memref<!tpu.dma_semaphore, #tpu.memory_space<semaphore_mem>>)
      %dma_wait3A_130 = arith.constant 0 : i32
      %dma_wait3A_131 = arith.constant 0 : i32
      %dma_wait3A_132 = tpu.memref_slice %arg3[%add3A, %dma_wait3A_130, %dma_wait3A_131] : memref<32x40x128xi32, #tpu.memory_space<hbm>> -> memref<1x40x128xi32, #tpu.memory_space<hbm>>
      %dma_wait3A_133 = tpu.memref_squeeze %dma_wait3A_132 : memref<1x40x128xi32, #tpu.memory_space<hbm>> -> memref<40x128xi32, #tpu.memory_space<hbm>>
      %dma_wait3A_134 = arith.constant 0 : i32
      %dma_wait3A_135 = arith.constant 0 : i32
      %dma_wait3A_136 = tpu.memref_slice %arg3[%add3A, %dma_wait3A_134, %dma_wait3A_135] : memref<32x40x128xi32, #tpu.memory_space<hbm>> -> memref<1x40x128xi32, #tpu.memory_space<hbm>>
      %dma_wait3A_137 = tpu.memref_squeeze %dma_wait3A_136 : memref<1x40x128xi32, #tpu.memory_space<hbm>> -> memref<40x128xi32, #tpu.memory_space<hbm>>
      tpu.wait_dma2 semaphore(%run_scoped3A : memref<!tpu.dma_semaphore, #tpu.memory_space<semaphore_mem>>) src(%dma_wait3A_137 : memref<40x128xi32, #tpu.memory_space<hbm>>) dst(%arg7 : memref<40x128xi32, #tpu.memory_space<vmem>>)
      tpu.yield
    }) : () -> ()
    "tpu.region"() ({
      %run_scoped3A = tpu.sem_alloc : memref<!tpu.dma_semaphore, #tpu.memory_space<semaphore_mem>>
      %dma_start3A_122 = arith.constant 0 : i32
      %dma_start3A_123 = arith.constant 0 : i32
      %dma_start3A_124 = tpu.memref_slice %arg4[%add3A, %dma_start3A_122, %dma_start3A_123] : memref<32x40x128xi32, #tpu.memory_space<hbm>> -> memref<1x40x128xi32, #tpu.memory_space<hbm>>
      %dma_start3A_125 = tpu.memref_squeeze %dma_start3A_124 : memref<1x40x128xi32, #tpu.memory_space<hbm>> -> memref<40x128xi32, #tpu.memory_space<hbm>>
      %dma_start3A_126 = arith.constant 0 : i32
      %dma_start3A_127 = arith.constant 0 : i32
      %dma_start3A_128 = tpu.memref_slice %arg4[%add3A, %dma_start3A_126, %dma_start3A_127] : memref<32x40x128xi32, #tpu.memory_space<hbm>> -> memref<1x40x128xi32, #tpu.memory_space<hbm>>
      %dma_start3A_129 = tpu.memref_squeeze %dma_start3A_128 : memref<1x40x128xi32, #tpu.memory_space<hbm>> -> memref<40x128xi32, #tpu.memory_space<hbm>>
      tpu.enqueue_dma source(%dma_start3A_129 : memref<40x128xi32, #tpu.memory_space<hbm>>) target(%arg8 : memref<40x128xi32, #tpu.memory_space<vmem>>) target_semaphore(%run_scoped3A : memref<!tpu.dma_semaphore, #tpu.memory_space<semaphore_mem>>)
      %dma_wait3A_130 = arith.constant 0 : i32
      %dma_wait3A_131 = arith.constant 0 : i32
      %dma_wait3A_132 = tpu.memref_slice %arg4[%add3A, %dma_wait3A_130, %dma_wait3A_131] : memref<32x40x128xi32, #tpu.memory_space<hbm>> -> memref<1x40x128xi32, #tpu.memory_space<hbm>>
      %dma_wait3A_133 = tpu.memref_squeeze %dma_wait3A_132 : memref<1x40x128xi32, #tpu.memory_space<hbm>> -> memref<40x128xi32, #tpu.memory_space<hbm>>
      %dma_wait3A_134 = arith.constant 0 : i32
      %dma_wait3A_135 = arith.constant 0 : i32
      %dma_wait3A_136 = tpu.memref_slice %arg4[%add3A, %dma_wait3A_134, %dma_wait3A_135] : memref<32x40x128xi32, #tpu.memory_space<hbm>> -> memref<1x40x128xi32, #tpu.memory_space<hbm>>
      %dma_wait3A_137 = tpu.memref_squeeze %dma_wait3A_136 : memref<1x40x128xi32, #tpu.memory_space<hbm>> -> memref<40x128xi32, #tpu.memory_space<hbm>>
      tpu.wait_dma2 semaphore(%run_scoped3A : memref<!tpu.dma_semaphore, #tpu.memory_space<semaphore_mem>>) src(%dma_wait3A_137 : memref<40x128xi32, #tpu.memory_space<hbm>>) dst(%arg8 : memref<40x128xi32, #tpu.memory_space<vmem>>)
      tpu.yield
    }) : () -> ()
    %barrier3A = arith.constant 0 : index
    tpu.barrier barrier_id(%barrier3A)
    %dma_start3A = arith.constant 0 : i32
    %dma_start3A_3 = arith.constant 0 : i32
    %dma_start3A_4 = tpu.memref_slice %arg7[%dma_start3A, %dma_start3A_3] : memref<40x128xi32, #tpu.memory_space<vmem>> -> memref<1x128xi32, #tpu.memory_space<vmem>>
    %dma_start3A_5 = tpu.memref_squeeze %dma_start3A_4 : memref<1x128xi32, #tpu.memory_space<vmem>> -> memref<128xi32, #tpu.memory_space<vmem>>
    %dma_start3A_6 = arith.constant 0 : i32
    %dma_start3A_7 = arith.constant 0 : i32
    %dma_start3A_8 = tpu.memref_slice %arg18[%dma_start3A_6, %dma_start3A_7] : memref<10240x16xf32, #tpu.memory_space<vmem_shared>> -> memref<10240x16xf32, #tpu.memory_space<vmem_shared>>
    tpu.enqueue_indirect_dma source(%dma_start3A_8 : memref<10240x16xf32, #tpu.memory_space<vmem_shared>>) target(%arg9 : memref<128x16xf32, #tpu.memory_space<vmem>>) offsets(%dma_start3A_5 : memref<128xi32, #tpu.memory_space<vmem>>) semaphore(%arg20 : memref<!tpu.dma_semaphore, #tpu.memory_space<semaphore_mem>>)
    %dma_start3A_9 = arith.constant 1 : i32
    %dma_start3A_10 = arith.constant 0 : i32
    %dma_start3A_11 = tpu.memref_slice %arg7[%dma_start3A_9, %dma_start3A_10] : memref<40x128xi32, #tpu.memory_space<vmem>> -> memref<1x128xi32, #tpu.memory_space<vmem>>
    %dma_start3A_12 = tpu.memref_squeeze %dma_start3A_11 : memref<1x128xi32, #tpu.memory_space<vmem>> -> memref<128xi32, #tpu.memory_space<vmem>>
    %dma_start3A_13 = arith.constant 0 : i32
    %dma_start3A_14 = arith.constant 0 : i32
    %dma_start3A_15 = tpu.memref_slice %arg18[%dma_start3A_13, %dma_start3A_14] : memref<10240x16xf32, #tpu.memory_space<vmem_shared>> -> memref<10240x16xf32, #tpu.memory_space<vmem_shared>>
    tpu.enqueue_indirect_dma source(%dma_start3A_15 : memref<10240x16xf32, #tpu.memory_space<vmem_shared>>) target(%arg10 : memref<128x16xf32, #tpu.memory_space<vmem>>) offsets(%dma_start3A_12 : memref<128xi32, #tpu.memory_space<vmem>>) semaphore(%arg21 : memref<!tpu.dma_semaphore, #tpu.memory_space<semaphore_mem>>)
    %dma_start3A_16 = arith.constant 2 : i32
    %dma_start3A_17 = arith.constant 0 : i32
    %dma_start3A_18 = tpu.memref_slice %arg7[%dma_start3A_16, %dma_start3A_17] : memref<40x128xi32, #tpu.memory_space<vmem>> -> memref<1x128xi32, #tpu.memory_space<vmem>>
    %dma_start3A_19 = tpu.memref_squeeze %dma_start3A_18 : memref<1x128xi32, #tpu.memory_space<vmem>> -> memref<128xi32, #tpu.memory_space<vmem>>
    %dma_start3A_20 = arith.constant 0 : i32
    %dma_start3A_21 = arith.constant 0 : i32
    %dma_start3A_22 = tpu.memref_slice %arg18[%dma_start3A_20, %dma_start3A_21] : memref<10240x16xf32, #tpu.memory_space<vmem_shared>> -> memref<10240x16xf32, #tpu.memory_space<vmem_shared>>
    tpu.enqueue_indirect_dma source(%dma_start3A_22 : memref<10240x16xf32, #tpu.memory_space<vmem_shared>>) target(%arg11 : memref<128x16xf32, #tpu.memory_space<vmem>>) offsets(%dma_start3A_19 : memref<128xi32, #tpu.memory_space<vmem>>) semaphore(%arg22 : memref<!tpu.dma_semaphore, #tpu.memory_space<semaphore_mem>>)
    %dma_start3A_23 = arith.constant 3 : i32
    %dma_start3A_24 = arith.constant 0 : i32
    %dma_start3A_25 = tpu.memref_slice %arg7[%dma_start3A_23, %dma_start3A_24] : memref<40x128xi32, #tpu.memory_space<vmem>> -> memref<1x128xi32, #tpu.memory_space<vmem>>
    %dma_start3A_26 = tpu.memref_squeeze %dma_start3A_25 : memref<1x128xi32, #tpu.memory_space<vmem>> -> memref<128xi32, #tpu.memory_space<vmem>>
    %dma_start3A_27 = arith.constant 0 : i32
    %dma_start3A_28 = arith.constant 0 : i32
    %dma_start3A_29 = tpu.memref_slice %arg18[%dma_start3A_27, %dma_start3A_28] : memref<10240x16xf32, #tpu.memory_space<vmem_shared>> -> memref<10240x16xf32, #tpu.memory_space<vmem_shared>>
    tpu.enqueue_indirect_dma source(%dma_start3A_29 : memref<10240x16xf32, #tpu.memory_space<vmem_shared>>) target(%arg12 : memref<128x16xf32, #tpu.memory_space<vmem>>) offsets(%dma_start3A_26 : memref<128xi32, #tpu.memory_space<vmem>>) semaphore(%arg23 : memref<!tpu.dma_semaphore, #tpu.memory_space<semaphore_mem>>)
    %dma_start3A_30 = arith.constant 4 : i32
    %dma_start3A_31 = arith.constant 0 : i32
    %dma_start3A_32 = tpu.memref_slice %arg7[%dma_start3A_30, %dma_start3A_31] : memref<40x128xi32, #tpu.memory_space<vmem>> -> memref<1x128xi32, #tpu.memory_space<vmem>>
    %dma_start3A_33 = tpu.memref_squeeze %dma_start3A_32 : memref<1x128xi32, #tpu.memory_space<vmem>> -> memref<128xi32, #tpu.memory_space<vmem>>
    %dma_start3A_34 = arith.constant 0 : i32
    %dma_start3A_35 = arith.constant 0 : i32
    %dma_start3A_36 = tpu.memref_slice %arg18[%dma_start3A_34, %dma_start3A_35] : memref<10240x16xf32, #tpu.memory_space<vmem_shared>> -> memref<10240x16xf32, #tpu.memory_space<vmem_shared>>
    tpu.enqueue_indirect_dma source(%dma_start3A_36 : memref<10240x16xf32, #tpu.memory_space<vmem_shared>>) target(%arg13 : memref<128x16xf32, #tpu.memory_space<vmem>>) offsets(%dma_start3A_33 : memref<128xi32, #tpu.memory_space<vmem>>) semaphore(%arg24 : memref<!tpu.dma_semaphore, #tpu.memory_space<semaphore_mem>>)
    %dma_start3A_37 = arith.constant 5 : i32
    %dma_start3A_38 = arith.constant 0 : i32
    %dma_start3A_39 = tpu.memref_slice %arg7[%dma_start3A_37, %dma_start3A_38] : memref<40x128xi32, #tpu.memory_space<vmem>> -> memref<1x128xi32, #tpu.memory_space<vmem>>
    %dma_start3A_40 = tpu.memref_squeeze %dma_start3A_39 : memref<1x128xi32, #tpu.memory_space<vmem>> -> memref<128xi32, #tpu.memory_space<vmem>>
    %dma_start3A_41 = arith.constant 0 : i32
    %dma_start3A_42 = arith.constant 0 : i32
    %dma_start3A_43 = tpu.memref_slice %arg18[%dma_start3A_41, %dma_start3A_42] : memref<10240x16xf32, #tpu.memory_space<vmem_shared>> -> memref<10240x16xf32, #tpu.memory_space<vmem_shared>>
    tpu.enqueue_indirect_dma source(%dma_start3A_43 : memref<10240x16xf32, #tpu.memory_space<vmem_shared>>) target(%arg14 : memref<128x16xf32, #tpu.memory_space<vmem>>) offsets(%dma_start3A_40 : memref<128xi32, #tpu.memory_space<vmem>>) semaphore(%arg25 : memref<!tpu.dma_semaphore, #tpu.memory_space<semaphore_mem>>)
    %dma_start3A_44 = arith.constant 6 : i32
    %dma_start3A_45 = arith.constant 0 : i32
    %dma_start3A_46 = tpu.memref_slice %arg7[%dma_start3A_44, %dma_start3A_45] : memref<40x128xi32, #tpu.memory_space<vmem>> -> memref<1x128xi32, #tpu.memory_space<vmem>>
    %dma_start3A_47 = tpu.memref_squeeze %dma_start3A_46 : memref<1x128xi32, #tpu.memory_space<vmem>> -> memref<128xi32, #tpu.memory_space<vmem>>
    %dma_start3A_48 = arith.constant 0 : i32
    %dma_start3A_49 = arith.constant 0 : i32
    %dma_start3A_50 = tpu.memref_slice %arg18[%dma_start3A_48, %dma_start3A_49] : memref<10240x16xf32, #tpu.memory_space<vmem_shared>> -> memref<10240x16xf32, #tpu.memory_space<vmem_shared>>
    tpu.enqueue_indirect_dma source(%dma_start3A_50 : memref<10240x16xf32, #tpu.memory_space<vmem_shared>>) target(%arg15 : memref<128x16xf32, #tpu.memory_space<vmem>>) offsets(%dma_start3A_47 : memref<128xi32, #tpu.memory_space<vmem>>) semaphore(%arg26 : memref<!tpu.dma_semaphore, #tpu.memory_space<semaphore_mem>>)
    %dma_start3A_51 = arith.constant 7 : i32
    %dma_start3A_52 = arith.constant 0 : i32
    %dma_start3A_53 = tpu.memref_slice %arg7[%dma_start3A_51, %dma_start3A_52] : memref<40x128xi32, #tpu.memory_space<vmem>> -> memref<1x128xi32, #tpu.memory_space<vmem>>
    %dma_start3A_54 = tpu.memref_squeeze %dma_start3A_53 : memref<1x128xi32, #tpu.memory_space<vmem>> -> memref<128xi32, #tpu.memory_space<vmem>>
    %dma_start3A_55 = arith.constant 0 : i32
    %dma_start3A_56 = arith.constant 0 : i32
    %dma_start3A_57 = tpu.memref_slice %arg18[%dma_start3A_55, %dma_start3A_56] : memref<10240x16xf32, #tpu.memory_space<vmem_shared>> -> memref<10240x16xf32, #tpu.memory_space<vmem_shared>>
    tpu.enqueue_indirect_dma source(%dma_start3A_57 : memref<10240x16xf32, #tpu.memory_space<vmem_shared>>) target(%arg16 : memref<128x16xf32, #tpu.memory_space<vmem>>) offsets(%dma_start3A_54 : memref<128xi32, #tpu.memory_space<vmem>>) semaphore(%arg27 : memref<!tpu.dma_semaphore, #tpu.memory_space<semaphore_mem>>)
    %scan3A = arith.constant 0 : i32
    %scan3A_58 = arith.constant 0 : i32
    %scan3A_59 = arith.constant 5 : i32
    %scan3A_60 = arith.addi %scan3A_58, %scan3A_59 : i32
    %scan3A_61 = arith.constant 1 : i32
    %scan3A_62 = scf.for %scan3A_122 = %scan3A_58 to %scan3A_60 step %scan3A_61 iter_args(%scan3A_123 = %scan3A) -> (i32)  : i32 {
      %mul3A_124 = arith.constant 8 : i32
      %mul3A_125 = arith.muli %scan3A_122, %mul3A_124 : i32
      %add3A_126 = arith.constant 0 : i32
      %add3A_127 = arith.addi %mul3A_125, %add3A_126 : i32
      %dma_wait3A_128 = arith.constant 0 : i32
      %dma_wait3A_129 = tpu.memref_slice %arg7[%add3A_127, %dma_wait3A_128] : memref<40x128xi32, #tpu.memory_space<vmem>> -> memref<1x128xi32, #tpu.memory_space<vmem>>
      %dma_wait3A_130 = tpu.memref_squeeze %dma_wait3A_129 : memref<1x128xi32, #tpu.memory_space<vmem>> -> memref<128xi32, #tpu.memory_space<vmem>>
      %dma_wait3A_131 = arith.constant 0 : i32
      %dma_wait3A_132 = arith.constant 0 : i32
      %dma_wait3A_133 = tpu.memref_slice %arg18[%dma_wait3A_131, %dma_wait3A_132] : memref<10240x16xf32, #tpu.memory_space<vmem_shared>> -> memref<10240x16xf32, #tpu.memory_space<vmem_shared>>
      tpu.wait_indirect_dma semaphore(%arg20 : memref<!tpu.dma_semaphore, #tpu.memory_space<semaphore_mem>>) src(%dma_wait3A_133 : memref<10240x16xf32, #tpu.memory_space<vmem_shared>>) dst(%arg9 : memref<128x16xf32, #tpu.memory_space<vmem>>)
      %dma_start3A_134 = arith.constant 0 : i32
      %dma_start3A_135 = tpu.memref_slice %arg8[%add3A_127, %dma_start3A_134] : memref<40x128xi32, #tpu.memory_space<vmem>> -> memref<1x128xi32, #tpu.memory_space<vmem>>
      %dma_start3A_136 = tpu.memref_squeeze %dma_start3A_135 : memref<1x128xi32, #tpu.memory_space<vmem>> -> memref<128xi32, #tpu.memory_space<vmem>>
      %dma_start3A_137 = arith.constant 0 : i32
      %dma_start3A_138 = arith.constant 0 : i32
      %dma_start3A_139 = tpu.memref_slice %arg19[%dma_start3A_137, %dma_start3A_138] : memref<10240x16xf32, #tpu.memory_space<vmem_shared>> -> memref<10240x16xf32, #tpu.memory_space<vmem_shared>>
      tpu.enqueue_indirect_dma source(%arg9 : memref<128x16xf32, #tpu.memory_space<vmem>>) target(%dma_start3A_139 : memref<10240x16xf32, #tpu.memory_space<vmem_shared>>) offsets(%dma_start3A_136 : memref<128xi32, #tpu.memory_space<vmem>>) semaphore(%arg28 : memref<!tpu.dma_semaphore, #tpu.memory_space<semaphore_mem>>) {add = true}
      %add3A_140 = arith.constant 1 : i32
      %add3A_141 = arith.addi %mul3A_125, %add3A_140 : i32
      %dma_wait3A_142 = arith.constant 0 : i32
      %dma_wait3A_143 = tpu.memref_slice %arg7[%add3A_141, %dma_wait3A_142] : memref<40x128xi32, #tpu.memory_space<vmem>> -> memref<1x128xi32, #tpu.memory_space<vmem>>
      %dma_wait3A_144 = tpu.memref_squeeze %dma_wait3A_143 : memref<1x128xi32, #tpu.memory_space<vmem>> -> memref<128xi32, #tpu.memory_space<vmem>>
      %dma_wait3A_145 = arith.constant 0 : i32
      %dma_wait3A_146 = arith.constant 0 : i32
      %dma_wait3A_147 = tpu.memref_slice %arg18[%dma_wait3A_145, %dma_wait3A_146] : memref<10240x16xf32, #tpu.memory_space<vmem_shared>> -> memref<10240x16xf32, #tpu.memory_space<vmem_shared>>
      tpu.wait_indirect_dma semaphore(%arg21 : memref<!tpu.dma_semaphore, #tpu.memory_space<semaphore_mem>>) src(%dma_wait3A_147 : memref<10240x16xf32, #tpu.memory_space<vmem_shared>>) dst(%arg10 : memref<128x16xf32, #tpu.memory_space<vmem>>)
      %dma_start3A_148 = arith.constant 0 : i32
      %dma_start3A_149 = tpu.memref_slice %arg8[%add3A_141, %dma_start3A_148] : memref<40x128xi32, #tpu.memory_space<vmem>> -> memref<1x128xi32, #tpu.memory_space<vmem>>
      %dma_start3A_150 = tpu.memref_squeeze %dma_start3A_149 : memref<1x128xi32, #tpu.memory_space<vmem>> -> memref<128xi32, #tpu.memory_space<vmem>>
      %dma_start3A_151 = arith.constant 0 : i32
      %dma_start3A_152 = arith.constant 0 : i32
      %dma_start3A_153 = tpu.memref_slice %arg19[%dma_start3A_151, %dma_start3A_152] : memref<10240x16xf32, #tpu.memory_space<vmem_shared>> -> memref<10240x16xf32, #tpu.memory_space<vmem_shared>>
      tpu.enqueue_indirect_dma source(%arg10 : memref<128x16xf32, #tpu.memory_space<vmem>>) target(%dma_start3A_153 : memref<10240x16xf32, #tpu.memory_space<vmem_shared>>) offsets(%dma_start3A_150 : memref<128xi32, #tpu.memory_space<vmem>>) semaphore(%arg29 : memref<!tpu.dma_semaphore, #tpu.memory_space<semaphore_mem>>) {add = true}
      %add3A_154 = arith.constant 2 : i32
      %add3A_155 = arith.addi %mul3A_125, %add3A_154 : i32
      %dma_wait3A_156 = arith.constant 0 : i32
      %dma_wait3A_157 = tpu.memref_slice %arg7[%add3A_155, %dma_wait3A_156] : memref<40x128xi32, #tpu.memory_space<vmem>> -> memref<1x128xi32, #tpu.memory_space<vmem>>
      %dma_wait3A_158 = tpu.memref_squeeze %dma_wait3A_157 : memref<1x128xi32, #tpu.memory_space<vmem>> -> memref<128xi32, #tpu.memory_space<vmem>>
      %dma_wait3A_159 = arith.constant 0 : i32
      %dma_wait3A_160 = arith.constant 0 : i32
      %dma_wait3A_161 = tpu.memref_slice %arg18[%dma_wait3A_159, %dma_wait3A_160] : memref<10240x16xf32, #tpu.memory_space<vmem_shared>> -> memref<10240x16xf32, #tpu.memory_space<vmem_shared>>
      tpu.wait_indirect_dma semaphore(%arg22 : memref<!tpu.dma_semaphore, #tpu.memory_space<semaphore_mem>>) src(%dma_wait3A_161 : memref<10240x16xf32, #tpu.memory_space<vmem_shared>>) dst(%arg11 : memref<128x16xf32, #tpu.memory_space<vmem>>)
      %dma_start3A_162 = arith.constant 0 : i32
      %dma_start3A_163 = tpu.memref_slice %arg8[%add3A_155, %dma_start3A_162] : memref<40x128xi32, #tpu.memory_space<vmem>> -> memref<1x128xi32, #tpu.memory_space<vmem>>
      %dma_start3A_164 = tpu.memref_squeeze %dma_start3A_163 : memref<1x128xi32, #tpu.memory_space<vmem>> -> memref<128xi32, #tpu.memory_space<vmem>>
      %dma_start3A_165 = arith.constant 0 : i32
      %dma_start3A_166 = arith.constant 0 : i32
      %dma_start3A_167 = tpu.memref_slice %arg19[%dma_start3A_165, %dma_start3A_166] : memref<10240x16xf32, #tpu.memory_space<vmem_shared>> -> memref<10240x16xf32, #tpu.memory_space<vmem_shared>>
      tpu.enqueue_indirect_dma source(%arg11 : memref<128x16xf32, #tpu.memory_space<vmem>>) target(%dma_start3A_167 : memref<10240x16xf32, #tpu.memory_space<vmem_shared>>) offsets(%dma_start3A_164 : memref<128xi32, #tpu.memory_space<vmem>>) semaphore(%arg30 : memref<!tpu.dma_semaphore, #tpu.memory_space<semaphore_mem>>) {add = true}
      %add3A_168 = arith.constant 3 : i32
      %add3A_169 = arith.addi %mul3A_125, %add3A_168 : i32
      %dma_wait3A_170 = arith.constant 0 : i32
      %dma_wait3A_171 = tpu.memref_slice %arg7[%add3A_169, %dma_wait3A_170] : memref<40x128xi32, #tpu.memory_space<vmem>> -> memref<1x128xi32, #tpu.memory_space<vmem>>
      %dma_wait3A_172 = tpu.memref_squeeze %dma_wait3A_171 : memref<1x128xi32, #tpu.memory_space<vmem>> -> memref<128xi32, #tpu.memory_space<vmem>>
      %dma_wait3A_173 = arith.constant 0 : i32
      %dma_wait3A_174 = arith.constant 0 : i32
      %dma_wait3A_175 = tpu.memref_slice %arg18[%dma_wait3A_173, %dma_wait3A_174] : memref<10240x16xf32, #tpu.memory_space<vmem_shared>> -> memref<10240x16xf32, #tpu.memory_space<vmem_shared>>
      tpu.wait_indirect_dma semaphore(%arg23 : memref<!tpu.dma_semaphore, #tpu.memory_space<semaphore_mem>>) src(%dma_wait3A_175 : memref<10240x16xf32, #tpu.memory_space<vmem_shared>>) dst(%arg12 : memref<128x16xf32, #tpu.memory_space<vmem>>)
      %dma_start3A_176 = arith.constant 0 : i32
      %dma_start3A_177 = tpu.memref_slice %arg8[%add3A_169, %dma_start3A_176] : memref<40x128xi32, #tpu.memory_space<vmem>> -> memref<1x128xi32, #tpu.memory_space<vmem>>
      %dma_start3A_178 = tpu.memref_squeeze %dma_start3A_177 : memref<1x128xi32, #tpu.memory_space<vmem>> -> memref<128xi32, #tpu.memory_space<vmem>>
      %dma_start3A_179 = arith.constant 0 : i32
      %dma_start3A_180 = arith.constant 0 : i32
      %dma_start3A_181 = tpu.memref_slice %arg19[%dma_start3A_179, %dma_start3A_180] : memref<10240x16xf32, #tpu.memory_space<vmem_shared>> -> memref<10240x16xf32, #tpu.memory_space<vmem_shared>>
      tpu.enqueue_indirect_dma source(%arg12 : memref<128x16xf32, #tpu.memory_space<vmem>>) target(%dma_start3A_181 : memref<10240x16xf32, #tpu.memory_space<vmem_shared>>) offsets(%dma_start3A_178 : memref<128xi32, #tpu.memory_space<vmem>>) semaphore(%arg31 : memref<!tpu.dma_semaphore, #tpu.memory_space<semaphore_mem>>) {add = true}
      %add3A_182 = arith.constant 4 : i32
      %add3A_183 = arith.addi %mul3A_125, %add3A_182 : i32
      %dma_wait3A_184 = arith.constant 0 : i32
      %dma_wait3A_185 = tpu.memref_slice %arg7[%add3A_183, %dma_wait3A_184] : memref<40x128xi32, #tpu.memory_space<vmem>> -> memref<1x128xi32, #tpu.memory_space<vmem>>
      %dma_wait3A_186 = tpu.memref_squeeze %dma_wait3A_185 : memref<1x128xi32, #tpu.memory_space<vmem>> -> memref<128xi32, #tpu.memory_space<vmem>>
      %dma_wait3A_187 = arith.constant 0 : i32
      %dma_wait3A_188 = arith.constant 0 : i32
      %dma_wait3A_189 = tpu.memref_slice %arg18[%dma_wait3A_187, %dma_wait3A_188] : memref<10240x16xf32, #tpu.memory_space<vmem_shared>> -> memref<10240x16xf32, #tpu.memory_space<vmem_shared>>
      tpu.wait_indirect_dma semaphore(%arg24 : memref<!tpu.dma_semaphore, #tpu.memory_space<semaphore_mem>>) src(%dma_wait3A_189 : memref<10240x16xf32, #tpu.memory_space<vmem_shared>>) dst(%arg13 : memref<128x16xf32, #tpu.memory_space<vmem>>)
      %dma_start3A_190 = arith.constant 0 : i32
      %dma_start3A_191 = tpu.memref_slice %arg8[%add3A_183, %dma_start3A_190] : memref<40x128xi32, #tpu.memory_space<vmem>> -> memref<1x128xi32, #tpu.memory_space<vmem>>
      %dma_start3A_192 = tpu.memref_squeeze %dma_start3A_191 : memref<1x128xi32, #tpu.memory_space<vmem>> -> memref<128xi32, #tpu.memory_space<vmem>>
      %dma_start3A_193 = arith.constant 0 : i32
      %dma_start3A_194 = arith.constant 0 : i32
      %dma_start3A_195 = tpu.memref_slice %arg19[%dma_start3A_193, %dma_start3A_194] : memref<10240x16xf32, #tpu.memory_space<vmem_shared>> -> memref<10240x16xf32, #tpu.memory_space<vmem_shared>>
      tpu.enqueue_indirect_dma source(%arg13 : memref<128x16xf32, #tpu.memory_space<vmem>>) target(%dma_start3A_195 : memref<10240x16xf32, #tpu.memory_space<vmem_shared>>) offsets(%dma_start3A_192 : memref<128xi32, #tpu.memory_space<vmem>>) semaphore(%arg32 : memref<!tpu.dma_semaphore, #tpu.memory_space<semaphore_mem>>) {add = true}
      %add3A_196 = arith.constant 5 : i32
      %add3A_197 = arith.addi %mul3A_125, %add3A_196 : i32
      %dma_wait3A_198 = arith.constant 0 : i32
      %dma_wait3A_199 = tpu.memref_slice %arg7[%add3A_197, %dma_wait3A_198] : memref<40x128xi32, #tpu.memory_space<vmem>> -> memref<1x128xi32, #tpu.memory_space<vmem>>
      %dma_wait3A_200 = tpu.memref_squeeze %dma_wait3A_199 : memref<1x128xi32, #tpu.memory_space<vmem>> -> memref<128xi32, #tpu.memory_space<vmem>>
      %dma_wait3A_201 = arith.constant 0 : i32
      %dma_wait3A_202 = arith.constant 0 : i32
      %dma_wait3A_203 = tpu.memref_slice %arg18[%dma_wait3A_201, %dma_wait3A_202] : memref<10240x16xf32, #tpu.memory_space<vmem_shared>> -> memref<10240x16xf32, #tpu.memory_space<vmem_shared>>
      tpu.wait_indirect_dma semaphore(%arg25 : memref<!tpu.dma_semaphore, #tpu.memory_space<semaphore_mem>>) src(%dma_wait3A_203 : memref<10240x16xf32, #tpu.memory_space<vmem_shared>>) dst(%arg14 : memref<128x16xf32, #tpu.memory_space<vmem>>)
      %dma_start3A_204 = arith.constant 0 : i32
      %dma_start3A_205 = tpu.memref_slice %arg8[%add3A_197, %dma_start3A_204] : memref<40x128xi32, #tpu.memory_space<vmem>> -> memref<1x128xi32, #tpu.memory_space<vmem>>
      %dma_start3A_206 = tpu.memref_squeeze %dma_start3A_205 : memref<1x128xi32, #tpu.memory_space<vmem>> -> memref<128xi32, #tpu.memory_space<vmem>>
      %dma_start3A_207 = arith.constant 0 : i32
      %dma_start3A_208 = arith.constant 0 : i32
      %dma_start3A_209 = tpu.memref_slice %arg19[%dma_start3A_207, %dma_start3A_208] : memref<10240x16xf32, #tpu.memory_space<vmem_shared>> -> memref<10240x16xf32, #tpu.memory_space<vmem_shared>>
      tpu.enqueue_indirect_dma source(%arg14 : memref<128x16xf32, #tpu.memory_space<vmem>>) target(%dma_start3A_209 : memref<10240x16xf32, #tpu.memory_space<vmem_shared>>) offsets(%dma_start3A_206 : memref<128xi32, #tpu.memory_space<vmem>>) semaphore(%arg33 : memref<!tpu.dma_semaphore, #tpu.memory_space<semaphore_mem>>) {add = true}
      %add3A_210 = arith.constant 6 : i32
      %add3A_211 = arith.addi %mul3A_125, %add3A_210 : i32
      %dma_wait3A_212 = arith.constant 0 : i32
      %dma_wait3A_213 = tpu.memref_slice %arg7[%add3A_211, %dma_wait3A_212] : memref<40x128xi32, #tpu.memory_space<vmem>> -> memref<1x128xi32, #tpu.memory_space<vmem>>
      %dma_wait3A_214 = tpu.memref_squeeze %dma_wait3A_213 : memref<1x128xi32, #tpu.memory_space<vmem>> -> memref<128xi32, #tpu.memory_space<vmem>>
      %dma_wait3A_215 = arith.constant 0 : i32
      %dma_wait3A_216 = arith.constant 0 : i32
      %dma_wait3A_217 = tpu.memref_slice %arg18[%dma_wait3A_215, %dma_wait3A_216] : memref<10240x16xf32, #tpu.memory_space<vmem_shared>> -> memref<10240x16xf32, #tpu.memory_space<vmem_shared>>
      tpu.wait_indirect_dma semaphore(%arg26 : memref<!tpu.dma_semaphore, #tpu.memory_space<semaphore_mem>>) src(%dma_wait3A_217 : memref<10240x16xf32, #tpu.memory_space<vmem_shared>>) dst(%arg15 : memref<128x16xf32, #tpu.memory_space<vmem>>)
      %dma_start3A_218 = arith.constant 0 : i32
      %dma_start3A_219 = tpu.memref_slice %arg8[%add3A_211, %dma_start3A_218] : memref<40x128xi32, #tpu.memory_space<vmem>> -> memref<1x128xi32, #tpu.memory_space<vmem>>
      %dma_start3A_220 = tpu.memref_squeeze %dma_start3A_219 : memref<1x128xi32, #tpu.memory_space<vmem>> -> memref<128xi32, #tpu.memory_space<vmem>>
      %dma_start3A_221 = arith.constant 0 : i32
      %dma_start3A_222 = arith.constant 0 : i32
      %dma_start3A_223 = tpu.memref_slice %arg19[%dma_start3A_221, %dma_start3A_222] : memref<10240x16xf32, #tpu.memory_space<vmem_shared>> -> memref<10240x16xf32, #tpu.memory_space<vmem_shared>>
      tpu.enqueue_indirect_dma source(%arg15 : memref<128x16xf32, #tpu.memory_space<vmem>>) target(%dma_start3A_223 : memref<10240x16xf32, #tpu.memory_space<vmem_shared>>) offsets(%dma_start3A_220 : memref<128xi32, #tpu.memory_space<vmem>>) semaphore(%arg34 : memref<!tpu.dma_semaphore, #tpu.memory_space<semaphore_mem>>) {add = true}
      %add3A_224 = arith.constant 7 : i32
      %add3A_225 = arith.addi %mul3A_125, %add3A_224 : i32
      %dma_wait3A_226 = arith.constant 0 : i32
      %dma_wait3A_227 = tpu.memref_slice %arg7[%add3A_225, %dma_wait3A_226] : memref<40x128xi32, #tpu.memory_space<vmem>> -> memref<1x128xi32, #tpu.memory_space<vmem>>
      %dma_wait3A_228 = tpu.memref_squeeze %dma_wait3A_227 : memref<1x128xi32, #tpu.memory_space<vmem>> -> memref<128xi32, #tpu.memory_space<vmem>>
      %dma_wait3A_229 = arith.constant 0 : i32
      %dma_wait3A_230 = arith.constant 0 : i32
      %dma_wait3A_231 = tpu.memref_slice %arg18[%dma_wait3A_229, %dma_wait3A_230] : memref<10240x16xf32, #tpu.memory_space<vmem_shared>> -> memref<10240x16xf32, #tpu.memory_space<vmem_shared>>
      tpu.wait_indirect_dma semaphore(%arg27 : memref<!tpu.dma_semaphore, #tpu.memory_space<semaphore_mem>>) src(%dma_wait3A_231 : memref<10240x16xf32, #tpu.memory_space<vmem_shared>>) dst(%arg16 : memref<128x16xf32, #tpu.memory_space<vmem>>)
      %dma_start3A_232 = arith.constant 0 : i32
      %dma_start3A_233 = tpu.memref_slice %arg8[%add3A_225, %dma_start3A_232] : memref<40x128xi32, #tpu.memory_space<vmem>> -> memref<1x128xi32, #tpu.memory_space<vmem>>
      %dma_start3A_234 = tpu.memref_squeeze %dma_start3A_233 : memref<1x128xi32, #tpu.memory_space<vmem>> -> memref<128xi32, #tpu.memory_space<vmem>>
      %dma_start3A_235 = arith.constant 0 : i32
      %dma_start3A_236 = arith.constant 0 : i32
      %dma_start3A_237 = tpu.memref_slice %arg19[%dma_start3A_235, %dma_start3A_236] : memref<10240x16xf32, #tpu.memory_space<vmem_shared>> -> memref<10240x16xf32, #tpu.memory_space<vmem_shared>>
      tpu.enqueue_indirect_dma source(%arg16 : memref<128x16xf32, #tpu.memory_space<vmem>>) target(%dma_start3A_237 : memref<10240x16xf32, #tpu.memory_space<vmem_shared>>) offsets(%dma_start3A_234 : memref<128xi32, #tpu.memory_space<vmem>>) semaphore(%arg35 : memref<!tpu.dma_semaphore, #tpu.memory_space<semaphore_mem>>) {add = true}
      %lt3A = arith.constant 4 : i32
      %lt3A_238 = arith.cmpi slt, %scan3A_122, %lt3A : i32
      %convert_element_type3A = arith.extui %lt3A_238 : i1 to i32
      %cond3A = arith.constant 0 : i32
      %cond3A_239 = arith.cmpi ne, %convert_element_type3A, %cond3A : i32
      scf.if %cond3A_239 {
        %add3A_241 = arith.constant 0 : i32
        %add3A_242 = arith.addi %mul3A_125, %add3A_241 : i32
        %dma_wait3A_243 = arith.constant 0 : i32
        %dma_wait3A_244 = tpu.memref_slice %arg8[%add3A_242, %dma_wait3A_243] : memref<40x128xi32, #tpu.memory_space<vmem>> -> memref<1x128xi32, #tpu.memory_space<vmem>>
        %dma_wait3A_245 = tpu.memref_squeeze %dma_wait3A_244 : memref<1x128xi32, #tpu.memory_space<vmem>> -> memref<128xi32, #tpu.memory_space<vmem>>
        %dma_wait3A_246 = arith.constant 0 : i32
        %dma_wait3A_247 = arith.constant 0 : i32
        %dma_wait3A_248 = tpu.memref_slice %arg19[%dma_wait3A_246, %dma_wait3A_247] : memref<10240x16xf32, #tpu.memory_space<vmem_shared>> -> memref<10240x16xf32, #tpu.memory_space<vmem_shared>>
        tpu.wait_indirect_dma semaphore(%arg28 : memref<!tpu.dma_semaphore, #tpu.memory_space<semaphore_mem>>) src(%arg9 : memref<128x16xf32, #tpu.memory_space<vmem>>) dst(%dma_wait3A_248 : memref<10240x16xf32, #tpu.memory_space<vmem_shared>>)
        %add3A_249 = arith.constant 8 : i32
        %add3A_250 = arith.addi %add3A_242, %add3A_249 : i32
        %dma_start3A_251 = arith.constant 0 : i32
        %dma_start3A_252 = tpu.memref_slice %arg7[%add3A_250, %dma_start3A_251] : memref<40x128xi32, #tpu.memory_space<vmem>> -> memref<1x128xi32, #tpu.memory_space<vmem>>
        %dma_start3A_253 = tpu.memref_squeeze %dma_start3A_252 : memref<1x128xi32, #tpu.memory_space<vmem>> -> memref<128xi32, #tpu.memory_space<vmem>>
        %dma_start3A_254 = arith.constant 0 : i32
        %dma_start3A_255 = arith.constant 0 : i32
        %dma_start3A_256 = tpu.memref_slice %arg18[%dma_start3A_254, %dma_start3A_255] : memref<10240x16xf32, #tpu.memory_space<vmem_shared>> -> memref<10240x16xf32, #tpu.memory_space<vmem_shared>>
        tpu.enqueue_indirect_dma source(%dma_start3A_256 : memref<10240x16xf32, #tpu.memory_space<vmem_shared>>) target(%arg9 : memref<128x16xf32, #tpu.memory_space<vmem>>) offsets(%dma_start3A_253 : memref<128xi32, #tpu.memory_space<vmem>>) semaphore(%arg20 : memref<!tpu.dma_semaphore, #tpu.memory_space<semaphore_mem>>)
        %add3A_257 = arith.constant 1 : i32
        %add3A_258 = arith.addi %mul3A_125, %add3A_257 : i32
        %dma_wait3A_259 = arith.constant 0 : i32
        %dma_wait3A_260 = tpu.memref_slice %arg8[%add3A_258, %dma_wait3A_259] : memref<40x128xi32, #tpu.memory_space<vmem>> -> memref<1x128xi32, #tpu.memory_space<vmem>>
        %dma_wait3A_261 = tpu.memref_squeeze %dma_wait3A_260 : memref<1x128xi32, #tpu.memory_space<vmem>> -> memref<128xi32, #tpu.memory_space<vmem>>
        %dma_wait3A_262 = arith.constant 0 : i32
        %dma_wait3A_263 = arith.constant 0 : i32
        %dma_wait3A_264 = tpu.memref_slice %arg19[%dma_wait3A_262, %dma_wait3A_263] : memref<10240x16xf32, #tpu.memory_space<vmem_shared>> -> memref<10240x16xf32, #tpu.memory_space<vmem_shared>>
        tpu.wait_indirect_dma semaphore(%arg29 : memref<!tpu.dma_semaphore, #tpu.memory_space<semaphore_mem>>) src(%arg10 : memref<128x16xf32, #tpu.memory_space<vmem>>) dst(%dma_wait3A_264 : memref<10240x16xf32, #tpu.memory_space<vmem_shared>>)
        %add3A_265 = arith.constant 8 : i32
        %add3A_266 = arith.addi %add3A_258, %add3A_265 : i32
        %dma_start3A_267 = arith.constant 0 : i32
        %dma_start3A_268 = tpu.memref_slice %arg7[%add3A_266, %dma_start3A_267] : memref<40x128xi32, #tpu.memory_space<vmem>> -> memref<1x128xi32, #tpu.memory_space<vmem>>
        %dma_start3A_269 = tpu.memref_squeeze %dma_start3A_268 : memref<1x128xi32, #tpu.memory_space<vmem>> -> memref<128xi32, #tpu.memory_space<vmem>>
        %dma_start3A_270 = arith.constant 0 : i32
        %dma_start3A_271 = arith.constant 0 : i32
        %dma_start3A_272 = tpu.memref_slice %arg18[%dma_start3A_270, %dma_start3A_271] : memref<10240x16xf32, #tpu.memory_space<vmem_shared>> -> memref<10240x16xf32, #tpu.memory_space<vmem_shared>>
        tpu.enqueue_indirect_dma source(%dma_start3A_272 : memref<10240x16xf32, #tpu.memory_space<vmem_shared>>) target(%arg10 : memref<128x16xf32, #tpu.memory_space<vmem>>) offsets(%dma_start3A_269 : memref<128xi32, #tpu.memory_space<vmem>>) semaphore(%arg21 : memref<!tpu.dma_semaphore, #tpu.memory_space<semaphore_mem>>)
        %add3A_273 = arith.constant 2 : i32
        %add3A_274 = arith.addi %mul3A_125, %add3A_273 : i32
        %dma_wait3A_275 = arith.constant 0 : i32
        %dma_wait3A_276 = tpu.memref_slice %arg8[%add3A_274, %dma_wait3A_275] : memref<40x128xi32, #tpu.memory_space<vmem>> -> memref<1x128xi32, #tpu.memory_space<vmem>>
        %dma_wait3A_277 = tpu.memref_squeeze %dma_wait3A_276 : memref<1x128xi32, #tpu.memory_space<vmem>> -> memref<128xi32, #tpu.memory_space<vmem>>
        %dma_wait3A_278 = arith.constant 0 : i32
        %dma_wait3A_279 = arith.constant 0 : i32
        %dma_wait3A_280 = tpu.memref_slice %arg19[%dma_wait3A_278, %dma_wait3A_279] : memref<10240x16xf32, #tpu.memory_space<vmem_shared>> -> memref<10240x16xf32, #tpu.memory_space<vmem_shared>>
        tpu.wait_indirect_dma semaphore(%arg30 : memref<!tpu.dma_semaphore, #tpu.memory_space<semaphore_mem>>) src(%arg11 : memref<128x16xf32, #tpu.memory_space<vmem>>) dst(%dma_wait3A_280 : memref<10240x16xf32, #tpu.memory_space<vmem_shared>>)
        %add3A_281 = arith.constant 8 : i32
        %add3A_282 = arith.addi %add3A_274, %add3A_281 : i32
        %dma_start3A_283 = arith.constant 0 : i32
        %dma_start3A_284 = tpu.memref_slice %arg7[%add3A_282, %dma_start3A_283] : memref<40x128xi32, #tpu.memory_space<vmem>> -> memref<1x128xi32, #tpu.memory_space<vmem>>
        %dma_start3A_285 = tpu.memref_squeeze %dma_start3A_284 : memref<1x128xi32, #tpu.memory_space<vmem>> -> memref<128xi32, #tpu.memory_space<vmem>>
        %dma_start3A_286 = arith.constant 0 : i32
        %dma_start3A_287 = arith.constant 0 : i32
        %dma_start3A_288 = tpu.memref_slice %arg18[%dma_start3A_286, %dma_start3A_287] : memref<10240x16xf32, #tpu.memory_space<vmem_shared>> -> memref<10240x16xf32, #tpu.memory_space<vmem_shared>>
        tpu.enqueue_indirect_dma source(%dma_start3A_288 : memref<10240x16xf32, #tpu.memory_space<vmem_shared>>) target(%arg11 : memref<128x16xf32, #tpu.memory_space<vmem>>) offsets(%dma_start3A_285 : memref<128xi32, #tpu.memory_space<vmem>>) semaphore(%arg22 : memref<!tpu.dma_semaphore, #tpu.memory_space<semaphore_mem>>)
        %add3A_289 = arith.constant 3 : i32
        %add3A_290 = arith.addi %mul3A_125, %add3A_289 : i32
        %dma_wait3A_291 = arith.constant 0 : i32
        %dma_wait3A_292 = tpu.memref_slice %arg8[%add3A_290, %dma_wait3A_291] : memref<40x128xi32, #tpu.memory_space<vmem>> -> memref<1x128xi32, #tpu.memory_space<vmem>>
        %dma_wait3A_293 = tpu.memref_squeeze %dma_wait3A_292 : memref<1x128xi32, #tpu.memory_space<vmem>> -> memref<128xi32, #tpu.memory_space<vmem>>
        %dma_wait3A_294 = arith.constant 0 : i32
        %dma_wait3A_295 = arith.constant 0 : i32
        %dma_wait3A_296 = tpu.memref_slice %arg19[%dma_wait3A_294, %dma_wait3A_295] : memref<10240x16xf32, #tpu.memory_space<vmem_shared>> -> memref<10240x16xf32, #tpu.memory_space<vmem_shared>>
        tpu.wait_indirect_dma semaphore(%arg31 : memref<!tpu.dma_semaphore, #tpu.memory_space<semaphore_mem>>) src(%arg12 : memref<128x16xf32, #tpu.memory_space<vmem>>) dst(%dma_wait3A_296 : memref<10240x16xf32, #tpu.memory_space<vmem_shared>>)
        %add3A_297 = arith.constant 8 : i32
        %add3A_298 = arith.addi %add3A_290, %add3A_297 : i32
        %dma_start3A_299 = arith.constant 0 : i32
        %dma_start3A_300 = tpu.memref_slice %arg7[%add3A_298, %dma_start3A_299] : memref<40x128xi32, #tpu.memory_space<vmem>> -> memref<1x128xi32, #tpu.memory_space<vmem>>
        %dma_start3A_301 = tpu.memref_squeeze %dma_start3A_300 : memref<1x128xi32, #tpu.memory_space<vmem>> -> memref<128xi32, #tpu.memory_space<vmem>>
        %dma_start3A_302 = arith.constant 0 : i32
        %dma_start3A_303 = arith.constant 0 : i32
        %dma_start3A_304 = tpu.memref_slice %arg18[%dma_start3A_302, %dma_start3A_303] : memref<10240x16xf32, #tpu.memory_space<vmem_shared>> -> memref<10240x16xf32, #tpu.memory_space<vmem_shared>>
        tpu.enqueue_indirect_dma source(%dma_start3A_304 : memref<10240x16xf32, #tpu.memory_space<vmem_shared>>) target(%arg12 : memref<128x16xf32, #tpu.memory_space<vmem>>) offsets(%dma_start3A_301 : memref<128xi32, #tpu.memory_space<vmem>>) semaphore(%arg23 : memref<!tpu.dma_semaphore, #tpu.memory_space<semaphore_mem>>)
        %add3A_305 = arith.constant 4 : i32
        %add3A_306 = arith.addi %mul3A_125, %add3A_305 : i32
        %dma_wait3A_307 = arith.constant 0 : i32
        %dma_wait3A_308 = tpu.memref_slice %arg8[%add3A_306, %dma_wait3A_307] : memref<40x128xi32, #tpu.memory_space<vmem>> -> memref<1x128xi32, #tpu.memory_space<vmem>>
        %dma_wait3A_309 = tpu.memref_squeeze %dma_wait3A_308 : memref<1x128xi32, #tpu.memory_space<vmem>> -> memref<128xi32, #tpu.memory_space<vmem>>
        %dma_wait3A_310 = arith.constant 0 : i32
        %dma_wait3A_311 = arith.constant 0 : i32
        %dma_wait3A_312 = tpu.memref_slice %arg19[%dma_wait3A_310, %dma_wait3A_311] : memref<10240x16xf32, #tpu.memory_space<vmem_shared>> -> memref<10240x16xf32, #tpu.memory_space<vmem_shared>>
        tpu.wait_indirect_dma semaphore(%arg32 : memref<!tpu.dma_semaphore, #tpu.memory_space<semaphore_mem>>) src(%arg13 : memref<128x16xf32, #tpu.memory_space<vmem>>) dst(%dma_wait3A_312 : memref<10240x16xf32, #tpu.memory_space<vmem_shared>>)
        %add3A_313 = arith.constant 8 : i32
        %add3A_314 = arith.addi %add3A_306, %add3A_313 : i32
        %dma_start3A_315 = arith.constant 0 : i32
        %dma_start3A_316 = tpu.memref_slice %arg7[%add3A_314, %dma_start3A_315] : memref<40x128xi32, #tpu.memory_space<vmem>> -> memref<1x128xi32, #tpu.memory_space<vmem>>
        %dma_start3A_317 = tpu.memref_squeeze %dma_start3A_316 : memref<1x128xi32, #tpu.memory_space<vmem>> -> memref<128xi32, #tpu.memory_space<vmem>>
        %dma_start3A_318 = arith.constant 0 : i32
        %dma_start3A_319 = arith.constant 0 : i32
        %dma_start3A_320 = tpu.memref_slice %arg18[%dma_start3A_318, %dma_start3A_319] : memref<10240x16xf32, #tpu.memory_space<vmem_shared>> -> memref<10240x16xf32, #tpu.memory_space<vmem_shared>>
        tpu.enqueue_indirect_dma source(%dma_start3A_320 : memref<10240x16xf32, #tpu.memory_space<vmem_shared>>) target(%arg13 : memref<128x16xf32, #tpu.memory_space<vmem>>) offsets(%dma_start3A_317 : memref<128xi32, #tpu.memory_space<vmem>>) semaphore(%arg24 : memref<!tpu.dma_semaphore, #tpu.memory_space<semaphore_mem>>)
        %add3A_321 = arith.constant 5 : i32
        %add3A_322 = arith.addi %mul3A_125, %add3A_321 : i32
        %dma_wait3A_323 = arith.constant 0 : i32
        %dma_wait3A_324 = tpu.memref_slice %arg8[%add3A_322, %dma_wait3A_323] : memref<40x128xi32, #tpu.memory_space<vmem>> -> memref<1x128xi32, #tpu.memory_space<vmem>>
        %dma_wait3A_325 = tpu.memref_squeeze %dma_wait3A_324 : memref<1x128xi32, #tpu.memory_space<vmem>> -> memref<128xi32, #tpu.memory_space<vmem>>
        %dma_wait3A_326 = arith.constant 0 : i32
        %dma_wait3A_327 = arith.constant 0 : i32
        %dma_wait3A_328 = tpu.memref_slice %arg19[%dma_wait3A_326, %dma_wait3A_327] : memref<10240x16xf32, #tpu.memory_space<vmem_shared>> -> memref<10240x16xf32, #tpu.memory_space<vmem_shared>>
        tpu.wait_indirect_dma semaphore(%arg33 : memref<!tpu.dma_semaphore, #tpu.memory_space<semaphore_mem>>) src(%arg14 : memref<128x16xf32, #tpu.memory_space<vmem>>) dst(%dma_wait3A_328 : memref<10240x16xf32, #tpu.memory_space<vmem_shared>>)
        %add3A_329 = arith.constant 8 : i32
        %add3A_330 = arith.addi %add3A_322, %add3A_329 : i32
        %dma_start3A_331 = arith.constant 0 : i32
        %dma_start3A_332 = tpu.memref_slice %arg7[%add3A_330, %dma_start3A_331] : memref<40x128xi32, #tpu.memory_space<vmem>> -> memref<1x128xi32, #tpu.memory_space<vmem>>
        %dma_start3A_333 = tpu.memref_squeeze %dma_start3A_332 : memref<1x128xi32, #tpu.memory_space<vmem>> -> memref<128xi32, #tpu.memory_space<vmem>>
        %dma_start3A_334 = arith.constant 0 : i32
        %dma_start3A_335 = arith.constant 0 : i32
        %dma_start3A_336 = tpu.memref_slice %arg18[%dma_start3A_334, %dma_start3A_335] : memref<10240x16xf32, #tpu.memory_space<vmem_shared>> -> memref<10240x16xf32, #tpu.memory_space<vmem_shared>>
        tpu.enqueue_indirect_dma source(%dma_start3A_336 : memref<10240x16xf32, #tpu.memory_space<vmem_shared>>) target(%arg14 : memref<128x16xf32, #tpu.memory_space<vmem>>) offsets(%dma_start3A_333 : memref<128xi32, #tpu.memory_space<vmem>>) semaphore(%arg25 : memref<!tpu.dma_semaphore, #tpu.memory_space<semaphore_mem>>)
        %add3A_337 = arith.constant 6 : i32
        %add3A_338 = arith.addi %mul3A_125, %add3A_337 : i32
        %dma_wait3A_339 = arith.constant 0 : i32
        %dma_wait3A_340 = tpu.memref_slice %arg8[%add3A_338, %dma_wait3A_339] : memref<40x128xi32, #tpu.memory_space<vmem>> -> memref<1x128xi32, #tpu.memory_space<vmem>>
        %dma_wait3A_341 = tpu.memref_squeeze %dma_wait3A_340 : memref<1x128xi32, #tpu.memory_space<vmem>> -> memref<128xi32, #tpu.memory_space<vmem>>
        %dma_wait3A_342 = arith.constant 0 : i32
        %dma_wait3A_343 = arith.constant 0 : i32
        %dma_wait3A_344 = tpu.memref_slice %arg19[%dma_wait3A_342, %dma_wait3A_343] : memref<10240x16xf32, #tpu.memory_space<vmem_shared>> -> memref<10240x16xf32, #tpu.memory_space<vmem_shared>>
        tpu.wait_indirect_dma semaphore(%arg34 : memref<!tpu.dma_semaphore, #tpu.memory_space<semaphore_mem>>) src(%arg15 : memref<128x16xf32, #tpu.memory_space<vmem>>) dst(%dma_wait3A_344 : memref<10240x16xf32, #tpu.memory_space<vmem_shared>>)
        %add3A_345 = arith.constant 8 : i32
        %add3A_346 = arith.addi %add3A_338, %add3A_345 : i32
        %dma_start3A_347 = arith.constant 0 : i32
        %dma_start3A_348 = tpu.memref_slice %arg7[%add3A_346, %dma_start3A_347] : memref<40x128xi32, #tpu.memory_space<vmem>> -> memref<1x128xi32, #tpu.memory_space<vmem>>
        %dma_start3A_349 = tpu.memref_squeeze %dma_start3A_348 : memref<1x128xi32, #tpu.memory_space<vmem>> -> memref<128xi32, #tpu.memory_space<vmem>>
        %dma_start3A_350 = arith.constant 0 : i32
        %dma_start3A_351 = arith.constant 0 : i32
        %dma_start3A_352 = tpu.memref_slice %arg18[%dma_start3A_350, %dma_start3A_351] : memref<10240x16xf32, #tpu.memory_space<vmem_shared>> -> memref<10240x16xf32, #tpu.memory_space<vmem_shared>>
        tpu.enqueue_indirect_dma source(%dma_start3A_352 : memref<10240x16xf32, #tpu.memory_space<vmem_shared>>) target(%arg15 : memref<128x16xf32, #tpu.memory_space<vmem>>) offsets(%dma_start3A_349 : memref<128xi32, #tpu.memory_space<vmem>>) semaphore(%arg26 : memref<!tpu.dma_semaphore, #tpu.memory_space<semaphore_mem>>)
        %add3A_353 = arith.constant 7 : i32
        %add3A_354 = arith.addi %mul3A_125, %add3A_353 : i32
        %dma_wait3A_355 = arith.constant 0 : i32
        %dma_wait3A_356 = tpu.memref_slice %arg8[%add3A_354, %dma_wait3A_355] : memref<40x128xi32, #tpu.memory_space<vmem>> -> memref<1x128xi32, #tpu.memory_space<vmem>>
        %dma_wait3A_357 = tpu.memref_squeeze %dma_wait3A_356 : memref<1x128xi32, #tpu.memory_space<vmem>> -> memref<128xi32, #tpu.memory_space<vmem>>
        %dma_wait3A_358 = arith.constant 0 : i32
        %dma_wait3A_359 = arith.constant 0 : i32
        %dma_wait3A_360 = tpu.memref_slice %arg19[%dma_wait3A_358, %dma_wait3A_359] : memref<10240x16xf32, #tpu.memory_space<vmem_shared>> -> memref<10240x16xf32, #tpu.memory_space<vmem_shared>>
        tpu.wait_indirect_dma semaphore(%arg35 : memref<!tpu.dma_semaphore, #tpu.memory_space<semaphore_mem>>) src(%arg16 : memref<128x16xf32, #tpu.memory_space<vmem>>) dst(%dma_wait3A_360 : memref<10240x16xf32, #tpu.memory_space<vmem_shared>>)
        %add3A_361 = arith.constant 8 : i32
        %add3A_362 = arith.addi %add3A_354, %add3A_361 : i32
        %dma_start3A_363 = arith.constant 0 : i32
        %dma_start3A_364 = tpu.memref_slice %arg7[%add3A_362, %dma_start3A_363] : memref<40x128xi32, #tpu.memory_space<vmem>> -> memref<1x128xi32, #tpu.memory_space<vmem>>
        %dma_start3A_365 = tpu.memref_squeeze %dma_start3A_364 : memref<1x128xi32, #tpu.memory_space<vmem>> -> memref<128xi32, #tpu.memory_space<vmem>>
        %dma_start3A_366 = arith.constant 0 : i32
        %dma_start3A_367 = arith.constant 0 : i32
        %dma_start3A_368 = tpu.memref_slice %arg18[%dma_start3A_366, %dma_start3A_367] : memref<10240x16xf32, #tpu.memory_space<vmem_shared>> -> memref<10240x16xf32, #tpu.memory_space<vmem_shared>>
        tpu.enqueue_indirect_dma source(%dma_start3A_368 : memref<10240x16xf32, #tpu.memory_space<vmem_shared>>) target(%arg16 : memref<128x16xf32, #tpu.memory_space<vmem>>) offsets(%dma_start3A_365 : memref<128xi32, #tpu.memory_space<vmem>>) semaphore(%arg27 : memref<!tpu.dma_semaphore, #tpu.memory_space<semaphore_mem>>)
      } else {
      }
      %scan3A_240 = arith.constant 0 : i32
      scf.yield %scan3A_240 : i32
    }
    %scan3A_63 = arith.constant 5 : i32
    %dma_wait3A = arith.constant 32 : i32
    %dma_wait3A_64 = arith.constant 0 : i32
    %dma_wait3A_65 = tpu.memref_slice %arg8[%dma_wait3A, %dma_wait3A_64] : memref<40x128xi32, #tpu.memory_space<vmem>> -> memref<1x128xi32, #tpu.memory_space<vmem>>
    %dma_wait3A_66 = tpu.memref_squeeze %dma_wait3A_65 : memref<1x128xi32, #tpu.memory_space<vmem>> -> memref<128xi32, #tpu.memory_space<vmem>>
    %dma_wait3A_67 = arith.constant 0 : i32
    %dma_wait3A_68 = arith.constant 0 : i32
    %dma_wait3A_69 = tpu.memref_slice %arg19[%dma_wait3A_67, %dma_wait3A_68] : memref<10240x16xf32, #tpu.memory_space<vmem_shared>> -> memref<10240x16xf32, #tpu.memory_space<vmem_shared>>
    tpu.wait_indirect_dma semaphore(%arg28 : memref<!tpu.dma_semaphore, #tpu.memory_space<semaphore_mem>>) src(%arg9 : memref<128x16xf32, #tpu.memory_space<vmem>>) dst(%dma_wait3A_69 : memref<10240x16xf32, #tpu.memory_space<vmem_shared>>)
    %dma_wait3A_70 = arith.constant 33 : i32
    %dma_wait3A_71 = arith.constant 0 : i32
    %dma_wait3A_72 = tpu.memref_slice %arg8[%dma_wait3A_70, %dma_wait3A_71] : memref<40x128xi32, #tpu.memory_space<vmem>> -> memref<1x128xi32, #tpu.memory_space<vmem>>
    %dma_wait3A_73 = tpu.memref_squeeze %dma_wait3A_72 : memref<1x128xi32, #tpu.memory_space<vmem>> -> memref<128xi32, #tpu.memory_space<vmem>>
    %dma_wait3A_74 = arith.constant 0 : i32
    %dma_wait3A_75 = arith.constant 0 : i32
    %dma_wait3A_76 = tpu.memref_slice %arg19[%dma_wait3A_74, %dma_wait3A_75] : memref<10240x16xf32, #tpu.memory_space<vmem_shared>> -> memref<10240x16xf32, #tpu.memory_space<vmem_shared>>
    tpu.wait_indirect_dma semaphore(%arg29 : memref<!tpu.dma_semaphore, #tpu.memory_space<semaphore_mem>>) src(%arg10 : memref<128x16xf32, #tpu.memory_space<vmem>>) dst(%dma_wait3A_76 : memref<10240x16xf32, #tpu.memory_space<vmem_shared>>)
    %dma_wait3A_77 = arith.constant 34 : i32
    %dma_wait3A_78 = arith.constant 0 : i32
    %dma_wait3A_79 = tpu.memref_slice %arg8[%dma_wait3A_77, %dma_wait3A_78] : memref<40x128xi32, #tpu.memory_space<vmem>> -> memref<1x128xi32, #tpu.memory_space<vmem>>
    %dma_wait3A_80 = tpu.memref_squeeze %dma_wait3A_79 : memref<1x128xi32, #tpu.memory_space<vmem>> -> memref<128xi32, #tpu.memory_space<vmem>>
    %dma_wait3A_81 = arith.constant 0 : i32
    %dma_wait3A_82 = arith.constant 0 : i32
    %dma_wait3A_83 = tpu.memref_slice %arg19[%dma_wait3A_81, %dma_wait3A_82] : memref<10240x16xf32, #tpu.memory_space<vmem_shared>> -> memref<10240x16xf32, #tpu.memory_space<vmem_shared>>
    tpu.wait_indirect_dma semaphore(%arg30 : memref<!tpu.dma_semaphore, #tpu.memory_space<semaphore_mem>>) src(%arg11 : memref<128x16xf32, #tpu.memory_space<vmem>>) dst(%dma_wait3A_83 : memref<10240x16xf32, #tpu.memory_space<vmem_shared>>)
    %dma_wait3A_84 = arith.constant 35 : i32
    %dma_wait3A_85 = arith.constant 0 : i32
    %dma_wait3A_86 = tpu.memref_slice %arg8[%dma_wait3A_84, %dma_wait3A_85] : memref<40x128xi32, #tpu.memory_space<vmem>> -> memref<1x128xi32, #tpu.memory_space<vmem>>
    %dma_wait3A_87 = tpu.memref_squeeze %dma_wait3A_86 : memref<1x128xi32, #tpu.memory_space<vmem>> -> memref<128xi32, #tpu.memory_space<vmem>>
    %dma_wait3A_88 = arith.constant 0 : i32
    %dma_wait3A_89 = arith.constant 0 : i32
    %dma_wait3A_90 = tpu.memref_slice %arg19[%dma_wait3A_88, %dma_wait3A_89] : memref<10240x16xf32, #tpu.memory_space<vmem_shared>> -> memref<10240x16xf32, #tpu.memory_space<vmem_shared>>
    tpu.wait_indirect_dma semaphore(%arg31 : memref<!tpu.dma_semaphore, #tpu.memory_space<semaphore_mem>>) src(%arg12 : memref<128x16xf32, #tpu.memory_space<vmem>>) dst(%dma_wait3A_90 : memref<10240x16xf32, #tpu.memory_space<vmem_shared>>)
    %dma_wait3A_91 = arith.constant 36 : i32
    %dma_wait3A_92 = arith.constant 0 : i32
    %dma_wait3A_93 = tpu.memref_slice %arg8[%dma_wait3A_91, %dma_wait3A_92] : memref<40x128xi32, #tpu.memory_space<vmem>> -> memref<1x128xi32, #tpu.memory_space<vmem>>
    %dma_wait3A_94 = tpu.memref_squeeze %dma_wait3A_93 : memref<1x128xi32, #tpu.memory_space<vmem>> -> memref<128xi32, #tpu.memory_space<vmem>>
    %dma_wait3A_95 = arith.constant 0 : i32
    %dma_wait3A_96 = arith.constant 0 : i32
    %dma_wait3A_97 = tpu.memref_slice %arg19[%dma_wait3A_95, %dma_wait3A_96] : memref<10240x16xf32, #tpu.memory_space<vmem_shared>> -> memref<10240x16xf32, #tpu.memory_space<vmem_shared>>
    tpu.wait_indirect_dma semaphore(%arg32 : memref<!tpu.dma_semaphore, #tpu.memory_space<semaphore_mem>>) src(%arg13 : memref<128x16xf32, #tpu.memory_space<vmem>>) dst(%dma_wait3A_97 : memref<10240x16xf32, #tpu.memory_space<vmem_shared>>)
    %dma_wait3A_98 = arith.constant 37 : i32
    %dma_wait3A_99 = arith.constant 0 : i32
    %dma_wait3A_100 = tpu.memref_slice %arg8[%dma_wait3A_98, %dma_wait3A_99] : memref<40x128xi32, #tpu.memory_space<vmem>> -> memref<1x128xi32, #tpu.memory_space<vmem>>
    %dma_wait3A_101 = tpu.memref_squeeze %dma_wait3A_100 : memref<1x128xi32, #tpu.memory_space<vmem>> -> memref<128xi32, #tpu.memory_space<vmem>>
    %dma_wait3A_102 = arith.constant 0 : i32
    %dma_wait3A_103 = arith.constant 0 : i32
    %dma_wait3A_104 = tpu.memref_slice %arg19[%dma_wait3A_102, %dma_wait3A_103] : memref<10240x16xf32, #tpu.memory_space<vmem_shared>> -> memref<10240x16xf32, #tpu.memory_space<vmem_shared>>
    tpu.wait_indirect_dma semaphore(%arg33 : memref<!tpu.dma_semaphore, #tpu.memory_space<semaphore_mem>>) src(%arg14 : memref<128x16xf32, #tpu.memory_space<vmem>>) dst(%dma_wait3A_104 : memref<10240x16xf32, #tpu.memory_space<vmem_shared>>)
    %dma_wait3A_105 = arith.constant 38 : i32
    %dma_wait3A_106 = arith.constant 0 : i32
    %dma_wait3A_107 = tpu.memref_slice %arg8[%dma_wait3A_105, %dma_wait3A_106] : memref<40x128xi32, #tpu.memory_space<vmem>> -> memref<1x128xi32, #tpu.memory_space<vmem>>
    %dma_wait3A_108 = tpu.memref_squeeze %dma_wait3A_107 : memref<1x128xi32, #tpu.memory_space<vmem>> -> memref<128xi32, #tpu.memory_space<vmem>>
    %dma_wait3A_109 = arith.constant 0 : i32
    %dma_wait3A_110 = arith.constant 0 : i32
    %dma_wait3A_111 = tpu.memref_slice %arg19[%dma_wait3A_109, %dma_wait3A_110] : memref<10240x16xf32, #tpu.memory_space<vmem_shared>> -> memref<10240x16xf32, #tpu.memory_space<vmem_shared>>
    tpu.wait_indirect_dma semaphore(%arg34 : memref<!tpu.dma_semaphore, #tpu.memory_space<semaphore_mem>>) src(%arg15 : memref<128x16xf32, #tpu.memory_space<vmem>>) dst(%dma_wait3A_111 : memref<10240x16xf32, #tpu.memory_space<vmem_shared>>)
    %dma_wait3A_112 = arith.constant 39 : i32
    %dma_wait3A_113 = arith.constant 0 : i32
    %dma_wait3A_114 = tpu.memref_slice %arg8[%dma_wait3A_112, %dma_wait3A_113] : memref<40x128xi32, #tpu.memory_space<vmem>> -> memref<1x128xi32, #tpu.memory_space<vmem>>
    %dma_wait3A_115 = tpu.memref_squeeze %dma_wait3A_114 : memref<1x128xi32, #tpu.memory_space<vmem>> -> memref<128xi32, #tpu.memory_space<vmem>>
    %dma_wait3A_116 = arith.constant 0 : i32
    %dma_wait3A_117 = arith.constant 0 : i32
    %dma_wait3A_118 = tpu.memref_slice %arg19[%dma_wait3A_116, %dma_wait3A_117] : memref<10240x16xf32, #tpu.memory_space<vmem_shared>> -> memref<10240x16xf32, #tpu.memory_space<vmem_shared>>
    tpu.wait_indirect_dma semaphore(%arg35 : memref<!tpu.dma_semaphore, #tpu.memory_space<semaphore_mem>>) src(%arg16 : memref<128x16xf32, #tpu.memory_space<vmem>>) dst(%dma_wait3A_118 : memref<10240x16xf32, #tpu.memory_space<vmem_shared>>)
    %barrier3A_119 = arith.constant 0 : index
    tpu.barrier barrier_id(%barrier3A_119)
    %mul3A_120 = arith.constant 640 : i32
    %mul3A_121 = arith.muli %arg1, %mul3A_120 : i32
    "tpu.region"() ({
      %run_scoped3A = tpu.sem_alloc : memref<!tpu.dma_semaphore, #tpu.memory_space<semaphore_mem>>
      %dma_start3A_122 = arith.constant 0 : i32
      %dma_start3A_123 = tpu.memref_slice %arg19[%mul3A_121, %dma_start3A_122] : memref<10240x16xf32, #tpu.memory_space<vmem_shared>> -> memref<640x16xf32, #tpu.memory_space<vmem_shared>>
      %dma_start3A_124 = arith.constant 0 : i32
      %dma_start3A_125 = tpu.memref_slice %arg19[%mul3A_121, %dma_start3A_124] : memref<10240x16xf32, #tpu.memory_space<vmem_shared>> -> memref<640x16xf32, #tpu.memory_space<vmem_shared>>
      tpu.enqueue_dma source(%dma_start3A_125 : memref<640x16xf32, #tpu.memory_space<vmem_shared>>) target(%arg17 : memref<640x16xf32, #tpu.memory_space<vmem>>) target_semaphore(%run_scoped3A : memref<!tpu.dma_semaphore, #tpu.memory_space<semaphore_mem>>)
      %dma_wait3A_126 = arith.constant 0 : i32
      %dma_wait3A_127 = tpu.memref_slice %arg19[%mul3A_121, %dma_wait3A_126] : memref<10240x16xf32, #tpu.memory_space<vmem_shared>> -> memref<640x16xf32, #tpu.memory_space<vmem_shared>>
      %dma_wait3A_128 = arith.constant 0 : i32
      %dma_wait3A_129 = tpu.memref_slice %arg19[%mul3A_121, %dma_wait3A_128] : memref<10240x16xf32, #tpu.memory_space<vmem_shared>> -> memref<640x16xf32, #tpu.memory_space<vmem_shared>>
      tpu.wait_dma2 semaphore(%run_scoped3A : memref<!tpu.dma_semaphore, #tpu.memory_space<semaphore_mem>>) src(%dma_wait3A_129 : memref<640x16xf32, #tpu.memory_space<vmem_shared>>) dst(%arg17 : memref<640x16xf32, #tpu.memory_space<vmem>>)
      tpu.yield
    }) : () -> ()
    "tpu.region"() ({
      %run_scoped3A = tpu.sem_alloc : memref<!tpu.dma_semaphore, #tpu.memory_space<semaphore_mem>>
      %dma_start3A_122 = arith.constant 0 : i32
      %dma_start3A_123 = tpu.memref_slice %arg6[%arg0, %mul3A_121, %dma_start3A_122] : memref<2x10240x16xf32, #tpu.memory_space<hbm>> -> memref<1x640x16xf32, #tpu.memory_space<hbm>>
      %dma_start3A_124 = tpu.memref_squeeze %dma_start3A_123 : memref<1x640x16xf32, #tpu.memory_space<hbm>> -> memref<640x16xf32, #tpu.memory_space<hbm>>
      %dma_start3A_125 = arith.constant 0 : i32
      %dma_start3A_126 = tpu.memref_slice %arg6[%arg0, %mul3A_121, %dma_start3A_125] : memref<2x10240x16xf32, #tpu.memory_space<hbm>> -> memref<1x640x16xf32, #tpu.memory_space<hbm>>
      %dma_start3A_127 = tpu.memref_squeeze %dma_start3A_126 : memref<1x640x16xf32, #tpu.memory_space<hbm>> -> memref<640x16xf32, #tpu.memory_space<hbm>>
      tpu.enqueue_dma source(%arg17 : memref<640x16xf32, #tpu.memory_space<vmem>>) target(%dma_start3A_127 : memref<640x16xf32, #tpu.memory_space<hbm>>) target_semaphore(%run_scoped3A : memref<!tpu.dma_semaphore, #tpu.memory_space<semaphore_mem>>)
      %dma_wait3A_128 = arith.constant 0 : i32
      %dma_wait3A_129 = tpu.memref_slice %arg6[%arg0, %mul3A_121, %dma_wait3A_128] : memref<2x10240x16xf32, #tpu.memory_space<hbm>> -> memref<1x640x16xf32, #tpu.memory_space<hbm>>
      %dma_wait3A_130 = tpu.memref_squeeze %dma_wait3A_129 : memref<1x640x16xf32, #tpu.memory_space<hbm>> -> memref<640x16xf32, #tpu.memory_space<hbm>>
      %dma_wait3A_131 = arith.constant 0 : i32
      %dma_wait3A_132 = tpu.memref_slice %arg6[%arg0, %mul3A_121, %dma_wait3A_131] : memref<2x10240x16xf32, #tpu.memory_space<hbm>> -> memref<1x640x16xf32, #tpu.memory_space<hbm>>
      %dma_wait3A_133 = tpu.memref_squeeze %dma_wait3A_132 : memref<1x640x16xf32, #tpu.memory_space<hbm>> -> memref<640x16xf32, #tpu.memory_space<hbm>>
      tpu.wait_dma2 semaphore(%run_scoped3A : memref<!tpu.dma_semaphore, #tpu.memory_space<semaphore_mem>>) src(%arg17 : memref<640x16xf32, #tpu.memory_space<vmem>>) dst(%dma_wait3A_133 : memref<640x16xf32, #tpu.memory_space<hbm>>)
      tpu.yield
    }) : () -> ()
    return
  }
}

#map = affine_map<(d0, d1) -> (0, 0)>
#map1 = affine_map<(d0, d1) -> (0, 0, 0)>
module attributes {stable_mosaic.version = 14 : i64} {
  func.func @_agg_body(%arg0: i32, %arg1: i32, %arg2: memref<10240x16xf32, #tpu.memory_space<hbm>>, %arg3: memref<32x40x128xi32, #tpu.memory_space<hbm>>, %arg4: memref<32x40x128xi32, #tpu.memory_space<hbm>>, %arg5: memref<640x16xf32, #tpu.memory_space<hbm>>, %arg6: memref<2x10240x16xf32, #tpu.memory_space<hbm>>, %arg7: memref<40x128xi32, #tpu.memory_space<vmem>>, %arg8: memref<40x128xi32, #tpu.memory_space<vmem>>, %arg9: memref<128x16xf32, #tpu.memory_space<vmem>>, %arg10: memref<128x16xf32, #tpu.memory_space<vmem>>, %arg11: memref<128x16xf32, #tpu.memory_space<vmem>>, %arg12: memref<128x16xf32, #tpu.memory_space<vmem>>, %arg13: memref<128x16xf32, #tpu.memory_space<vmem>>, %arg14: memref<128x16xf32, #tpu.memory_space<vmem>>, %arg15: memref<128x16xf32, #tpu.memory_space<vmem>>, %arg16: memref<128x16xf32, #tpu.memory_space<vmem>>, %arg17: memref<640x16xf32, #tpu.memory_space<vmem>>, %arg18: memref<10240x16xf32, #tpu.memory_space<vmem_shared>>, %arg19: memref<10240x16xf32, #tpu.memory_space<vmem_shared>>, %arg20: memref<!tpu.dma_semaphore, #tpu.memory_space<semaphore_mem>>, %arg21: memref<!tpu.dma_semaphore, #tpu.memory_space<semaphore_mem>>, %arg22: memref<!tpu.dma_semaphore, #tpu.memory_space<semaphore_mem>>, %arg23: memref<!tpu.dma_semaphore, #tpu.memory_space<semaphore_mem>>, %arg24: memref<!tpu.dma_semaphore, #tpu.memory_space<semaphore_mem>>, %arg25: memref<!tpu.dma_semaphore, #tpu.memory_space<semaphore_mem>>, %arg26: memref<!tpu.dma_semaphore, #tpu.memory_space<semaphore_mem>>, %arg27: memref<!tpu.dma_semaphore, #tpu.memory_space<semaphore_mem>>, %arg28: memref<!tpu.dma_semaphore, #tpu.memory_space<semaphore_mem>>, %arg29: memref<!tpu.dma_semaphore, #tpu.memory_space<semaphore_mem>>, %arg30: memref<!tpu.dma_semaphore, #tpu.memory_space<semaphore_mem>>, %arg31: memref<!tpu.dma_semaphore, #tpu.memory_space<semaphore_mem>>, %arg32: memref<!tpu.dma_semaphore, #tpu.memory_space<semaphore_mem>>, %arg33: memref<!tpu.dma_semaphore, #tpu.memory_space<semaphore_mem>>, %arg34: memref<!tpu.dma_semaphore, #tpu.memory_space<semaphore_mem>>, %arg35: memref<!tpu.dma_semaphore, #tpu.memory_space<semaphore_mem>>) attributes {dimension_semantics = [#tpu.dimension_semantics<core_parallel>, #tpu.dimension_semantics<subcore_parallel>], iteration_bounds = array<i64: 2, 16>, scalar_prefetch = 0 : i64, scratch_operands = 29 : i64, tpu.core_type = #tpu.core_type<sc_vector_subcore>, window_params = [{transform_indices = #map}, {transform_indices = #map1}, {transform_indices = #map1}, {transform_indices = #map}, {transform_indices = #map1}]} {
    %mul3A = arith.constant 2 : i32
    %mul3A_0 = arith.muli %arg1, %mul3A : i32
    %add3A = arith.addi %mul3A_0, %arg0 : i32
    %mul3A_1 = arith.constant 640 : i32
    %mul3A_2 = arith.muli %arg1, %mul3A_1 : i32
    "tpu.region"() ({
      %run_scoped3A = tpu.sem_alloc : memref<!tpu.dma_semaphore, #tpu.memory_space<semaphore_mem>>
      %dma_start3A_122 = arith.constant 0 : i32
      %dma_start3A_123 = tpu.memref_slice %arg2[%mul3A_2, %dma_start3A_122] : memref<10240x16xf32, #tpu.memory_space<hbm>> -> memref<640x16xf32, #tpu.memory_space<hbm>>
      %dma_start3A_124 = arith.constant 0 : i32
      %dma_start3A_125 = tpu.memref_slice %arg2[%mul3A_2, %dma_start3A_124] : memref<10240x16xf32, #tpu.memory_space<hbm>> -> memref<640x16xf32, #tpu.memory_space<hbm>>
      tpu.enqueue_dma source(%dma_start3A_125 : memref<640x16xf32, #tpu.memory_space<hbm>>) target(%arg17 : memref<640x16xf32, #tpu.memory_space<vmem>>) target_semaphore(%run_scoped3A : memref<!tpu.dma_semaphore, #tpu.memory_space<semaphore_mem>>)
      %dma_wait3A_126 = arith.constant 0 : i32
      %dma_wait3A_127 = tpu.memref_slice %arg2[%mul3A_2, %dma_wait3A_126] : memref<10240x16xf32, #tpu.memory_space<hbm>> -> memref<640x16xf32, #tpu.memory_space<hbm>>
      %dma_wait3A_128 = arith.constant 0 : i32
      %dma_wait3A_129 = tpu.memref_slice %arg2[%mul3A_2, %dma_wait3A_128] : memref<10240x16xf32, #tpu.memory_space<hbm>> -> memref<640x16xf32, #tpu.memory_space<hbm>>
      tpu.wait_dma2 semaphore(%run_scoped3A : memref<!tpu.dma_semaphore, #tpu.memory_space<semaphore_mem>>) src(%dma_wait3A_129 : memref<640x16xf32, #tpu.memory_space<hbm>>) dst(%arg17 : memref<640x16xf32, #tpu.memory_space<vmem>>)
      tpu.yield
    }) : () -> ()
    "tpu.region"() ({
      %run_scoped3A = tpu.sem_alloc : memref<!tpu.dma_semaphore, #tpu.memory_space<semaphore_mem>>
      %dma_start3A_122 = arith.constant 0 : i32
      %dma_start3A_123 = tpu.memref_slice %arg18[%mul3A_2, %dma_start3A_122] : memref<10240x16xf32, #tpu.memory_space<vmem_shared>> -> memref<640x16xf32, #tpu.memory_space<vmem_shared>>
      %dma_start3A_124 = arith.constant 0 : i32
      %dma_start3A_125 = tpu.memref_slice %arg18[%mul3A_2, %dma_start3A_124] : memref<10240x16xf32, #tpu.memory_space<vmem_shared>> -> memref<640x16xf32, #tpu.memory_space<vmem_shared>>
      tpu.enqueue_dma source(%arg17 : memref<640x16xf32, #tpu.memory_space<vmem>>) target(%dma_start3A_125 : memref<640x16xf32, #tpu.memory_space<vmem_shared>>) target_semaphore(%run_scoped3A : memref<!tpu.dma_semaphore, #tpu.memory_space<semaphore_mem>>)
      %dma_wait3A_126 = arith.constant 0 : i32
      %dma_wait3A_127 = tpu.memref_slice %arg18[%mul3A_2, %dma_wait3A_126] : memref<10240x16xf32, #tpu.memory_space<vmem_shared>> -> memref<640x16xf32, #tpu.memory_space<vmem_shared>>
      %dma_wait3A_128 = arith.constant 0 : i32
      %dma_wait3A_129 = tpu.memref_slice %arg18[%mul3A_2, %dma_wait3A_128] : memref<10240x16xf32, #tpu.memory_space<vmem_shared>> -> memref<640x16xf32, #tpu.memory_space<vmem_shared>>
      tpu.wait_dma2 semaphore(%run_scoped3A : memref<!tpu.dma_semaphore, #tpu.memory_space<semaphore_mem>>) src(%arg17 : memref<640x16xf32, #tpu.memory_space<vmem>>) dst(%dma_wait3A_129 : memref<640x16xf32, #tpu.memory_space<vmem_shared>>)
      tpu.yield
    }) : () -> ()
    "tpu.region"() ({
      %run_scoped3A = tpu.sem_alloc : memref<!tpu.dma_semaphore, #tpu.memory_space<semaphore_mem>>
      tpu.enqueue_dma source(%arg5 : memref<640x16xf32, #tpu.memory_space<hbm>>) target(%arg17 : memref<640x16xf32, #tpu.memory_space<vmem>>) target_semaphore(%run_scoped3A : memref<!tpu.dma_semaphore, #tpu.memory_space<semaphore_mem>>)
      tpu.wait_dma2 semaphore(%run_scoped3A : memref<!tpu.dma_semaphore, #tpu.memory_space<semaphore_mem>>) src(%arg5 : memref<640x16xf32, #tpu.memory_space<hbm>>) dst(%arg17 : memref<640x16xf32, #tpu.memory_space<vmem>>)
      tpu.yield
    }) : () -> ()
    "tpu.region"() ({
      %run_scoped3A = tpu.sem_alloc : memref<!tpu.dma_semaphore, #tpu.memory_space<semaphore_mem>>
      %dma_start3A_122 = arith.constant 0 : i32
      %dma_start3A_123 = tpu.memref_slice %arg19[%mul3A_2, %dma_start3A_122] : memref<10240x16xf32, #tpu.memory_space<vmem_shared>> -> memref<640x16xf32, #tpu.memory_space<vmem_shared>>
      %dma_start3A_124 = arith.constant 0 : i32
      %dma_start3A_125 = tpu.memref_slice %arg19[%mul3A_2, %dma_start3A_124] : memref<10240x16xf32, #tpu.memory_space<vmem_shared>> -> memref<640x16xf32, #tpu.memory_space<vmem_shared>>
      tpu.enqueue_dma source(%arg17 : memref<640x16xf32, #tpu.memory_space<vmem>>) target(%dma_start3A_125 : memref<640x16xf32, #tpu.memory_space<vmem_shared>>) target_semaphore(%run_scoped3A : memref<!tpu.dma_semaphore, #tpu.memory_space<semaphore_mem>>)
      %dma_wait3A_126 = arith.constant 0 : i32
      %dma_wait3A_127 = tpu.memref_slice %arg19[%mul3A_2, %dma_wait3A_126] : memref<10240x16xf32, #tpu.memory_space<vmem_shared>> -> memref<640x16xf32, #tpu.memory_space<vmem_shared>>
      %dma_wait3A_128 = arith.constant 0 : i32
      %dma_wait3A_129 = tpu.memref_slice %arg19[%mul3A_2, %dma_wait3A_128] : memref<10240x16xf32, #tpu.memory_space<vmem_shared>> -> memref<640x16xf32, #tpu.memory_space<vmem_shared>>
      tpu.wait_dma2 semaphore(%run_scoped3A : memref<!tpu.dma_semaphore, #tpu.memory_space<semaphore_mem>>) src(%arg17 : memref<640x16xf32, #tpu.memory_space<vmem>>) dst(%dma_wait3A_129 : memref<640x16xf32, #tpu.memory_space<vmem_shared>>)
      tpu.yield
    }) : () -> ()
    "tpu.region"() ({
      %run_scoped3A = tpu.sem_alloc : memref<!tpu.dma_semaphore, #tpu.memory_space<semaphore_mem>>
      %dma_start3A_122 = arith.constant 0 : i32
      %dma_start3A_123 = arith.constant 0 : i32
      %dma_start3A_124 = tpu.memref_slice %arg3[%add3A, %dma_start3A_122, %dma_start3A_123] : memref<32x40x128xi32, #tpu.memory_space<hbm>> -> memref<1x40x128xi32, #tpu.memory_space<hbm>>
      %dma_start3A_125 = tpu.memref_squeeze %dma_start3A_124 : memref<1x40x128xi32, #tpu.memory_space<hbm>> -> memref<40x128xi32, #tpu.memory_space<hbm>>
      %dma_start3A_126 = arith.constant 0 : i32
      %dma_start3A_127 = arith.constant 0 : i32
      %dma_start3A_128 = tpu.memref_slice %arg3[%add3A, %dma_start3A_126, %dma_start3A_127] : memref<32x40x128xi32, #tpu.memory_space<hbm>> -> memref<1x40x128xi32, #tpu.memory_space<hbm>>
      %dma_start3A_129 = tpu.memref_squeeze %dma_start3A_128 : memref<1x40x128xi32, #tpu.memory_space<hbm>> -> memref<40x128xi32, #tpu.memory_space<hbm>>
      tpu.enqueue_dma source(%dma_start3A_129 : memref<40x128xi32, #tpu.memory_space<hbm>>) target(%arg7 : memref<40x128xi32, #tpu.memory_space<vmem>>) target_semaphore(%run_scoped3A : memref<!tpu.dma_semaphore, #tpu.memory_space<semaphore_mem>>)
      %dma_wait3A_130 = arith.constant 0 : i32
      %dma_wait3A_131 = arith.constant 0 : i32
      %dma_wait3A_132 = tpu.memref_slice %arg3[%add3A, %dma_wait3A_130, %dma_wait3A_131] : memref<32x40x128xi32, #tpu.memory_space<hbm>> -> memref<1x40x128xi32, #tpu.memory_space<hbm>>
      %dma_wait3A_133 = tpu.memref_squeeze %dma_wait3A_132 : memref<1x40x128xi32, #tpu.memory_space<hbm>> -> memref<40x128xi32, #tpu.memory_space<hbm>>
      %dma_wait3A_134 = arith.constant 0 : i32
      %dma_wait3A_135 = arith.constant 0 : i32
      %dma_wait3A_136 = tpu.memref_slice %arg3[%add3A, %dma_wait3A_134, %dma_wait3A_135] : memref<32x40x128xi32, #tpu.memory_space<hbm>> -> memref<1x40x128xi32, #tpu.memory_space<hbm>>
      %dma_wait3A_137 = tpu.memref_squeeze %dma_wait3A_136 : memref<1x40x128xi32, #tpu.memory_space<hbm>> -> memref<40x128xi32, #tpu.memory_space<hbm>>
      tpu.wait_dma2 semaphore(%run_scoped3A : memref<!tpu.dma_semaphore, #tpu.memory_space<semaphore_mem>>) src(%dma_wait3A_137 : memref<40x128xi32, #tpu.memory_space<hbm>>) dst(%arg7 : memref<40x128xi32, #tpu.memory_space<vmem>>)
      tpu.yield
    }) : () -> ()
    "tpu.region"() ({
      %run_scoped3A = tpu.sem_alloc : memref<!tpu.dma_semaphore, #tpu.memory_space<semaphore_mem>>
      %dma_start3A_122 = arith.constant 0 : i32
      %dma_start3A_123 = arith.constant 0 : i32
      %dma_start3A_124 = tpu.memref_slice %arg4[%add3A, %dma_start3A_122, %dma_start3A_123] : memref<32x40x128xi32, #tpu.memory_space<hbm>> -> memref<1x40x128xi32, #tpu.memory_space<hbm>>
      %dma_start3A_125 = tpu.memref_squeeze %dma_start3A_124 : memref<1x40x128xi32, #tpu.memory_space<hbm>> -> memref<40x128xi32, #tpu.memory_space<hbm>>
      %dma_start3A_126 = arith.constant 0 : i32
      %dma_start3A_127 = arith.constant 0 : i32
      %dma_start3A_128 = tpu.memref_slice %arg4[%add3A, %dma_start3A_126, %dma_start3A_127] : memref<32x40x128xi32, #tpu.memory_space<hbm>> -> memref<1x40x128xi32, #tpu.memory_space<hbm>>
      %dma_start3A_129 = tpu.memref_squeeze %dma_start3A_128 : memref<1x40x128xi32, #tpu.memory_space<hbm>> -> memref<40x128xi32, #tpu.memory_space<hbm>>
      tpu.enqueue_dma source(%dma_start3A_129 : memref<40x128xi32, #tpu.memory_space<hbm>>) target(%arg8 : memref<40x128xi32, #tpu.memory_space<vmem>>) target_semaphore(%run_scoped3A : memref<!tpu.dma_semaphore, #tpu.memory_space<semaphore_mem>>)
      %dma_wait3A_130 = arith.constant 0 : i32
      %dma_wait3A_131 = arith.constant 0 : i32
      %dma_wait3A_132 = tpu.memref_slice %arg4[%add3A, %dma_wait3A_130, %dma_wait3A_131] : memref<32x40x128xi32, #tpu.memory_space<hbm>> -> memref<1x40x128xi32, #tpu.memory_space<hbm>>
      %dma_wait3A_133 = tpu.memref_squeeze %dma_wait3A_132 : memref<1x40x128xi32, #tpu.memory_space<hbm>> -> memref<40x128xi32, #tpu.memory_space<hbm>>
      %dma_wait3A_134 = arith.constant 0 : i32
      %dma_wait3A_135 = arith.constant 0 : i32
      %dma_wait3A_136 = tpu.memref_slice %arg4[%add3A, %dma_wait3A_134, %dma_wait3A_135] : memref<32x40x128xi32, #tpu.memory_space<hbm>> -> memref<1x40x128xi32, #tpu.memory_space<hbm>>
      %dma_wait3A_137 = tpu.memref_squeeze %dma_wait3A_136 : memref<1x40x128xi32, #tpu.memory_space<hbm>> -> memref<40x128xi32, #tpu.memory_space<hbm>>
      tpu.wait_dma2 semaphore(%run_scoped3A : memref<!tpu.dma_semaphore, #tpu.memory_space<semaphore_mem>>) src(%dma_wait3A_137 : memref<40x128xi32, #tpu.memory_space<hbm>>) dst(%arg8 : memref<40x128xi32, #tpu.memory_space<vmem>>)
      tpu.yield
    }) : () -> ()
    %barrier3A = arith.constant 0 : index
    tpu.barrier barrier_id(%barrier3A)
    %dma_start3A = arith.constant 0 : i32
    %dma_start3A_3 = arith.constant 0 : i32
    %dma_start3A_4 = tpu.memref_slice %arg7[%dma_start3A, %dma_start3A_3] : memref<40x128xi32, #tpu.memory_space<vmem>> -> memref<1x128xi32, #tpu.memory_space<vmem>>
    %dma_start3A_5 = tpu.memref_squeeze %dma_start3A_4 : memref<1x128xi32, #tpu.memory_space<vmem>> -> memref<128xi32, #tpu.memory_space<vmem>>
    %dma_start3A_6 = arith.constant 0 : i32
    %dma_start3A_7 = arith.constant 0 : i32
    %dma_start3A_8 = tpu.memref_slice %arg18[%dma_start3A_6, %dma_start3A_7] : memref<10240x16xf32, #tpu.memory_space<vmem_shared>> -> memref<10240x16xf32, #tpu.memory_space<vmem_shared>>
    tpu.enqueue_indirect_dma source(%dma_start3A_8 : memref<10240x16xf32, #tpu.memory_space<vmem_shared>>) target(%arg9 : memref<128x16xf32, #tpu.memory_space<vmem>>) offsets(%dma_start3A_5 : memref<128xi32, #tpu.memory_space<vmem>>) semaphore(%arg20 : memref<!tpu.dma_semaphore, #tpu.memory_space<semaphore_mem>>)
    %dma_start3A_9 = arith.constant 1 : i32
    %dma_start3A_10 = arith.constant 0 : i32
    %dma_start3A_11 = tpu.memref_slice %arg7[%dma_start3A_9, %dma_start3A_10] : memref<40x128xi32, #tpu.memory_space<vmem>> -> memref<1x128xi32, #tpu.memory_space<vmem>>
    %dma_start3A_12 = tpu.memref_squeeze %dma_start3A_11 : memref<1x128xi32, #tpu.memory_space<vmem>> -> memref<128xi32, #tpu.memory_space<vmem>>
    %dma_start3A_13 = arith.constant 0 : i32
    %dma_start3A_14 = arith.constant 0 : i32
    %dma_start3A_15 = tpu.memref_slice %arg18[%dma_start3A_13, %dma_start3A_14] : memref<10240x16xf32, #tpu.memory_space<vmem_shared>> -> memref<10240x16xf32, #tpu.memory_space<vmem_shared>>
    tpu.enqueue_indirect_dma source(%dma_start3A_15 : memref<10240x16xf32, #tpu.memory_space<vmem_shared>>) target(%arg10 : memref<128x16xf32, #tpu.memory_space<vmem>>) offsets(%dma_start3A_12 : memref<128xi32, #tpu.memory_space<vmem>>) semaphore(%arg21 : memref<!tpu.dma_semaphore, #tpu.memory_space<semaphore_mem>>)
    %dma_start3A_16 = arith.constant 2 : i32
    %dma_start3A_17 = arith.constant 0 : i32
    %dma_start3A_18 = tpu.memref_slice %arg7[%dma_start3A_16, %dma_start3A_17] : memref<40x128xi32, #tpu.memory_space<vmem>> -> memref<1x128xi32, #tpu.memory_space<vmem>>
    %dma_start3A_19 = tpu.memref_squeeze %dma_start3A_18 : memref<1x128xi32, #tpu.memory_space<vmem>> -> memref<128xi32, #tpu.memory_space<vmem>>
    %dma_start3A_20 = arith.constant 0 : i32
    %dma_start3A_21 = arith.constant 0 : i32
    %dma_start3A_22 = tpu.memref_slice %arg18[%dma_start3A_20, %dma_start3A_21] : memref<10240x16xf32, #tpu.memory_space<vmem_shared>> -> memref<10240x16xf32, #tpu.memory_space<vmem_shared>>
    tpu.enqueue_indirect_dma source(%dma_start3A_22 : memref<10240x16xf32, #tpu.memory_space<vmem_shared>>) target(%arg11 : memref<128x16xf32, #tpu.memory_space<vmem>>) offsets(%dma_start3A_19 : memref<128xi32, #tpu.memory_space<vmem>>) semaphore(%arg22 : memref<!tpu.dma_semaphore, #tpu.memory_space<semaphore_mem>>)
    %dma_start3A_23 = arith.constant 3 : i32
    %dma_start3A_24 = arith.constant 0 : i32
    %dma_start3A_25 = tpu.memref_slice %arg7[%dma_start3A_23, %dma_start3A_24] : memref<40x128xi32, #tpu.memory_space<vmem>> -> memref<1x128xi32, #tpu.memory_space<vmem>>
    %dma_start3A_26 = tpu.memref_squeeze %dma_start3A_25 : memref<1x128xi32, #tpu.memory_space<vmem>> -> memref<128xi32, #tpu.memory_space<vmem>>
    %dma_start3A_27 = arith.constant 0 : i32
    %dma_start3A_28 = arith.constant 0 : i32
    %dma_start3A_29 = tpu.memref_slice %arg18[%dma_start3A_27, %dma_start3A_28] : memref<10240x16xf32, #tpu.memory_space<vmem_shared>> -> memref<10240x16xf32, #tpu.memory_space<vmem_shared>>
    tpu.enqueue_indirect_dma source(%dma_start3A_29 : memref<10240x16xf32, #tpu.memory_space<vmem_shared>>) target(%arg12 : memref<128x16xf32, #tpu.memory_space<vmem>>) offsets(%dma_start3A_26 : memref<128xi32, #tpu.memory_space<vmem>>) semaphore(%arg23 : memref<!tpu.dma_semaphore, #tpu.memory_space<semaphore_mem>>)
    %dma_start3A_30 = arith.constant 4 : i32
    %dma_start3A_31 = arith.constant 0 : i32
    %dma_start3A_32 = tpu.memref_slice %arg7[%dma_start3A_30, %dma_start3A_31] : memref<40x128xi32, #tpu.memory_space<vmem>> -> memref<1x128xi32, #tpu.memory_space<vmem>>
    %dma_start3A_33 = tpu.memref_squeeze %dma_start3A_32 : memref<1x128xi32, #tpu.memory_space<vmem>> -> memref<128xi32, #tpu.memory_space<vmem>>
    %dma_start3A_34 = arith.constant 0 : i32
    %dma_start3A_35 = arith.constant 0 : i32
    %dma_start3A_36 = tpu.memref_slice %arg18[%dma_start3A_34, %dma_start3A_35] : memref<10240x16xf32, #tpu.memory_space<vmem_shared>> -> memref<10240x16xf32, #tpu.memory_space<vmem_shared>>
    tpu.enqueue_indirect_dma source(%dma_start3A_36 : memref<10240x16xf32, #tpu.memory_space<vmem_shared>>) target(%arg13 : memref<128x16xf32, #tpu.memory_space<vmem>>) offsets(%dma_start3A_33 : memref<128xi32, #tpu.memory_space<vmem>>) semaphore(%arg24 : memref<!tpu.dma_semaphore, #tpu.memory_space<semaphore_mem>>)
    %dma_start3A_37 = arith.constant 5 : i32
    %dma_start3A_38 = arith.constant 0 : i32
    %dma_start3A_39 = tpu.memref_slice %arg7[%dma_start3A_37, %dma_start3A_38] : memref<40x128xi32, #tpu.memory_space<vmem>> -> memref<1x128xi32, #tpu.memory_space<vmem>>
    %dma_start3A_40 = tpu.memref_squeeze %dma_start3A_39 : memref<1x128xi32, #tpu.memory_space<vmem>> -> memref<128xi32, #tpu.memory_space<vmem>>
    %dma_start3A_41 = arith.constant 0 : i32
    %dma_start3A_42 = arith.constant 0 : i32
    %dma_start3A_43 = tpu.memref_slice %arg18[%dma_start3A_41, %dma_start3A_42] : memref<10240x16xf32, #tpu.memory_space<vmem_shared>> -> memref<10240x16xf32, #tpu.memory_space<vmem_shared>>
    tpu.enqueue_indirect_dma source(%dma_start3A_43 : memref<10240x16xf32, #tpu.memory_space<vmem_shared>>) target(%arg14 : memref<128x16xf32, #tpu.memory_space<vmem>>) offsets(%dma_start3A_40 : memref<128xi32, #tpu.memory_space<vmem>>) semaphore(%arg25 : memref<!tpu.dma_semaphore, #tpu.memory_space<semaphore_mem>>)
    %dma_start3A_44 = arith.constant 6 : i32
    %dma_start3A_45 = arith.constant 0 : i32
    %dma_start3A_46 = tpu.memref_slice %arg7[%dma_start3A_44, %dma_start3A_45] : memref<40x128xi32, #tpu.memory_space<vmem>> -> memref<1x128xi32, #tpu.memory_space<vmem>>
    %dma_start3A_47 = tpu.memref_squeeze %dma_start3A_46 : memref<1x128xi32, #tpu.memory_space<vmem>> -> memref<128xi32, #tpu.memory_space<vmem>>
    %dma_start3A_48 = arith.constant 0 : i32
    %dma_start3A_49 = arith.constant 0 : i32
    %dma_start3A_50 = tpu.memref_slice %arg18[%dma_start3A_48, %dma_start3A_49] : memref<10240x16xf32, #tpu.memory_space<vmem_shared>> -> memref<10240x16xf32, #tpu.memory_space<vmem_shared>>
    tpu.enqueue_indirect_dma source(%dma_start3A_50 : memref<10240x16xf32, #tpu.memory_space<vmem_shared>>) target(%arg15 : memref<128x16xf32, #tpu.memory_space<vmem>>) offsets(%dma_start3A_47 : memref<128xi32, #tpu.memory_space<vmem>>) semaphore(%arg26 : memref<!tpu.dma_semaphore, #tpu.memory_space<semaphore_mem>>)
    %dma_start3A_51 = arith.constant 7 : i32
    %dma_start3A_52 = arith.constant 0 : i32
    %dma_start3A_53 = tpu.memref_slice %arg7[%dma_start3A_51, %dma_start3A_52] : memref<40x128xi32, #tpu.memory_space<vmem>> -> memref<1x128xi32, #tpu.memory_space<vmem>>
    %dma_start3A_54 = tpu.memref_squeeze %dma_start3A_53 : memref<1x128xi32, #tpu.memory_space<vmem>> -> memref<128xi32, #tpu.memory_space<vmem>>
    %dma_start3A_55 = arith.constant 0 : i32
    %dma_start3A_56 = arith.constant 0 : i32
    %dma_start3A_57 = tpu.memref_slice %arg18[%dma_start3A_55, %dma_start3A_56] : memref<10240x16xf32, #tpu.memory_space<vmem_shared>> -> memref<10240x16xf32, #tpu.memory_space<vmem_shared>>
    tpu.enqueue_indirect_dma source(%dma_start3A_57 : memref<10240x16xf32, #tpu.memory_space<vmem_shared>>) target(%arg16 : memref<128x16xf32, #tpu.memory_space<vmem>>) offsets(%dma_start3A_54 : memref<128xi32, #tpu.memory_space<vmem>>) semaphore(%arg27 : memref<!tpu.dma_semaphore, #tpu.memory_space<semaphore_mem>>)
    %scan3A = arith.constant 0 : i32
    %scan3A_58 = arith.constant 0 : i32
    %scan3A_59 = arith.constant 5 : i32
    %scan3A_60 = arith.addi %scan3A_58, %scan3A_59 : i32
    %scan3A_61 = arith.constant 1 : i32
    %scan3A_62 = scf.for %scan3A_122 = %scan3A_58 to %scan3A_60 step %scan3A_61 iter_args(%scan3A_123 = %scan3A) -> (i32)  : i32 {
      %mul3A_124 = arith.constant 8 : i32
      %mul3A_125 = arith.muli %scan3A_122, %mul3A_124 : i32
      %add3A_126 = arith.constant 0 : i32
      %add3A_127 = arith.addi %mul3A_125, %add3A_126 : i32
      %dma_wait3A_128 = arith.constant 0 : i32
      %dma_wait3A_129 = tpu.memref_slice %arg7[%add3A_127, %dma_wait3A_128] : memref<40x128xi32, #tpu.memory_space<vmem>> -> memref<1x128xi32, #tpu.memory_space<vmem>>
      %dma_wait3A_130 = tpu.memref_squeeze %dma_wait3A_129 : memref<1x128xi32, #tpu.memory_space<vmem>> -> memref<128xi32, #tpu.memory_space<vmem>>
      %dma_wait3A_131 = arith.constant 0 : i32
      %dma_wait3A_132 = arith.constant 0 : i32
      %dma_wait3A_133 = tpu.memref_slice %arg18[%dma_wait3A_131, %dma_wait3A_132] : memref<10240x16xf32, #tpu.memory_space<vmem_shared>> -> memref<10240x16xf32, #tpu.memory_space<vmem_shared>>
      tpu.wait_indirect_dma semaphore(%arg20 : memref<!tpu.dma_semaphore, #tpu.memory_space<semaphore_mem>>) src(%dma_wait3A_133 : memref<10240x16xf32, #tpu.memory_space<vmem_shared>>) dst(%arg9 : memref<128x16xf32, #tpu.memory_space<vmem>>)
      %dma_start3A_134 = arith.constant 0 : i32
      %dma_start3A_135 = tpu.memref_slice %arg8[%add3A_127, %dma_start3A_134] : memref<40x128xi32, #tpu.memory_space<vmem>> -> memref<1x128xi32, #tpu.memory_space<vmem>>
      %dma_start3A_136 = tpu.memref_squeeze %dma_start3A_135 : memref<1x128xi32, #tpu.memory_space<vmem>> -> memref<128xi32, #tpu.memory_space<vmem>>
      %dma_start3A_137 = arith.constant 0 : i32
      %dma_start3A_138 = arith.constant 0 : i32
      %dma_start3A_139 = tpu.memref_slice %arg19[%dma_start3A_137, %dma_start3A_138] : memref<10240x16xf32, #tpu.memory_space<vmem_shared>> -> memref<10240x16xf32, #tpu.memory_space<vmem_shared>>
      tpu.enqueue_indirect_dma source(%arg9 : memref<128x16xf32, #tpu.memory_space<vmem>>) target(%dma_start3A_139 : memref<10240x16xf32, #tpu.memory_space<vmem_shared>>) offsets(%dma_start3A_136 : memref<128xi32, #tpu.memory_space<vmem>>) semaphore(%arg28 : memref<!tpu.dma_semaphore, #tpu.memory_space<semaphore_mem>>) {add = true}
      %add3A_140 = arith.constant 1 : i32
      %add3A_141 = arith.addi %mul3A_125, %add3A_140 : i32
      %dma_wait3A_142 = arith.constant 0 : i32
      %dma_wait3A_143 = tpu.memref_slice %arg7[%add3A_141, %dma_wait3A_142] : memref<40x128xi32, #tpu.memory_space<vmem>> -> memref<1x128xi32, #tpu.memory_space<vmem>>
      %dma_wait3A_144 = tpu.memref_squeeze %dma_wait3A_143 : memref<1x128xi32, #tpu.memory_space<vmem>> -> memref<128xi32, #tpu.memory_space<vmem>>
      %dma_wait3A_145 = arith.constant 0 : i32
      %dma_wait3A_146 = arith.constant 0 : i32
      %dma_wait3A_147 = tpu.memref_slice %arg18[%dma_wait3A_145, %dma_wait3A_146] : memref<10240x16xf32, #tpu.memory_space<vmem_shared>> -> memref<10240x16xf32, #tpu.memory_space<vmem_shared>>
      tpu.wait_indirect_dma semaphore(%arg21 : memref<!tpu.dma_semaphore, #tpu.memory_space<semaphore_mem>>) src(%dma_wait3A_147 : memref<10240x16xf32, #tpu.memory_space<vmem_shared>>) dst(%arg10 : memref<128x16xf32, #tpu.memory_space<vmem>>)
      %dma_start3A_148 = arith.constant 0 : i32
      %dma_start3A_149 = tpu.memref_slice %arg8[%add3A_141, %dma_start3A_148] : memref<40x128xi32, #tpu.memory_space<vmem>> -> memref<1x128xi32, #tpu.memory_space<vmem>>
      %dma_start3A_150 = tpu.memref_squeeze %dma_start3A_149 : memref<1x128xi32, #tpu.memory_space<vmem>> -> memref<128xi32, #tpu.memory_space<vmem>>
      %dma_start3A_151 = arith.constant 0 : i32
      %dma_start3A_152 = arith.constant 0 : i32
      %dma_start3A_153 = tpu.memref_slice %arg19[%dma_start3A_151, %dma_start3A_152] : memref<10240x16xf32, #tpu.memory_space<vmem_shared>> -> memref<10240x16xf32, #tpu.memory_space<vmem_shared>>
      tpu.enqueue_indirect_dma source(%arg10 : memref<128x16xf32, #tpu.memory_space<vmem>>) target(%dma_start3A_153 : memref<10240x16xf32, #tpu.memory_space<vmem_shared>>) offsets(%dma_start3A_150 : memref<128xi32, #tpu.memory_space<vmem>>) semaphore(%arg29 : memref<!tpu.dma_semaphore, #tpu.memory_space<semaphore_mem>>) {add = true}
      %add3A_154 = arith.constant 2 : i32
      %add3A_155 = arith.addi %mul3A_125, %add3A_154 : i32
      %dma_wait3A_156 = arith.constant 0 : i32
      %dma_wait3A_157 = tpu.memref_slice %arg7[%add3A_155, %dma_wait3A_156] : memref<40x128xi32, #tpu.memory_space<vmem>> -> memref<1x128xi32, #tpu.memory_space<vmem>>
      %dma_wait3A_158 = tpu.memref_squeeze %dma_wait3A_157 : memref<1x128xi32, #tpu.memory_space<vmem>> -> memref<128xi32, #tpu.memory_space<vmem>>
      %dma_wait3A_159 = arith.constant 0 : i32
      %dma_wait3A_160 = arith.constant 0 : i32
      %dma_wait3A_161 = tpu.memref_slice %arg18[%dma_wait3A_159, %dma_wait3A_160] : memref<10240x16xf32, #tpu.memory_space<vmem_shared>> -> memref<10240x16xf32, #tpu.memory_space<vmem_shared>>
      tpu.wait_indirect_dma semaphore(%arg22 : memref<!tpu.dma_semaphore, #tpu.memory_space<semaphore_mem>>) src(%dma_wait3A_161 : memref<10240x16xf32, #tpu.memory_space<vmem_shared>>) dst(%arg11 : memref<128x16xf32, #tpu.memory_space<vmem>>)
      %dma_start3A_162 = arith.constant 0 : i32
      %dma_start3A_163 = tpu.memref_slice %arg8[%add3A_155, %dma_start3A_162] : memref<40x128xi32, #tpu.memory_space<vmem>> -> memref<1x128xi32, #tpu.memory_space<vmem>>
      %dma_start3A_164 = tpu.memref_squeeze %dma_start3A_163 : memref<1x128xi32, #tpu.memory_space<vmem>> -> memref<128xi32, #tpu.memory_space<vmem>>
      %dma_start3A_165 = arith.constant 0 : i32
      %dma_start3A_166 = arith.constant 0 : i32
      %dma_start3A_167 = tpu.memref_slice %arg19[%dma_start3A_165, %dma_start3A_166] : memref<10240x16xf32, #tpu.memory_space<vmem_shared>> -> memref<10240x16xf32, #tpu.memory_space<vmem_shared>>
      tpu.enqueue_indirect_dma source(%arg11 : memref<128x16xf32, #tpu.memory_space<vmem>>) target(%dma_start3A_167 : memref<10240x16xf32, #tpu.memory_space<vmem_shared>>) offsets(%dma_start3A_164 : memref<128xi32, #tpu.memory_space<vmem>>) semaphore(%arg30 : memref<!tpu.dma_semaphore, #tpu.memory_space<semaphore_mem>>) {add = true}
      %add3A_168 = arith.constant 3 : i32
      %add3A_169 = arith.addi %mul3A_125, %add3A_168 : i32
      %dma_wait3A_170 = arith.constant 0 : i32
      %dma_wait3A_171 = tpu.memref_slice %arg7[%add3A_169, %dma_wait3A_170] : memref<40x128xi32, #tpu.memory_space<vmem>> -> memref<1x128xi32, #tpu.memory_space<vmem>>
      %dma_wait3A_172 = tpu.memref_squeeze %dma_wait3A_171 : memref<1x128xi32, #tpu.memory_space<vmem>> -> memref<128xi32, #tpu.memory_space<vmem>>
      %dma_wait3A_173 = arith.constant 0 : i32
      %dma_wait3A_174 = arith.constant 0 : i32
      %dma_wait3A_175 = tpu.memref_slice %arg18[%dma_wait3A_173, %dma_wait3A_174] : memref<10240x16xf32, #tpu.memory_space<vmem_shared>> -> memref<10240x16xf32, #tpu.memory_space<vmem_shared>>
      tpu.wait_indirect_dma semaphore(%arg23 : memref<!tpu.dma_semaphore, #tpu.memory_space<semaphore_mem>>) src(%dma_wait3A_175 : memref<10240x16xf32, #tpu.memory_space<vmem_shared>>) dst(%arg12 : memref<128x16xf32, #tpu.memory_space<vmem>>)
      %dma_start3A_176 = arith.constant 0 : i32
      %dma_start3A_177 = tpu.memref_slice %arg8[%add3A_169, %dma_start3A_176] : memref<40x128xi32, #tpu.memory_space<vmem>> -> memref<1x128xi32, #tpu.memory_space<vmem>>
      %dma_start3A_178 = tpu.memref_squeeze %dma_start3A_177 : memref<1x128xi32, #tpu.memory_space<vmem>> -> memref<128xi32, #tpu.memory_space<vmem>>
      %dma_start3A_179 = arith.constant 0 : i32
      %dma_start3A_180 = arith.constant 0 : i32
      %dma_start3A_181 = tpu.memref_slice %arg19[%dma_start3A_179, %dma_start3A_180] : memref<10240x16xf32, #tpu.memory_space<vmem_shared>> -> memref<10240x16xf32, #tpu.memory_space<vmem_shared>>
      tpu.enqueue_indirect_dma source(%arg12 : memref<128x16xf32, #tpu.memory_space<vmem>>) target(%dma_start3A_181 : memref<10240x16xf32, #tpu.memory_space<vmem_shared>>) offsets(%dma_start3A_178 : memref<128xi32, #tpu.memory_space<vmem>>) semaphore(%arg31 : memref<!tpu.dma_semaphore, #tpu.memory_space<semaphore_mem>>) {add = true}
      %add3A_182 = arith.constant 4 : i32
      %add3A_183 = arith.addi %mul3A_125, %add3A_182 : i32
      %dma_wait3A_184 = arith.constant 0 : i32
      %dma_wait3A_185 = tpu.memref_slice %arg7[%add3A_183, %dma_wait3A_184] : memref<40x128xi32, #tpu.memory_space<vmem>> -> memref<1x128xi32, #tpu.memory_space<vmem>>
      %dma_wait3A_186 = tpu.memref_squeeze %dma_wait3A_185 : memref<1x128xi32, #tpu.memory_space<vmem>> -> memref<128xi32, #tpu.memory_space<vmem>>
      %dma_wait3A_187 = arith.constant 0 : i32
      %dma_wait3A_188 = arith.constant 0 : i32
      %dma_wait3A_189 = tpu.memref_slice %arg18[%dma_wait3A_187, %dma_wait3A_188] : memref<10240x16xf32, #tpu.memory_space<vmem_shared>> -> memref<10240x16xf32, #tpu.memory_space<vmem_shared>>
      tpu.wait_indirect_dma semaphore(%arg24 : memref<!tpu.dma_semaphore, #tpu.memory_space<semaphore_mem>>) src(%dma_wait3A_189 : memref<10240x16xf32, #tpu.memory_space<vmem_shared>>) dst(%arg13 : memref<128x16xf32, #tpu.memory_space<vmem>>)
      %dma_start3A_190 = arith.constant 0 : i32
      %dma_start3A_191 = tpu.memref_slice %arg8[%add3A_183, %dma_start3A_190] : memref<40x128xi32, #tpu.memory_space<vmem>> -> memref<1x128xi32, #tpu.memory_space<vmem>>
      %dma_start3A_192 = tpu.memref_squeeze %dma_start3A_191 : memref<1x128xi32, #tpu.memory_space<vmem>> -> memref<128xi32, #tpu.memory_space<vmem>>
      %dma_start3A_193 = arith.constant 0 : i32
      %dma_start3A_194 = arith.constant 0 : i32
      %dma_start3A_195 = tpu.memref_slice %arg19[%dma_start3A_193, %dma_start3A_194] : memref<10240x16xf32, #tpu.memory_space<vmem_shared>> -> memref<10240x16xf32, #tpu.memory_space<vmem_shared>>
      tpu.enqueue_indirect_dma source(%arg13 : memref<128x16xf32, #tpu.memory_space<vmem>>) target(%dma_start3A_195 : memref<10240x16xf32, #tpu.memory_space<vmem_shared>>) offsets(%dma_start3A_192 : memref<128xi32, #tpu.memory_space<vmem>>) semaphore(%arg32 : memref<!tpu.dma_semaphore, #tpu.memory_space<semaphore_mem>>) {add = true}
      %add3A_196 = arith.constant 5 : i32
      %add3A_197 = arith.addi %mul3A_125, %add3A_196 : i32
      %dma_wait3A_198 = arith.constant 0 : i32
      %dma_wait3A_199 = tpu.memref_slice %arg7[%add3A_197, %dma_wait3A_198] : memref<40x128xi32, #tpu.memory_space<vmem>> -> memref<1x128xi32, #tpu.memory_space<vmem>>
      %dma_wait3A_200 = tpu.memref_squeeze %dma_wait3A_199 : memref<1x128xi32, #tpu.memory_space<vmem>> -> memref<128xi32, #tpu.memory_space<vmem>>
      %dma_wait3A_201 = arith.constant 0 : i32
      %dma_wait3A_202 = arith.constant 0 : i32
      %dma_wait3A_203 = tpu.memref_slice %arg18[%dma_wait3A_201, %dma_wait3A_202] : memref<10240x16xf32, #tpu.memory_space<vmem_shared>> -> memref<10240x16xf32, #tpu.memory_space<vmem_shared>>
      tpu.wait_indirect_dma semaphore(%arg25 : memref<!tpu.dma_semaphore, #tpu.memory_space<semaphore_mem>>) src(%dma_wait3A_203 : memref<10240x16xf32, #tpu.memory_space<vmem_shared>>) dst(%arg14 : memref<128x16xf32, #tpu.memory_space<vmem>>)
      %dma_start3A_204 = arith.constant 0 : i32
      %dma_start3A_205 = tpu.memref_slice %arg8[%add3A_197, %dma_start3A_204] : memref<40x128xi32, #tpu.memory_space<vmem>> -> memref<1x128xi32, #tpu.memory_space<vmem>>
      %dma_start3A_206 = tpu.memref_squeeze %dma_start3A_205 : memref<1x128xi32, #tpu.memory_space<vmem>> -> memref<128xi32, #tpu.memory_space<vmem>>
      %dma_start3A_207 = arith.constant 0 : i32
      %dma_start3A_208 = arith.constant 0 : i32
      %dma_start3A_209 = tpu.memref_slice %arg19[%dma_start3A_207, %dma_start3A_208] : memref<10240x16xf32, #tpu.memory_space<vmem_shared>> -> memref<10240x16xf32, #tpu.memory_space<vmem_shared>>
      tpu.enqueue_indirect_dma source(%arg14 : memref<128x16xf32, #tpu.memory_space<vmem>>) target(%dma_start3A_209 : memref<10240x16xf32, #tpu.memory_space<vmem_shared>>) offsets(%dma_start3A_206 : memref<128xi32, #tpu.memory_space<vmem>>) semaphore(%arg33 : memref<!tpu.dma_semaphore, #tpu.memory_space<semaphore_mem>>) {add = true}
      %add3A_210 = arith.constant 6 : i32
      %add3A_211 = arith.addi %mul3A_125, %add3A_210 : i32
      %dma_wait3A_212 = arith.constant 0 : i32
      %dma_wait3A_213 = tpu.memref_slice %arg7[%add3A_211, %dma_wait3A_212] : memref<40x128xi32, #tpu.memory_space<vmem>> -> memref<1x128xi32, #tpu.memory_space<vmem>>
      %dma_wait3A_214 = tpu.memref_squeeze %dma_wait3A_213 : memref<1x128xi32, #tpu.memory_space<vmem>> -> memref<128xi32, #tpu.memory_space<vmem>>
      %dma_wait3A_215 = arith.constant 0 : i32
      %dma_wait3A_216 = arith.constant 0 : i32
      %dma_wait3A_217 = tpu.memref_slice %arg18[%dma_wait3A_215, %dma_wait3A_216] : memref<10240x16xf32, #tpu.memory_space<vmem_shared>> -> memref<10240x16xf32, #tpu.memory_space<vmem_shared>>
      tpu.wait_indirect_dma semaphore(%arg26 : memref<!tpu.dma_semaphore, #tpu.memory_space<semaphore_mem>>) src(%dma_wait3A_217 : memref<10240x16xf32, #tpu.memory_space<vmem_shared>>) dst(%arg15 : memref<128x16xf32, #tpu.memory_space<vmem>>)
      %dma_start3A_218 = arith.constant 0 : i32
      %dma_start3A_219 = tpu.memref_slice %arg8[%add3A_211, %dma_start3A_218] : memref<40x128xi32, #tpu.memory_space<vmem>> -> memref<1x128xi32, #tpu.memory_space<vmem>>
      %dma_start3A_220 = tpu.memref_squeeze %dma_start3A_219 : memref<1x128xi32, #tpu.memory_space<vmem>> -> memref<128xi32, #tpu.memory_space<vmem>>
      %dma_start3A_221 = arith.constant 0 : i32
      %dma_start3A_222 = arith.constant 0 : i32
      %dma_start3A_223 = tpu.memref_slice %arg19[%dma_start3A_221, %dma_start3A_222] : memref<10240x16xf32, #tpu.memory_space<vmem_shared>> -> memref<10240x16xf32, #tpu.memory_space<vmem_shared>>
      tpu.enqueue_indirect_dma source(%arg15 : memref<128x16xf32, #tpu.memory_space<vmem>>) target(%dma_start3A_223 : memref<10240x16xf32, #tpu.memory_space<vmem_shared>>) offsets(%dma_start3A_220 : memref<128xi32, #tpu.memory_space<vmem>>) semaphore(%arg34 : memref<!tpu.dma_semaphore, #tpu.memory_space<semaphore_mem>>) {add = true}
      %add3A_224 = arith.constant 7 : i32
      %add3A_225 = arith.addi %mul3A_125, %add3A_224 : i32
      %dma_wait3A_226 = arith.constant 0 : i32
      %dma_wait3A_227 = tpu.memref_slice %arg7[%add3A_225, %dma_wait3A_226] : memref<40x128xi32, #tpu.memory_space<vmem>> -> memref<1x128xi32, #tpu.memory_space<vmem>>
      %dma_wait3A_228 = tpu.memref_squeeze %dma_wait3A_227 : memref<1x128xi32, #tpu.memory_space<vmem>> -> memref<128xi32, #tpu.memory_space<vmem>>
      %dma_wait3A_229 = arith.constant 0 : i32
      %dma_wait3A_230 = arith.constant 0 : i32
      %dma_wait3A_231 = tpu.memref_slice %arg18[%dma_wait3A_229, %dma_wait3A_230] : memref<10240x16xf32, #tpu.memory_space<vmem_shared>> -> memref<10240x16xf32, #tpu.memory_space<vmem_shared>>
      tpu.wait_indirect_dma semaphore(%arg27 : memref<!tpu.dma_semaphore, #tpu.memory_space<semaphore_mem>>) src(%dma_wait3A_231 : memref<10240x16xf32, #tpu.memory_space<vmem_shared>>) dst(%arg16 : memref<128x16xf32, #tpu.memory_space<vmem>>)
      %dma_start3A_232 = arith.constant 0 : i32
      %dma_start3A_233 = tpu.memref_slice %arg8[%add3A_225, %dma_start3A_232] : memref<40x128xi32, #tpu.memory_space<vmem>> -> memref<1x128xi32, #tpu.memory_space<vmem>>
      %dma_start3A_234 = tpu.memref_squeeze %dma_start3A_233 : memref<1x128xi32, #tpu.memory_space<vmem>> -> memref<128xi32, #tpu.memory_space<vmem>>
      %dma_start3A_235 = arith.constant 0 : i32
      %dma_start3A_236 = arith.constant 0 : i32
      %dma_start3A_237 = tpu.memref_slice %arg19[%dma_start3A_235, %dma_start3A_236] : memref<10240x16xf32, #tpu.memory_space<vmem_shared>> -> memref<10240x16xf32, #tpu.memory_space<vmem_shared>>
      tpu.enqueue_indirect_dma source(%arg16 : memref<128x16xf32, #tpu.memory_space<vmem>>) target(%dma_start3A_237 : memref<10240x16xf32, #tpu.memory_space<vmem_shared>>) offsets(%dma_start3A_234 : memref<128xi32, #tpu.memory_space<vmem>>) semaphore(%arg35 : memref<!tpu.dma_semaphore, #tpu.memory_space<semaphore_mem>>) {add = true}
      %lt3A = arith.constant 4 : i32
      %lt3A_238 = arith.cmpi slt, %scan3A_122, %lt3A : i32
      %convert_element_type3A = arith.extui %lt3A_238 : i1 to i32
      %cond3A = arith.constant 0 : i32
      %cond3A_239 = arith.cmpi ne, %convert_element_type3A, %cond3A : i32
      scf.if %cond3A_239 {
        %add3A_241 = arith.constant 0 : i32
        %add3A_242 = arith.addi %mul3A_125, %add3A_241 : i32
        %dma_wait3A_243 = arith.constant 0 : i32
        %dma_wait3A_244 = tpu.memref_slice %arg8[%add3A_242, %dma_wait3A_243] : memref<40x128xi32, #tpu.memory_space<vmem>> -> memref<1x128xi32, #tpu.memory_space<vmem>>
        %dma_wait3A_245 = tpu.memref_squeeze %dma_wait3A_244 : memref<1x128xi32, #tpu.memory_space<vmem>> -> memref<128xi32, #tpu.memory_space<vmem>>
        %dma_wait3A_246 = arith.constant 0 : i32
        %dma_wait3A_247 = arith.constant 0 : i32
        %dma_wait3A_248 = tpu.memref_slice %arg19[%dma_wait3A_246, %dma_wait3A_247] : memref<10240x16xf32, #tpu.memory_space<vmem_shared>> -> memref<10240x16xf32, #tpu.memory_space<vmem_shared>>
        tpu.wait_indirect_dma semaphore(%arg28 : memref<!tpu.dma_semaphore, #tpu.memory_space<semaphore_mem>>) src(%arg9 : memref<128x16xf32, #tpu.memory_space<vmem>>) dst(%dma_wait3A_248 : memref<10240x16xf32, #tpu.memory_space<vmem_shared>>)
        %add3A_249 = arith.constant 8 : i32
        %add3A_250 = arith.addi %add3A_242, %add3A_249 : i32
        %dma_start3A_251 = arith.constant 0 : i32
        %dma_start3A_252 = tpu.memref_slice %arg7[%add3A_250, %dma_start3A_251] : memref<40x128xi32, #tpu.memory_space<vmem>> -> memref<1x128xi32, #tpu.memory_space<vmem>>
        %dma_start3A_253 = tpu.memref_squeeze %dma_start3A_252 : memref<1x128xi32, #tpu.memory_space<vmem>> -> memref<128xi32, #tpu.memory_space<vmem>>
        %dma_start3A_254 = arith.constant 0 : i32
        %dma_start3A_255 = arith.constant 0 : i32
        %dma_start3A_256 = tpu.memref_slice %arg18[%dma_start3A_254, %dma_start3A_255] : memref<10240x16xf32, #tpu.memory_space<vmem_shared>> -> memref<10240x16xf32, #tpu.memory_space<vmem_shared>>
        tpu.enqueue_indirect_dma source(%dma_start3A_256 : memref<10240x16xf32, #tpu.memory_space<vmem_shared>>) target(%arg9 : memref<128x16xf32, #tpu.memory_space<vmem>>) offsets(%dma_start3A_253 : memref<128xi32, #tpu.memory_space<vmem>>) semaphore(%arg20 : memref<!tpu.dma_semaphore, #tpu.memory_space<semaphore_mem>>)
        %add3A_257 = arith.constant 1 : i32
        %add3A_258 = arith.addi %mul3A_125, %add3A_257 : i32
        %dma_wait3A_259 = arith.constant 0 : i32
        %dma_wait3A_260 = tpu.memref_slice %arg8[%add3A_258, %dma_wait3A_259] : memref<40x128xi32, #tpu.memory_space<vmem>> -> memref<1x128xi32, #tpu.memory_space<vmem>>
        %dma_wait3A_261 = tpu.memref_squeeze %dma_wait3A_260 : memref<1x128xi32, #tpu.memory_space<vmem>> -> memref<128xi32, #tpu.memory_space<vmem>>
        %dma_wait3A_262 = arith.constant 0 : i32
        %dma_wait3A_263 = arith.constant 0 : i32
        %dma_wait3A_264 = tpu.memref_slice %arg19[%dma_wait3A_262, %dma_wait3A_263] : memref<10240x16xf32, #tpu.memory_space<vmem_shared>> -> memref<10240x16xf32, #tpu.memory_space<vmem_shared>>
        tpu.wait_indirect_dma semaphore(%arg29 : memref<!tpu.dma_semaphore, #tpu.memory_space<semaphore_mem>>) src(%arg10 : memref<128x16xf32, #tpu.memory_space<vmem>>) dst(%dma_wait3A_264 : memref<10240x16xf32, #tpu.memory_space<vmem_shared>>)
        %add3A_265 = arith.constant 8 : i32
        %add3A_266 = arith.addi %add3A_258, %add3A_265 : i32
        %dma_start3A_267 = arith.constant 0 : i32
        %dma_start3A_268 = tpu.memref_slice %arg7[%add3A_266, %dma_start3A_267] : memref<40x128xi32, #tpu.memory_space<vmem>> -> memref<1x128xi32, #tpu.memory_space<vmem>>
        %dma_start3A_269 = tpu.memref_squeeze %dma_start3A_268 : memref<1x128xi32, #tpu.memory_space<vmem>> -> memref<128xi32, #tpu.memory_space<vmem>>
        %dma_start3A_270 = arith.constant 0 : i32
        %dma_start3A_271 = arith.constant 0 : i32
        %dma_start3A_272 = tpu.memref_slice %arg18[%dma_start3A_270, %dma_start3A_271] : memref<10240x16xf32, #tpu.memory_space<vmem_shared>> -> memref<10240x16xf32, #tpu.memory_space<vmem_shared>>
        tpu.enqueue_indirect_dma source(%dma_start3A_272 : memref<10240x16xf32, #tpu.memory_space<vmem_shared>>) target(%arg10 : memref<128x16xf32, #tpu.memory_space<vmem>>) offsets(%dma_start3A_269 : memref<128xi32, #tpu.memory_space<vmem>>) semaphore(%arg21 : memref<!tpu.dma_semaphore, #tpu.memory_space<semaphore_mem>>)
        %add3A_273 = arith.constant 2 : i32
        %add3A_274 = arith.addi %mul3A_125, %add3A_273 : i32
        %dma_wait3A_275 = arith.constant 0 : i32
        %dma_wait3A_276 = tpu.memref_slice %arg8[%add3A_274, %dma_wait3A_275] : memref<40x128xi32, #tpu.memory_space<vmem>> -> memref<1x128xi32, #tpu.memory_space<vmem>>
        %dma_wait3A_277 = tpu.memref_squeeze %dma_wait3A_276 : memref<1x128xi32, #tpu.memory_space<vmem>> -> memref<128xi32, #tpu.memory_space<vmem>>
        %dma_wait3A_278 = arith.constant 0 : i32
        %dma_wait3A_279 = arith.constant 0 : i32
        %dma_wait3A_280 = tpu.memref_slice %arg19[%dma_wait3A_278, %dma_wait3A_279] : memref<10240x16xf32, #tpu.memory_space<vmem_shared>> -> memref<10240x16xf32, #tpu.memory_space<vmem_shared>>
        tpu.wait_indirect_dma semaphore(%arg30 : memref<!tpu.dma_semaphore, #tpu.memory_space<semaphore_mem>>) src(%arg11 : memref<128x16xf32, #tpu.memory_space<vmem>>) dst(%dma_wait3A_280 : memref<10240x16xf32, #tpu.memory_space<vmem_shared>>)
        %add3A_281 = arith.constant 8 : i32
        %add3A_282 = arith.addi %add3A_274, %add3A_281 : i32
        %dma_start3A_283 = arith.constant 0 : i32
        %dma_start3A_284 = tpu.memref_slice %arg7[%add3A_282, %dma_start3A_283] : memref<40x128xi32, #tpu.memory_space<vmem>> -> memref<1x128xi32, #tpu.memory_space<vmem>>
        %dma_start3A_285 = tpu.memref_squeeze %dma_start3A_284 : memref<1x128xi32, #tpu.memory_space<vmem>> -> memref<128xi32, #tpu.memory_space<vmem>>
        %dma_start3A_286 = arith.constant 0 : i32
        %dma_start3A_287 = arith.constant 0 : i32
        %dma_start3A_288 = tpu.memref_slice %arg18[%dma_start3A_286, %dma_start3A_287] : memref<10240x16xf32, #tpu.memory_space<vmem_shared>> -> memref<10240x16xf32, #tpu.memory_space<vmem_shared>>
        tpu.enqueue_indirect_dma source(%dma_start3A_288 : memref<10240x16xf32, #tpu.memory_space<vmem_shared>>) target(%arg11 : memref<128x16xf32, #tpu.memory_space<vmem>>) offsets(%dma_start3A_285 : memref<128xi32, #tpu.memory_space<vmem>>) semaphore(%arg22 : memref<!tpu.dma_semaphore, #tpu.memory_space<semaphore_mem>>)
        %add3A_289 = arith.constant 3 : i32
        %add3A_290 = arith.addi %mul3A_125, %add3A_289 : i32
        %dma_wait3A_291 = arith.constant 0 : i32
        %dma_wait3A_292 = tpu.memref_slice %arg8[%add3A_290, %dma_wait3A_291] : memref<40x128xi32, #tpu.memory_space<vmem>> -> memref<1x128xi32, #tpu.memory_space<vmem>>
        %dma_wait3A_293 = tpu.memref_squeeze %dma_wait3A_292 : memref<1x128xi32, #tpu.memory_space<vmem>> -> memref<128xi32, #tpu.memory_space<vmem>>
        %dma_wait3A_294 = arith.constant 0 : i32
        %dma_wait3A_295 = arith.constant 0 : i32
        %dma_wait3A_296 = tpu.memref_slice %arg19[%dma_wait3A_294, %dma_wait3A_295] : memref<10240x16xf32, #tpu.memory_space<vmem_shared>> -> memref<10240x16xf32, #tpu.memory_space<vmem_shared>>
        tpu.wait_indirect_dma semaphore(%arg31 : memref<!tpu.dma_semaphore, #tpu.memory_space<semaphore_mem>>) src(%arg12 : memref<128x16xf32, #tpu.memory_space<vmem>>) dst(%dma_wait3A_296 : memref<10240x16xf32, #tpu.memory_space<vmem_shared>>)
        %add3A_297 = arith.constant 8 : i32
        %add3A_298 = arith.addi %add3A_290, %add3A_297 : i32
        %dma_start3A_299 = arith.constant 0 : i32
        %dma_start3A_300 = tpu.memref_slice %arg7[%add3A_298, %dma_start3A_299] : memref<40x128xi32, #tpu.memory_space<vmem>> -> memref<1x128xi32, #tpu.memory_space<vmem>>
        %dma_start3A_301 = tpu.memref_squeeze %dma_start3A_300 : memref<1x128xi32, #tpu.memory_space<vmem>> -> memref<128xi32, #tpu.memory_space<vmem>>
        %dma_start3A_302 = arith.constant 0 : i32
        %dma_start3A_303 = arith.constant 0 : i32
        %dma_start3A_304 = tpu.memref_slice %arg18[%dma_start3A_302, %dma_start3A_303] : memref<10240x16xf32, #tpu.memory_space<vmem_shared>> -> memref<10240x16xf32, #tpu.memory_space<vmem_shared>>
        tpu.enqueue_indirect_dma source(%dma_start3A_304 : memref<10240x16xf32, #tpu.memory_space<vmem_shared>>) target(%arg12 : memref<128x16xf32, #tpu.memory_space<vmem>>) offsets(%dma_start3A_301 : memref<128xi32, #tpu.memory_space<vmem>>) semaphore(%arg23 : memref<!tpu.dma_semaphore, #tpu.memory_space<semaphore_mem>>)
        %add3A_305 = arith.constant 4 : i32
        %add3A_306 = arith.addi %mul3A_125, %add3A_305 : i32
        %dma_wait3A_307 = arith.constant 0 : i32
        %dma_wait3A_308 = tpu.memref_slice %arg8[%add3A_306, %dma_wait3A_307] : memref<40x128xi32, #tpu.memory_space<vmem>> -> memref<1x128xi32, #tpu.memory_space<vmem>>
        %dma_wait3A_309 = tpu.memref_squeeze %dma_wait3A_308 : memref<1x128xi32, #tpu.memory_space<vmem>> -> memref<128xi32, #tpu.memory_space<vmem>>
        %dma_wait3A_310 = arith.constant 0 : i32
        %dma_wait3A_311 = arith.constant 0 : i32
        %dma_wait3A_312 = tpu.memref_slice %arg19[%dma_wait3A_310, %dma_wait3A_311] : memref<10240x16xf32, #tpu.memory_space<vmem_shared>> -> memref<10240x16xf32, #tpu.memory_space<vmem_shared>>
        tpu.wait_indirect_dma semaphore(%arg32 : memref<!tpu.dma_semaphore, #tpu.memory_space<semaphore_mem>>) src(%arg13 : memref<128x16xf32, #tpu.memory_space<vmem>>) dst(%dma_wait3A_312 : memref<10240x16xf32, #tpu.memory_space<vmem_shared>>)
        %add3A_313 = arith.constant 8 : i32
        %add3A_314 = arith.addi %add3A_306, %add3A_313 : i32
        %dma_start3A_315 = arith.constant 0 : i32
        %dma_start3A_316 = tpu.memref_slice %arg7[%add3A_314, %dma_start3A_315] : memref<40x128xi32, #tpu.memory_space<vmem>> -> memref<1x128xi32, #tpu.memory_space<vmem>>
        %dma_start3A_317 = tpu.memref_squeeze %dma_start3A_316 : memref<1x128xi32, #tpu.memory_space<vmem>> -> memref<128xi32, #tpu.memory_space<vmem>>
        %dma_start3A_318 = arith.constant 0 : i32
        %dma_start3A_319 = arith.constant 0 : i32
        %dma_start3A_320 = tpu.memref_slice %arg18[%dma_start3A_318, %dma_start3A_319] : memref<10240x16xf32, #tpu.memory_space<vmem_shared>> -> memref<10240x16xf32, #tpu.memory_space<vmem_shared>>
        tpu.enqueue_indirect_dma source(%dma_start3A_320 : memref<10240x16xf32, #tpu.memory_space<vmem_shared>>) target(%arg13 : memref<128x16xf32, #tpu.memory_space<vmem>>) offsets(%dma_start3A_317 : memref<128xi32, #tpu.memory_space<vmem>>) semaphore(%arg24 : memref<!tpu.dma_semaphore, #tpu.memory_space<semaphore_mem>>)
        %add3A_321 = arith.constant 5 : i32
        %add3A_322 = arith.addi %mul3A_125, %add3A_321 : i32
        %dma_wait3A_323 = arith.constant 0 : i32
        %dma_wait3A_324 = tpu.memref_slice %arg8[%add3A_322, %dma_wait3A_323] : memref<40x128xi32, #tpu.memory_space<vmem>> -> memref<1x128xi32, #tpu.memory_space<vmem>>
        %dma_wait3A_325 = tpu.memref_squeeze %dma_wait3A_324 : memref<1x128xi32, #tpu.memory_space<vmem>> -> memref<128xi32, #tpu.memory_space<vmem>>
        %dma_wait3A_326 = arith.constant 0 : i32
        %dma_wait3A_327 = arith.constant 0 : i32
        %dma_wait3A_328 = tpu.memref_slice %arg19[%dma_wait3A_326, %dma_wait3A_327] : memref<10240x16xf32, #tpu.memory_space<vmem_shared>> -> memref<10240x16xf32, #tpu.memory_space<vmem_shared>>
        tpu.wait_indirect_dma semaphore(%arg33 : memref<!tpu.dma_semaphore, #tpu.memory_space<semaphore_mem>>) src(%arg14 : memref<128x16xf32, #tpu.memory_space<vmem>>) dst(%dma_wait3A_328 : memref<10240x16xf32, #tpu.memory_space<vmem_shared>>)
        %add3A_329 = arith.constant 8 : i32
        %add3A_330 = arith.addi %add3A_322, %add3A_329 : i32
        %dma_start3A_331 = arith.constant 0 : i32
        %dma_start3A_332 = tpu.memref_slice %arg7[%add3A_330, %dma_start3A_331] : memref<40x128xi32, #tpu.memory_space<vmem>> -> memref<1x128xi32, #tpu.memory_space<vmem>>
        %dma_start3A_333 = tpu.memref_squeeze %dma_start3A_332 : memref<1x128xi32, #tpu.memory_space<vmem>> -> memref<128xi32, #tpu.memory_space<vmem>>
        %dma_start3A_334 = arith.constant 0 : i32
        %dma_start3A_335 = arith.constant 0 : i32
        %dma_start3A_336 = tpu.memref_slice %arg18[%dma_start3A_334, %dma_start3A_335] : memref<10240x16xf32, #tpu.memory_space<vmem_shared>> -> memref<10240x16xf32, #tpu.memory_space<vmem_shared>>
        tpu.enqueue_indirect_dma source(%dma_start3A_336 : memref<10240x16xf32, #tpu.memory_space<vmem_shared>>) target(%arg14 : memref<128x16xf32, #tpu.memory_space<vmem>>) offsets(%dma_start3A_333 : memref<128xi32, #tpu.memory_space<vmem>>) semaphore(%arg25 : memref<!tpu.dma_semaphore, #tpu.memory_space<semaphore_mem>>)
        %add3A_337 = arith.constant 6 : i32
        %add3A_338 = arith.addi %mul3A_125, %add3A_337 : i32
        %dma_wait3A_339 = arith.constant 0 : i32
        %dma_wait3A_340 = tpu.memref_slice %arg8[%add3A_338, %dma_wait3A_339] : memref<40x128xi32, #tpu.memory_space<vmem>> -> memref<1x128xi32, #tpu.memory_space<vmem>>
        %dma_wait3A_341 = tpu.memref_squeeze %dma_wait3A_340 : memref<1x128xi32, #tpu.memory_space<vmem>> -> memref<128xi32, #tpu.memory_space<vmem>>
        %dma_wait3A_342 = arith.constant 0 : i32
        %dma_wait3A_343 = arith.constant 0 : i32
        %dma_wait3A_344 = tpu.memref_slice %arg19[%dma_wait3A_342, %dma_wait3A_343] : memref<10240x16xf32, #tpu.memory_space<vmem_shared>> -> memref<10240x16xf32, #tpu.memory_space<vmem_shared>>
        tpu.wait_indirect_dma semaphore(%arg34 : memref<!tpu.dma_semaphore, #tpu.memory_space<semaphore_mem>>) src(%arg15 : memref<128x16xf32, #tpu.memory_space<vmem>>) dst(%dma_wait3A_344 : memref<10240x16xf32, #tpu.memory_space<vmem_shared>>)
        %add3A_345 = arith.constant 8 : i32
        %add3A_346 = arith.addi %add3A_338, %add3A_345 : i32
        %dma_start3A_347 = arith.constant 0 : i32
        %dma_start3A_348 = tpu.memref_slice %arg7[%add3A_346, %dma_start3A_347] : memref<40x128xi32, #tpu.memory_space<vmem>> -> memref<1x128xi32, #tpu.memory_space<vmem>>
        %dma_start3A_349 = tpu.memref_squeeze %dma_start3A_348 : memref<1x128xi32, #tpu.memory_space<vmem>> -> memref<128xi32, #tpu.memory_space<vmem>>
        %dma_start3A_350 = arith.constant 0 : i32
        %dma_start3A_351 = arith.constant 0 : i32
        %dma_start3A_352 = tpu.memref_slice %arg18[%dma_start3A_350, %dma_start3A_351] : memref<10240x16xf32, #tpu.memory_space<vmem_shared>> -> memref<10240x16xf32, #tpu.memory_space<vmem_shared>>
        tpu.enqueue_indirect_dma source(%dma_start3A_352 : memref<10240x16xf32, #tpu.memory_space<vmem_shared>>) target(%arg15 : memref<128x16xf32, #tpu.memory_space<vmem>>) offsets(%dma_start3A_349 : memref<128xi32, #tpu.memory_space<vmem>>) semaphore(%arg26 : memref<!tpu.dma_semaphore, #tpu.memory_space<semaphore_mem>>)
        %add3A_353 = arith.constant 7 : i32
        %add3A_354 = arith.addi %mul3A_125, %add3A_353 : i32
        %dma_wait3A_355 = arith.constant 0 : i32
        %dma_wait3A_356 = tpu.memref_slice %arg8[%add3A_354, %dma_wait3A_355] : memref<40x128xi32, #tpu.memory_space<vmem>> -> memref<1x128xi32, #tpu.memory_space<vmem>>
        %dma_wait3A_357 = tpu.memref_squeeze %dma_wait3A_356 : memref<1x128xi32, #tpu.memory_space<vmem>> -> memref<128xi32, #tpu.memory_space<vmem>>
        %dma_wait3A_358 = arith.constant 0 : i32
        %dma_wait3A_359 = arith.constant 0 : i32
        %dma_wait3A_360 = tpu.memref_slice %arg19[%dma_wait3A_358, %dma_wait3A_359] : memref<10240x16xf32, #tpu.memory_space<vmem_shared>> -> memref<10240x16xf32, #tpu.memory_space<vmem_shared>>
        tpu.wait_indirect_dma semaphore(%arg35 : memref<!tpu.dma_semaphore, #tpu.memory_space<semaphore_mem>>) src(%arg16 : memref<128x16xf32, #tpu.memory_space<vmem>>) dst(%dma_wait3A_360 : memref<10240x16xf32, #tpu.memory_space<vmem_shared>>)
        %add3A_361 = arith.constant 8 : i32
        %add3A_362 = arith.addi %add3A_354, %add3A_361 : i32
        %dma_start3A_363 = arith.constant 0 : i32
        %dma_start3A_364 = tpu.memref_slice %arg7[%add3A_362, %dma_start3A_363] : memref<40x128xi32, #tpu.memory_space<vmem>> -> memref<1x128xi32, #tpu.memory_space<vmem>>
        %dma_start3A_365 = tpu.memref_squeeze %dma_start3A_364 : memref<1x128xi32, #tpu.memory_space<vmem>> -> memref<128xi32, #tpu.memory_space<vmem>>
        %dma_start3A_366 = arith.constant 0 : i32
        %dma_start3A_367 = arith.constant 0 : i32
        %dma_start3A_368 = tpu.memref_slice %arg18[%dma_start3A_366, %dma_start3A_367] : memref<10240x16xf32, #tpu.memory_space<vmem_shared>> -> memref<10240x16xf32, #tpu.memory_space<vmem_shared>>
        tpu.enqueue_indirect_dma source(%dma_start3A_368 : memref<10240x16xf32, #tpu.memory_space<vmem_shared>>) target(%arg16 : memref<128x16xf32, #tpu.memory_space<vmem>>) offsets(%dma_start3A_365 : memref<128xi32, #tpu.memory_space<vmem>>) semaphore(%arg27 : memref<!tpu.dma_semaphore, #tpu.memory_space<semaphore_mem>>)
      } else {
      }
      %scan3A_240 = arith.constant 0 : i32
      scf.yield %scan3A_240 : i32
    }
    %scan3A_63 = arith.constant 5 : i32
    %dma_wait3A = arith.constant 32 : i32
    %dma_wait3A_64 = arith.constant 0 : i32
    %dma_wait3A_65 = tpu.memref_slice %arg8[%dma_wait3A, %dma_wait3A_64] : memref<40x128xi32, #tpu.memory_space<vmem>> -> memref<1x128xi32, #tpu.memory_space<vmem>>
    %dma_wait3A_66 = tpu.memref_squeeze %dma_wait3A_65 : memref<1x128xi32, #tpu.memory_space<vmem>> -> memref<128xi32, #tpu.memory_space<vmem>>
    %dma_wait3A_67 = arith.constant 0 : i32
    %dma_wait3A_68 = arith.constant 0 : i32
    %dma_wait3A_69 = tpu.memref_slice %arg19[%dma_wait3A_67, %dma_wait3A_68] : memref<10240x16xf32, #tpu.memory_space<vmem_shared>> -> memref<10240x16xf32, #tpu.memory_space<vmem_shared>>
    tpu.wait_indirect_dma semaphore(%arg28 : memref<!tpu.dma_semaphore, #tpu.memory_space<semaphore_mem>>) src(%arg9 : memref<128x16xf32, #tpu.memory_space<vmem>>) dst(%dma_wait3A_69 : memref<10240x16xf32, #tpu.memory_space<vmem_shared>>)
    %dma_wait3A_70 = arith.constant 33 : i32
    %dma_wait3A_71 = arith.constant 0 : i32
    %dma_wait3A_72 = tpu.memref_slice %arg8[%dma_wait3A_70, %dma_wait3A_71] : memref<40x128xi32, #tpu.memory_space<vmem>> -> memref<1x128xi32, #tpu.memory_space<vmem>>
    %dma_wait3A_73 = tpu.memref_squeeze %dma_wait3A_72 : memref<1x128xi32, #tpu.memory_space<vmem>> -> memref<128xi32, #tpu.memory_space<vmem>>
    %dma_wait3A_74 = arith.constant 0 : i32
    %dma_wait3A_75 = arith.constant 0 : i32
    %dma_wait3A_76 = tpu.memref_slice %arg19[%dma_wait3A_74, %dma_wait3A_75] : memref<10240x16xf32, #tpu.memory_space<vmem_shared>> -> memref<10240x16xf32, #tpu.memory_space<vmem_shared>>
    tpu.wait_indirect_dma semaphore(%arg29 : memref<!tpu.dma_semaphore, #tpu.memory_space<semaphore_mem>>) src(%arg10 : memref<128x16xf32, #tpu.memory_space<vmem>>) dst(%dma_wait3A_76 : memref<10240x16xf32, #tpu.memory_space<vmem_shared>>)
    %dma_wait3A_77 = arith.constant 34 : i32
    %dma_wait3A_78 = arith.constant 0 : i32
    %dma_wait3A_79 = tpu.memref_slice %arg8[%dma_wait3A_77, %dma_wait3A_78] : memref<40x128xi32, #tpu.memory_space<vmem>> -> memref<1x128xi32, #tpu.memory_space<vmem>>
    %dma_wait3A_80 = tpu.memref_squeeze %dma_wait3A_79 : memref<1x128xi32, #tpu.memory_space<vmem>> -> memref<128xi32, #tpu.memory_space<vmem>>
    %dma_wait3A_81 = arith.constant 0 : i32
    %dma_wait3A_82 = arith.constant 0 : i32
    %dma_wait3A_83 = tpu.memref_slice %arg19[%dma_wait3A_81, %dma_wait3A_82] : memref<10240x16xf32, #tpu.memory_space<vmem_shared>> -> memref<10240x16xf32, #tpu.memory_space<vmem_shared>>
    tpu.wait_indirect_dma semaphore(%arg30 : memref<!tpu.dma_semaphore, #tpu.memory_space<semaphore_mem>>) src(%arg11 : memref<128x16xf32, #tpu.memory_space<vmem>>) dst(%dma_wait3A_83 : memref<10240x16xf32, #tpu.memory_space<vmem_shared>>)
    %dma_wait3A_84 = arith.constant 35 : i32
    %dma_wait3A_85 = arith.constant 0 : i32
    %dma_wait3A_86 = tpu.memref_slice %arg8[%dma_wait3A_84, %dma_wait3A_85] : memref<40x128xi32, #tpu.memory_space<vmem>> -> memref<1x128xi32, #tpu.memory_space<vmem>>
    %dma_wait3A_87 = tpu.memref_squeeze %dma_wait3A_86 : memref<1x128xi32, #tpu.memory_space<vmem>> -> memref<128xi32, #tpu.memory_space<vmem>>
    %dma_wait3A_88 = arith.constant 0 : i32
    %dma_wait3A_89 = arith.constant 0 : i32
    %dma_wait3A_90 = tpu.memref_slice %arg19[%dma_wait3A_88, %dma_wait3A_89] : memref<10240x16xf32, #tpu.memory_space<vmem_shared>> -> memref<10240x16xf32, #tpu.memory_space<vmem_shared>>
    tpu.wait_indirect_dma semaphore(%arg31 : memref<!tpu.dma_semaphore, #tpu.memory_space<semaphore_mem>>) src(%arg12 : memref<128x16xf32, #tpu.memory_space<vmem>>) dst(%dma_wait3A_90 : memref<10240x16xf32, #tpu.memory_space<vmem_shared>>)
    %dma_wait3A_91 = arith.constant 36 : i32
    %dma_wait3A_92 = arith.constant 0 : i32
    %dma_wait3A_93 = tpu.memref_slice %arg8[%dma_wait3A_91, %dma_wait3A_92] : memref<40x128xi32, #tpu.memory_space<vmem>> -> memref<1x128xi32, #tpu.memory_space<vmem>>
    %dma_wait3A_94 = tpu.memref_squeeze %dma_wait3A_93 : memref<1x128xi32, #tpu.memory_space<vmem>> -> memref<128xi32, #tpu.memory_space<vmem>>
    %dma_wait3A_95 = arith.constant 0 : i32
    %dma_wait3A_96 = arith.constant 0 : i32
    %dma_wait3A_97 = tpu.memref_slice %arg19[%dma_wait3A_95, %dma_wait3A_96] : memref<10240x16xf32, #tpu.memory_space<vmem_shared>> -> memref<10240x16xf32, #tpu.memory_space<vmem_shared>>
    tpu.wait_indirect_dma semaphore(%arg32 : memref<!tpu.dma_semaphore, #tpu.memory_space<semaphore_mem>>) src(%arg13 : memref<128x16xf32, #tpu.memory_space<vmem>>) dst(%dma_wait3A_97 : memref<10240x16xf32, #tpu.memory_space<vmem_shared>>)
    %dma_wait3A_98 = arith.constant 37 : i32
    %dma_wait3A_99 = arith.constant 0 : i32
    %dma_wait3A_100 = tpu.memref_slice %arg8[%dma_wait3A_98, %dma_wait3A_99] : memref<40x128xi32, #tpu.memory_space<vmem>> -> memref<1x128xi32, #tpu.memory_space<vmem>>
    %dma_wait3A_101 = tpu.memref_squeeze %dma_wait3A_100 : memref<1x128xi32, #tpu.memory_space<vmem>> -> memref<128xi32, #tpu.memory_space<vmem>>
    %dma_wait3A_102 = arith.constant 0 : i32
    %dma_wait3A_103 = arith.constant 0 : i32
    %dma_wait3A_104 = tpu.memref_slice %arg19[%dma_wait3A_102, %dma_wait3A_103] : memref<10240x16xf32, #tpu.memory_space<vmem_shared>> -> memref<10240x16xf32, #tpu.memory_space<vmem_shared>>
    tpu.wait_indirect_dma semaphore(%arg33 : memref<!tpu.dma_semaphore, #tpu.memory_space<semaphore_mem>>) src(%arg14 : memref<128x16xf32, #tpu.memory_space<vmem>>) dst(%dma_wait3A_104 : memref<10240x16xf32, #tpu.memory_space<vmem_shared>>)
    %dma_wait3A_105 = arith.constant 38 : i32
    %dma_wait3A_106 = arith.constant 0 : i32
    %dma_wait3A_107 = tpu.memref_slice %arg8[%dma_wait3A_105, %dma_wait3A_106] : memref<40x128xi32, #tpu.memory_space<vmem>> -> memref<1x128xi32, #tpu.memory_space<vmem>>
    %dma_wait3A_108 = tpu.memref_squeeze %dma_wait3A_107 : memref<1x128xi32, #tpu.memory_space<vmem>> -> memref<128xi32, #tpu.memory_space<vmem>>
    %dma_wait3A_109 = arith.constant 0 : i32
    %dma_wait3A_110 = arith.constant 0 : i32
    %dma_wait3A_111 = tpu.memref_slice %arg19[%dma_wait3A_109, %dma_wait3A_110] : memref<10240x16xf32, #tpu.memory_space<vmem_shared>> -> memref<10240x16xf32, #tpu.memory_space<vmem_shared>>
    tpu.wait_indirect_dma semaphore(%arg34 : memref<!tpu.dma_semaphore, #tpu.memory_space<semaphore_mem>>) src(%arg15 : memref<128x16xf32, #tpu.memory_space<vmem>>) dst(%dma_wait3A_111 : memref<10240x16xf32, #tpu.memory_space<vmem_shared>>)
    %dma_wait3A_112 = arith.constant 39 : i32
    %dma_wait3A_113 = arith.constant 0 : i32
    %dma_wait3A_114 = tpu.memref_slice %arg8[%dma_wait3A_112, %dma_wait3A_113] : memref<40x128xi32, #tpu.memory_space<vmem>> -> memref<1x128xi32, #tpu.memory_space<vmem>>
    %dma_wait3A_115 = tpu.memref_squeeze %dma_wait3A_114 : memref<1x128xi32, #tpu.memory_space<vmem>> -> memref<128xi32, #tpu.memory_space<vmem>>
    %dma_wait3A_116 = arith.constant 0 : i32
    %dma_wait3A_117 = arith.constant 0 : i32
    %dma_wait3A_118 = tpu.memref_slice %arg19[%dma_wait3A_116, %dma_wait3A_117] : memref<10240x16xf32, #tpu.memory_space<vmem_shared>> -> memref<10240x16xf32, #tpu.memory_space<vmem_shared>>
    tpu.wait_indirect_dma semaphore(%arg35 : memref<!tpu.dma_semaphore, #tpu.memory_space<semaphore_mem>>) src(%arg16 : memref<128x16xf32, #tpu.memory_space<vmem>>) dst(%dma_wait3A_118 : memref<10240x16xf32, #tpu.memory_space<vmem_shared>>)
    %barrier3A_119 = arith.constant 0 : index
    tpu.barrier barrier_id(%barrier3A_119)
    %mul3A_120 = arith.constant 640 : i32
    %mul3A_121 = arith.muli %arg1, %mul3A_120 : i32
    "tpu.region"() ({
      %run_scoped3A = tpu.sem_alloc : memref<!tpu.dma_semaphore, #tpu.memory_space<semaphore_mem>>
      %dma_start3A_122 = arith.constant 0 : i32
      %dma_start3A_123 = tpu.memref_slice %arg19[%mul3A_121, %dma_start3A_122] : memref<10240x16xf32, #tpu.memory_space<vmem_shared>> -> memref<640x16xf32, #tpu.memory_space<vmem_shared>>
      %dma_start3A_124 = arith.constant 0 : i32
      %dma_start3A_125 = tpu.memref_slice %arg19[%mul3A_121, %dma_start3A_124] : memref<10240x16xf32, #tpu.memory_space<vmem_shared>> -> memref<640x16xf32, #tpu.memory_space<vmem_shared>>
      tpu.enqueue_dma source(%dma_start3A_125 : memref<640x16xf32, #tpu.memory_space<vmem_shared>>) target(%arg17 : memref<640x16xf32, #tpu.memory_space<vmem>>) target_semaphore(%run_scoped3A : memref<!tpu.dma_semaphore, #tpu.memory_space<semaphore_mem>>)
      %dma_wait3A_126 = arith.constant 0 : i32
      %dma_wait3A_127 = tpu.memref_slice %arg19[%mul3A_121, %dma_wait3A_126] : memref<10240x16xf32, #tpu.memory_space<vmem_shared>> -> memref<640x16xf32, #tpu.memory_space<vmem_shared>>
      %dma_wait3A_128 = arith.constant 0 : i32
      %dma_wait3A_129 = tpu.memref_slice %arg19[%mul3A_121, %dma_wait3A_128] : memref<10240x16xf32, #tpu.memory_space<vmem_shared>> -> memref<640x16xf32, #tpu.memory_space<vmem_shared>>
      tpu.wait_dma2 semaphore(%run_scoped3A : memref<!tpu.dma_semaphore, #tpu.memory_space<semaphore_mem>>) src(%dma_wait3A_129 : memref<640x16xf32, #tpu.memory_space<vmem_shared>>) dst(%arg17 : memref<640x16xf32, #tpu.memory_space<vmem>>)
      tpu.yield
    }) : () -> ()
    "tpu.region"() ({
      %run_scoped3A = tpu.sem_alloc : memref<!tpu.dma_semaphore, #tpu.memory_space<semaphore_mem>>
      %dma_start3A_122 = arith.constant 0 : i32
      %dma_start3A_123 = tpu.memref_slice %arg6[%arg0, %mul3A_121, %dma_start3A_122] : memref<2x10240x16xf32, #tpu.memory_space<hbm>> -> memref<1x640x16xf32, #tpu.memory_space<hbm>>
      %dma_start3A_124 = tpu.memref_squeeze %dma_start3A_123 : memref<1x640x16xf32, #tpu.memory_space<hbm>> -> memref<640x16xf32, #tpu.memory_space<hbm>>
      %dma_start3A_125 = arith.constant 0 : i32
      %dma_start3A_126 = tpu.memref_slice %arg6[%arg0, %mul3A_121, %dma_start3A_125] : memref<2x10240x16xf32, #tpu.memory_space<hbm>> -> memref<1x640x16xf32, #tpu.memory_space<hbm>>
      %dma_start3A_127 = tpu.memref_squeeze %dma_start3A_126 : memref<1x640x16xf32, #tpu.memory_space<hbm>> -> memref<640x16xf32, #tpu.memory_space<hbm>>
      tpu.enqueue_dma source(%arg17 : memref<640x16xf32, #tpu.memory_space<vmem>>) target(%dma_start3A_127 : memref<640x16xf32, #tpu.memory_space<hbm>>) target_semaphore(%run_scoped3A : memref<!tpu.dma_semaphore, #tpu.memory_space<semaphore_mem>>)
      %dma_wait3A_128 = arith.constant 0 : i32
      %dma_wait3A_129 = tpu.memref_slice %arg6[%arg0, %mul3A_121, %dma_wait3A_128] : memref<2x10240x16xf32, #tpu.memory_space<hbm>> -> memref<1x640x16xf32, #tpu.memory_space<hbm>>
      %dma_wait3A_130 = tpu.memref_squeeze %dma_wait3A_129 : memref<1x640x16xf32, #tpu.memory_space<hbm>> -> memref<640x16xf32, #tpu.memory_space<hbm>>
      %dma_wait3A_131 = arith.constant 0 : i32
      %dma_wait3A_132 = tpu.memref_slice %arg6[%arg0, %mul3A_121, %dma_wait3A_131] : memref<2x10240x16xf32, #tpu.memory_space<hbm>> -> memref<1x640x16xf32, #tpu.memory_space<hbm>>
      %dma_wait3A_133 = tpu.memref_squeeze %dma_wait3A_132 : memref<1x640x16xf32, #tpu.memory_space<hbm>> -> memref<640x16xf32, #tpu.memory_space<hbm>>
      tpu.wait_dma2 semaphore(%run_scoped3A : memref<!tpu.dma_semaphore, #tpu.memory_space<semaphore_mem>>) src(%arg17 : memref<640x16xf32, #tpu.memory_space<vmem>>) dst(%dma_wait3A_133 : memref<640x16xf32, #tpu.memory_space<hbm>>)
      tpu.yield
    }) : () -> ()
    return
  }
}

module attributes {stable_mosaic.version = 14 : i64} {
  func.func @_lstm_body(%arg0: i32, %arg1: memref<16x2048xf32, #tpu.memory_space<vmem>>, %arg2: memref<128x1xf32, #tpu.memory_space<vmem>>, %arg3: memref<128x32xf32, #tpu.memory_space<vmem>>, %arg4: memref<128x1xf32, #tpu.memory_space<vmem>>, %arg5: memref<64x32xf32, #tpu.memory_space<vmem>>, %arg6: memref<64x16xf32, #tpu.memory_space<vmem>>, %arg7: memref<64x1xf32, #tpu.memory_space<vmem>>, %arg8: memref<16x256xf32, #tpu.memory_space<vmem>>, %arg9: memref<1x1x16xf32, #tpu.memory_space<vmem>>, %arg10: memref<2048x16xf32, #tpu.memory_space<vmem>>) attributes {dimension_semantics = [#tpu.dimension_semantics<arbitrary>], iteration_bounds = array<i64: 5>, scalar_prefetch = 0 : i64, scratch_operands = 0 : i64, tpu.core_type = #tpu.core_type<tc>, window_params = [{transform_indices = @transform_0, window_bounds = array<i64: 16, 2048>}, {pipeline_mode = #tpu.pipeline_mode<synchronous>, transform_indices = @transform_1, window_bounds = array<i64: 128, 1>}, {pipeline_mode = #tpu.pipeline_mode<synchronous>, transform_indices = @transform_2, window_bounds = array<i64: 128, 32>}, {pipeline_mode = #tpu.pipeline_mode<synchronous>, transform_indices = @transform_3, window_bounds = array<i64: 128, 1>}, {pipeline_mode = #tpu.pipeline_mode<synchronous>, transform_indices = @transform_4, window_bounds = array<i64: 64, 32>}, {pipeline_mode = #tpu.pipeline_mode<synchronous>, transform_indices = @transform_5, window_bounds = array<i64: 64, 16>}, {pipeline_mode = #tpu.pipeline_mode<synchronous>, transform_indices = @transform_6, window_bounds = array<i64: 64, 1>}, {pipeline_mode = #tpu.pipeline_mode<synchronous>, transform_indices = @transform_7, window_bounds = array<i64: 16, 256>}, {pipeline_mode = #tpu.pipeline_mode<synchronous>, transform_indices = @transform_8, window_bounds = array<i64: 1, 1, 16>}, {transform_indices = @transform_9, window_bounds = array<i64: 2048, 16>}]} {
    %get3A = arith.constant 0 : index
    %get3A_0 = arith.constant 0 : index
    %get3A_1 = vector.load %arg1[%get3A, %get3A_0] : memref<16x2048xf32, #tpu.memory_space<vmem>>, vector<16x2048xf32>
    %get3A_2 = arith.constant 0 : index
    %get3A_3 = arith.constant 0 : index
    %get3A_4 = vector.load %arg2[%get3A_2, %get3A_3] : memref<128x1xf32, #tpu.memory_space<vmem>>, vector<128x1xf32>
    %get3A_5 = arith.constant 0 : index
    %get3A_6 = arith.constant 0 : index
    %get3A_7 = vector.load %arg3[%get3A_5, %get3A_6] : memref<128x32xf32, #tpu.memory_space<vmem>>, vector<128x32xf32>
    %get3A_8 = arith.constant 0 : index
    %get3A_9 = arith.constant 0 : index
    %get3A_10 = vector.load %arg4[%get3A_8, %get3A_9] : memref<128x1xf32, #tpu.memory_space<vmem>>, vector<128x1xf32>
    %get3A_11 = arith.constant 0 : index
    %get3A_12 = arith.constant 0 : index
    %get3A_13 = vector.load %arg5[%get3A_11, %get3A_12] : memref<64x32xf32, #tpu.memory_space<vmem>>, vector<64x32xf32>
    %get3A_14 = arith.constant 0 : index
    %get3A_15 = arith.constant 0 : index
    %get3A_16 = vector.load %arg6[%get3A_14, %get3A_15] : memref<64x16xf32, #tpu.memory_space<vmem>>, vector<64x16xf32>
    %get3A_17 = arith.constant 0 : index
    %get3A_18 = arith.constant 0 : index
    %get3A_19 = vector.load %arg7[%get3A_17, %get3A_18] : memref<64x1xf32, #tpu.memory_space<vmem>>, vector<64x1xf32>
    %broadcast_in_dim3A = arith.constant 0.000000e+00 : f32
    %broadcast_in_dim3A_20 = vector.broadcast %broadcast_in_dim3A : f32 to vector<32x2048xf32>
    %broadcast_in_dim3A_21 = arith.constant 0.000000e+00 : f32
    %broadcast_in_dim3A_22 = vector.broadcast %broadcast_in_dim3A_21 : f32 to vector<32x2048xf32>
    %slice3A = vector.extract_strided_slice %get3A_1 {offsets = [0, 0], sizes = [1, 2048], strides = [1, 1]} : vector<16x2048xf32> to vector<1x2048xf32>
    %mul3A = vector.broadcast %get3A_4 : vector<128x1xf32> to vector<128x2048xf32>
    %mul3A_23 = vector.broadcast %slice3A : vector<1x2048xf32> to vector<128x2048xf32>
    %mul3A_24 = arith.mulf %mul3A, %mul3A_23 : vector<128x2048xf32>
    %dot_general3A = arith.constant dense<0.000000e+00> : vector<128x2048xf32>
    %dot_general3A_25 = tpu.matmul %get3A_7, %broadcast_in_dim3A_20, %dot_general3A {dimension_numbers = #tpu.dot_dimension_numbers<[1], [0], [0], [1], [0, 0, 1, 1], [], []>, transpose_lhs_hint = false} : vector<128x32xf32>, vector<32x2048xf32>, vector<128x2048xf32> -> vector<128x2048xf32>
    %add3A = arith.addf %mul3A_24, %dot_general3A_25 : vector<128x2048xf32>
    %add3A_26 = vector.broadcast %get3A_10 : vector<128x1xf32> to vector<128x2048xf32>
    %add3A_27 = arith.addf %add3A, %add3A_26 : vector<128x2048xf32>
    %slice3A_28 = vector.extract_strided_slice %add3A_27 {offsets = [0, 0], sizes = [96, 2048], strides = [1, 1]} : vector<128x2048xf32> to vector<96x2048xf32>
    %logistic3A = arith.negf %slice3A_28 : vector<96x2048xf32>
    %logistic3A_29 = math.exp %logistic3A : vector<96x2048xf32>
    %logistic3A_30 = arith.constant 1.000000e+00 : f32
    %logistic3A_31 = vector.broadcast %logistic3A_30 : f32 to vector<96x2048xf32>
    %logistic3A_32 = arith.addf %logistic3A_31, %logistic3A_29 : vector<96x2048xf32>
    %logistic3A_33 = arith.divf %logistic3A_31, %logistic3A_32 : vector<96x2048xf32>
    %slice3A_34 = vector.extract_strided_slice %add3A_27 {offsets = [96, 0], sizes = [32, 2048], strides = [1, 1]} : vector<128x2048xf32> to vector<32x2048xf32>
    %tanh3A = math.tanh %slice3A_34 : vector<32x2048xf32>
    %slice3A_35 = vector.extract_strided_slice %logistic3A_33 {offsets = [32, 0], sizes = [32, 2048], strides = [1, 1]} : vector<96x2048xf32> to vector<32x2048xf32>
    %mul3A_36 = arith.mulf %slice3A_35, %broadcast_in_dim3A_22 : vector<32x2048xf32>
    %slice3A_37 = vector.extract_strided_slice %logistic3A_33 {offsets = [0, 0], sizes = [32, 2048], strides = [1, 1]} : vector<96x2048xf32> to vector<32x2048xf32>
    %mul3A_38 = arith.mulf %slice3A_37, %tanh3A : vector<32x2048xf32>
    %add3A_39 = arith.addf %mul3A_36, %mul3A_38 : vector<32x2048xf32>
    %slice3A_40 = vector.extract_strided_slice %logistic3A_33 {offsets = [64, 0], sizes = [32, 2048], strides = [1, 1]} : vector<96x2048xf32> to vector<32x2048xf32>
    %tanh3A_41 = math.tanh %add3A_39 : vector<32x2048xf32>
    %mul3A_42 = arith.mulf %slice3A_40, %tanh3A_41 : vector<32x2048xf32>
    %slice3A_43 = vector.extract_strided_slice %get3A_1 {offsets = [1, 0], sizes = [1, 2048], strides = [1, 1]} : vector<16x2048xf32> to vector<1x2048xf32>
    %mul3A_44 = vector.broadcast %get3A_4 : vector<128x1xf32> to vector<128x2048xf32>
    %mul3A_45 = vector.broadcast %slice3A_43 : vector<1x2048xf32> to vector<128x2048xf32>
    %mul3A_46 = arith.mulf %mul3A_44, %mul3A_45 : vector<128x2048xf32>
    %dot_general3A_47 = arith.constant dense<0.000000e+00> : vector<128x2048xf32>
    %dot_general3A_48 = tpu.matmul %get3A_7, %mul3A_42, %dot_general3A_47 {dimension_numbers = #tpu.dot_dimension_numbers<[1], [0], [0], [1], [0, 0, 1, 1], [], []>, transpose_lhs_hint = false} : vector<128x32xf32>, vector<32x2048xf32>, vector<128x2048xf32> -> vector<128x2048xf32>
    %add3A_49 = arith.addf %mul3A_46, %dot_general3A_48 : vector<128x2048xf32>
    %add3A_50 = vector.broadcast %get3A_10 : vector<128x1xf32> to vector<128x2048xf32>
    %add3A_51 = arith.addf %add3A_49, %add3A_50 : vector<128x2048xf32>
    %slice3A_52 = vector.extract_strided_slice %add3A_51 {offsets = [0, 0], sizes = [96, 2048], strides = [1, 1]} : vector<128x2048xf32> to vector<96x2048xf32>
    %logistic3A_53 = arith.negf %slice3A_52 : vector<96x2048xf32>
    %logistic3A_54 = math.exp %logistic3A_53 : vector<96x2048xf32>
    %logistic3A_55 = arith.constant 1.000000e+00 : f32
    %logistic3A_56 = vector.broadcast %logistic3A_55 : f32 to vector<96x2048xf32>
    %logistic3A_57 = arith.addf %logistic3A_56, %logistic3A_54 : vector<96x2048xf32>
    %logistic3A_58 = arith.divf %logistic3A_56, %logistic3A_57 : vector<96x2048xf32>
    %slice3A_59 = vector.extract_strided_slice %add3A_51 {offsets = [96, 0], sizes = [32, 2048], strides = [1, 1]} : vector<128x2048xf32> to vector<32x2048xf32>
    %tanh3A_60 = math.tanh %slice3A_59 : vector<32x2048xf32>
    %slice3A_61 = vector.extract_strided_slice %logistic3A_58 {offsets = [32, 0], sizes = [32, 2048], strides = [1, 1]} : vector<96x2048xf32> to vector<32x2048xf32>
    %mul3A_62 = arith.mulf %slice3A_61, %add3A_39 : vector<32x2048xf32>
    %slice3A_63 = vector.extract_strided_slice %logistic3A_58 {offsets = [0, 0], sizes = [32, 2048], strides = [1, 1]} : vector<96x2048xf32> to vector<32x2048xf32>
    %mul3A_64 = arith.mulf %slice3A_63, %tanh3A_60 : vector<32x2048xf32>
    %add3A_65 = arith.addf %mul3A_62, %mul3A_64 : vector<32x2048xf32>
    %slice3A_66 = vector.extract_strided_slice %logistic3A_58 {offsets = [64, 0], sizes = [32, 2048], strides = [1, 1]} : vector<96x2048xf32> to vector<32x2048xf32>
    %tanh3A_67 = math.tanh %add3A_65 : vector<32x2048xf32>
    %mul3A_68 = arith.mulf %slice3A_66, %tanh3A_67 : vector<32x2048xf32>
    %slice3A_69 = vector.extract_strided_slice %get3A_1 {offsets = [2, 0], sizes = [1, 2048], strides = [1, 1]} : vector<16x2048xf32> to vector<1x2048xf32>
    %mul3A_70 = vector.broadcast %get3A_4 : vector<128x1xf32> to vector<128x2048xf32>
    %mul3A_71 = vector.broadcast %slice3A_69 : vector<1x2048xf32> to vector<128x2048xf32>
    %mul3A_72 = arith.mulf %mul3A_70, %mul3A_71 : vector<128x2048xf32>
    %dot_general3A_73 = arith.constant dense<0.000000e+00> : vector<128x2048xf32>
    %dot_general3A_74 = tpu.matmul %get3A_7, %mul3A_68, %dot_general3A_73 {dimension_numbers = #tpu.dot_dimension_numbers<[1], [0], [0], [1], [0, 0, 1, 1], [], []>, transpose_lhs_hint = false} : vector<128x32xf32>, vector<32x2048xf32>, vector<128x2048xf32> -> vector<128x2048xf32>
    %add3A_75 = arith.addf %mul3A_72, %dot_general3A_74 : vector<128x2048xf32>
    %add3A_76 = vector.broadcast %get3A_10 : vector<128x1xf32> to vector<128x2048xf32>
    %add3A_77 = arith.addf %add3A_75, %add3A_76 : vector<128x2048xf32>
    %slice3A_78 = vector.extract_strided_slice %add3A_77 {offsets = [0, 0], sizes = [96, 2048], strides = [1, 1]} : vector<128x2048xf32> to vector<96x2048xf32>
    %logistic3A_79 = arith.negf %slice3A_78 : vector<96x2048xf32>
    %logistic3A_80 = math.exp %logistic3A_79 : vector<96x2048xf32>
    %logistic3A_81 = arith.constant 1.000000e+00 : f32
    %logistic3A_82 = vector.broadcast %logistic3A_81 : f32 to vector<96x2048xf32>
    %logistic3A_83 = arith.addf %logistic3A_82, %logistic3A_80 : vector<96x2048xf32>
    %logistic3A_84 = arith.divf %logistic3A_82, %logistic3A_83 : vector<96x2048xf32>
    %slice3A_85 = vector.extract_strided_slice %add3A_77 {offsets = [96, 0], sizes = [32, 2048], strides = [1, 1]} : vector<128x2048xf32> to vector<32x2048xf32>
    %tanh3A_86 = math.tanh %slice3A_85 : vector<32x2048xf32>
    %slice3A_87 = vector.extract_strided_slice %logistic3A_84 {offsets = [32, 0], sizes = [32, 2048], strides = [1, 1]} : vector<96x2048xf32> to vector<32x2048xf32>
    %mul3A_88 = arith.mulf %slice3A_87, %add3A_65 : vector<32x2048xf32>
    %slice3A_89 = vector.extract_strided_slice %logistic3A_84 {offsets = [0, 0], sizes = [32, 2048], strides = [1, 1]} : vector<96x2048xf32> to vector<32x2048xf32>
    %mul3A_90 = arith.mulf %slice3A_89, %tanh3A_86 : vector<32x2048xf32>
    %add3A_91 = arith.addf %mul3A_88, %mul3A_90 : vector<32x2048xf32>
    %slice3A_92 = vector.extract_strided_slice %logistic3A_84 {offsets = [64, 0], sizes = [32, 2048], strides = [1, 1]} : vector<96x2048xf32> to vector<32x2048xf32>
    %tanh3A_93 = math.tanh %add3A_91 : vector<32x2048xf32>
    %mul3A_94 = arith.mulf %slice3A_92, %tanh3A_93 : vector<32x2048xf32>
    %slice3A_95 = vector.extract_strided_slice %get3A_1 {offsets = [3, 0], sizes = [1, 2048], strides = [1, 1]} : vector<16x2048xf32> to vector<1x2048xf32>
    %mul3A_96 = vector.broadcast %get3A_4 : vector<128x1xf32> to vector<128x2048xf32>
    %mul3A_97 = vector.broadcast %slice3A_95 : vector<1x2048xf32> to vector<128x2048xf32>
    %mul3A_98 = arith.mulf %mul3A_96, %mul3A_97 : vector<128x2048xf32>
    %dot_general3A_99 = arith.constant dense<0.000000e+00> : vector<128x2048xf32>
    %dot_general3A_100 = tpu.matmul %get3A_7, %mul3A_94, %dot_general3A_99 {dimension_numbers = #tpu.dot_dimension_numbers<[1], [0], [0], [1], [0, 0, 1, 1], [], []>, transpose_lhs_hint = false} : vector<128x32xf32>, vector<32x2048xf32>, vector<128x2048xf32> -> vector<128x2048xf32>
    %add3A_101 = arith.addf %mul3A_98, %dot_general3A_100 : vector<128x2048xf32>
    %add3A_102 = vector.broadcast %get3A_10 : vector<128x1xf32> to vector<128x2048xf32>
    %add3A_103 = arith.addf %add3A_101, %add3A_102 : vector<128x2048xf32>
    %slice3A_104 = vector.extract_strided_slice %add3A_103 {offsets = [0, 0], sizes = [96, 2048], strides = [1, 1]} : vector<128x2048xf32> to vector<96x2048xf32>
    %logistic3A_105 = arith.negf %slice3A_104 : vector<96x2048xf32>
    %logistic3A_106 = math.exp %logistic3A_105 : vector<96x2048xf32>
    %logistic3A_107 = arith.constant 1.000000e+00 : f32
    %logistic3A_108 = vector.broadcast %logistic3A_107 : f32 to vector<96x2048xf32>
    %logistic3A_109 = arith.addf %logistic3A_108, %logistic3A_106 : vector<96x2048xf32>
    %logistic3A_110 = arith.divf %logistic3A_108, %logistic3A_109 : vector<96x2048xf32>
    %slice3A_111 = vector.extract_strided_slice %add3A_103 {offsets = [96, 0], sizes = [32, 2048], strides = [1, 1]} : vector<128x2048xf32> to vector<32x2048xf32>
    %tanh3A_112 = math.tanh %slice3A_111 : vector<32x2048xf32>
    %slice3A_113 = vector.extract_strided_slice %logistic3A_110 {offsets = [32, 0], sizes = [32, 2048], strides = [1, 1]} : vector<96x2048xf32> to vector<32x2048xf32>
    %mul3A_114 = arith.mulf %slice3A_113, %add3A_91 : vector<32x2048xf32>
    %slice3A_115 = vector.extract_strided_slice %logistic3A_110 {offsets = [0, 0], sizes = [32, 2048], strides = [1, 1]} : vector<96x2048xf32> to vector<32x2048xf32>
    %mul3A_116 = arith.mulf %slice3A_115, %tanh3A_112 : vector<32x2048xf32>
    %add3A_117 = arith.addf %mul3A_114, %mul3A_116 : vector<32x2048xf32>
    %slice3A_118 = vector.extract_strided_slice %logistic3A_110 {offsets = [64, 0], sizes = [32, 2048], strides = [1, 1]} : vector<96x2048xf32> to vector<32x2048xf32>
    %tanh3A_119 = math.tanh %add3A_117 : vector<32x2048xf32>
    %mul3A_120 = arith.mulf %slice3A_118, %tanh3A_119 : vector<32x2048xf32>
    %slice3A_121 = vector.extract_strided_slice %get3A_1 {offsets = [4, 0], sizes = [1, 2048], strides = [1, 1]} : vector<16x2048xf32> to vector<1x2048xf32>
    %mul3A_122 = vector.broadcast %get3A_4 : vector<128x1xf32> to vector<128x2048xf32>
    %mul3A_123 = vector.broadcast %slice3A_121 : vector<1x2048xf32> to vector<128x2048xf32>
    %mul3A_124 = arith.mulf %mul3A_122, %mul3A_123 : vector<128x2048xf32>
    %dot_general3A_125 = arith.constant dense<0.000000e+00> : vector<128x2048xf32>
    %dot_general3A_126 = tpu.matmul %get3A_7, %mul3A_120, %dot_general3A_125 {dimension_numbers = #tpu.dot_dimension_numbers<[1], [0], [0], [1], [0, 0, 1, 1], [], []>, transpose_lhs_hint = false} : vector<128x32xf32>, vector<32x2048xf32>, vector<128x2048xf32> -> vector<128x2048xf32>
    %add3A_127 = arith.addf %mul3A_124, %dot_general3A_126 : vector<128x2048xf32>
    %add3A_128 = vector.broadcast %get3A_10 : vector<128x1xf32> to vector<128x2048xf32>
    %add3A_129 = arith.addf %add3A_127, %add3A_128 : vector<128x2048xf32>
    %slice3A_130 = vector.extract_strided_slice %add3A_129 {offsets = [0, 0], sizes = [96, 2048], strides = [1, 1]} : vector<128x2048xf32> to vector<96x2048xf32>
    %logistic3A_131 = arith.negf %slice3A_130 : vector<96x2048xf32>
    %logistic3A_132 = math.exp %logistic3A_131 : vector<96x2048xf32>
    %logistic3A_133 = arith.constant 1.000000e+00 : f32
    %logistic3A_134 = vector.broadcast %logistic3A_133 : f32 to vector<96x2048xf32>
    %logistic3A_135 = arith.addf %logistic3A_134, %logistic3A_132 : vector<96x2048xf32>
    %logistic3A_136 = arith.divf %logistic3A_134, %logistic3A_135 : vector<96x2048xf32>
    %slice3A_137 = vector.extract_strided_slice %add3A_129 {offsets = [96, 0], sizes = [32, 2048], strides = [1, 1]} : vector<128x2048xf32> to vector<32x2048xf32>
    %tanh3A_138 = math.tanh %slice3A_137 : vector<32x2048xf32>
    %slice3A_139 = vector.extract_strided_slice %logistic3A_136 {offsets = [32, 0], sizes = [32, 2048], strides = [1, 1]} : vector<96x2048xf32> to vector<32x2048xf32>
    %mul3A_140 = arith.mulf %slice3A_139, %add3A_117 : vector<32x2048xf32>
    %slice3A_141 = vector.extract_strided_slice %logistic3A_136 {offsets = [0, 0], sizes = [32, 2048], strides = [1, 1]} : vector<96x2048xf32> to vector<32x2048xf32>
    %mul3A_142 = arith.mulf %slice3A_141, %tanh3A_138 : vector<32x2048xf32>
    %add3A_143 = arith.addf %mul3A_140, %mul3A_142 : vector<32x2048xf32>
    %slice3A_144 = vector.extract_strided_slice %logistic3A_136 {offsets = [64, 0], sizes = [32, 2048], strides = [1, 1]} : vector<96x2048xf32> to vector<32x2048xf32>
    %tanh3A_145 = math.tanh %add3A_143 : vector<32x2048xf32>
    %mul3A_146 = arith.mulf %slice3A_144, %tanh3A_145 : vector<32x2048xf32>
    %slice3A_147 = vector.extract_strided_slice %get3A_1 {offsets = [5, 0], sizes = [1, 2048], strides = [1, 1]} : vector<16x2048xf32> to vector<1x2048xf32>
    %mul3A_148 = vector.broadcast %get3A_4 : vector<128x1xf32> to vector<128x2048xf32>
    %mul3A_149 = vector.broadcast %slice3A_147 : vector<1x2048xf32> to vector<128x2048xf32>
    %mul3A_150 = arith.mulf %mul3A_148, %mul3A_149 : vector<128x2048xf32>
    %dot_general3A_151 = arith.constant dense<0.000000e+00> : vector<128x2048xf32>
    %dot_general3A_152 = tpu.matmul %get3A_7, %mul3A_146, %dot_general3A_151 {dimension_numbers = #tpu.dot_dimension_numbers<[1], [0], [0], [1], [0, 0, 1, 1], [], []>, transpose_lhs_hint = false} : vector<128x32xf32>, vector<32x2048xf32>, vector<128x2048xf32> -> vector<128x2048xf32>
    %add3A_153 = arith.addf %mul3A_150, %dot_general3A_152 : vector<128x2048xf32>
    %add3A_154 = vector.broadcast %get3A_10 : vector<128x1xf32> to vector<128x2048xf32>
    %add3A_155 = arith.addf %add3A_153, %add3A_154 : vector<128x2048xf32>
    %slice3A_156 = vector.extract_strided_slice %add3A_155 {offsets = [0, 0], sizes = [96, 2048], strides = [1, 1]} : vector<128x2048xf32> to vector<96x2048xf32>
    %logistic3A_157 = arith.negf %slice3A_156 : vector<96x2048xf32>
    %logistic3A_158 = math.exp %logistic3A_157 : vector<96x2048xf32>
    %logistic3A_159 = arith.constant 1.000000e+00 : f32
    %logistic3A_160 = vector.broadcast %logistic3A_159 : f32 to vector<96x2048xf32>
    %logistic3A_161 = arith.addf %logistic3A_160, %logistic3A_158 : vector<96x2048xf32>
    %logistic3A_162 = arith.divf %logistic3A_160, %logistic3A_161 : vector<96x2048xf32>
    %slice3A_163 = vector.extract_strided_slice %add3A_155 {offsets = [96, 0], sizes = [32, 2048], strides = [1, 1]} : vector<128x2048xf32> to vector<32x2048xf32>
    %tanh3A_164 = math.tanh %slice3A_163 : vector<32x2048xf32>
    %slice3A_165 = vector.extract_strided_slice %logistic3A_162 {offsets = [32, 0], sizes = [32, 2048], strides = [1, 1]} : vector<96x2048xf32> to vector<32x2048xf32>
    %mul3A_166 = arith.mulf %slice3A_165, %add3A_143 : vector<32x2048xf32>
    %slice3A_167 = vector.extract_strided_slice %logistic3A_162 {offsets = [0, 0], sizes = [32, 2048], strides = [1, 1]} : vector<96x2048xf32> to vector<32x2048xf32>
    %mul3A_168 = arith.mulf %slice3A_167, %tanh3A_164 : vector<32x2048xf32>
    %add3A_169 = arith.addf %mul3A_166, %mul3A_168 : vector<32x2048xf32>
    %slice3A_170 = vector.extract_strided_slice %logistic3A_162 {offsets = [64, 0], sizes = [32, 2048], strides = [1, 1]} : vector<96x2048xf32> to vector<32x2048xf32>
    %tanh3A_171 = math.tanh %add3A_169 : vector<32x2048xf32>
    %mul3A_172 = arith.mulf %slice3A_170, %tanh3A_171 : vector<32x2048xf32>
    %slice3A_173 = vector.extract_strided_slice %get3A_1 {offsets = [6, 0], sizes = [1, 2048], strides = [1, 1]} : vector<16x2048xf32> to vector<1x2048xf32>
    %mul3A_174 = vector.broadcast %get3A_4 : vector<128x1xf32> to vector<128x2048xf32>
    %mul3A_175 = vector.broadcast %slice3A_173 : vector<1x2048xf32> to vector<128x2048xf32>
    %mul3A_176 = arith.mulf %mul3A_174, %mul3A_175 : vector<128x2048xf32>
    %dot_general3A_177 = arith.constant dense<0.000000e+00> : vector<128x2048xf32>
    %dot_general3A_178 = tpu.matmul %get3A_7, %mul3A_172, %dot_general3A_177 {dimension_numbers = #tpu.dot_dimension_numbers<[1], [0], [0], [1], [0, 0, 1, 1], [], []>, transpose_lhs_hint = false} : vector<128x32xf32>, vector<32x2048xf32>, vector<128x2048xf32> -> vector<128x2048xf32>
    %add3A_179 = arith.addf %mul3A_176, %dot_general3A_178 : vector<128x2048xf32>
    %add3A_180 = vector.broadcast %get3A_10 : vector<128x1xf32> to vector<128x2048xf32>
    %add3A_181 = arith.addf %add3A_179, %add3A_180 : vector<128x2048xf32>
    %slice3A_182 = vector.extract_strided_slice %add3A_181 {offsets = [0, 0], sizes = [96, 2048], strides = [1, 1]} : vector<128x2048xf32> to vector<96x2048xf32>
    %logistic3A_183 = arith.negf %slice3A_182 : vector<96x2048xf32>
    %logistic3A_184 = math.exp %logistic3A_183 : vector<96x2048xf32>
    %logistic3A_185 = arith.constant 1.000000e+00 : f32
    %logistic3A_186 = vector.broadcast %logistic3A_185 : f32 to vector<96x2048xf32>
    %logistic3A_187 = arith.addf %logistic3A_186, %logistic3A_184 : vector<96x2048xf32>
    %logistic3A_188 = arith.divf %logistic3A_186, %logistic3A_187 : vector<96x2048xf32>
    %slice3A_189 = vector.extract_strided_slice %add3A_181 {offsets = [96, 0], sizes = [32, 2048], strides = [1, 1]} : vector<128x2048xf32> to vector<32x2048xf32>
    %tanh3A_190 = math.tanh %slice3A_189 : vector<32x2048xf32>
    %slice3A_191 = vector.extract_strided_slice %logistic3A_188 {offsets = [32, 0], sizes = [32, 2048], strides = [1, 1]} : vector<96x2048xf32> to vector<32x2048xf32>
    %mul3A_192 = arith.mulf %slice3A_191, %add3A_169 : vector<32x2048xf32>
    %slice3A_193 = vector.extract_strided_slice %logistic3A_188 {offsets = [0, 0], sizes = [32, 2048], strides = [1, 1]} : vector<96x2048xf32> to vector<32x2048xf32>
    %mul3A_194 = arith.mulf %slice3A_193, %tanh3A_190 : vector<32x2048xf32>
    %add3A_195 = arith.addf %mul3A_192, %mul3A_194 : vector<32x2048xf32>
    %slice3A_196 = vector.extract_strided_slice %logistic3A_188 {offsets = [64, 0], sizes = [32, 2048], strides = [1, 1]} : vector<96x2048xf32> to vector<32x2048xf32>
    %tanh3A_197 = math.tanh %add3A_195 : vector<32x2048xf32>
    %mul3A_198 = arith.mulf %slice3A_196, %tanh3A_197 : vector<32x2048xf32>
    %slice3A_199 = vector.extract_strided_slice %get3A_1 {offsets = [7, 0], sizes = [1, 2048], strides = [1, 1]} : vector<16x2048xf32> to vector<1x2048xf32>
    %mul3A_200 = vector.broadcast %get3A_4 : vector<128x1xf32> to vector<128x2048xf32>
    %mul3A_201 = vector.broadcast %slice3A_199 : vector<1x2048xf32> to vector<128x2048xf32>
    %mul3A_202 = arith.mulf %mul3A_200, %mul3A_201 : vector<128x2048xf32>
    %dot_general3A_203 = arith.constant dense<0.000000e+00> : vector<128x2048xf32>
    %dot_general3A_204 = tpu.matmul %get3A_7, %mul3A_198, %dot_general3A_203 {dimension_numbers = #tpu.dot_dimension_numbers<[1], [0], [0], [1], [0, 0, 1, 1], [], []>, transpose_lhs_hint = false} : vector<128x32xf32>, vector<32x2048xf32>, vector<128x2048xf32> -> vector<128x2048xf32>
    %add3A_205 = arith.addf %mul3A_202, %dot_general3A_204 : vector<128x2048xf32>
    %add3A_206 = vector.broadcast %get3A_10 : vector<128x1xf32> to vector<128x2048xf32>
    %add3A_207 = arith.addf %add3A_205, %add3A_206 : vector<128x2048xf32>
    %slice3A_208 = vector.extract_strided_slice %add3A_207 {offsets = [0, 0], sizes = [96, 2048], strides = [1, 1]} : vector<128x2048xf32> to vector<96x2048xf32>
    %logistic3A_209 = arith.negf %slice3A_208 : vector<96x2048xf32>
    %logistic3A_210 = math.exp %logistic3A_209 : vector<96x2048xf32>
    %logistic3A_211 = arith.constant 1.000000e+00 : f32
    %logistic3A_212 = vector.broadcast %logistic3A_211 : f32 to vector<96x2048xf32>
    %logistic3A_213 = arith.addf %logistic3A_212, %logistic3A_210 : vector<96x2048xf32>
    %logistic3A_214 = arith.divf %logistic3A_212, %logistic3A_213 : vector<96x2048xf32>
    %slice3A_215 = vector.extract_strided_slice %add3A_207 {offsets = [96, 0], sizes = [32, 2048], strides = [1, 1]} : vector<128x2048xf32> to vector<32x2048xf32>
    %tanh3A_216 = math.tanh %slice3A_215 : vector<32x2048xf32>
    %slice3A_217 = vector.extract_strided_slice %logistic3A_214 {offsets = [32, 0], sizes = [32, 2048], strides = [1, 1]} : vector<96x2048xf32> to vector<32x2048xf32>
    %mul3A_218 = arith.mulf %slice3A_217, %add3A_195 : vector<32x2048xf32>
    %slice3A_219 = vector.extract_strided_slice %logistic3A_214 {offsets = [0, 0], sizes = [32, 2048], strides = [1, 1]} : vector<96x2048xf32> to vector<32x2048xf32>
    %mul3A_220 = arith.mulf %slice3A_219, %tanh3A_216 : vector<32x2048xf32>
    %add3A_221 = arith.addf %mul3A_218, %mul3A_220 : vector<32x2048xf32>
    %slice3A_222 = vector.extract_strided_slice %logistic3A_214 {offsets = [64, 0], sizes = [32, 2048], strides = [1, 1]} : vector<96x2048xf32> to vector<32x2048xf32>
    %tanh3A_223 = math.tanh %add3A_221 : vector<32x2048xf32>
    %mul3A_224 = arith.mulf %slice3A_222, %tanh3A_223 : vector<32x2048xf32>
    %slice3A_225 = vector.extract_strided_slice %get3A_1 {offsets = [8, 0], sizes = [1, 2048], strides = [1, 1]} : vector<16x2048xf32> to vector<1x2048xf32>
    %mul3A_226 = vector.broadcast %get3A_4 : vector<128x1xf32> to vector<128x2048xf32>
    %mul3A_227 = vector.broadcast %slice3A_225 : vector<1x2048xf32> to vector<128x2048xf32>
    %mul3A_228 = arith.mulf %mul3A_226, %mul3A_227 : vector<128x2048xf32>
    %dot_general3A_229 = arith.constant dense<0.000000e+00> : vector<128x2048xf32>
    %dot_general3A_230 = tpu.matmul %get3A_7, %mul3A_224, %dot_general3A_229 {dimension_numbers = #tpu.dot_dimension_numbers<[1], [0], [0], [1], [0, 0, 1, 1], [], []>, transpose_lhs_hint = false} : vector<128x32xf32>, vector<32x2048xf32>, vector<128x2048xf32> -> vector<128x2048xf32>
    %add3A_231 = arith.addf %mul3A_228, %dot_general3A_230 : vector<128x2048xf32>
    %add3A_232 = vector.broadcast %get3A_10 : vector<128x1xf32> to vector<128x2048xf32>
    %add3A_233 = arith.addf %add3A_231, %add3A_232 : vector<128x2048xf32>
    %slice3A_234 = vector.extract_strided_slice %add3A_233 {offsets = [0, 0], sizes = [96, 2048], strides = [1, 1]} : vector<128x2048xf32> to vector<96x2048xf32>
    %logistic3A_235 = arith.negf %slice3A_234 : vector<96x2048xf32>
    %logistic3A_236 = math.exp %logistic3A_235 : vector<96x2048xf32>
    %logistic3A_237 = arith.constant 1.000000e+00 : f32
    %logistic3A_238 = vector.broadcast %logistic3A_237 : f32 to vector<96x2048xf32>
    %logistic3A_239 = arith.addf %logistic3A_238, %logistic3A_236 : vector<96x2048xf32>
    %logistic3A_240 = arith.divf %logistic3A_238, %logistic3A_239 : vector<96x2048xf32>
    %slice3A_241 = vector.extract_strided_slice %add3A_233 {offsets = [96, 0], sizes = [32, 2048], strides = [1, 1]} : vector<128x2048xf32> to vector<32x2048xf32>
    %tanh3A_242 = math.tanh %slice3A_241 : vector<32x2048xf32>
    %slice3A_243 = vector.extract_strided_slice %logistic3A_240 {offsets = [32, 0], sizes = [32, 2048], strides = [1, 1]} : vector<96x2048xf32> to vector<32x2048xf32>
    %mul3A_244 = arith.mulf %slice3A_243, %add3A_221 : vector<32x2048xf32>
    %slice3A_245 = vector.extract_strided_slice %logistic3A_240 {offsets = [0, 0], sizes = [32, 2048], strides = [1, 1]} : vector<96x2048xf32> to vector<32x2048xf32>
    %mul3A_246 = arith.mulf %slice3A_245, %tanh3A_242 : vector<32x2048xf32>
    %add3A_247 = arith.addf %mul3A_244, %mul3A_246 : vector<32x2048xf32>
    %slice3A_248 = vector.extract_strided_slice %logistic3A_240 {offsets = [64, 0], sizes = [32, 2048], strides = [1, 1]} : vector<96x2048xf32> to vector<32x2048xf32>
    %tanh3A_249 = math.tanh %add3A_247 : vector<32x2048xf32>
    %mul3A_250 = arith.mulf %slice3A_248, %tanh3A_249 : vector<32x2048xf32>
    %slice3A_251 = vector.extract_strided_slice %get3A_1 {offsets = [9, 0], sizes = [1, 2048], strides = [1, 1]} : vector<16x2048xf32> to vector<1x2048xf32>
    %mul3A_252 = vector.broadcast %get3A_4 : vector<128x1xf32> to vector<128x2048xf32>
    %mul3A_253 = vector.broadcast %slice3A_251 : vector<1x2048xf32> to vector<128x2048xf32>
    %mul3A_254 = arith.mulf %mul3A_252, %mul3A_253 : vector<128x2048xf32>
    %dot_general3A_255 = arith.constant dense<0.000000e+00> : vector<128x2048xf32>
    %dot_general3A_256 = tpu.matmul %get3A_7, %mul3A_250, %dot_general3A_255 {dimension_numbers = #tpu.dot_dimension_numbers<[1], [0], [0], [1], [0, 0, 1, 1], [], []>, transpose_lhs_hint = false} : vector<128x32xf32>, vector<32x2048xf32>, vector<128x2048xf32> -> vector<128x2048xf32>
    %add3A_257 = arith.addf %mul3A_254, %dot_general3A_256 : vector<128x2048xf32>
    %add3A_258 = vector.broadcast %get3A_10 : vector<128x1xf32> to vector<128x2048xf32>
    %add3A_259 = arith.addf %add3A_257, %add3A_258 : vector<128x2048xf32>
    %slice3A_260 = vector.extract_strided_slice %add3A_259 {offsets = [0, 0], sizes = [96, 2048], strides = [1, 1]} : vector<128x2048xf32> to vector<96x2048xf32>
    %logistic3A_261 = arith.negf %slice3A_260 : vector<96x2048xf32>
    %logistic3A_262 = math.exp %logistic3A_261 : vector<96x2048xf32>
    %logistic3A_263 = arith.constant 1.000000e+00 : f32
    %logistic3A_264 = vector.broadcast %logistic3A_263 : f32 to vector<96x2048xf32>
    %logistic3A_265 = arith.addf %logistic3A_264, %logistic3A_262 : vector<96x2048xf32>
    %logistic3A_266 = arith.divf %logistic3A_264, %logistic3A_265 : vector<96x2048xf32>
    %slice3A_267 = vector.extract_strided_slice %add3A_259 {offsets = [96, 0], sizes = [32, 2048], strides = [1, 1]} : vector<128x2048xf32> to vector<32x2048xf32>
    %tanh3A_268 = math.tanh %slice3A_267 : vector<32x2048xf32>
    %slice3A_269 = vector.extract_strided_slice %logistic3A_266 {offsets = [32, 0], sizes = [32, 2048], strides = [1, 1]} : vector<96x2048xf32> to vector<32x2048xf32>
    %mul3A_270 = arith.mulf %slice3A_269, %add3A_247 : vector<32x2048xf32>
    %slice3A_271 = vector.extract_strided_slice %logistic3A_266 {offsets = [0, 0], sizes = [32, 2048], strides = [1, 1]} : vector<96x2048xf32> to vector<32x2048xf32>
    %mul3A_272 = arith.mulf %slice3A_271, %tanh3A_268 : vector<32x2048xf32>
    %add3A_273 = arith.addf %mul3A_270, %mul3A_272 : vector<32x2048xf32>
    %slice3A_274 = vector.extract_strided_slice %logistic3A_266 {offsets = [64, 0], sizes = [32, 2048], strides = [1, 1]} : vector<96x2048xf32> to vector<32x2048xf32>
    %tanh3A_275 = math.tanh %add3A_273 : vector<32x2048xf32>
    %mul3A_276 = arith.mulf %slice3A_274, %tanh3A_275 : vector<32x2048xf32>
    %slice3A_277 = vector.extract_strided_slice %get3A_1 {offsets = [10, 0], sizes = [1, 2048], strides = [1, 1]} : vector<16x2048xf32> to vector<1x2048xf32>
    %mul3A_278 = vector.broadcast %get3A_4 : vector<128x1xf32> to vector<128x2048xf32>
    %mul3A_279 = vector.broadcast %slice3A_277 : vector<1x2048xf32> to vector<128x2048xf32>
    %mul3A_280 = arith.mulf %mul3A_278, %mul3A_279 : vector<128x2048xf32>
    %dot_general3A_281 = arith.constant dense<0.000000e+00> : vector<128x2048xf32>
    %dot_general3A_282 = tpu.matmul %get3A_7, %mul3A_276, %dot_general3A_281 {dimension_numbers = #tpu.dot_dimension_numbers<[1], [0], [0], [1], [0, 0, 1, 1], [], []>, transpose_lhs_hint = false} : vector<128x32xf32>, vector<32x2048xf32>, vector<128x2048xf32> -> vector<128x2048xf32>
    %add3A_283 = arith.addf %mul3A_280, %dot_general3A_282 : vector<128x2048xf32>
    %add3A_284 = vector.broadcast %get3A_10 : vector<128x1xf32> to vector<128x2048xf32>
    %add3A_285 = arith.addf %add3A_283, %add3A_284 : vector<128x2048xf32>
    %slice3A_286 = vector.extract_strided_slice %add3A_285 {offsets = [0, 0], sizes = [96, 2048], strides = [1, 1]} : vector<128x2048xf32> to vector<96x2048xf32>
    %logistic3A_287 = arith.negf %slice3A_286 : vector<96x2048xf32>
    %logistic3A_288 = math.exp %logistic3A_287 : vector<96x2048xf32>
    %logistic3A_289 = arith.constant 1.000000e+00 : f32
    %logistic3A_290 = vector.broadcast %logistic3A_289 : f32 to vector<96x2048xf32>
    %logistic3A_291 = arith.addf %logistic3A_290, %logistic3A_288 : vector<96x2048xf32>
    %logistic3A_292 = arith.divf %logistic3A_290, %logistic3A_291 : vector<96x2048xf32>
    %slice3A_293 = vector.extract_strided_slice %add3A_285 {offsets = [96, 0], sizes = [32, 2048], strides = [1, 1]} : vector<128x2048xf32> to vector<32x2048xf32>
    %tanh3A_294 = math.tanh %slice3A_293 : vector<32x2048xf32>
    %slice3A_295 = vector.extract_strided_slice %logistic3A_292 {offsets = [32, 0], sizes = [32, 2048], strides = [1, 1]} : vector<96x2048xf32> to vector<32x2048xf32>
    %mul3A_296 = arith.mulf %slice3A_295, %add3A_273 : vector<32x2048xf32>
    %slice3A_297 = vector.extract_strided_slice %logistic3A_292 {offsets = [0, 0], sizes = [32, 2048], strides = [1, 1]} : vector<96x2048xf32> to vector<32x2048xf32>
    %mul3A_298 = arith.mulf %slice3A_297, %tanh3A_294 : vector<32x2048xf32>
    %add3A_299 = arith.addf %mul3A_296, %mul3A_298 : vector<32x2048xf32>
    %slice3A_300 = vector.extract_strided_slice %logistic3A_292 {offsets = [64, 0], sizes = [32, 2048], strides = [1, 1]} : vector<96x2048xf32> to vector<32x2048xf32>
    %tanh3A_301 = math.tanh %add3A_299 : vector<32x2048xf32>
    %mul3A_302 = arith.mulf %slice3A_300, %tanh3A_301 : vector<32x2048xf32>
    %slice3A_303 = vector.extract_strided_slice %get3A_1 {offsets = [11, 0], sizes = [1, 2048], strides = [1, 1]} : vector<16x2048xf32> to vector<1x2048xf32>
    %mul3A_304 = vector.broadcast %get3A_4 : vector<128x1xf32> to vector<128x2048xf32>
    %mul3A_305 = vector.broadcast %slice3A_303 : vector<1x2048xf32> to vector<128x2048xf32>
    %mul3A_306 = arith.mulf %mul3A_304, %mul3A_305 : vector<128x2048xf32>
    %dot_general3A_307 = arith.constant dense<0.000000e+00> : vector<128x2048xf32>
    %dot_general3A_308 = tpu.matmul %get3A_7, %mul3A_302, %dot_general3A_307 {dimension_numbers = #tpu.dot_dimension_numbers<[1], [0], [0], [1], [0, 0, 1, 1], [], []>, transpose_lhs_hint = false} : vector<128x32xf32>, vector<32x2048xf32>, vector<128x2048xf32> -> vector<128x2048xf32>
    %add3A_309 = arith.addf %mul3A_306, %dot_general3A_308 : vector<128x2048xf32>
    %add3A_310 = vector.broadcast %get3A_10 : vector<128x1xf32> to vector<128x2048xf32>
    %add3A_311 = arith.addf %add3A_309, %add3A_310 : vector<128x2048xf32>
    %slice3A_312 = vector.extract_strided_slice %add3A_311 {offsets = [0, 0], sizes = [96, 2048], strides = [1, 1]} : vector<128x2048xf32> to vector<96x2048xf32>
    %logistic3A_313 = arith.negf %slice3A_312 : vector<96x2048xf32>
    %logistic3A_314 = math.exp %logistic3A_313 : vector<96x2048xf32>
    %logistic3A_315 = arith.constant 1.000000e+00 : f32
    %logistic3A_316 = vector.broadcast %logistic3A_315 : f32 to vector<96x2048xf32>
    %logistic3A_317 = arith.addf %logistic3A_316, %logistic3A_314 : vector<96x2048xf32>
    %logistic3A_318 = arith.divf %logistic3A_316, %logistic3A_317 : vector<96x2048xf32>
    %slice3A_319 = vector.extract_strided_slice %add3A_311 {offsets = [96, 0], sizes = [32, 2048], strides = [1, 1]} : vector<128x2048xf32> to vector<32x2048xf32>
    %tanh3A_320 = math.tanh %slice3A_319 : vector<32x2048xf32>
    %slice3A_321 = vector.extract_strided_slice %logistic3A_318 {offsets = [32, 0], sizes = [32, 2048], strides = [1, 1]} : vector<96x2048xf32> to vector<32x2048xf32>
    %mul3A_322 = arith.mulf %slice3A_321, %add3A_299 : vector<32x2048xf32>
    %slice3A_323 = vector.extract_strided_slice %logistic3A_318 {offsets = [0, 0], sizes = [32, 2048], strides = [1, 1]} : vector<96x2048xf32> to vector<32x2048xf32>
    %mul3A_324 = arith.mulf %slice3A_323, %tanh3A_320 : vector<32x2048xf32>
    %add3A_325 = arith.addf %mul3A_322, %mul3A_324 : vector<32x2048xf32>
    %slice3A_326 = vector.extract_strided_slice %logistic3A_318 {offsets = [64, 0], sizes = [32, 2048], strides = [1, 1]} : vector<96x2048xf32> to vector<32x2048xf32>
    %tanh3A_327 = math.tanh %add3A_325 : vector<32x2048xf32>
    %mul3A_328 = arith.mulf %slice3A_326, %tanh3A_327 : vector<32x2048xf32>
    %slice3A_329 = vector.extract_strided_slice %get3A_1 {offsets = [12, 0], sizes = [1, 2048], strides = [1, 1]} : vector<16x2048xf32> to vector<1x2048xf32>
    %mul3A_330 = vector.broadcast %get3A_4 : vector<128x1xf32> to vector<128x2048xf32>
    %mul3A_331 = vector.broadcast %slice3A_329 : vector<1x2048xf32> to vector<128x2048xf32>
    %mul3A_332 = arith.mulf %mul3A_330, %mul3A_331 : vector<128x2048xf32>
    %dot_general3A_333 = arith.constant dense<0.000000e+00> : vector<128x2048xf32>
    %dot_general3A_334 = tpu.matmul %get3A_7, %mul3A_328, %dot_general3A_333 {dimension_numbers = #tpu.dot_dimension_numbers<[1], [0], [0], [1], [0, 0, 1, 1], [], []>, transpose_lhs_hint = false} : vector<128x32xf32>, vector<32x2048xf32>, vector<128x2048xf32> -> vector<128x2048xf32>
    %add3A_335 = arith.addf %mul3A_332, %dot_general3A_334 : vector<128x2048xf32>
    %add3A_336 = vector.broadcast %get3A_10 : vector<128x1xf32> to vector<128x2048xf32>
    %add3A_337 = arith.addf %add3A_335, %add3A_336 : vector<128x2048xf32>
    %slice3A_338 = vector.extract_strided_slice %add3A_337 {offsets = [0, 0], sizes = [96, 2048], strides = [1, 1]} : vector<128x2048xf32> to vector<96x2048xf32>
    %logistic3A_339 = arith.negf %slice3A_338 : vector<96x2048xf32>
    %logistic3A_340 = math.exp %logistic3A_339 : vector<96x2048xf32>
    %logistic3A_341 = arith.constant 1.000000e+00 : f32
    %logistic3A_342 = vector.broadcast %logistic3A_341 : f32 to vector<96x2048xf32>
    %logistic3A_343 = arith.addf %logistic3A_342, %logistic3A_340 : vector<96x2048xf32>
    %logistic3A_344 = arith.divf %logistic3A_342, %logistic3A_343 : vector<96x2048xf32>
    %slice3A_345 = vector.extract_strided_slice %add3A_337 {offsets = [96, 0], sizes = [32, 2048], strides = [1, 1]} : vector<128x2048xf32> to vector<32x2048xf32>
    %tanh3A_346 = math.tanh %slice3A_345 : vector<32x2048xf32>
    %slice3A_347 = vector.extract_strided_slice %logistic3A_344 {offsets = [32, 0], sizes = [32, 2048], strides = [1, 1]} : vector<96x2048xf32> to vector<32x2048xf32>
    %mul3A_348 = arith.mulf %slice3A_347, %add3A_325 : vector<32x2048xf32>
    %slice3A_349 = vector.extract_strided_slice %logistic3A_344 {offsets = [0, 0], sizes = [32, 2048], strides = [1, 1]} : vector<96x2048xf32> to vector<32x2048xf32>
    %mul3A_350 = arith.mulf %slice3A_349, %tanh3A_346 : vector<32x2048xf32>
    %add3A_351 = arith.addf %mul3A_348, %mul3A_350 : vector<32x2048xf32>
    %slice3A_352 = vector.extract_strided_slice %logistic3A_344 {offsets = [64, 0], sizes = [32, 2048], strides = [1, 1]} : vector<96x2048xf32> to vector<32x2048xf32>
    %tanh3A_353 = math.tanh %add3A_351 : vector<32x2048xf32>
    %mul3A_354 = arith.mulf %slice3A_352, %tanh3A_353 : vector<32x2048xf32>
    %slice3A_355 = vector.extract_strided_slice %get3A_1 {offsets = [13, 0], sizes = [1, 2048], strides = [1, 1]} : vector<16x2048xf32> to vector<1x2048xf32>
    %mul3A_356 = vector.broadcast %get3A_4 : vector<128x1xf32> to vector<128x2048xf32>
    %mul3A_357 = vector.broadcast %slice3A_355 : vector<1x2048xf32> to vector<128x2048xf32>
    %mul3A_358 = arith.mulf %mul3A_356, %mul3A_357 : vector<128x2048xf32>
    %dot_general3A_359 = arith.constant dense<0.000000e+00> : vector<128x2048xf32>
    %dot_general3A_360 = tpu.matmul %get3A_7, %mul3A_354, %dot_general3A_359 {dimension_numbers = #tpu.dot_dimension_numbers<[1], [0], [0], [1], [0, 0, 1, 1], [], []>, transpose_lhs_hint = false} : vector<128x32xf32>, vector<32x2048xf32>, vector<128x2048xf32> -> vector<128x2048xf32>
    %add3A_361 = arith.addf %mul3A_358, %dot_general3A_360 : vector<128x2048xf32>
    %add3A_362 = vector.broadcast %get3A_10 : vector<128x1xf32> to vector<128x2048xf32>
    %add3A_363 = arith.addf %add3A_361, %add3A_362 : vector<128x2048xf32>
    %slice3A_364 = vector.extract_strided_slice %add3A_363 {offsets = [0, 0], sizes = [96, 2048], strides = [1, 1]} : vector<128x2048xf32> to vector<96x2048xf32>
    %logistic3A_365 = arith.negf %slice3A_364 : vector<96x2048xf32>
    %logistic3A_366 = math.exp %logistic3A_365 : vector<96x2048xf32>
    %logistic3A_367 = arith.constant 1.000000e+00 : f32
    %logistic3A_368 = vector.broadcast %logistic3A_367 : f32 to vector<96x2048xf32>
    %logistic3A_369 = arith.addf %logistic3A_368, %logistic3A_366 : vector<96x2048xf32>
    %logistic3A_370 = arith.divf %logistic3A_368, %logistic3A_369 : vector<96x2048xf32>
    %slice3A_371 = vector.extract_strided_slice %add3A_363 {offsets = [96, 0], sizes = [32, 2048], strides = [1, 1]} : vector<128x2048xf32> to vector<32x2048xf32>
    %tanh3A_372 = math.tanh %slice3A_371 : vector<32x2048xf32>
    %slice3A_373 = vector.extract_strided_slice %logistic3A_370 {offsets = [32, 0], sizes = [32, 2048], strides = [1, 1]} : vector<96x2048xf32> to vector<32x2048xf32>
    %mul3A_374 = arith.mulf %slice3A_373, %add3A_351 : vector<32x2048xf32>
    %slice3A_375 = vector.extract_strided_slice %logistic3A_370 {offsets = [0, 0], sizes = [32, 2048], strides = [1, 1]} : vector<96x2048xf32> to vector<32x2048xf32>
    %mul3A_376 = arith.mulf %slice3A_375, %tanh3A_372 : vector<32x2048xf32>
    %add3A_377 = arith.addf %mul3A_374, %mul3A_376 : vector<32x2048xf32>
    %slice3A_378 = vector.extract_strided_slice %logistic3A_370 {offsets = [64, 0], sizes = [32, 2048], strides = [1, 1]} : vector<96x2048xf32> to vector<32x2048xf32>
    %tanh3A_379 = math.tanh %add3A_377 : vector<32x2048xf32>
    %mul3A_380 = arith.mulf %slice3A_378, %tanh3A_379 : vector<32x2048xf32>
    %slice3A_381 = vector.extract_strided_slice %get3A_1 {offsets = [14, 0], sizes = [1, 2048], strides = [1, 1]} : vector<16x2048xf32> to vector<1x2048xf32>
    %mul3A_382 = vector.broadcast %get3A_4 : vector<128x1xf32> to vector<128x2048xf32>
    %mul3A_383 = vector.broadcast %slice3A_381 : vector<1x2048xf32> to vector<128x2048xf32>
    %mul3A_384 = arith.mulf %mul3A_382, %mul3A_383 : vector<128x2048xf32>
    %dot_general3A_385 = arith.constant dense<0.000000e+00> : vector<128x2048xf32>
    %dot_general3A_386 = tpu.matmul %get3A_7, %mul3A_380, %dot_general3A_385 {dimension_numbers = #tpu.dot_dimension_numbers<[1], [0], [0], [1], [0, 0, 1, 1], [], []>, transpose_lhs_hint = false} : vector<128x32xf32>, vector<32x2048xf32>, vector<128x2048xf32> -> vector<128x2048xf32>
    %add3A_387 = arith.addf %mul3A_384, %dot_general3A_386 : vector<128x2048xf32>
    %add3A_388 = vector.broadcast %get3A_10 : vector<128x1xf32> to vector<128x2048xf32>
    %add3A_389 = arith.addf %add3A_387, %add3A_388 : vector<128x2048xf32>
    %slice3A_390 = vector.extract_strided_slice %add3A_389 {offsets = [0, 0], sizes = [96, 2048], strides = [1, 1]} : vector<128x2048xf32> to vector<96x2048xf32>
    %logistic3A_391 = arith.negf %slice3A_390 : vector<96x2048xf32>
    %logistic3A_392 = math.exp %logistic3A_391 : vector<96x2048xf32>
    %logistic3A_393 = arith.constant 1.000000e+00 : f32
    %logistic3A_394 = vector.broadcast %logistic3A_393 : f32 to vector<96x2048xf32>
    %logistic3A_395 = arith.addf %logistic3A_394, %logistic3A_392 : vector<96x2048xf32>
    %logistic3A_396 = arith.divf %logistic3A_394, %logistic3A_395 : vector<96x2048xf32>
    %slice3A_397 = vector.extract_strided_slice %add3A_389 {offsets = [96, 0], sizes = [32, 2048], strides = [1, 1]} : vector<128x2048xf32> to vector<32x2048xf32>
    %tanh3A_398 = math.tanh %slice3A_397 : vector<32x2048xf32>
    %slice3A_399 = vector.extract_strided_slice %logistic3A_396 {offsets = [32, 0], sizes = [32, 2048], strides = [1, 1]} : vector<96x2048xf32> to vector<32x2048xf32>
    %mul3A_400 = arith.mulf %slice3A_399, %add3A_377 : vector<32x2048xf32>
    %slice3A_401 = vector.extract_strided_slice %logistic3A_396 {offsets = [0, 0], sizes = [32, 2048], strides = [1, 1]} : vector<96x2048xf32> to vector<32x2048xf32>
    %mul3A_402 = arith.mulf %slice3A_401, %tanh3A_398 : vector<32x2048xf32>
    %add3A_403 = arith.addf %mul3A_400, %mul3A_402 : vector<32x2048xf32>
    %slice3A_404 = vector.extract_strided_slice %logistic3A_396 {offsets = [64, 0], sizes = [32, 2048], strides = [1, 1]} : vector<96x2048xf32> to vector<32x2048xf32>
    %tanh3A_405 = math.tanh %add3A_403 : vector<32x2048xf32>
    %mul3A_406 = arith.mulf %slice3A_404, %tanh3A_405 : vector<32x2048xf32>
    %slice3A_407 = vector.extract_strided_slice %get3A_1 {offsets = [15, 0], sizes = [1, 2048], strides = [1, 1]} : vector<16x2048xf32> to vector<1x2048xf32>
    %mul3A_408 = vector.broadcast %get3A_4 : vector<128x1xf32> to vector<128x2048xf32>
    %mul3A_409 = vector.broadcast %slice3A_407 : vector<1x2048xf32> to vector<128x2048xf32>
    %mul3A_410 = arith.mulf %mul3A_408, %mul3A_409 : vector<128x2048xf32>
    %dot_general3A_411 = arith.constant dense<0.000000e+00> : vector<128x2048xf32>
    %dot_general3A_412 = tpu.matmul %get3A_7, %mul3A_406, %dot_general3A_411 {dimension_numbers = #tpu.dot_dimension_numbers<[1], [0], [0], [1], [0, 0, 1, 1], [], []>, transpose_lhs_hint = false} : vector<128x32xf32>, vector<32x2048xf32>, vector<128x2048xf32> -> vector<128x2048xf32>
    %add3A_413 = arith.addf %mul3A_410, %dot_general3A_412 : vector<128x2048xf32>
    %add3A_414 = vector.broadcast %get3A_10 : vector<128x1xf32> to vector<128x2048xf32>
    %add3A_415 = arith.addf %add3A_413, %add3A_414 : vector<128x2048xf32>
    %slice3A_416 = vector.extract_strided_slice %add3A_415 {offsets = [0, 0], sizes = [96, 2048], strides = [1, 1]} : vector<128x2048xf32> to vector<96x2048xf32>
    %logistic3A_417 = arith.negf %slice3A_416 : vector<96x2048xf32>
    %logistic3A_418 = math.exp %logistic3A_417 : vector<96x2048xf32>
    %logistic3A_419 = arith.constant 1.000000e+00 : f32
    %logistic3A_420 = vector.broadcast %logistic3A_419 : f32 to vector<96x2048xf32>
    %logistic3A_421 = arith.addf %logistic3A_420, %logistic3A_418 : vector<96x2048xf32>
    %logistic3A_422 = arith.divf %logistic3A_420, %logistic3A_421 : vector<96x2048xf32>
    %slice3A_423 = vector.extract_strided_slice %add3A_415 {offsets = [96, 0], sizes = [32, 2048], strides = [1, 1]} : vector<128x2048xf32> to vector<32x2048xf32>
    %tanh3A_424 = math.tanh %slice3A_423 : vector<32x2048xf32>
    %slice3A_425 = vector.extract_strided_slice %logistic3A_422 {offsets = [32, 0], sizes = [32, 2048], strides = [1, 1]} : vector<96x2048xf32> to vector<32x2048xf32>
    %mul3A_426 = arith.mulf %slice3A_425, %add3A_403 : vector<32x2048xf32>
    %slice3A_427 = vector.extract_strided_slice %logistic3A_422 {offsets = [0, 0], sizes = [32, 2048], strides = [1, 1]} : vector<96x2048xf32> to vector<32x2048xf32>
    %mul3A_428 = arith.mulf %slice3A_427, %tanh3A_424 : vector<32x2048xf32>
    %add3A_429 = arith.addf %mul3A_426, %mul3A_428 : vector<32x2048xf32>
    %slice3A_430 = vector.extract_strided_slice %logistic3A_422 {offsets = [64, 0], sizes = [32, 2048], strides = [1, 1]} : vector<96x2048xf32> to vector<32x2048xf32>
    %tanh3A_431 = math.tanh %add3A_429 : vector<32x2048xf32>
    %mul3A_432 = arith.mulf %slice3A_430, %tanh3A_431 : vector<32x2048xf32>
    %concatenate3A = tpu.concatenate %mul3A_42, %mul3A_68, %mul3A_94, %mul3A_120, %mul3A_146, %mul3A_172, %mul3A_198, %mul3A_224, %mul3A_250, %mul3A_276, %mul3A_302, %mul3A_328, %mul3A_354, %mul3A_380, %mul3A_406, %mul3A_432 in 1 : vector<32x2048xf32>, vector<32x2048xf32>, vector<32x2048xf32>, vector<32x2048xf32>, vector<32x2048xf32>, vector<32x2048xf32>, vector<32x2048xf32>, vector<32x2048xf32>, vector<32x2048xf32>, vector<32x2048xf32>, vector<32x2048xf32>, vector<32x2048xf32>, vector<32x2048xf32>, vector<32x2048xf32>, vector<32x2048xf32>, vector<32x2048xf32> -> vector<32x32768xf32>
    %dot_general3A_433 = arith.constant dense<0.000000e+00> : vector<64x32768xf32>
    %dot_general3A_434 = tpu.matmul %get3A_13, %concatenate3A, %dot_general3A_433 {dimension_numbers = #tpu.dot_dimension_numbers<[1], [0], [0], [1], [0, 0, 1, 1], [], []>, transpose_lhs_hint = false} : vector<64x32xf32>, vector<32x32768xf32>, vector<64x32768xf32> -> vector<64x32768xf32>
    %broadcast_in_dim3A_435 = arith.constant 0.000000e+00 : f32
    %broadcast_in_dim3A_436 = vector.broadcast %broadcast_in_dim3A_435 : f32 to vector<16x2048xf32>
    %broadcast_in_dim3A_437 = arith.constant 0.000000e+00 : f32
    %broadcast_in_dim3A_438 = vector.broadcast %broadcast_in_dim3A_437 : f32 to vector<16x2048xf32>
    %slice3A_439 = vector.extract_strided_slice %dot_general3A_434 {offsets = [0, 0], sizes = [64, 2048], strides = [1, 1]} : vector<64x32768xf32> to vector<64x2048xf32>
    %dot_general3A_440 = arith.constant dense<0.000000e+00> : vector<64x2048xf32>
    %dot_general3A_441 = tpu.matmul %get3A_16, %broadcast_in_dim3A_436, %dot_general3A_440 {dimension_numbers = #tpu.dot_dimension_numbers<[1], [0], [0], [1], [0, 0, 1, 1], [], []>, transpose_lhs_hint = false} : vector<64x16xf32>, vector<16x2048xf32>, vector<64x2048xf32> -> vector<64x2048xf32>
    %add3A_442 = arith.addf %slice3A_439, %dot_general3A_441 : vector<64x2048xf32>
    %add3A_443 = vector.broadcast %get3A_19 : vector<64x1xf32> to vector<64x2048xf32>
    %add3A_444 = arith.addf %add3A_442, %add3A_443 : vector<64x2048xf32>
    %slice3A_445 = vector.extract_strided_slice %add3A_444 {offsets = [0, 0], sizes = [48, 2048], strides = [1, 1]} : vector<64x2048xf32> to vector<48x2048xf32>
    %logistic3A_446 = arith.negf %slice3A_445 : vector<48x2048xf32>
    %logistic3A_447 = math.exp %logistic3A_446 : vector<48x2048xf32>
    %logistic3A_448 = arith.constant 1.000000e+00 : f32
    %logistic3A_449 = vector.broadcast %logistic3A_448 : f32 to vector<48x2048xf32>
    %logistic3A_450 = arith.addf %logistic3A_449, %logistic3A_447 : vector<48x2048xf32>
    %logistic3A_451 = arith.divf %logistic3A_449, %logistic3A_450 : vector<48x2048xf32>
    %slice3A_452 = vector.extract_strided_slice %add3A_444 {offsets = [48, 0], sizes = [16, 2048], strides = [1, 1]} : vector<64x2048xf32> to vector<16x2048xf32>
    %tanh3A_453 = math.tanh %slice3A_452 : vector<16x2048xf32>
    %slice3A_454 = vector.extract_strided_slice %logistic3A_451 {offsets = [16, 0], sizes = [16, 2048], strides = [1, 1]} : vector<48x2048xf32> to vector<16x2048xf32>
    %mul3A_455 = arith.mulf %slice3A_454, %broadcast_in_dim3A_438 : vector<16x2048xf32>
    %slice3A_456 = vector.extract_strided_slice %logistic3A_451 {offsets = [0, 0], sizes = [16, 2048], strides = [1, 1]} : vector<48x2048xf32> to vector<16x2048xf32>
    %mul3A_457 = arith.mulf %slice3A_456, %tanh3A_453 : vector<16x2048xf32>
    %add3A_458 = arith.addf %mul3A_455, %mul3A_457 : vector<16x2048xf32>
    %slice3A_459 = vector.extract_strided_slice %logistic3A_451 {offsets = [32, 0], sizes = [16, 2048], strides = [1, 1]} : vector<48x2048xf32> to vector<16x2048xf32>
    %tanh3A_460 = math.tanh %add3A_458 : vector<16x2048xf32>
    %mul3A_461 = arith.mulf %slice3A_459, %tanh3A_460 : vector<16x2048xf32>
    %slice3A_462 = vector.extract_strided_slice %dot_general3A_434 {offsets = [0, 2048], sizes = [64, 2048], strides = [1, 1]} : vector<64x32768xf32> to vector<64x2048xf32>
    %dot_general3A_463 = arith.constant dense<0.000000e+00> : vector<64x2048xf32>
    %dot_general3A_464 = tpu.matmul %get3A_16, %mul3A_461, %dot_general3A_463 {dimension_numbers = #tpu.dot_dimension_numbers<[1], [0], [0], [1], [0, 0, 1, 1], [], []>, transpose_lhs_hint = false} : vector<64x16xf32>, vector<16x2048xf32>, vector<64x2048xf32> -> vector<64x2048xf32>
    %add3A_465 = arith.addf %slice3A_462, %dot_general3A_464 : vector<64x2048xf32>
    %add3A_466 = vector.broadcast %get3A_19 : vector<64x1xf32> to vector<64x2048xf32>
    %add3A_467 = arith.addf %add3A_465, %add3A_466 : vector<64x2048xf32>
    %slice3A_468 = vector.extract_strided_slice %add3A_467 {offsets = [0, 0], sizes = [48, 2048], strides = [1, 1]} : vector<64x2048xf32> to vector<48x2048xf32>
    %logistic3A_469 = arith.negf %slice3A_468 : vector<48x2048xf32>
    %logistic3A_470 = math.exp %logistic3A_469 : vector<48x2048xf32>
    %logistic3A_471 = arith.constant 1.000000e+00 : f32
    %logistic3A_472 = vector.broadcast %logistic3A_471 : f32 to vector<48x2048xf32>
    %logistic3A_473 = arith.addf %logistic3A_472, %logistic3A_470 : vector<48x2048xf32>
    %logistic3A_474 = arith.divf %logistic3A_472, %logistic3A_473 : vector<48x2048xf32>
    %slice3A_475 = vector.extract_strided_slice %add3A_467 {offsets = [48, 0], sizes = [16, 2048], strides = [1, 1]} : vector<64x2048xf32> to vector<16x2048xf32>
    %tanh3A_476 = math.tanh %slice3A_475 : vector<16x2048xf32>
    %slice3A_477 = vector.extract_strided_slice %logistic3A_474 {offsets = [16, 0], sizes = [16, 2048], strides = [1, 1]} : vector<48x2048xf32> to vector<16x2048xf32>
    %mul3A_478 = arith.mulf %slice3A_477, %add3A_458 : vector<16x2048xf32>
    %slice3A_479 = vector.extract_strided_slice %logistic3A_474 {offsets = [0, 0], sizes = [16, 2048], strides = [1, 1]} : vector<48x2048xf32> to vector<16x2048xf32>
    %mul3A_480 = arith.mulf %slice3A_479, %tanh3A_476 : vector<16x2048xf32>
    %add3A_481 = arith.addf %mul3A_478, %mul3A_480 : vector<16x2048xf32>
    %slice3A_482 = vector.extract_strided_slice %logistic3A_474 {offsets = [32, 0], sizes = [16, 2048], strides = [1, 1]} : vector<48x2048xf32> to vector<16x2048xf32>
    %tanh3A_483 = math.tanh %add3A_481 : vector<16x2048xf32>
    %mul3A_484 = arith.mulf %slice3A_482, %tanh3A_483 : vector<16x2048xf32>
    %slice3A_485 = vector.extract_strided_slice %dot_general3A_434 {offsets = [0, 4096], sizes = [64, 2048], strides = [1, 1]} : vector<64x32768xf32> to vector<64x2048xf32>
    %dot_general3A_486 = arith.constant dense<0.000000e+00> : vector<64x2048xf32>
    %dot_general3A_487 = tpu.matmul %get3A_16, %mul3A_484, %dot_general3A_486 {dimension_numbers = #tpu.dot_dimension_numbers<[1], [0], [0], [1], [0, 0, 1, 1], [], []>, transpose_lhs_hint = false} : vector<64x16xf32>, vector<16x2048xf32>, vector<64x2048xf32> -> vector<64x2048xf32>
    %add3A_488 = arith.addf %slice3A_485, %dot_general3A_487 : vector<64x2048xf32>
    %add3A_489 = vector.broadcast %get3A_19 : vector<64x1xf32> to vector<64x2048xf32>
    %add3A_490 = arith.addf %add3A_488, %add3A_489 : vector<64x2048xf32>
    %slice3A_491 = vector.extract_strided_slice %add3A_490 {offsets = [0, 0], sizes = [48, 2048], strides = [1, 1]} : vector<64x2048xf32> to vector<48x2048xf32>
    %logistic3A_492 = arith.negf %slice3A_491 : vector<48x2048xf32>
    %logistic3A_493 = math.exp %logistic3A_492 : vector<48x2048xf32>
    %logistic3A_494 = arith.constant 1.000000e+00 : f32
    %logistic3A_495 = vector.broadcast %logistic3A_494 : f32 to vector<48x2048xf32>
    %logistic3A_496 = arith.addf %logistic3A_495, %logistic3A_493 : vector<48x2048xf32>
    %logistic3A_497 = arith.divf %logistic3A_495, %logistic3A_496 : vector<48x2048xf32>
    %slice3A_498 = vector.extract_strided_slice %add3A_490 {offsets = [48, 0], sizes = [16, 2048], strides = [1, 1]} : vector<64x2048xf32> to vector<16x2048xf32>
    %tanh3A_499 = math.tanh %slice3A_498 : vector<16x2048xf32>
    %slice3A_500 = vector.extract_strided_slice %logistic3A_497 {offsets = [16, 0], sizes = [16, 2048], strides = [1, 1]} : vector<48x2048xf32> to vector<16x2048xf32>
    %mul3A_501 = arith.mulf %slice3A_500, %add3A_481 : vector<16x2048xf32>
    %slice3A_502 = vector.extract_strided_slice %logistic3A_497 {offsets = [0, 0], sizes = [16, 2048], strides = [1, 1]} : vector<48x2048xf32> to vector<16x2048xf32>
    %mul3A_503 = arith.mulf %slice3A_502, %tanh3A_499 : vector<16x2048xf32>
    %add3A_504 = arith.addf %mul3A_501, %mul3A_503 : vector<16x2048xf32>
    %slice3A_505 = vector.extract_strided_slice %logistic3A_497 {offsets = [32, 0], sizes = [16, 2048], strides = [1, 1]} : vector<48x2048xf32> to vector<16x2048xf32>
    %tanh3A_506 = math.tanh %add3A_504 : vector<16x2048xf32>
    %mul3A_507 = arith.mulf %slice3A_505, %tanh3A_506 : vector<16x2048xf32>
    %slice3A_508 = vector.extract_strided_slice %dot_general3A_434 {offsets = [0, 6144], sizes = [64, 2048], strides = [1, 1]} : vector<64x32768xf32> to vector<64x2048xf32>
    %dot_general3A_509 = arith.constant dense<0.000000e+00> : vector<64x2048xf32>
    %dot_general3A_510 = tpu.matmul %get3A_16, %mul3A_507, %dot_general3A_509 {dimension_numbers = #tpu.dot_dimension_numbers<[1], [0], [0], [1], [0, 0, 1, 1], [], []>, transpose_lhs_hint = false} : vector<64x16xf32>, vector<16x2048xf32>, vector<64x2048xf32> -> vector<64x2048xf32>
    %add3A_511 = arith.addf %slice3A_508, %dot_general3A_510 : vector<64x2048xf32>
    %add3A_512 = vector.broadcast %get3A_19 : vector<64x1xf32> to vector<64x2048xf32>
    %add3A_513 = arith.addf %add3A_511, %add3A_512 : vector<64x2048xf32>
    %slice3A_514 = vector.extract_strided_slice %add3A_513 {offsets = [0, 0], sizes = [48, 2048], strides = [1, 1]} : vector<64x2048xf32> to vector<48x2048xf32>
    %logistic3A_515 = arith.negf %slice3A_514 : vector<48x2048xf32>
    %logistic3A_516 = math.exp %logistic3A_515 : vector<48x2048xf32>
    %logistic3A_517 = arith.constant 1.000000e+00 : f32
    %logistic3A_518 = vector.broadcast %logistic3A_517 : f32 to vector<48x2048xf32>
    %logistic3A_519 = arith.addf %logistic3A_518, %logistic3A_516 : vector<48x2048xf32>
    %logistic3A_520 = arith.divf %logistic3A_518, %logistic3A_519 : vector<48x2048xf32>
    %slice3A_521 = vector.extract_strided_slice %add3A_513 {offsets = [48, 0], sizes = [16, 2048], strides = [1, 1]} : vector<64x2048xf32> to vector<16x2048xf32>
    %tanh3A_522 = math.tanh %slice3A_521 : vector<16x2048xf32>
    %slice3A_523 = vector.extract_strided_slice %logistic3A_520 {offsets = [16, 0], sizes = [16, 2048], strides = [1, 1]} : vector<48x2048xf32> to vector<16x2048xf32>
    %mul3A_524 = arith.mulf %slice3A_523, %add3A_504 : vector<16x2048xf32>
    %slice3A_525 = vector.extract_strided_slice %logistic3A_520 {offsets = [0, 0], sizes = [16, 2048], strides = [1, 1]} : vector<48x2048xf32> to vector<16x2048xf32>
    %mul3A_526 = arith.mulf %slice3A_525, %tanh3A_522 : vector<16x2048xf32>
    %add3A_527 = arith.addf %mul3A_524, %mul3A_526 : vector<16x2048xf32>
    %slice3A_528 = vector.extract_strided_slice %logistic3A_520 {offsets = [32, 0], sizes = [16, 2048], strides = [1, 1]} : vector<48x2048xf32> to vector<16x2048xf32>
    %tanh3A_529 = math.tanh %add3A_527 : vector<16x2048xf32>
    %mul3A_530 = arith.mulf %slice3A_528, %tanh3A_529 : vector<16x2048xf32>
    %slice3A_531 = vector.extract_strided_slice %dot_general3A_434 {offsets = [0, 8192], sizes = [64, 2048], strides = [1, 1]} : vector<64x32768xf32> to vector<64x2048xf32>
    %dot_general3A_532 = arith.constant dense<0.000000e+00> : vector<64x2048xf32>
    %dot_general3A_533 = tpu.matmul %get3A_16, %mul3A_530, %dot_general3A_532 {dimension_numbers = #tpu.dot_dimension_numbers<[1], [0], [0], [1], [0, 0, 1, 1], [], []>, transpose_lhs_hint = false} : vector<64x16xf32>, vector<16x2048xf32>, vector<64x2048xf32> -> vector<64x2048xf32>
    %add3A_534 = arith.addf %slice3A_531, %dot_general3A_533 : vector<64x2048xf32>
    %add3A_535 = vector.broadcast %get3A_19 : vector<64x1xf32> to vector<64x2048xf32>
    %add3A_536 = arith.addf %add3A_534, %add3A_535 : vector<64x2048xf32>
    %slice3A_537 = vector.extract_strided_slice %add3A_536 {offsets = [0, 0], sizes = [48, 2048], strides = [1, 1]} : vector<64x2048xf32> to vector<48x2048xf32>
    %logistic3A_538 = arith.negf %slice3A_537 : vector<48x2048xf32>
    %logistic3A_539 = math.exp %logistic3A_538 : vector<48x2048xf32>
    %logistic3A_540 = arith.constant 1.000000e+00 : f32
    %logistic3A_541 = vector.broadcast %logistic3A_540 : f32 to vector<48x2048xf32>
    %logistic3A_542 = arith.addf %logistic3A_541, %logistic3A_539 : vector<48x2048xf32>
    %logistic3A_543 = arith.divf %logistic3A_541, %logistic3A_542 : vector<48x2048xf32>
    %slice3A_544 = vector.extract_strided_slice %add3A_536 {offsets = [48, 0], sizes = [16, 2048], strides = [1, 1]} : vector<64x2048xf32> to vector<16x2048xf32>
    %tanh3A_545 = math.tanh %slice3A_544 : vector<16x2048xf32>
    %slice3A_546 = vector.extract_strided_slice %logistic3A_543 {offsets = [16, 0], sizes = [16, 2048], strides = [1, 1]} : vector<48x2048xf32> to vector<16x2048xf32>
    %mul3A_547 = arith.mulf %slice3A_546, %add3A_527 : vector<16x2048xf32>
    %slice3A_548 = vector.extract_strided_slice %logistic3A_543 {offsets = [0, 0], sizes = [16, 2048], strides = [1, 1]} : vector<48x2048xf32> to vector<16x2048xf32>
    %mul3A_549 = arith.mulf %slice3A_548, %tanh3A_545 : vector<16x2048xf32>
    %add3A_550 = arith.addf %mul3A_547, %mul3A_549 : vector<16x2048xf32>
    %slice3A_551 = vector.extract_strided_slice %logistic3A_543 {offsets = [32, 0], sizes = [16, 2048], strides = [1, 1]} : vector<48x2048xf32> to vector<16x2048xf32>
    %tanh3A_552 = math.tanh %add3A_550 : vector<16x2048xf32>
    %mul3A_553 = arith.mulf %slice3A_551, %tanh3A_552 : vector<16x2048xf32>
    %slice3A_554 = vector.extract_strided_slice %dot_general3A_434 {offsets = [0, 10240], sizes = [64, 2048], strides = [1, 1]} : vector<64x32768xf32> to vector<64x2048xf32>
    %dot_general3A_555 = arith.constant dense<0.000000e+00> : vector<64x2048xf32>
    %dot_general3A_556 = tpu.matmul %get3A_16, %mul3A_553, %dot_general3A_555 {dimension_numbers = #tpu.dot_dimension_numbers<[1], [0], [0], [1], [0, 0, 1, 1], [], []>, transpose_lhs_hint = false} : vector<64x16xf32>, vector<16x2048xf32>, vector<64x2048xf32> -> vector<64x2048xf32>
    %add3A_557 = arith.addf %slice3A_554, %dot_general3A_556 : vector<64x2048xf32>
    %add3A_558 = vector.broadcast %get3A_19 : vector<64x1xf32> to vector<64x2048xf32>
    %add3A_559 = arith.addf %add3A_557, %add3A_558 : vector<64x2048xf32>
    %slice3A_560 = vector.extract_strided_slice %add3A_559 {offsets = [0, 0], sizes = [48, 2048], strides = [1, 1]} : vector<64x2048xf32> to vector<48x2048xf32>
    %logistic3A_561 = arith.negf %slice3A_560 : vector<48x2048xf32>
    %logistic3A_562 = math.exp %logistic3A_561 : vector<48x2048xf32>
    %logistic3A_563 = arith.constant 1.000000e+00 : f32
    %logistic3A_564 = vector.broadcast %logistic3A_563 : f32 to vector<48x2048xf32>
    %logistic3A_565 = arith.addf %logistic3A_564, %logistic3A_562 : vector<48x2048xf32>
    %logistic3A_566 = arith.divf %logistic3A_564, %logistic3A_565 : vector<48x2048xf32>
    %slice3A_567 = vector.extract_strided_slice %add3A_559 {offsets = [48, 0], sizes = [16, 2048], strides = [1, 1]} : vector<64x2048xf32> to vector<16x2048xf32>
    %tanh3A_568 = math.tanh %slice3A_567 : vector<16x2048xf32>
    %slice3A_569 = vector.extract_strided_slice %logistic3A_566 {offsets = [16, 0], sizes = [16, 2048], strides = [1, 1]} : vector<48x2048xf32> to vector<16x2048xf32>
    %mul3A_570 = arith.mulf %slice3A_569, %add3A_550 : vector<16x2048xf32>
    %slice3A_571 = vector.extract_strided_slice %logistic3A_566 {offsets = [0, 0], sizes = [16, 2048], strides = [1, 1]} : vector<48x2048xf32> to vector<16x2048xf32>
    %mul3A_572 = arith.mulf %slice3A_571, %tanh3A_568 : vector<16x2048xf32>
    %add3A_573 = arith.addf %mul3A_570, %mul3A_572 : vector<16x2048xf32>
    %slice3A_574 = vector.extract_strided_slice %logistic3A_566 {offsets = [32, 0], sizes = [16, 2048], strides = [1, 1]} : vector<48x2048xf32> to vector<16x2048xf32>
    %tanh3A_575 = math.tanh %add3A_573 : vector<16x2048xf32>
    %mul3A_576 = arith.mulf %slice3A_574, %tanh3A_575 : vector<16x2048xf32>
    %slice3A_577 = vector.extract_strided_slice %dot_general3A_434 {offsets = [0, 12288], sizes = [64, 2048], strides = [1, 1]} : vector<64x32768xf32> to vector<64x2048xf32>
    %dot_general3A_578 = arith.constant dense<0.000000e+00> : vector<64x2048xf32>
    %dot_general3A_579 = tpu.matmul %get3A_16, %mul3A_576, %dot_general3A_578 {dimension_numbers = #tpu.dot_dimension_numbers<[1], [0], [0], [1], [0, 0, 1, 1], [], []>, transpose_lhs_hint = false} : vector<64x16xf32>, vector<16x2048xf32>, vector<64x2048xf32> -> vector<64x2048xf32>
    %add3A_580 = arith.addf %slice3A_577, %dot_general3A_579 : vector<64x2048xf32>
    %add3A_581 = vector.broadcast %get3A_19 : vector<64x1xf32> to vector<64x2048xf32>
    %add3A_582 = arith.addf %add3A_580, %add3A_581 : vector<64x2048xf32>
    %slice3A_583 = vector.extract_strided_slice %add3A_582 {offsets = [0, 0], sizes = [48, 2048], strides = [1, 1]} : vector<64x2048xf32> to vector<48x2048xf32>
    %logistic3A_584 = arith.negf %slice3A_583 : vector<48x2048xf32>
    %logistic3A_585 = math.exp %logistic3A_584 : vector<48x2048xf32>
    %logistic3A_586 = arith.constant 1.000000e+00 : f32
    %logistic3A_587 = vector.broadcast %logistic3A_586 : f32 to vector<48x2048xf32>
    %logistic3A_588 = arith.addf %logistic3A_587, %logistic3A_585 : vector<48x2048xf32>
    %logistic3A_589 = arith.divf %logistic3A_587, %logistic3A_588 : vector<48x2048xf32>
    %slice3A_590 = vector.extract_strided_slice %add3A_582 {offsets = [48, 0], sizes = [16, 2048], strides = [1, 1]} : vector<64x2048xf32> to vector<16x2048xf32>
    %tanh3A_591 = math.tanh %slice3A_590 : vector<16x2048xf32>
    %slice3A_592 = vector.extract_strided_slice %logistic3A_589 {offsets = [16, 0], sizes = [16, 2048], strides = [1, 1]} : vector<48x2048xf32> to vector<16x2048xf32>
    %mul3A_593 = arith.mulf %slice3A_592, %add3A_573 : vector<16x2048xf32>
    %slice3A_594 = vector.extract_strided_slice %logistic3A_589 {offsets = [0, 0], sizes = [16, 2048], strides = [1, 1]} : vector<48x2048xf32> to vector<16x2048xf32>
    %mul3A_595 = arith.mulf %slice3A_594, %tanh3A_591 : vector<16x2048xf32>
    %add3A_596 = arith.addf %mul3A_593, %mul3A_595 : vector<16x2048xf32>
    %slice3A_597 = vector.extract_strided_slice %logistic3A_589 {offsets = [32, 0], sizes = [16, 2048], strides = [1, 1]} : vector<48x2048xf32> to vector<16x2048xf32>
    %tanh3A_598 = math.tanh %add3A_596 : vector<16x2048xf32>
    %mul3A_599 = arith.mulf %slice3A_597, %tanh3A_598 : vector<16x2048xf32>
    %slice3A_600 = vector.extract_strided_slice %dot_general3A_434 {offsets = [0, 14336], sizes = [64, 2048], strides = [1, 1]} : vector<64x32768xf32> to vector<64x2048xf32>
    %dot_general3A_601 = arith.constant dense<0.000000e+00> : vector<64x2048xf32>
    %dot_general3A_602 = tpu.matmul %get3A_16, %mul3A_599, %dot_general3A_601 {dimension_numbers = #tpu.dot_dimension_numbers<[1], [0], [0], [1], [0, 0, 1, 1], [], []>, transpose_lhs_hint = false} : vector<64x16xf32>, vector<16x2048xf32>, vector<64x2048xf32> -> vector<64x2048xf32>
    %add3A_603 = arith.addf %slice3A_600, %dot_general3A_602 : vector<64x2048xf32>
    %add3A_604 = vector.broadcast %get3A_19 : vector<64x1xf32> to vector<64x2048xf32>
    %add3A_605 = arith.addf %add3A_603, %add3A_604 : vector<64x2048xf32>
    %slice3A_606 = vector.extract_strided_slice %add3A_605 {offsets = [0, 0], sizes = [48, 2048], strides = [1, 1]} : vector<64x2048xf32> to vector<48x2048xf32>
    %logistic3A_607 = arith.negf %slice3A_606 : vector<48x2048xf32>
    %logistic3A_608 = math.exp %logistic3A_607 : vector<48x2048xf32>
    %logistic3A_609 = arith.constant 1.000000e+00 : f32
    %logistic3A_610 = vector.broadcast %logistic3A_609 : f32 to vector<48x2048xf32>
    %logistic3A_611 = arith.addf %logistic3A_610, %logistic3A_608 : vector<48x2048xf32>
    %logistic3A_612 = arith.divf %logistic3A_610, %logistic3A_611 : vector<48x2048xf32>
    %slice3A_613 = vector.extract_strided_slice %add3A_605 {offsets = [48, 0], sizes = [16, 2048], strides = [1, 1]} : vector<64x2048xf32> to vector<16x2048xf32>
    %tanh3A_614 = math.tanh %slice3A_613 : vector<16x2048xf32>
    %slice3A_615 = vector.extract_strided_slice %logistic3A_612 {offsets = [16, 0], sizes = [16, 2048], strides = [1, 1]} : vector<48x2048xf32> to vector<16x2048xf32>
    %mul3A_616 = arith.mulf %slice3A_615, %add3A_596 : vector<16x2048xf32>
    %slice3A_617 = vector.extract_strided_slice %logistic3A_612 {offsets = [0, 0], sizes = [16, 2048], strides = [1, 1]} : vector<48x2048xf32> to vector<16x2048xf32>
    %mul3A_618 = arith.mulf %slice3A_617, %tanh3A_614 : vector<16x2048xf32>
    %add3A_619 = arith.addf %mul3A_616, %mul3A_618 : vector<16x2048xf32>
    %slice3A_620 = vector.extract_strided_slice %logistic3A_612 {offsets = [32, 0], sizes = [16, 2048], strides = [1, 1]} : vector<48x2048xf32> to vector<16x2048xf32>
    %tanh3A_621 = math.tanh %add3A_619 : vector<16x2048xf32>
    %mul3A_622 = arith.mulf %slice3A_620, %tanh3A_621 : vector<16x2048xf32>
    %slice3A_623 = vector.extract_strided_slice %dot_general3A_434 {offsets = [0, 16384], sizes = [64, 2048], strides = [1, 1]} : vector<64x32768xf32> to vector<64x2048xf32>
    %dot_general3A_624 = arith.constant dense<0.000000e+00> : vector<64x2048xf32>
    %dot_general3A_625 = tpu.matmul %get3A_16, %mul3A_622, %dot_general3A_624 {dimension_numbers = #tpu.dot_dimension_numbers<[1], [0], [0], [1], [0, 0, 1, 1], [], []>, transpose_lhs_hint = false} : vector<64x16xf32>, vector<16x2048xf32>, vector<64x2048xf32> -> vector<64x2048xf32>
    %add3A_626 = arith.addf %slice3A_623, %dot_general3A_625 : vector<64x2048xf32>
    %add3A_627 = vector.broadcast %get3A_19 : vector<64x1xf32> to vector<64x2048xf32>
    %add3A_628 = arith.addf %add3A_626, %add3A_627 : vector<64x2048xf32>
    %slice3A_629 = vector.extract_strided_slice %add3A_628 {offsets = [0, 0], sizes = [48, 2048], strides = [1, 1]} : vector<64x2048xf32> to vector<48x2048xf32>
    %logistic3A_630 = arith.negf %slice3A_629 : vector<48x2048xf32>
    %logistic3A_631 = math.exp %logistic3A_630 : vector<48x2048xf32>
    %logistic3A_632 = arith.constant 1.000000e+00 : f32
    %logistic3A_633 = vector.broadcast %logistic3A_632 : f32 to vector<48x2048xf32>
    %logistic3A_634 = arith.addf %logistic3A_633, %logistic3A_631 : vector<48x2048xf32>
    %logistic3A_635 = arith.divf %logistic3A_633, %logistic3A_634 : vector<48x2048xf32>
    %slice3A_636 = vector.extract_strided_slice %add3A_628 {offsets = [48, 0], sizes = [16, 2048], strides = [1, 1]} : vector<64x2048xf32> to vector<16x2048xf32>
    %tanh3A_637 = math.tanh %slice3A_636 : vector<16x2048xf32>
    %slice3A_638 = vector.extract_strided_slice %logistic3A_635 {offsets = [16, 0], sizes = [16, 2048], strides = [1, 1]} : vector<48x2048xf32> to vector<16x2048xf32>
    %mul3A_639 = arith.mulf %slice3A_638, %add3A_619 : vector<16x2048xf32>
    %slice3A_640 = vector.extract_strided_slice %logistic3A_635 {offsets = [0, 0], sizes = [16, 2048], strides = [1, 1]} : vector<48x2048xf32> to vector<16x2048xf32>
    %mul3A_641 = arith.mulf %slice3A_640, %tanh3A_637 : vector<16x2048xf32>
    %add3A_642 = arith.addf %mul3A_639, %mul3A_641 : vector<16x2048xf32>
    %slice3A_643 = vector.extract_strided_slice %logistic3A_635 {offsets = [32, 0], sizes = [16, 2048], strides = [1, 1]} : vector<48x2048xf32> to vector<16x2048xf32>
    %tanh3A_644 = math.tanh %add3A_642 : vector<16x2048xf32>
    %mul3A_645 = arith.mulf %slice3A_643, %tanh3A_644 : vector<16x2048xf32>
    %slice3A_646 = vector.extract_strided_slice %dot_general3A_434 {offsets = [0, 18432], sizes = [64, 2048], strides = [1, 1]} : vector<64x32768xf32> to vector<64x2048xf32>
    %dot_general3A_647 = arith.constant dense<0.000000e+00> : vector<64x2048xf32>
    %dot_general3A_648 = tpu.matmul %get3A_16, %mul3A_645, %dot_general3A_647 {dimension_numbers = #tpu.dot_dimension_numbers<[1], [0], [0], [1], [0, 0, 1, 1], [], []>, transpose_lhs_hint = false} : vector<64x16xf32>, vector<16x2048xf32>, vector<64x2048xf32> -> vector<64x2048xf32>
    %add3A_649 = arith.addf %slice3A_646, %dot_general3A_648 : vector<64x2048xf32>
    %add3A_650 = vector.broadcast %get3A_19 : vector<64x1xf32> to vector<64x2048xf32>
    %add3A_651 = arith.addf %add3A_649, %add3A_650 : vector<64x2048xf32>
    %slice3A_652 = vector.extract_strided_slice %add3A_651 {offsets = [0, 0], sizes = [48, 2048], strides = [1, 1]} : vector<64x2048xf32> to vector<48x2048xf32>
    %logistic3A_653 = arith.negf %slice3A_652 : vector<48x2048xf32>
    %logistic3A_654 = math.exp %logistic3A_653 : vector<48x2048xf32>
    %logistic3A_655 = arith.constant 1.000000e+00 : f32
    %logistic3A_656 = vector.broadcast %logistic3A_655 : f32 to vector<48x2048xf32>
    %logistic3A_657 = arith.addf %logistic3A_656, %logistic3A_654 : vector<48x2048xf32>
    %logistic3A_658 = arith.divf %logistic3A_656, %logistic3A_657 : vector<48x2048xf32>
    %slice3A_659 = vector.extract_strided_slice %add3A_651 {offsets = [48, 0], sizes = [16, 2048], strides = [1, 1]} : vector<64x2048xf32> to vector<16x2048xf32>
    %tanh3A_660 = math.tanh %slice3A_659 : vector<16x2048xf32>
    %slice3A_661 = vector.extract_strided_slice %logistic3A_658 {offsets = [16, 0], sizes = [16, 2048], strides = [1, 1]} : vector<48x2048xf32> to vector<16x2048xf32>
    %mul3A_662 = arith.mulf %slice3A_661, %add3A_642 : vector<16x2048xf32>
    %slice3A_663 = vector.extract_strided_slice %logistic3A_658 {offsets = [0, 0], sizes = [16, 2048], strides = [1, 1]} : vector<48x2048xf32> to vector<16x2048xf32>
    %mul3A_664 = arith.mulf %slice3A_663, %tanh3A_660 : vector<16x2048xf32>
    %add3A_665 = arith.addf %mul3A_662, %mul3A_664 : vector<16x2048xf32>
    %slice3A_666 = vector.extract_strided_slice %logistic3A_658 {offsets = [32, 0], sizes = [16, 2048], strides = [1, 1]} : vector<48x2048xf32> to vector<16x2048xf32>
    %tanh3A_667 = math.tanh %add3A_665 : vector<16x2048xf32>
    %mul3A_668 = arith.mulf %slice3A_666, %tanh3A_667 : vector<16x2048xf32>
    %slice3A_669 = vector.extract_strided_slice %dot_general3A_434 {offsets = [0, 20480], sizes = [64, 2048], strides = [1, 1]} : vector<64x32768xf32> to vector<64x2048xf32>
    %dot_general3A_670 = arith.constant dense<0.000000e+00> : vector<64x2048xf32>
    %dot_general3A_671 = tpu.matmul %get3A_16, %mul3A_668, %dot_general3A_670 {dimension_numbers = #tpu.dot_dimension_numbers<[1], [0], [0], [1], [0, 0, 1, 1], [], []>, transpose_lhs_hint = false} : vector<64x16xf32>, vector<16x2048xf32>, vector<64x2048xf32> -> vector<64x2048xf32>
    %add3A_672 = arith.addf %slice3A_669, %dot_general3A_671 : vector<64x2048xf32>
    %add3A_673 = vector.broadcast %get3A_19 : vector<64x1xf32> to vector<64x2048xf32>
    %add3A_674 = arith.addf %add3A_672, %add3A_673 : vector<64x2048xf32>
    %slice3A_675 = vector.extract_strided_slice %add3A_674 {offsets = [0, 0], sizes = [48, 2048], strides = [1, 1]} : vector<64x2048xf32> to vector<48x2048xf32>
    %logistic3A_676 = arith.negf %slice3A_675 : vector<48x2048xf32>
    %logistic3A_677 = math.exp %logistic3A_676 : vector<48x2048xf32>
    %logistic3A_678 = arith.constant 1.000000e+00 : f32
    %logistic3A_679 = vector.broadcast %logistic3A_678 : f32 to vector<48x2048xf32>
    %logistic3A_680 = arith.addf %logistic3A_679, %logistic3A_677 : vector<48x2048xf32>
    %logistic3A_681 = arith.divf %logistic3A_679, %logistic3A_680 : vector<48x2048xf32>
    %slice3A_682 = vector.extract_strided_slice %add3A_674 {offsets = [48, 0], sizes = [16, 2048], strides = [1, 1]} : vector<64x2048xf32> to vector<16x2048xf32>
    %tanh3A_683 = math.tanh %slice3A_682 : vector<16x2048xf32>
    %slice3A_684 = vector.extract_strided_slice %logistic3A_681 {offsets = [16, 0], sizes = [16, 2048], strides = [1, 1]} : vector<48x2048xf32> to vector<16x2048xf32>
    %mul3A_685 = arith.mulf %slice3A_684, %add3A_665 : vector<16x2048xf32>
    %slice3A_686 = vector.extract_strided_slice %logistic3A_681 {offsets = [0, 0], sizes = [16, 2048], strides = [1, 1]} : vector<48x2048xf32> to vector<16x2048xf32>
    %mul3A_687 = arith.mulf %slice3A_686, %tanh3A_683 : vector<16x2048xf32>
    %add3A_688 = arith.addf %mul3A_685, %mul3A_687 : vector<16x2048xf32>
    %slice3A_689 = vector.extract_strided_slice %logistic3A_681 {offsets = [32, 0], sizes = [16, 2048], strides = [1, 1]} : vector<48x2048xf32> to vector<16x2048xf32>
    %tanh3A_690 = math.tanh %add3A_688 : vector<16x2048xf32>
    %mul3A_691 = arith.mulf %slice3A_689, %tanh3A_690 : vector<16x2048xf32>
    %slice3A_692 = vector.extract_strided_slice %dot_general3A_434 {offsets = [0, 22528], sizes = [64, 2048], strides = [1, 1]} : vector<64x32768xf32> to vector<64x2048xf32>
    %dot_general3A_693 = arith.constant dense<0.000000e+00> : vector<64x2048xf32>
    %dot_general3A_694 = tpu.matmul %get3A_16, %mul3A_691, %dot_general3A_693 {dimension_numbers = #tpu.dot_dimension_numbers<[1], [0], [0], [1], [0, 0, 1, 1], [], []>, transpose_lhs_hint = false} : vector<64x16xf32>, vector<16x2048xf32>, vector<64x2048xf32> -> vector<64x2048xf32>
    %add3A_695 = arith.addf %slice3A_692, %dot_general3A_694 : vector<64x2048xf32>
    %add3A_696 = vector.broadcast %get3A_19 : vector<64x1xf32> to vector<64x2048xf32>
    %add3A_697 = arith.addf %add3A_695, %add3A_696 : vector<64x2048xf32>
    %slice3A_698 = vector.extract_strided_slice %add3A_697 {offsets = [0, 0], sizes = [48, 2048], strides = [1, 1]} : vector<64x2048xf32> to vector<48x2048xf32>
    %logistic3A_699 = arith.negf %slice3A_698 : vector<48x2048xf32>
    %logistic3A_700 = math.exp %logistic3A_699 : vector<48x2048xf32>
    %logistic3A_701 = arith.constant 1.000000e+00 : f32
    %logistic3A_702 = vector.broadcast %logistic3A_701 : f32 to vector<48x2048xf32>
    %logistic3A_703 = arith.addf %logistic3A_702, %logistic3A_700 : vector<48x2048xf32>
    %logistic3A_704 = arith.divf %logistic3A_702, %logistic3A_703 : vector<48x2048xf32>
    %slice3A_705 = vector.extract_strided_slice %add3A_697 {offsets = [48, 0], sizes = [16, 2048], strides = [1, 1]} : vector<64x2048xf32> to vector<16x2048xf32>
    %tanh3A_706 = math.tanh %slice3A_705 : vector<16x2048xf32>
    %slice3A_707 = vector.extract_strided_slice %logistic3A_704 {offsets = [16, 0], sizes = [16, 2048], strides = [1, 1]} : vector<48x2048xf32> to vector<16x2048xf32>
    %mul3A_708 = arith.mulf %slice3A_707, %add3A_688 : vector<16x2048xf32>
    %slice3A_709 = vector.extract_strided_slice %logistic3A_704 {offsets = [0, 0], sizes = [16, 2048], strides = [1, 1]} : vector<48x2048xf32> to vector<16x2048xf32>
    %mul3A_710 = arith.mulf %slice3A_709, %tanh3A_706 : vector<16x2048xf32>
    %add3A_711 = arith.addf %mul3A_708, %mul3A_710 : vector<16x2048xf32>
    %slice3A_712 = vector.extract_strided_slice %logistic3A_704 {offsets = [32, 0], sizes = [16, 2048], strides = [1, 1]} : vector<48x2048xf32> to vector<16x2048xf32>
    %tanh3A_713 = math.tanh %add3A_711 : vector<16x2048xf32>
    %mul3A_714 = arith.mulf %slice3A_712, %tanh3A_713 : vector<16x2048xf32>
    %slice3A_715 = vector.extract_strided_slice %dot_general3A_434 {offsets = [0, 24576], sizes = [64, 2048], strides = [1, 1]} : vector<64x32768xf32> to vector<64x2048xf32>
    %dot_general3A_716 = arith.constant dense<0.000000e+00> : vector<64x2048xf32>
    %dot_general3A_717 = tpu.matmul %get3A_16, %mul3A_714, %dot_general3A_716 {dimension_numbers = #tpu.dot_dimension_numbers<[1], [0], [0], [1], [0, 0, 1, 1], [], []>, transpose_lhs_hint = false} : vector<64x16xf32>, vector<16x2048xf32>, vector<64x2048xf32> -> vector<64x2048xf32>
    %add3A_718 = arith.addf %slice3A_715, %dot_general3A_717 : vector<64x2048xf32>
    %add3A_719 = vector.broadcast %get3A_19 : vector<64x1xf32> to vector<64x2048xf32>
    %add3A_720 = arith.addf %add3A_718, %add3A_719 : vector<64x2048xf32>
    %slice3A_721 = vector.extract_strided_slice %add3A_720 {offsets = [0, 0], sizes = [48, 2048], strides = [1, 1]} : vector<64x2048xf32> to vector<48x2048xf32>
    %logistic3A_722 = arith.negf %slice3A_721 : vector<48x2048xf32>
    %logistic3A_723 = math.exp %logistic3A_722 : vector<48x2048xf32>
    %logistic3A_724 = arith.constant 1.000000e+00 : f32
    %logistic3A_725 = vector.broadcast %logistic3A_724 : f32 to vector<48x2048xf32>
    %logistic3A_726 = arith.addf %logistic3A_725, %logistic3A_723 : vector<48x2048xf32>
    %logistic3A_727 = arith.divf %logistic3A_725, %logistic3A_726 : vector<48x2048xf32>
    %slice3A_728 = vector.extract_strided_slice %add3A_720 {offsets = [48, 0], sizes = [16, 2048], strides = [1, 1]} : vector<64x2048xf32> to vector<16x2048xf32>
    %tanh3A_729 = math.tanh %slice3A_728 : vector<16x2048xf32>
    %slice3A_730 = vector.extract_strided_slice %logistic3A_727 {offsets = [16, 0], sizes = [16, 2048], strides = [1, 1]} : vector<48x2048xf32> to vector<16x2048xf32>
    %mul3A_731 = arith.mulf %slice3A_730, %add3A_711 : vector<16x2048xf32>
    %slice3A_732 = vector.extract_strided_slice %logistic3A_727 {offsets = [0, 0], sizes = [16, 2048], strides = [1, 1]} : vector<48x2048xf32> to vector<16x2048xf32>
    %mul3A_733 = arith.mulf %slice3A_732, %tanh3A_729 : vector<16x2048xf32>
    %add3A_734 = arith.addf %mul3A_731, %mul3A_733 : vector<16x2048xf32>
    %slice3A_735 = vector.extract_strided_slice %logistic3A_727 {offsets = [32, 0], sizes = [16, 2048], strides = [1, 1]} : vector<48x2048xf32> to vector<16x2048xf32>
    %tanh3A_736 = math.tanh %add3A_734 : vector<16x2048xf32>
    %mul3A_737 = arith.mulf %slice3A_735, %tanh3A_736 : vector<16x2048xf32>
    %slice3A_738 = vector.extract_strided_slice %dot_general3A_434 {offsets = [0, 26624], sizes = [64, 2048], strides = [1, 1]} : vector<64x32768xf32> to vector<64x2048xf32>
    %dot_general3A_739 = arith.constant dense<0.000000e+00> : vector<64x2048xf32>
    %dot_general3A_740 = tpu.matmul %get3A_16, %mul3A_737, %dot_general3A_739 {dimension_numbers = #tpu.dot_dimension_numbers<[1], [0], [0], [1], [0, 0, 1, 1], [], []>, transpose_lhs_hint = false} : vector<64x16xf32>, vector<16x2048xf32>, vector<64x2048xf32> -> vector<64x2048xf32>
    %add3A_741 = arith.addf %slice3A_738, %dot_general3A_740 : vector<64x2048xf32>
    %add3A_742 = vector.broadcast %get3A_19 : vector<64x1xf32> to vector<64x2048xf32>
    %add3A_743 = arith.addf %add3A_741, %add3A_742 : vector<64x2048xf32>
    %slice3A_744 = vector.extract_strided_slice %add3A_743 {offsets = [0, 0], sizes = [48, 2048], strides = [1, 1]} : vector<64x2048xf32> to vector<48x2048xf32>
    %logistic3A_745 = arith.negf %slice3A_744 : vector<48x2048xf32>
    %logistic3A_746 = math.exp %logistic3A_745 : vector<48x2048xf32>
    %logistic3A_747 = arith.constant 1.000000e+00 : f32
    %logistic3A_748 = vector.broadcast %logistic3A_747 : f32 to vector<48x2048xf32>
    %logistic3A_749 = arith.addf %logistic3A_748, %logistic3A_746 : vector<48x2048xf32>
    %logistic3A_750 = arith.divf %logistic3A_748, %logistic3A_749 : vector<48x2048xf32>
    %slice3A_751 = vector.extract_strided_slice %add3A_743 {offsets = [48, 0], sizes = [16, 2048], strides = [1, 1]} : vector<64x2048xf32> to vector<16x2048xf32>
    %tanh3A_752 = math.tanh %slice3A_751 : vector<16x2048xf32>
    %slice3A_753 = vector.extract_strided_slice %logistic3A_750 {offsets = [16, 0], sizes = [16, 2048], strides = [1, 1]} : vector<48x2048xf32> to vector<16x2048xf32>
    %mul3A_754 = arith.mulf %slice3A_753, %add3A_734 : vector<16x2048xf32>
    %slice3A_755 = vector.extract_strided_slice %logistic3A_750 {offsets = [0, 0], sizes = [16, 2048], strides = [1, 1]} : vector<48x2048xf32> to vector<16x2048xf32>
    %mul3A_756 = arith.mulf %slice3A_755, %tanh3A_752 : vector<16x2048xf32>
    %add3A_757 = arith.addf %mul3A_754, %mul3A_756 : vector<16x2048xf32>
    %slice3A_758 = vector.extract_strided_slice %logistic3A_750 {offsets = [32, 0], sizes = [16, 2048], strides = [1, 1]} : vector<48x2048xf32> to vector<16x2048xf32>
    %tanh3A_759 = math.tanh %add3A_757 : vector<16x2048xf32>
    %mul3A_760 = arith.mulf %slice3A_758, %tanh3A_759 : vector<16x2048xf32>
    %slice3A_761 = vector.extract_strided_slice %dot_general3A_434 {offsets = [0, 28672], sizes = [64, 2048], strides = [1, 1]} : vector<64x32768xf32> to vector<64x2048xf32>
    %dot_general3A_762 = arith.constant dense<0.000000e+00> : vector<64x2048xf32>
    %dot_general3A_763 = tpu.matmul %get3A_16, %mul3A_760, %dot_general3A_762 {dimension_numbers = #tpu.dot_dimension_numbers<[1], [0], [0], [1], [0, 0, 1, 1], [], []>, transpose_lhs_hint = false} : vector<64x16xf32>, vector<16x2048xf32>, vector<64x2048xf32> -> vector<64x2048xf32>
    %add3A_764 = arith.addf %slice3A_761, %dot_general3A_763 : vector<64x2048xf32>
    %add3A_765 = vector.broadcast %get3A_19 : vector<64x1xf32> to vector<64x2048xf32>
    %add3A_766 = arith.addf %add3A_764, %add3A_765 : vector<64x2048xf32>
    %slice3A_767 = vector.extract_strided_slice %add3A_766 {offsets = [0, 0], sizes = [48, 2048], strides = [1, 1]} : vector<64x2048xf32> to vector<48x2048xf32>
    %logistic3A_768 = arith.negf %slice3A_767 : vector<48x2048xf32>
    %logistic3A_769 = math.exp %logistic3A_768 : vector<48x2048xf32>
    %logistic3A_770 = arith.constant 1.000000e+00 : f32
    %logistic3A_771 = vector.broadcast %logistic3A_770 : f32 to vector<48x2048xf32>
    %logistic3A_772 = arith.addf %logistic3A_771, %logistic3A_769 : vector<48x2048xf32>
    %logistic3A_773 = arith.divf %logistic3A_771, %logistic3A_772 : vector<48x2048xf32>
    %slice3A_774 = vector.extract_strided_slice %add3A_766 {offsets = [48, 0], sizes = [16, 2048], strides = [1, 1]} : vector<64x2048xf32> to vector<16x2048xf32>
    %tanh3A_775 = math.tanh %slice3A_774 : vector<16x2048xf32>
    %slice3A_776 = vector.extract_strided_slice %logistic3A_773 {offsets = [16, 0], sizes = [16, 2048], strides = [1, 1]} : vector<48x2048xf32> to vector<16x2048xf32>
    %mul3A_777 = arith.mulf %slice3A_776, %add3A_757 : vector<16x2048xf32>
    %slice3A_778 = vector.extract_strided_slice %logistic3A_773 {offsets = [0, 0], sizes = [16, 2048], strides = [1, 1]} : vector<48x2048xf32> to vector<16x2048xf32>
    %mul3A_779 = arith.mulf %slice3A_778, %tanh3A_775 : vector<16x2048xf32>
    %add3A_780 = arith.addf %mul3A_777, %mul3A_779 : vector<16x2048xf32>
    %slice3A_781 = vector.extract_strided_slice %logistic3A_773 {offsets = [32, 0], sizes = [16, 2048], strides = [1, 1]} : vector<48x2048xf32> to vector<16x2048xf32>
    %tanh3A_782 = math.tanh %add3A_780 : vector<16x2048xf32>
    %mul3A_783 = arith.mulf %slice3A_781, %tanh3A_782 : vector<16x2048xf32>
    %slice3A_784 = vector.extract_strided_slice %dot_general3A_434 {offsets = [0, 30720], sizes = [64, 2048], strides = [1, 1]} : vector<64x32768xf32> to vector<64x2048xf32>
    %dot_general3A_785 = arith.constant dense<0.000000e+00> : vector<64x2048xf32>
    %dot_general3A_786 = tpu.matmul %get3A_16, %mul3A_783, %dot_general3A_785 {dimension_numbers = #tpu.dot_dimension_numbers<[1], [0], [0], [1], [0, 0, 1, 1], [], []>, transpose_lhs_hint = false} : vector<64x16xf32>, vector<16x2048xf32>, vector<64x2048xf32> -> vector<64x2048xf32>
    %add3A_787 = arith.addf %slice3A_784, %dot_general3A_786 : vector<64x2048xf32>
    %add3A_788 = vector.broadcast %get3A_19 : vector<64x1xf32> to vector<64x2048xf32>
    %add3A_789 = arith.addf %add3A_787, %add3A_788 : vector<64x2048xf32>
    %slice3A_790 = vector.extract_strided_slice %add3A_789 {offsets = [0, 0], sizes = [48, 2048], strides = [1, 1]} : vector<64x2048xf32> to vector<48x2048xf32>
    %logistic3A_791 = arith.negf %slice3A_790 : vector<48x2048xf32>
    %logistic3A_792 = math.exp %logistic3A_791 : vector<48x2048xf32>
    %logistic3A_793 = arith.constant 1.000000e+00 : f32
    %logistic3A_794 = vector.broadcast %logistic3A_793 : f32 to vector<48x2048xf32>
    %logistic3A_795 = arith.addf %logistic3A_794, %logistic3A_792 : vector<48x2048xf32>
    %logistic3A_796 = arith.divf %logistic3A_794, %logistic3A_795 : vector<48x2048xf32>
    %slice3A_797 = vector.extract_strided_slice %add3A_789 {offsets = [48, 0], sizes = [16, 2048], strides = [1, 1]} : vector<64x2048xf32> to vector<16x2048xf32>
    %tanh3A_798 = math.tanh %slice3A_797 : vector<16x2048xf32>
    %slice3A_799 = vector.extract_strided_slice %logistic3A_796 {offsets = [16, 0], sizes = [16, 2048], strides = [1, 1]} : vector<48x2048xf32> to vector<16x2048xf32>
    %mul3A_800 = arith.mulf %slice3A_799, %add3A_780 : vector<16x2048xf32>
    %slice3A_801 = vector.extract_strided_slice %logistic3A_796 {offsets = [0, 0], sizes = [16, 2048], strides = [1, 1]} : vector<48x2048xf32> to vector<16x2048xf32>
    %mul3A_802 = arith.mulf %slice3A_801, %tanh3A_798 : vector<16x2048xf32>
    %add3A_803 = arith.addf %mul3A_800, %mul3A_802 : vector<16x2048xf32>
    %slice3A_804 = vector.extract_strided_slice %logistic3A_796 {offsets = [32, 0], sizes = [16, 2048], strides = [1, 1]} : vector<48x2048xf32> to vector<16x2048xf32>
    %tanh3A_805 = math.tanh %add3A_803 : vector<16x2048xf32>
    %mul3A_806 = arith.mulf %slice3A_804, %tanh3A_805 : vector<16x2048xf32>
    %concatenate3A_807 = tpu.concatenate %mul3A_461, %mul3A_484, %mul3A_507, %mul3A_530, %mul3A_553, %mul3A_576, %mul3A_599, %mul3A_622, %mul3A_645, %mul3A_668, %mul3A_691, %mul3A_714, %mul3A_737, %mul3A_760, %mul3A_783, %mul3A_806 in 0 : vector<16x2048xf32>, vector<16x2048xf32>, vector<16x2048xf32>, vector<16x2048xf32>, vector<16x2048xf32>, vector<16x2048xf32>, vector<16x2048xf32>, vector<16x2048xf32>, vector<16x2048xf32>, vector<16x2048xf32>, vector<16x2048xf32>, vector<16x2048xf32>, vector<16x2048xf32>, vector<16x2048xf32>, vector<16x2048xf32>, vector<16x2048xf32> -> vector<256x2048xf32>
    %get3A_808 = arith.constant 0 : index
    %get3A_809 = arith.constant 0 : index
    %get3A_810 = vector.load %arg8[%get3A_808, %get3A_809] : memref<16x256xf32, #tpu.memory_space<vmem>>, vector<16x256xf32>
    %dot_general3A_811 = arith.constant dense<0.000000e+00> : vector<16x2048xf32>
    %dot_general3A_812 = tpu.matmul %get3A_810, %concatenate3A_807, %dot_general3A_811 {dimension_numbers = #tpu.dot_dimension_numbers<[1], [0], [0], [1], [0, 0, 1, 1], [], []>, transpose_lhs_hint = false} : vector<16x256xf32>, vector<256x2048xf32>, vector<16x2048xf32> -> vector<16x2048xf32>
    %transpose3A = tpu.transpose %dot_general3A_812, [1, 0] : vector<16x2048xf32> -> vector<2048x16xf32>
    %swap3A = arith.constant 0 : index
    %swap3A_813 = arith.constant 0 : index
    %swap3A_814 = vector.load %arg10[%swap3A, %swap3A_813] : memref<2048x16xf32, #tpu.memory_space<vmem>>, vector<2048x16xf32>
    tpu.vector_store %arg10[%swap3A, %swap3A_813], %transpose3A {strides = array<i32>} : memref<2048x16xf32, #tpu.memory_space<vmem>>, vector<2048x16xf32>,
    return
  }
  func.func @transform_0(%arg0: i32) -> (i32, i32) {
    %c0_i32 = arith.constant 0 : i32
    %c0_i32_0 = arith.constant 0 : i32
    return %c0_i32, %arg0 : i32, i32
  }
  func.func @transform_1(%arg0: i32) -> (i32, i32) {
    %c0_i32 = arith.constant 0 : i32
    %c0_i32_0 = arith.constant 0 : i32
    %c0_i32_1 = arith.constant 0 : i32
    return %c0_i32, %c0_i32_0 : i32, i32
  }
  func.func @transform_2(%arg0: i32) -> (i32, i32) {
    %c0_i32 = arith.constant 0 : i32
    %c0_i32_0 = arith.constant 0 : i32
    %c0_i32_1 = arith.constant 0 : i32
    return %c0_i32, %c0_i32_0 : i32, i32
  }
  func.func @transform_3(%arg0: i32) -> (i32, i32) {
    %c0_i32 = arith.constant 0 : i32
    %c0_i32_0 = arith.constant 0 : i32
    %c0_i32_1 = arith.constant 0 : i32
    return %c0_i32, %c0_i32_0 : i32, i32
  }
  func.func @transform_4(%arg0: i32) -> (i32, i32) {
    %c0_i32 = arith.constant 0 : i32
    %c0_i32_0 = arith.constant 0 : i32
    %c0_i32_1 = arith.constant 0 : i32
    return %c0_i32, %c0_i32_0 : i32, i32
  }
  func.func @transform_5(%arg0: i32) -> (i32, i32) {
    %c0_i32 = arith.constant 0 : i32
    %c0_i32_0 = arith.constant 0 : i32
    %c0_i32_1 = arith.constant 0 : i32
    return %c0_i32, %c0_i32_0 : i32, i32
  }
  func.func @transform_6(%arg0: i32) -> (i32, i32) {
    %c0_i32 = arith.constant 0 : i32
    %c0_i32_0 = arith.constant 0 : i32
    %c0_i32_1 = arith.constant 0 : i32
    return %c0_i32, %c0_i32_0 : i32, i32
  }
  func.func @transform_7(%arg0: i32) -> (i32, i32) {
    %c0_i32 = arith.constant 0 : i32
    %c0_i32_0 = arith.constant 0 : i32
    %c0_i32_1 = arith.constant 0 : i32
    return %c0_i32, %c0_i32_0 : i32, i32
  }
  func.func @transform_8(%arg0: i32) -> (i32, i32, i32) {
    %c0_i32 = arith.constant 0 : i32
    %c0_i32_0 = arith.constant 0 : i32
    %c0_i32_1 = arith.constant 0 : i32
    %c0_i32_2 = arith.constant 0 : i32
    return %c0_i32, %c0_i32_0, %c0_i32_1 : i32, i32, i32
  }
  func.func @transform_9(%arg0: i32) -> (i32, i32) {
    %c0_i32 = arith.constant 0 : i32
    %c0_i32_0 = arith.constant 0 : i32
    return %arg0, %c0_i32 : i32, i32
  }
}

module attributes {stable_mosaic.version = 14 : i64} {
  func.func @_node_mid_body(%arg0: memref<1280x128xf32, #tpu.memory_space<vmem>>, %arg1: memref<2x1280x128xf32, #tpu.memory_space<vmem>>, %arg2: memref<2x1280x128xf32, #tpu.memory_space<vmem>>, %arg3: memref<16x16xf32, #tpu.memory_space<vmem>>, %arg4: memref<1x16xf32, #tpu.memory_space<vmem>>, %arg5: memref<1280x128xf32, #tpu.memory_space<vmem>>) attributes {dimension_semantics = [], scalar_prefetch = 0 : i64, scratch_operands = 0 : i64, tpu.core_type = #tpu.core_type<tc>} {
    %get3A = arith.constant 0 : index
    %get3A_0 = arith.constant 0 : index
    %get3A_1 = arith.constant 0 : index
    %get3A_2 = vector.load %arg1[%get3A, %get3A_0, %get3A_1] : memref<2x1280x128xf32, #tpu.memory_space<vmem>>, vector<1x1280x128xf32>
    %get3A_3 = vector.shape_cast %get3A_2 : vector<1x1280x128xf32> to vector<1280x128xf32>
    %get3A_4 = arith.constant 1 : index
    %get3A_5 = arith.constant 0 : index
    %get3A_6 = arith.constant 0 : index
    %get3A_7 = vector.load %arg1[%get3A_4, %get3A_5, %get3A_6] : memref<2x1280x128xf32, #tpu.memory_space<vmem>>, vector<1x1280x128xf32>
    %get3A_8 = vector.shape_cast %get3A_7 : vector<1x1280x128xf32> to vector<1280x128xf32>
    %add3A = arith.addf %get3A_3, %get3A_8 : vector<1280x128xf32>
    %get3A_9 = arith.constant 0 : index
    %get3A_10 = arith.constant 0 : index
    %get3A_11 = vector.load %arg0[%get3A_9, %get3A_10] : memref<1280x128xf32, #tpu.memory_space<vmem>>, vector<1280x128xf32>
    %add3A_12 = arith.addf %add3A, %get3A_11 : vector<1280x128xf32>
    %get3A_13 = arith.constant 0 : index
    %get3A_14 = arith.constant 0 : index
    %get3A_15 = arith.constant 0 : index
    %get3A_16 = vector.load %arg2[%get3A_13, %get3A_14, %get3A_15] : memref<2x1280x128xf32, #tpu.memory_space<vmem>>, vector<1x1280x128xf32>
    %get3A_17 = vector.shape_cast %get3A_16 : vector<1x1280x128xf32> to vector<1280x128xf32>
    %get3A_18 = arith.constant 1 : index
    %get3A_19 = arith.constant 0 : index
    %get3A_20 = arith.constant 0 : index
    %get3A_21 = vector.load %arg2[%get3A_18, %get3A_19, %get3A_20] : memref<2x1280x128xf32, #tpu.memory_space<vmem>>, vector<1x1280x128xf32>
    %get3A_22 = vector.shape_cast %get3A_21 : vector<1x1280x128xf32> to vector<1280x128xf32>
    %add3A_23 = arith.addf %get3A_17, %get3A_22 : vector<1280x128xf32>
    %add3A_24 = arith.constant 1.000000e+00 : f32
    %add3A_25 = vector.broadcast %add3A_24 : f32 to vector<1280x128xf32>
    %add3A_26 = arith.addf %add3A_23, %add3A_25 : vector<1280x128xf32>
    %div3A = arith.divf %add3A_12, %add3A_26 : vector<1280x128xf32>
    %get3A_27 = arith.constant 0 : index
    %get3A_28 = arith.constant 0 : index
    %get3A_29 = vector.load %arg4[%get3A_27, %get3A_28] : memref<1x16xf32, #tpu.memory_space<vmem>>, vector<1x16xf32>
    %tile3A = tpu.concatenate %get3A_29, %get3A_29, %get3A_29, %get3A_29, %get3A_29, %get3A_29, %get3A_29, %get3A_29 in 1 : vector<1x16xf32>, vector<1x16xf32>, vector<1x16xf32>, vector<1x16xf32>, vector<1x16xf32>, vector<1x16xf32>, vector<1x16xf32>, vector<1x16xf32> -> vector<1x128xf32>
    %add3A_30 = vector.broadcast %tile3A : vector<1x128xf32> to vector<1280x128xf32>
    %add3A_31 = arith.addf %div3A, %add3A_30 : vector<1280x128xf32>
    %get3A_32 = arith.constant 0 : index
    %get3A_33 = arith.constant 0 : index
    %get3A_34 = vector.load %arg3[%get3A_32, %get3A_33] : memref<16x16xf32, #tpu.memory_space<vmem>>, vector<16x16xf32>
    %tile3A_35 = tpu.concatenate %get3A_34, %get3A_34, %get3A_34, %get3A_34, %get3A_34, %get3A_34, %get3A_34, %get3A_34 in 0 : vector<16x16xf32>, vector<16x16xf32>, vector<16x16xf32>, vector<16x16xf32>, vector<16x16xf32>, vector<16x16xf32>, vector<16x16xf32>, vector<16x16xf32> -> vector<128x16xf32>
    %tile3A_36 = tpu.concatenate %tile3A_35, %tile3A_35, %tile3A_35, %tile3A_35, %tile3A_35, %tile3A_35, %tile3A_35, %tile3A_35 in 1 : vector<128x16xf32>, vector<128x16xf32>, vector<128x16xf32>, vector<128x16xf32>, vector<128x16xf32>, vector<128x16xf32>, vector<128x16xf32>, vector<128x16xf32> -> vector<128x128xf32>
    %iota3A = tpu.iota {dimensions = array<i32: 0>} : vector<128x128xi32>
    %jit3A = arith.constant 16 : i32
    %div3A_37 = vector.broadcast %jit3A : i32 to vector<128x128xi32>
    %div3A_38 = arith.divsi %iota3A, %div3A_37 : vector<128x128xi32>
    %sign3A = arith.constant 0 : i32
    %sign3A_39 = vector.broadcast %sign3A : i32 to vector<128x128xi32>
    %sign3A_40 = arith.cmpi sgt, %iota3A, %sign3A_39 : vector<128x128xi32>
    %sign3A_41 = arith.extui %sign3A_40 : vector<128x128xi1> to vector<128x128xi32>
    %sign3A_42 = arith.constant 0 : i32
    %sign3A_43 = vector.broadcast %sign3A_42 : i32 to vector<128x128xi32>
    %sign3A_44 = arith.cmpi slt, %iota3A, %sign3A_43 : vector<128x128xi32>
    %sign3A_45 = arith.extui %sign3A_44 : vector<128x128xi1> to vector<128x128xi32>
    %sign3A_46 = arith.subi %sign3A_41, %sign3A_45 : vector<128x128xi32>
    %sign3A_47 = arith.constant 0 : i32
    %sign3A_48 = arith.cmpi sgt, %jit3A, %sign3A_47 : i32
    %sign3A_49 = arith.extui %sign3A_48 : i1 to i32
    %sign3A_50 = arith.constant 0 : i32
    %sign3A_51 = arith.cmpi slt, %jit3A, %sign3A_50 : i32
    %sign3A_52 = arith.extui %sign3A_51 : i1 to i32
    %sign3A_53 = arith.subi %sign3A_49, %sign3A_52 : i32
    %ne3A = vector.broadcast %sign3A_53 : i32 to vector<128x128xi32>
    %ne3A_54 = arith.cmpi ne, %sign3A_46, %ne3A : vector<128x128xi32>
    %rem3A = vector.broadcast %jit3A : i32 to vector<128x128xi32>
    %rem3A_55 = arith.remsi %iota3A, %rem3A : vector<128x128xi32>
    %ne3A_56 = arith.constant 0 : i32
    %ne3A_57 = vector.broadcast %ne3A_56 : i32 to vector<128x128xi32>
    %ne3A_58 = arith.cmpi ne, %rem3A_55, %ne3A_57 : vector<128x128xi32>
    %and3A = arith.andi %ne3A_54, %ne3A_58 : vector<128x128xi1>
    %sub3A = arith.constant 1 : i32
    %sub3A_59 = vector.broadcast %sub3A : i32 to vector<128x128xi32>
    %sub3A_60 = arith.subi %div3A_38, %sub3A_59 : vector<128x128xi32>
    %select_n3A = arith.select %and3A, %sub3A_60, %div3A_38 : vector<128x128xi1>, vector<128x128xi32>
    %iota3A_61 = tpu.iota {dimensions = array<i32: 1>} : vector<128x128xi32>
    %jit3A_62 = arith.constant 16 : i32
    %div3A_63 = vector.broadcast %jit3A_62 : i32 to vector<128x128xi32>
    %div3A_64 = arith.divsi %iota3A_61, %div3A_63 : vector<128x128xi32>
    %sign3A_65 = arith.constant 0 : i32
    %sign3A_66 = vector.broadcast %sign3A_65 : i32 to vector<128x128xi32>
    %sign3A_67 = arith.cmpi sgt, %iota3A_61, %sign3A_66 : vector<128x128xi32>
    %sign3A_68 = arith.extui %sign3A_67 : vector<128x128xi1> to vector<128x128xi32>
    %sign3A_69 = arith.constant 0 : i32
    %sign3A_70 = vector.broadcast %sign3A_69 : i32 to vector<128x128xi32>
    %sign3A_71 = arith.cmpi slt, %iota3A_61, %sign3A_70 : vector<128x128xi32>
    %sign3A_72 = arith.extui %sign3A_71 : vector<128x128xi1> to vector<128x128xi32>
    %sign3A_73 = arith.subi %sign3A_68, %sign3A_72 : vector<128x128xi32>
    %sign3A_74 = arith.constant 0 : i32
    %sign3A_75 = arith.cmpi sgt, %jit3A_62, %sign3A_74 : i32
    %sign3A_76 = arith.extui %sign3A_75 : i1 to i32
    %sign3A_77 = arith.constant 0 : i32
    %sign3A_78 = arith.cmpi slt, %jit3A_62, %sign3A_77 : i32
    %sign3A_79 = arith.extui %sign3A_78 : i1 to i32
    %sign3A_80 = arith.subi %sign3A_76, %sign3A_79 : i32
    %ne3A_81 = vector.broadcast %sign3A_80 : i32 to vector<128x128xi32>
    %ne3A_82 = arith.cmpi ne, %sign3A_73, %ne3A_81 : vector<128x128xi32>
    %rem3A_83 = vector.broadcast %jit3A_62 : i32 to vector<128x128xi32>
    %rem3A_84 = arith.remsi %iota3A_61, %rem3A_83 : vector<128x128xi32>
    %ne3A_85 = arith.constant 0 : i32
    %ne3A_86 = vector.broadcast %ne3A_85 : i32 to vector<128x128xi32>
    %ne3A_87 = arith.cmpi ne, %rem3A_84, %ne3A_86 : vector<128x128xi32>
    %and3A_88 = arith.andi %ne3A_82, %ne3A_87 : vector<128x128xi1>
    %sub3A_89 = arith.constant 1 : i32
    %sub3A_90 = vector.broadcast %sub3A_89 : i32 to vector<128x128xi32>
    %sub3A_91 = arith.subi %div3A_64, %sub3A_90 : vector<128x128xi32>
    %select_n3A_92 = arith.select %and3A_88, %sub3A_91, %div3A_64 : vector<128x128xi1>, vector<128x128xi32>
    %eq3A = arith.cmpi eq, %select_n3A, %select_n3A_92 : vector<128x128xi32>
    %jit3A_93 = arith.constant 0.000000e+00 : f32
    %broadcast_in_dim3A = vector.broadcast %jit3A_93 : f32 to vector<128x128xf32>
    %select_n3A_94 = arith.select %eq3A, %tile3A_36, %broadcast_in_dim3A : vector<128x128xi1>, vector<128x128xf32>
    %dot_general3A = arith.constant dense<0.000000e+00> : vector<1280x128xf32>
    %dot_general3A_95 = tpu.matmul %add3A_31, %select_n3A_94, %dot_general3A {dimension_numbers = #tpu.dot_dimension_numbers<[1], [0], [0], [1], [0, 0, 1, 1], [], []>, transpose_lhs_hint = false} : vector<1280x128xf32>, vector<128x128xf32>, vector<1280x128xf32> -> vector<1280x128xf32>
    %swap3A = arith.constant 0 : index
    %swap3A_96 = arith.constant 0 : index
    %swap3A_97 = vector.load %arg5[%swap3A, %swap3A_96] : memref<1280x128xf32, #tpu.memory_space<vmem>>, vector<1280x128xf32>
    tpu.vector_store %arg5[%swap3A, %swap3A_96], %dot_general3A_95 {strides = array<i32>} : memref<1280x128xf32, #tpu.memory_space<vmem>>, vector<1280x128xf32>,
    return
  }
}

module attributes {stable_mosaic.version = 14 : i64} {
  func.func @_node_last_body(%arg0: memref<1280x128xf32, #tpu.memory_space<vmem>>, %arg1: memref<2x1280x128xf32, #tpu.memory_space<vmem>>, %arg2: memref<2x1280x128xf32, #tpu.memory_space<vmem>>, %arg3: memref<1x16xf32, #tpu.memory_space<vmem>>, %arg4: memref<1280x128xf32, #tpu.memory_space<vmem>>) attributes {dimension_semantics = [], scalar_prefetch = 0 : i64, scratch_operands = 0 : i64, tpu.core_type = #tpu.core_type<tc>} {
    %get3A = arith.constant 0 : index
    %get3A_0 = arith.constant 0 : index
    %get3A_1 = arith.constant 0 : index
    %get3A_2 = vector.load %arg1[%get3A, %get3A_0, %get3A_1] : memref<2x1280x128xf32, #tpu.memory_space<vmem>>, vector<1x1280x128xf32>
    %get3A_3 = vector.shape_cast %get3A_2 : vector<1x1280x128xf32> to vector<1280x128xf32>
    %get3A_4 = arith.constant 1 : index
    %get3A_5 = arith.constant 0 : index
    %get3A_6 = arith.constant 0 : index
    %get3A_7 = vector.load %arg1[%get3A_4, %get3A_5, %get3A_6] : memref<2x1280x128xf32, #tpu.memory_space<vmem>>, vector<1x1280x128xf32>
    %get3A_8 = vector.shape_cast %get3A_7 : vector<1x1280x128xf32> to vector<1280x128xf32>
    %add3A = arith.addf %get3A_3, %get3A_8 : vector<1280x128xf32>
    %get3A_9 = arith.constant 0 : index
    %get3A_10 = arith.constant 0 : index
    %get3A_11 = vector.load %arg0[%get3A_9, %get3A_10] : memref<1280x128xf32, #tpu.memory_space<vmem>>, vector<1280x128xf32>
    %add3A_12 = arith.addf %add3A, %get3A_11 : vector<1280x128xf32>
    %get3A_13 = arith.constant 0 : index
    %get3A_14 = arith.constant 0 : index
    %get3A_15 = arith.constant 0 : index
    %get3A_16 = vector.load %arg2[%get3A_13, %get3A_14, %get3A_15] : memref<2x1280x128xf32, #tpu.memory_space<vmem>>, vector<1x1280x128xf32>
    %get3A_17 = vector.shape_cast %get3A_16 : vector<1x1280x128xf32> to vector<1280x128xf32>
    %get3A_18 = arith.constant 1 : index
    %get3A_19 = arith.constant 0 : index
    %get3A_20 = arith.constant 0 : index
    %get3A_21 = vector.load %arg2[%get3A_18, %get3A_19, %get3A_20] : memref<2x1280x128xf32, #tpu.memory_space<vmem>>, vector<1x1280x128xf32>
    %get3A_22 = vector.shape_cast %get3A_21 : vector<1x1280x128xf32> to vector<1280x128xf32>
    %add3A_23 = arith.addf %get3A_17, %get3A_22 : vector<1280x128xf32>
    %add3A_24 = arith.constant 1.000000e+00 : f32
    %add3A_25 = vector.broadcast %add3A_24 : f32 to vector<1280x128xf32>
    %add3A_26 = arith.addf %add3A_23, %add3A_25 : vector<1280x128xf32>
    %div3A = arith.divf %add3A_12, %add3A_26 : vector<1280x128xf32>
    %get3A_27 = arith.constant 0 : index
    %get3A_28 = arith.constant 0 : index
    %get3A_29 = vector.load %arg3[%get3A_27, %get3A_28] : memref<1x16xf32, #tpu.memory_space<vmem>>, vector<1x16xf32>
    %tile3A = tpu.concatenate %get3A_29, %get3A_29, %get3A_29, %get3A_29, %get3A_29, %get3A_29, %get3A_29, %get3A_29 in 1 : vector<1x16xf32>, vector<1x16xf32>, vector<1x16xf32>, vector<1x16xf32>, vector<1x16xf32>, vector<1x16xf32>, vector<1x16xf32>, vector<1x16xf32> -> vector<1x128xf32>
    %add3A_30 = vector.broadcast %tile3A : vector<1x128xf32> to vector<1280x128xf32>
    %add3A_31 = arith.addf %div3A, %add3A_30 : vector<1280x128xf32>
    %max3A = arith.constant 0.000000e+00 : f32
    %max3A_32 = vector.broadcast %max3A : f32 to vector<1280x128xf32>
    %max3A_33 = arith.maximumf %add3A_31, %max3A_32 : vector<1280x128xf32>
    %swap3A = arith.constant 0 : index
    %swap3A_34 = arith.constant 0 : index
    %swap3A_35 = vector.load %arg4[%swap3A, %swap3A_34] : memref<1280x128xf32, #tpu.memory_space<vmem>>, vector<1280x128xf32>
    tpu.vector_store %arg4[%swap3A, %swap3A_34], %max3A_33 {strides = array<i32>} : memref<1280x128xf32, #tpu.memory_space<vmem>>, vector<1280x128xf32>,
    return
  }
}

</mosaic_0001>

<sc_bundles>
// kernel: kernel.10.cloned.1.call-start
scs
__scs_entry_jumppad:
0x0: {  	(pc) =	sbr.rel $0x88, $3  }
0x1: {  	(tag) =	ssettag $0x0;
	lr =	simm.s32 $0x1  }
0x2: {  	[smem:$0x3F91] =	sst lr;
	_ =	strace $0xD0000000  }
0x3: {  	_ = 	snop  }
0x4: {  	_ = 	snop  }
0x5: {  	_ = 	snop  }
0x6: {  	_ = 	snop  }
0x7: {  	_ = 	snop  }
__scs_overlays_trampoline_lowered:
0x8: {  	[smem:$0x3FA0] =	sst s0  }
0x9: {  	[smem:$0x3FA1] =	sst s1  }
0xa: {  	[smem:$0x3FA2] =	sst s2  }
0xb: {  	[smem:$0x3FA3] =	sst s3  }
0xc: {  	[smem:$0x3FA4] =	sst s4  }
0xd: {  	[smem:$0x3FA5] =	sst s5  }
0xe: {  	[smem:$0x3FA6] =	sst s6  }
0xf: {  	[smem:$0x3FA7] =	sst s7  }
0x10: {  	[smem:$0x3FA8] =	sst s8  }
0x11: {  	[smem:$0x3FA9] =	sst s9;
	s0 =	simm.s32 @!p0 $0x0  }
0x12: {  	s1 =	sld [smem:$0x3F8F];
	s0 =	simm.s32 @p0 $0x1  }
0x13: {  	[smem:$0x3FAA] =	sst s0;
	s0 =	simm.s32 @!p1 $0x0  }
0x14: {  	s2 =	sld [smem:$0x3F8E];
	s0 =	simm.s32 @p1 $0x1  }
0x15: {  	[smem:$0x3FAB] =	sst s0;
	s0 =	simm.s32 @!p2 $0x0  }
0x16: {  	s3 =	sld [smem:$0x3FDB];
	s0 =	simm.s32 @p2 $0x1  }
0x17: {  	s4 =	simm.s32 $0x1BF5;
	[smem:$0x3FAD] =	sst s0  }
0x18: {  	s0 =	sld [smem:$0x3F90];
	_ =	swait.ge [sflag:s4], $0x0  }
0x19: {  	s7 =	sld [smem:$0x3F91]  }
0x1a: {  	s8 =	sadd.s32 $0xFFFFE003, lr  }
0x1b: {  	s9 =	sadd.s32 $0xFFFFFEF7, lr;
	s5 =	simm.s32 $0xFFFFFFFF;
	p2 =	slt.u32 s8, $0xFFFFF086  }
0x1c: {  	p1 =	slt.u32 s9, $0xF7A;
	s5 =	simm.s32 @!p2 $0x0  }
0x1d: {  	s5 =	simm.s32 @p1 $0x1;
	p0 =	seq.s32 s7, s2  }
0x1e: {  	s7 =	smul.u32 @!p0 $0xF7A, s2;
	p2 =	seq.s32 @!p0 s5, $0x0  }
0x1f: {  	s9 =	smul.u32 $0xF7A, s1;
	s8 =	simm.s32 @!p0 $0x1BF5;
	p2 =	por !p2, p0  }
0x20: {  	[sflag:s8] =	ssyncset.s32 @!p0 $0xFFFFF086;
	s6 =	sadd.s32 @!p0 s3, s7;
	s7 =	simm.s32 @!p0 $0x108  }
0x21: {  	s3 =	sadd.s32 s3, s9;
	s6 =	sadd.s32 @!p0 $0x88, s6;
	s7 =	simm.s32 @p2 $0x1082  }
0x22: {  	[simem:s7], [sflag:s8] =	dma.local @!p0 [hbm:s6], $0xF7A  }
0x23: {  	s9 =	sor.u32 $0xD0000000, s2;
	s6 =	simm.s32 $0x108;
	_ =	swait.ge @!p0 [sflag:s8], $0x0  }
0x24: {  	s3 =	sadd.s32 $0x88, s3;
	s6 =	simm.s32 @!p1 $0x1082;
	[sflag:s4] =	ssyncset.s32 $0xFFFFF086  }
0x25: {  	[simem:s6], [sflag:s4] =	dma.local [hbm:s3], $0xF7A  }
0x26: {  	[smem:$0x3F91] =	sst s1;
	(tag) =	ssettag s2;
	_ =	strace s9  }
0x27: {  	s1 =	sld [smem:$0x3FA1]  }
0x28: {  	s2 =	sld [smem:$0x3FA2]  }
0x29: {  	s4 =	sld [smem:$0x3FA4]  }
0x2a: {  	p0 =	seq.s32 s5, $0x0;
	s5 =	sld [smem:$0x3FA5]  }
0x2b: {  	s6 =	sld [smem:$0x3FA6]  }
0x2c: {  	s7 =	sld [smem:$0x3FA7]  }
0x2d: {  	s3 =	simm.s32 $0x108;
	s8 =	sld [smem:$0x3FA8]  }
0x2e: {  	s3 =	simm.s32 @!p0 $0x1082;
	s9 =	sld [smem:$0x3FA9]  }
0x2f: {  	lr =	sadd.s32 s0, s3;
	s0 =	sld [smem:$0x3FA0]  }
0x30: {  	s3 =	sld [smem:$0x3FA3]  }
0x31: {  	[smem:$0x3FAC] =	sst s10  }
0x32: {  	s10 =	sld [smem:$0x3FAA];
	_ =	sdelay $0x3  }
0x33: {  	p0 =	seq.s32 s10, $0x1;
	s10 =	sld [smem:$0x3FAC];
	_ =	sdelay $0x3  }
0x34: {  	[smem:$0x3FAC] =	sst s10  }
0x35: {  	s10 =	sld [smem:$0x3FAB];
	_ =	sdelay $0x3  }
0x36: {  	p1 =	seq.s32 s10, $0x1;
	s10 =	sld [smem:$0x3FAC];
	_ =	sdelay $0x3  }
0x37: {  	[smem:$0x3FAC] =	sst s10  }
0x38: {  	s10 =	sld [smem:$0x3FAD]  }
0x39: {  	_ = 	snop;
	(pc) =	sbr.ind lr, $3  }
0x3a: {  	_ = 	snop  }
0x3b: {  	_ = 	snop  }
0x3c: {  	p2 =	seq.s32 s10, $0x1;
	s10 =	sld [smem:$0x3FAC]  }
0x3d: {  	_ =	shalt  }
0x3e: {  	_ =	shalt  }
0x3f: {  	_ =	shalt  }
0x40: {  	_ =	shalt  }
0x41: {  	_ =	shalt  }
0x42: {  	_ =	shalt  }
0x43: {  	_ =	shalt  }
0x44: {  	_ =	shalt  }
0x45: {  	_ =	shalt  }
0x46: {  	_ =	shalt  }
0x47: {  	_ =	shalt  }
0x48: {  	_ =	shalt  }
0x49: {  	_ =	shalt  }
0x4a: {  	_ =	shalt  }
0x4b: {  	_ =	shalt  }
0x4c: {  	_ =	shalt  }
0x4d: {  	_ =	shalt  }
0x4e: {  	_ =	shalt  }
0x4f: {  	_ =	shalt  }
0x50: {  	_ =	shalt  }
0x51: {  	_ =	shalt  }
0x52: {  	_ =	shalt  }
0x53: {  	_ =	shalt  }
0x54: {  	_ =	shalt  }
0x55: {  	_ =	shalt  }
0x56: {  	_ =	shalt  }
0x57: {  	_ =	shalt  }
0x58: {  	_ =	shalt  }
0x59: {  	_ =	shalt  }
0x5a: {  	_ =	shalt  }
0x5b: {  	_ =	shalt  }
0x5c: {  	_ =	shalt  }
0x5d: {  	_ =	shalt  }
0x5e: {  	_ =	shalt  }
0x5f: {  	_ =	shalt  }
0x60: {  	_ =	shalt  }
0x61: {  	_ =	shalt  }
0x62: {  	_ =	shalt  }
0x63: {  	_ =	shalt  }
0x64: {  	_ =	shalt  }
0x65: {  	_ =	shalt  }
0x66: {  	_ =	shalt  }
0x67: {  	_ =	shalt  }
0x68: {  	_ =	shalt  }
0x69: {  	_ =	shalt  }
0x6a: {  	_ =	shalt  }
0x6b: {  	_ =	shalt  }
0x6c: {  	_ =	shalt  }
0x6d: {  	_ =	shalt  }
0x6e: {  	_ =	shalt  }
0x6f: {  	_ =	shalt  }
0x70: {  	_ =	shalt  }
0x71: {  	_ =	shalt  }
0x72: {  	_ =	shalt  }
0x73: {  	_ =	shalt  }
0x74: {  	_ =	shalt  }
0x75: {  	_ =	shalt  }
0x76: {  	_ =	shalt  }
0x77: {  	_ =	shalt  }
0x78: {  	_ =	shalt  }
0x79: {  	_ =	shalt  }
0x7a: {  	_ =	shalt  }
0x7b: {  	_ =	shalt  }
0x7c: {  	_ =	shalt  }
0x7d: {  	_ =	shalt  }
0x7e: {  	_ =	shalt  }
0x7f: {  	_ =	shalt  }
0x80: {  	_ =	shalt  }
0x81: {  	_ =	shalt  }
0x82: {  	_ =	shalt  }
0x83: {  	_ =	shalt  }
0x84: {  	_ =	shalt  }
0x85: {  	_ =	shalt  }
0x86: {  	_ =	shalt  }
0x87: {  	_ =	shalt  }
.Lfunc_end0:
.L_simem_size_0:
called_computation_lowered:
.L_overlay_start_0:
0x88: {  	s2 =	sld [smem:$0x3FD9]  }
0x89: {  	s3 =	sld [smem:$0x3FFE];
	_ =	sdelay $0x1  }
0x8a: {  	s1 =	srdreg.scid  }
0x8b: {  	s0 =	sand.u32 $0x1, s1  }
0x8c: {  	s16 =	sshll.u32 s0, $0xA;
	s2 =	sadd.s32 s3, s2  }
0x8d: {  	s2 =	sadd.s32 s2, s16  }
0x8e: {  	[smem:$0x3FB8] =	sst s2  }
0x8f: {  	_ = 	snop  }
0x90: {  	(tm) =	ssettm $0x1  }
0x91: {  	s17 =	sld [smem:$0x3FFB];
	_ =	sdelay $0x3  }
0x92: {  	_ =	strace s17  }
0x93: {  	s2 =	sld [smem:$0x3FFC];
	_ =	sdelay $0x3  }
0x94: {  	_ =	strace s2  }
0x95: {  	s2 =	sld [smem:$0x3FFD];
	_ =	sdelay $0x3  }
0x96: {  	_ =	strace s2  }
0x97: {  	_ =	strace $0x8FFFFFFF  }
0x98: {  	s18 =	sld [smem:$0x3FDB];
	_ =	sdelay $0x1  }
0x99: {  	s19 =	simm.s32 $_scs_section_size  }
0x9a: {  	s4 =	simm.s32 $_size__tile_overlayer_lowered;
	s5 =	simm.s32 $_tile_overlayer_lowered  }
0x9b: {  	s22 =	simm.s32 $0x1BFF;
	s21 =	sshll.u32 s5, $0x1;
	s2 =	sadd.s32 s19, s18  }
0x9c: {  	s6 =	simm.s32 $0x0;
	s20 =	sshll.u32 s4, $0x1;
	s4 =	sadd.s32 s21, s2  }
0x9d: {  	[timem:s6], [sflag:s22] =	dma.local [hbm:s4], s20  }
0x9e: {  	_ =	swait.ge [sflag:s22], s20  }
0x9f: {  	s3 =	ssub.s32 $0x0, s20;
	[sflag:s22] =	ssyncset.done $0x0  }
0xa0: {  	[sflag:s22] =	ssyncadd.s32 s3;
	_ =	sdelay $0x1  }
0xa1: {  	s23 =	simm.s32 $0x1B8B  }
0xa2: {  	_ =	swait.ge [sflag:s23], $0x1  }
0xa3: {  	[sflag:s23] =	ssyncset.done $0x0  }
0xa4: {  	s25 =	simm.s32 $0x1B8E;
	s24 =	sld [smem:$0x3FFE];
	[sflag:s23] =	ssyncadd.s32 $0xFFFFFFFF  }
0xa5: {  	s26 =	simm.s32 $execute0_lowered;
	[smem:$0x3FD2] =	sst s25  }
0xa6: {  	s4 =	sshll.u32 s26, $0x1;
	_ =	strace $0x80000046;
	[dreg:$0x1] =	wrdreg $0xFFFFFFFF  }
0xa7: {  	s28 =	simm.s32 $_size_execute0_lowered;
	s2 =	sadd.s32 s2, s4;
	[dreg:$0x0] =	wrdreg $0x0  }
0xa8: {  	s4 =	sshll.u32 s28, $0x1;
	[dreg:$0x2] =	wrdreg s2  }
0xa9: {  	[dreg:$0x3] =	wrdreg s4  }
0xaa: {  	[dreg:$0x4] =	wrdreg $0xC0  }
0xab: {  	_ =	task [dreg:s6], $0x5FFFF  }
0xac: {  	[dreg:$0x1] =	wrdreg $0xFFFFFFFF  }
0xad: {  	[dreg:$0x0] =	wrdreg $0x60  }
0xae: {  	[dreg:$0x2] =	wrdreg s24  }
0xaf: {  	[dreg:$0x3] =	wrdreg $0x44000  }
0xb0: {  	[dreg:$0x4] =	wrdreg $0x9  }
0xb1: {  	_ =	task.clear_ibuf [dreg:s6], $0x5FFFF;
	_ =	strace $0x90000046  }
0xb2: {  	s29 =	simm.s32 $0x9;
	_ =	strace $0x80000048  }
0xb3: {  	_ =	swait.ge [sflag:s29], $0x1  }
0xb4: {  	[sflag:s29] =	ssyncadd.s32 $0xFFFFFFFF  }
0xb5: {  	_ =	strace $0x90000048  }
0xb6: {  	_ =	sfence  }
0xb7: {  	s30 =	sld [smem:$0x0];
	_ =	sdelay $0x2  }
0xb8: {  	s31 =	sshll.u32 s1, $0xD;
	s1 =	sshrl.u32 s1, $0x2  }
0xb9: {  	s3 =	sand.u32 $0x4000, s31;
	s1 =	sadd.s32 s1, s30  }
0xba: {  	s0 =	sor.u32 s3, s0;
	s1 =	sshll.u32 s1, $0x11  }
0xbb: {  	s0 =	sor.u32 s1, s0  }
0xbc: {  	s0 =	sadd.s32 $0x8F2B, s0  }
0xbd: {  	[sflag:s0] =	ssyncadd.remote.s32 $0x1  }
0xbe: {  	_ =	sfence.sel $0xFFFF  }
0xbf: {  	[dreg:$0x0] =	wrdreg $0xFFFFFFFF;
	(pc) =	sbr.abs _section_cstart, $3  }
0xc0: {  	[dreg:$0x1] =	wrdreg $0xFFFFFFFF  }
0xc1: {  	_ =	task.clear_ibuf [dreg:s6], $0x2FFFF;
	_ =	strace $0x9FFFFFFF  }
0xc2: {  	(tm) =	ssettm $0x7FFFFFFF  }
0xc3: {  	_ =	shalt  }
tec
execute0_lowered:
.L_overlay_start_1:
0x0: {  	(tag) =	ssettag $0x1  }
0x1: {  	s0 =	rddreg [dreg:$0x0]  }
0x2: {  	s2 =	rddreg [dreg:$0x1]  }
0x3: {  	s1 =	srdreg.scid;
	s5 =	stileid.u32;
	s3 =	simm.s32 $0x0  }
0x4: {  	s8 =	simm.s32 $0x1400;
	s9 =	simm.s32 $0x2;
	s10 =	simm.s32 $0x80  }
0x5: {  	s11 =	simm.s32 $0x3C00;
	s12 =	simm.s32 $0xB80;
	s13 =	simm.s32 $0xC00  }
0x6: {  	s14 =	simm.s32 $0xC80;
	s15 =	simm.s32 $0xD00;
	s16 =	simm.s32 $0xD80  }
0x7: {  	s17 =	simm.s32 $0xE00;
	s18 =	simm.s32 $0xE80;
	s19 =	simm.s32 $0xF00  }
0x8: {  	s20 =	simm.s32 $0xF80;
	s21 =	simm.s32 $0x1000;
	s22 =	simm.s32 $0x1080  }
0x9: {  	s23 =	simm.s32 $0x1100;
	s24 =	simm.s32 $0x1180;
	s25 =	simm.s32 $0x1200  }
0xa: {  	s26 =	simm.s32 $0x1280;
	s28 =	simm.s32 $0x1300;
	s29 =	simm.s32 $0x1380  }
0xb: {  	s30 =	simm.s32 $0x1;
	s1 =	sand.u32 $0x1, s1;
	s4 =	smul.u32 $0x2800, s5  }
0xc: {  	s31 =	simm.s32 $0x0;
	s5 =	sshll.u32 s5, $0x1;
	s6 =	smul.u32 $0x28000, s1  }
0xd: {  	[smem:$0x7FF] =	sst s3;
	s5 =	sor.u32 s1, s5;
	s1 =	ssub.s32 $0x2, s1  }
0xe: {  	s5 =	smul.u32 $0x280, s5;
	s7 =	sshrl.u32 s1, $0x1;
	s6 =	sadd.s32 s4, s6  }
0xf: {  	_ =	strace $0x80000047;
	s1 =	ssub.s32 s1, s7;
	s6 =	sshrl.u32 s6, $0x3  }
0x10: {  	s4 =	sadd.s32 s4, s2;
	s5 =	sadd.s32 s5, s0;
	s0 =	sadd.s32 s6, s0  }
0x11: {  	v0 =	vimm.f32 $0.0e+00;
	v1 =	vimm.f32 $1.000000000e+00;
	s7 =	smax.u32 s1, $0x1;
	s5 =	sadd.s32 $0x2C00, s5;
	s6 =	sadd.s32 $0x7C00, s0  }
.LBB2_1:
0x12: {  	s0 =	simm.s32 $0x40;
	s1 =	simm.s32 $0x0  }
.LBB2_2:
0x13: {  	p0 =	sne.s32 s0, $0x9FC0;
	[tilespmem:s1+$0x1400] =	vst v0;
	s1 =	smov.u32 s0;
	s0 =	sadd.s32 $0x40, s0  }
.Ltmp0:
0x14: {  	(pc) =	sbr.rel @p0 .LBB2_2-.Ltmp0, $2  }
0x15: {  	_ =	sdelay $0x2  }
0x16: {  	s1 =	sshra.s32 s1, $0x2  }
0x17: {  	[tilespmem:s1+$0x1400] =	vst v0  }
0x18: {  	[spmem:s4] =	stream.linear.scatter [tilespmem:s8], [sflag:$0x2], $0x2800, $0x38;
	[tilespmem:$0x6C00] =	vst v63  }
0x19: {  	_ =	swait.ge [sflag:s9], $0x2800  }
0x1a: {  	[sflag:s9] =	ssyncset.done $0x0  }
0x1b: {  	s0 =	simm.s32 $0x40;
	s1 =	simm.s32 $0x0;
	[sflag:s9] =	ssyncadd.s32 $0xFFFFD800  }
.LBB2_4:
0x1c: {  	p0 =	sne.s32 s0, $0x1FC0;
	[tilespmem:s1+$0x3C00] =	vst v1;
	s1 =	smov.u32 s0;
	s0 =	sadd.s32 $0x40, s0  }
.Ltmp1:
0x1d: {  	(pc) =	sbr.rel @p0 .LBB2_4-.Ltmp1, $2  }
0x1e: {  	_ =	sdelay $0x2  }
0x1f: {  	s1 =	sshra.s32 s1, $0x2  }
0x20: {  	[tilespmem:s1+$0x3C00] =	vst v1  }
0x21: {  	[tilespmem:s3], [sflag:$0x2] =	stream.linear.gather [hbm4b:s5+s3], $0x1400, $0x38;
	[tilespmem:$0x6C00] =	vst v63  }
0x22: {  	_ =	swait.ge [sflag:s9], $0x1400  }
0x23: {  	[sflag:s9] =	ssyncset.done $0x0  }
0x24: {  	[sflag:s9] =	ssyncadd.s32 $0xFFFFEC00  }
0x25: {  	[bflag:$0x0] =	sbarrier.arrive $0xFFFF  }
0x26: {  	[spmem:s2] =	stream.indirect.scatter.add.f32 [tilespmem:s11], [sflag:$0x1], $0x10, s3, s10, $0xb8;
	[tilespmem:$0x6C00] =	vst v63  }
0x27: {  	_ = 	snop  }
0x28: {  	[spmem:s2] =	stream.indirect.scatter.add.f32 [tilespmem:s11], [sflag:$0x1], $0x10, s10, s10, $0xb8;
	[tilespmem:$0x6C00] =	vst v63  }
0x29: {  	s0 =	simm.s32 $0x100  }
0x2a: {  	[spmem:s2] =	stream.indirect.scatter.add.f32 [tilespmem:s11], [sflag:$0x1], $0x10, s0, s10, $0xb8;
	[tilespmem:$0x6C00] =	vst v63  }
0x2b: {  	s1 =	simm.s32 $0x180  }
0x2c: {  	[spmem:s2] =	stream.indirect.scatter.add.f32 [tilespmem:s11], [sflag:$0x1], $0x10, s1, s10, $0xb8;
	[tilespmem:$0x6C00] =	vst v63  }
0x2d: {  	s1 =	simm.s32 $0x200  }
0x2e: {  	[spmem:s2] =	stream.indirect.scatter.add.f32 [tilespmem:s11], [sflag:$0x1], $0x10, s1, s10, $0xb8;
	[tilespmem:$0x6C00] =	vst v63  }
0x2f: {  	s1 =	simm.s32 $0x280  }
0x30: {  	[spmem:s2] =	stream.indirect.scatter.add.f32 [tilespmem:s11], [sflag:$0x1], $0x10, s1, s10, $0xb8;
	[tilespmem:$0x6C00] =	vst v63  }
0x31: {  	s1 =	simm.s32 $0x300  }
0x32: {  	[spmem:s2] =	stream.indirect.scatter.add.f32 [tilespmem:s11], [sflag:$0x1], $0x10, s1, s10, $0xb8;
	[tilespmem:$0x6C00] =	vst v63  }
0x33: {  	s1 =	simm.s32 $0x380  }
0x34: {  	[spmem:s2] =	stream.indirect.scatter.add.f32 [tilespmem:s11], [sflag:$0x1], $0x10, s1, s10, $0xb8;
	[tilespmem:$0x6C00] =	vst v63  }
0x35: {  	s1 =	simm.s32 $0x400  }
0x36: {  	[spmem:s2] =	stream.indirect.scatter.add.f32 [tilespmem:s11], [sflag:$0x1], $0x10, s1, s10, $0xb8;
	[tilespmem:$0x6C00] =	vst v63  }
0x37: {  	s1 =	simm.s32 $0x480  }
0x38: {  	[spmem:s2] =	stream.indirect.scatter.add.f32 [tilespmem:s11], [sflag:$0x1], $0x10, s1, s10, $0xb8;
	[tilespmem:$0x6C00] =	vst v63  }
0x39: {  	s1 =	simm.s32 $0x500  }
0x3a: {  	[spmem:s2] =	stream.indirect.scatter.add.f32 [tilespmem:s11], [sflag:$0x1], $0x10, s1, s10, $0xb8;
	[tilespmem:$0x6C00] =	vst v63  }
0x3b: {  	s1 =	simm.s32 $0x580  }
0x3c: {  	[spmem:s2] =	stream.indirect.scatter.add.f32 [tilespmem:s11], [sflag:$0x1], $0x10, s1, s10, $0xb8;
	[tilespmem:$0x6C00] =	vst v63  }
0x3d: {  	s1 =	simm.s32 $0x600  }
0x3e: {  	[spmem:s2] =	stream.indirect.scatter.add.f32 [tilespmem:s11], [sflag:$0x1], $0x10, s1, s10, $0xb8;
	[tilespmem:$0x6C00] =	vst v63  }
0x3f: {  	s1 =	simm.s32 $0x680  }
0x40: {  	[spmem:s2] =	stream.indirect.scatter.add.f32 [tilespmem:s11], [sflag:$0x1], $0x10, s1, s10, $0xb8;
	[tilespmem:$0x6C00] =	vst v63  }
0x41: {  	s1 =	simm.s32 $0x700  }
0x42: {  	[spmem:s2] =	stream.indirect.scatter.add.f32 [tilespmem:s11], [sflag:$0x1], $0x10, s1, s10, $0xb8;
	[tilespmem:$0x6C00] =	vst v63  }
0x43: {  	s1 =	simm.s32 $0x780  }
0x44: {  	[spmem:s2] =	stream.indirect.scatter.add.f32 [tilespmem:s11], [sflag:$0x1], $0x10, s1, s10, $0xb8;
	[tilespmem:$0x6C00] =	vst v63  }
0x45: {  	s1 =	simm.s32 $0x800  }
0x46: {  	[spmem:s2] =	stream.indirect.scatter.add.f32 [tilespmem:s11], [sflag:$0x1], $0x10, s1, s10, $0xb8;
	[tilespmem:$0x6C00] =	vst v63  }
0x47: {  	s1 =	simm.s32 $0x880  }
0x48: {  	[spmem:s2] =	stream.indirect.scatter.add.f32 [tilespmem:s11], [sflag:$0x1], $0x10, s1, s10, $0xb8;
	[tilespmem:$0x6C00] =	vst v63  }
0x49: {  	s1 =	simm.s32 $0x900  }
0x4a: {  	[spmem:s2] =	stream.indirect.scatter.add.f32 [tilespmem:s11], [sflag:$0x1], $0x10, s1, s10, $0xb8;
	[tilespmem:$0x6C00] =	vst v63  }
0x4b: {  	s1 =	simm.s32 $0x980  }
0x4c: {  	[spmem:s2] =	stream.indirect.scatter.add.f32 [tilespmem:s11], [sflag:$0x1], $0x10, s1, s10, $0xb8;
	[tilespmem:$0x6C00] =	vst v63  }
0x4d: {  	s1 =	simm.s32 $0xA00  }
0x4e: {  	[spmem:s2] =	stream.indirect.scatter.add.f32 [tilespmem:s11], [sflag:$0x1], $0x10, s1, s10, $0xb8;
	[tilespmem:$0x6C00] =	vst v63  }
0x4f: {  	s1 =	simm.s32 $0xA80  }
0x50: {  	[spmem:s2] =	stream.indirect.scatter.add.f32 [tilespmem:s11], [sflag:$0x1], $0x10, s1, s10, $0xb8;
	[tilespmem:$0x6C00] =	vst v63  }
0x51: {  	s1 =	simm.s32 $0xB00  }
0x52: {  	[spmem:s2] =	stream.indirect.scatter.add.f32 [tilespmem:s11], [sflag:$0x1], $0x10, s1, s10, $0xb8;
	[tilespmem:$0x6C00] =	vst v63  }
0x53: {  	_ = 	snop  }
0x54: {  	[spmem:s2] =	stream.indirect.scatter.add.f32 [tilespmem:s11], [sflag:$0x1], $0x10, s12, s10, $0xb8;
	[tilespmem:$0x6C00] =	vst v63  }
0x55: {  	_ = 	snop  }
0x56: {  	[spmem:s2] =	stream.indirect.scatter.add.f32 [tilespmem:s11], [sflag:$0x1], $0x10, s13, s10, $0xb8;
	[tilespmem:$0x6C00] =	vst v63  }
0x57: {  	_ = 	snop  }
0x58: {  	[spmem:s2] =	stream.indirect.scatter.add.f32 [tilespmem:s11], [sflag:$0x1], $0x10, s14, s10, $0xb8;
	[tilespmem:$0x6C00] =	vst v63  }
0x59: {  	_ = 	snop  }
0x5a: {  	[spmem:s2] =	stream.indirect.scatter.add.f32 [tilespmem:s11], [sflag:$0x1], $0x10, s15, s10, $0xb8;
	[tilespmem:$0x6C00] =	vst v63  }
0x5b: {  	_ = 	snop  }
0x5c: {  	[spmem:s2] =	stream.indirect.scatter.add.f32 [tilespmem:s11], [sflag:$0x1], $0x10, s16, s10, $0xb8;
	[tilespmem:$0x6C00] =	vst v63  }
0x5d: {  	_ = 	snop  }
0x5e: {  	[spmem:s2] =	stream.indirect.scatter.add.f32 [tilespmem:s11], [sflag:$0x1], $0x10, s17, s10, $0xb8;
	[tilespmem:$0x6C00] =	vst v63  }
0x5f: {  	_ = 	snop  }
0x60: {  	[spmem:s2] =	stream.indirect.scatter.add.f32 [tilespmem:s11], [sflag:$0x1], $0x10, s18, s10, $0xb8;
	[tilespmem:$0x6C00] =	vst v63  }
0x61: {  	_ = 	snop  }
0x62: {  	[spmem:s2] =	stream.indirect.scatter.add.f32 [tilespmem:s11], [sflag:$0x1], $0x10, s19, s10, $0xb8;
	[tilespmem:$0x6C00] =	vst v63  }
0x63: {  	_ = 	snop  }
0x64: {  	[spmem:s2] =	stream.indirect.scatter.add.f32 [tilespmem:s11], [sflag:$0x1], $0x10, s20, s10, $0xb8;
	[tilespmem:$0x6C00] =	vst v63  }
0x65: {  	_ = 	snop  }
0x66: {  	[spmem:s2] =	stream.indirect.scatter.add.f32 [tilespmem:s11], [sflag:$0x1], $0x10, s21, s10, $0xb8;
	[tilespmem:$0x6C00] =	vst v63  }
0x67: {  	_ = 	snop  }
0x68: {  	[spmem:s2] =	stream.indirect.scatter.add.f32 [tilespmem:s11], [sflag:$0x1], $0x10, s22, s10, $0xb8;
	[tilespmem:$0x6C00] =	vst v63  }
0x69: {  	_ = 	snop  }
0x6a: {  	[spmem:s2] =	stream.indirect.scatter.add.f32 [tilespmem:s11], [sflag:$0x1], $0x10, s23, s10, $0xb8;
	[tilespmem:$0x6C00] =	vst v63  }
0x6b: {  	_ = 	snop  }
0x6c: {  	[spmem:s2] =	stream.indirect.scatter.add.f32 [tilespmem:s11], [sflag:$0x1], $0x10, s24, s10, $0xb8;
	[tilespmem:$0x6C00] =	vst v63  }
0x6d: {  	_ = 	snop  }
0x6e: {  	[spmem:s2] =	stream.indirect.scatter.add.f32 [tilespmem:s11], [sflag:$0x1], $0x10, s25, s10, $0xb8;
	[tilespmem:$0x6C00] =	vst v63  }
0x6f: {  	_ = 	snop  }
0x70: {  	[spmem:s2] =	stream.indirect.scatter.add.f32 [tilespmem:s11], [sflag:$0x1], $0x10, s26, s10, $0xb8;
	[tilespmem:$0x6C00] =	vst v63  }
0x71: {  	_ = 	snop  }
0x72: {  	[spmem:s2] =	stream.indirect.scatter.add.f32 [tilespmem:s11], [sflag:$0x1], $0x10, s28, s10, $0xb8;
	[tilespmem:$0x6C00] =	vst v63  }
0x73: {  	_ = 	snop  }
0x74: {  	[spmem:s2] =	stream.indirect.scatter.add.f32 [tilespmem:s11], [sflag:$0x1], $0x10, s29, s10, $0xb8;
	[tilespmem:$0x6C00] =	vst v63  }
0x75: {  	_ =	swait.ge [sflag:s30], $0x800  }
0x76: {  	s0 =	simm.s32 $0x27;
	[sflag:s30] =	ssyncset.done $0x0  }
.LBB2_6:
0x77: {  	p0 =	sne.s32 s0, $0x1;
	s0 =	sadd.s32 $0xFFFFFFFF, s0;
	[sflag:s30] =	ssyncadd.s32 $0xFFFFF800  }
.Ltmp2:
0x78: {  	(pc) =	sbr.rel @p0 .LBB2_6-.Ltmp2, $3  }
0x79: {  	_ =	sdelay $0x1  }
0x7a: {  	_ =	swait.ge [sflag:s30], $0x800  }
0x7b: {  	[sflag:s30] =	ssyncset.done $0x0  }
0x7c: {  	[sflag:s30] =	ssyncadd.s32 $0xFFFFF800  }
0x7d: {  	[bflag:$0x0] =	sbarrier.arrive $0xFFFF  }
0x7e: {  	[tilespmem:s8], [sflag:$0x2] =	stream.linear.gather [spmem:s4], $0x2800, $0x38;
	[tilespmem:$0x6C00] =	vst v63  }
0x7f: {  	s31 =	sadd.s32 $0x1, s31;
	_ =	swait.ge [sflag:s9], $0x2800  }
0x80: {  	p0 =	sne.s32 s31, s7;
	[sflag:s9] =	ssyncset.done $0x0  }
.Ltmp3:
0x81: {  	[sflag:s9] =	ssyncadd.s32 $0xFFFFD800;
	(pc) =	sbr.rel @p0 .LBB2_1-.Ltmp3, $4  }
0x82: {  	[hbm4b:s6+s3] =	stream.linear.scatter [tilespmem:s8], [sflag:$0x2], $0x2800, $0x38;
	[tilespmem:$0x6C00] =	vst v63  }
0x83: {  	_ =	swait.ge [sflag:s9], $0x2800  }
0x84: {  	[sflag:s9] =	ssyncset.done $0x0  }
0x85: {  	[sflag:s9] =	ssyncadd.s32 $0xFFFFD800  }
0x86: {  	_ =	sfence.sel $0x180000  }
0x87: {  	[bflag:$0x0] =	sbarrier.arrive $0xFFFF  }
0x88: {  	_ =	strace $0x90000047  }
0x89: {  	s0 =	stileid.u32;
	[bflag:$0x2] =	sbarrier.arrive $0xFFFF  }
0x8a: {  	p0 =	sne.s32 s0, $0x0;
	s0 =	rddreg [dreg:$0x2]  }
0x8b: {  	s0 =	sadd.s32 @!p0 $0x100000, s0  }
0x8c: {  	[sflag:s0] =	ssyncadd.tile.s32 @!p0 $0x1;
	_ =	shalt  }
.Lfunc_end2:
_tile_overlayer_lowered:
.L_overlay_start_2:
0x8d: {  	(tag) =	ssettag $0x2  }
0x8e: {  	s0 =	rddreg [dreg:$0x0];
	s2 =	stileid.u32  }
0x8f: {  	s1 =	rddreg [dreg:$0x1];
	p0 =	sne.s32 s2, $0x0  }
0x90: {  	s3 =	rddreg [dreg:$0x2];
	[bflag:$0x3] =	sbarrier.arrive $0xFFFF;
	s2 =	simm.s32 @!p0 $0x1C02  }
0x91: {  	[timem:s3], [sflag:s2] =	dma.local @!p0 [hbm:s0], s1  }
0x92: {  	s0 =	simm.s32 @!p0 $0x2  }
0x93: {  	_ =	swait.ge @!p0 [sflag:s0], s1  }
0x94: {  	s1 =	ssub.s32 @!p0 $0x0, s1;
	[sflag:s0] =	ssyncset.done @!p0 $0x0  }
0x95: {  	[sflag:s0] =	ssyncadd.s32 @!p0 s1  }
0x96: {  	[bflag:$0x3] =	sbarrier.arrive $0xFFFF  }
0x97: {  	_ =	shalt  }

// kernel: kernel.13.cloned.1.call-start
scs
__scs_entry_jumppad:
0x0: {  	(pc) =	sbr.rel $0x88, $3  }
0x1: {  	(tag) =	ssettag $0x0;
	lr =	simm.s32 $0x1  }
0x2: {  	[smem:$0x3F91] =	sst lr;
	_ =	strace $0xD0000000  }
0x3: {  	_ = 	snop  }
0x4: {  	_ = 	snop  }
0x5: {  	_ = 	snop  }
0x6: {  	_ = 	snop  }
0x7: {  	_ = 	snop  }
__scs_overlays_trampoline_lowered:
0x8: {  	[smem:$0x3FA0] =	sst s0  }
0x9: {  	[smem:$0x3FA1] =	sst s1  }
0xa: {  	[smem:$0x3FA2] =	sst s2  }
0xb: {  	[smem:$0x3FA3] =	sst s3  }
0xc: {  	[smem:$0x3FA4] =	sst s4  }
0xd: {  	[smem:$0x3FA5] =	sst s5  }
0xe: {  	[smem:$0x3FA6] =	sst s6  }
0xf: {  	[smem:$0x3FA7] =	sst s7  }
0x10: {  	[smem:$0x3FA8] =	sst s8  }
0x11: {  	[smem:$0x3FA9] =	sst s9;
	s0 =	simm.s32 @!p0 $0x0  }
0x12: {  	s1 =	sld [smem:$0x3F8F];
	s0 =	simm.s32 @p0 $0x1  }
0x13: {  	[smem:$0x3FAA] =	sst s0;
	s0 =	simm.s32 @!p1 $0x0  }
0x14: {  	s2 =	sld [smem:$0x3F8E];
	s0 =	simm.s32 @p1 $0x1  }
0x15: {  	[smem:$0x3FAB] =	sst s0;
	s0 =	simm.s32 @!p2 $0x0  }
0x16: {  	s3 =	sld [smem:$0x3FDB];
	s0 =	simm.s32 @p2 $0x1  }
0x17: {  	s4 =	simm.s32 $0x1BF5;
	[smem:$0x3FAD] =	sst s0  }
0x18: {  	s0 =	sld [smem:$0x3F90];
	_ =	swait.ge [sflag:s4], $0x0  }
0x19: {  	s7 =	sld [smem:$0x3F91]  }
0x1a: {  	s8 =	sadd.s32 $0xFFFFE003, lr  }
0x1b: {  	s9 =	sadd.s32 $0xFFFFFEF7, lr;
	s5 =	simm.s32 $0xFFFFFFFF;
	p2 =	slt.u32 s8, $0xFFFFF086  }
0x1c: {  	p1 =	slt.u32 s9, $0xF7A;
	s5 =	simm.s32 @!p2 $0x0  }
0x1d: {  	s5 =	simm.s32 @p1 $0x1;
	p0 =	seq.s32 s7, s2  }
0x1e: {  	s7 =	smul.u32 @!p0 $0xF7A, s2;
	p2 =	seq.s32 @!p0 s5, $0x0  }
0x1f: {  	s9 =	smul.u32 $0xF7A, s1;
	s8 =	simm.s32 @!p0 $0x1BF5;
	p2 =	por !p2, p0  }
0x20: {  	[sflag:s8] =	ssyncset.s32 @!p0 $0xFFFFF086;
	s6 =	sadd.s32 @!p0 s3, s7;
	s7 =	simm.s32 @!p0 $0x108  }
0x21: {  	s3 =	sadd.s32 s3, s9;
	s6 =	sadd.s32 @!p0 $0x88, s6;
	s7 =	simm.s32 @p2 $0x1082  }
0x22: {  	[simem:s7], [sflag:s8] =	dma.local @!p0 [hbm:s6], $0xF7A  }
0x23: {  	s9 =	sor.u32 $0xD0000000, s2;
	s6 =	simm.s32 $0x108;
	_ =	swait.ge @!p0 [sflag:s8], $0x0  }
0x24: {  	s3 =	sadd.s32 $0x88, s3;
	s6 =	simm.s32 @!p1 $0x1082;
	[sflag:s4] =	ssyncset.s32 $0xFFFFF086  }
0x25: {  	[simem:s6], [sflag:s4] =	dma.local [hbm:s3], $0xF7A  }
0x26: {  	[smem:$0x3F91] =	sst s1;
	(tag) =	ssettag s2;
	_ =	strace s9  }
0x27: {  	s1 =	sld [smem:$0x3FA1]  }
0x28: {  	s2 =	sld [smem:$0x3FA2]  }
0x29: {  	s4 =	sld [smem:$0x3FA4]  }
0x2a: {  	p0 =	seq.s32 s5, $0x0;
	s5 =	sld [smem:$0x3FA5]  }
0x2b: {  	s6 =	sld [smem:$0x3FA6]  }
0x2c: {  	s7 =	sld [smem:$0x3FA7]  }
0x2d: {  	s3 =	simm.s32 $0x108;
	s8 =	sld [smem:$0x3FA8]  }
0x2e: {  	s3 =	simm.s32 @!p0 $0x1082;
	s9 =	sld [smem:$0x3FA9]  }
0x2f: {  	lr =	sadd.s32 s0, s3;
	s0 =	sld [smem:$0x3FA0]  }
0x30: {  	s3 =	sld [smem:$0x3FA3]  }
0x31: {  	[smem:$0x3FAC] =	sst s10  }
0x32: {  	s10 =	sld [smem:$0x3FAA];
	_ =	sdelay $0x3  }
0x33: {  	p0 =	seq.s32 s10, $0x1;
	s10 =	sld [smem:$0x3FAC];
	_ =	sdelay $0x3  }
0x34: {  	[smem:$0x3FAC] =	sst s10  }
0x35: {  	s10 =	sld [smem:$0x3FAB];
	_ =	sdelay $0x3  }
0x36: {  	p1 =	seq.s32 s10, $0x1;
	s10 =	sld [smem:$0x3FAC];
	_ =	sdelay $0x3  }
0x37: {  	[smem:$0x3FAC] =	sst s10  }
0x38: {  	s10 =	sld [smem:$0x3FAD]  }
0x39: {  	_ = 	snop;
	(pc) =	sbr.ind lr, $3  }
0x3a: {  	_ = 	snop  }
0x3b: {  	_ = 	snop  }
0x3c: {  	p2 =	seq.s32 s10, $0x1;
	s10 =	sld [smem:$0x3FAC]  }
0x3d: {  	_ =	shalt  }
0x3e: {  	_ =	shalt  }
0x3f: {  	_ =	shalt  }
0x40: {  	_ =	shalt  }
0x41: {  	_ =	shalt  }
0x42: {  	_ =	shalt  }
0x43: {  	_ =	shalt  }
0x44: {  	_ =	shalt  }
0x45: {  	_ =	shalt  }
0x46: {  	_ =	shalt  }
0x47: {  	_ =	shalt  }
0x48: {  	_ =	shalt  }
0x49: {  	_ =	shalt  }
0x4a: {  	_ =	shalt  }
0x4b: {  	_ =	shalt  }
0x4c: {  	_ =	shalt  }
0x4d: {  	_ =	shalt  }
0x4e: {  	_ =	shalt  }
0x4f: {  	_ =	shalt  }
0x50: {  	_ =	shalt  }
0x51: {  	_ =	shalt  }
0x52: {  	_ =	shalt  }
0x53: {  	_ =	shalt  }
0x54: {  	_ =	shalt  }
0x55: {  	_ =	shalt  }
0x56: {  	_ =	shalt  }
0x57: {  	_ =	shalt  }
0x58: {  	_ =	shalt  }
0x59: {  	_ =	shalt  }
0x5a: {  	_ =	shalt  }
0x5b: {  	_ =	shalt  }
0x5c: {  	_ =	shalt  }
0x5d: {  	_ =	shalt  }
0x5e: {  	_ =	shalt  }
0x5f: {  	_ =	shalt  }
0x60: {  	_ =	shalt  }
0x61: {  	_ =	shalt  }
0x62: {  	_ =	shalt  }
0x63: {  	_ =	shalt  }
0x64: {  	_ =	shalt  }
0x65: {  	_ =	shalt  }
0x66: {  	_ =	shalt  }
0x67: {  	_ =	shalt  }
0x68: {  	_ =	shalt  }
0x69: {  	_ =	shalt  }
0x6a: {  	_ =	shalt  }
0x6b: {  	_ =	shalt  }
0x6c: {  	_ =	shalt  }
0x6d: {  	_ =	shalt  }
0x6e: {  	_ =	shalt  }
0x6f: {  	_ =	shalt  }
0x70: {  	_ =	shalt  }
0x71: {  	_ =	shalt  }
0x72: {  	_ =	shalt  }
0x73: {  	_ =	shalt  }
0x74: {  	_ =	shalt  }
0x75: {  	_ =	shalt  }
0x76: {  	_ =	shalt  }
0x77: {  	_ =	shalt  }
0x78: {  	_ =	shalt  }
0x79: {  	_ =	shalt  }
0x7a: {  	_ =	shalt  }
0x7b: {  	_ =	shalt  }
0x7c: {  	_ =	shalt  }
0x7d: {  	_ =	shalt  }
0x7e: {  	_ =	shalt  }
0x7f: {  	_ =	shalt  }
0x80: {  	_ =	shalt  }
0x81: {  	_ =	shalt  }
0x82: {  	_ =	shalt  }
0x83: {  	_ =	shalt  }
0x84: {  	_ =	shalt  }
0x85: {  	_ =	shalt  }
0x86: {  	_ =	shalt  }
0x87: {  	_ =	shalt  }
.Lfunc_end0:
.L_simem_size_0:
called_computation.1_lowered:
.L_overlay_start_0:
0x88: {  	s2 =	sld [smem:$0x3FD9]  }
0x89: {  	s3 =	sld [smem:$0x3FFE];
	_ =	sdelay $0x1  }
0x8a: {  	s1 =	srdreg.scid  }
0x8b: {  	s0 =	sand.u32 $0x1, s1  }
0x8c: {  	s17 =	sshll.u32 s0, $0xA;
	s2 =	sadd.s32 s3, s2  }
0x8d: {  	s2 =	sadd.s32 s2, s17  }
0x8e: {  	[smem:$0x3FB8] =	sst s2  }
0x8f: {  	_ = 	snop  }
0x90: {  	s2 =	sld [smem:$0x3FD0];
	(tm) =	ssettm $0x1  }
0x91: {  	s18 =	sld [smem:$0x3FFB];
	_ =	sdelay $0x3  }
0x92: {  	_ =	strace s18  }
0x93: {  	s3 =	sld [smem:$0x3FFC];
	_ =	sdelay $0x3  }
0x94: {  	_ =	strace s3  }
0x95: {  	s3 =	sld [smem:$0x3FFD];
	_ =	sdelay $0x3  }
0x96: {  	_ =	strace s3  }
0x97: {  	_ =	strace $0x8FFFFFFF  }
0x98: {  	s19 =	sld [smem:$0x3FDB];
	_ =	sdelay $0x1  }
0x99: {  	s4 =	simm.s32 $_scs_section_size  }
0x9a: {  	s5 =	simm.s32 $_size__tile_overlayer_lowered;
	s6 =	simm.s32 $_tile_overlayer_lowered  }
0x9b: {  	s22 =	simm.s32 $0x1BFF;
	s21 =	sshll.u32 s6, $0x1;
	s3 =	sadd.s32 s4, s19  }
0x9c: {  	s7 =	simm.s32 $0x0;
	s20 =	sshll.u32 s5, $0x1;
	s5 =	sadd.s32 s21, s3  }
0x9d: {  	[timem:s7], [sflag:s22] =	dma.local [hbm:s5], s20  }
0x9e: {  	_ =	swait.ge [sflag:s22], s20  }
0x9f: {  	s4 =	ssub.s32 $0x0, s20;
	[sflag:s22] =	ssyncset.done $0x0  }
0xa0: {  	[sflag:s22] =	ssyncadd.s32 s4;
	_ =	sdelay $0x1  }
0xa1: {  	s23 =	simm.s32 $0x1B8B  }
0xa2: {  	_ =	swait.ge [sflag:s23], $0x1  }
0xa3: {  	[sflag:s23] =	ssyncset.done $0x0  }
0xa4: {  	s25 =	simm.s32 $0x1B8E;
	s24 =	sld [smem:$0x3FFE];
	[sflag:s23] =	ssyncadd.s32 $0xFFFFFFFF  }
0xa5: {  	s26 =	simm.s32 $execute0_lowered;
	[smem:$0x3FD2] =	sst s25  }
0xa6: {  	s5 =	sshll.u32 s26, $0x1;
	_ =	strace $0x80000049;
	[dreg:$0x1] =	wrdreg $0xFFFFFFFF  }
0xa7: {  	s28 =	simm.s32 $_size_execute0_lowered;
	s3 =	sadd.s32 s3, s5;
	[dreg:$0x0] =	wrdreg $0x0  }
0xa8: {  	s5 =	sshll.u32 s28, $0x1;
	[dreg:$0x2] =	wrdreg s3  }
0xa9: {  	[dreg:$0x3] =	wrdreg s5  }
0xaa: {  	[dreg:$0x4] =	wrdreg $0xC0  }
0xab: {  	_ =	task [dreg:s7], $0x5FFFF  }
0xac: {  	[dreg:$0x1] =	wrdreg $0xFFFFFFFF  }
0xad: {  	[dreg:$0x0] =	wrdreg $0x60  }
0xae: {  	[dreg:$0x2] =	wrdreg s24  }
0xaf: {  	[dreg:$0x3] =	wrdreg s2  }
0xb0: {  	[dreg:$0x4] =	wrdreg $0x90000  }
0xb1: {  	[dreg:$0x5] =	wrdreg $0xB8000  }
0xb2: {  	[dreg:$0x6] =	wrdreg $0x9  }
0xb3: {  	_ =	task.clear_ibuf [dreg:s7], $0x7FFFF;
	_ =	strace $0x90000049  }
0xb4: {  	s29 =	simm.s32 $0x9;
	_ =	strace $0x8000004B  }
0xb5: {  	_ =	swait.ge [sflag:s29], $0x1  }
0xb6: {  	[sflag:s29] =	ssyncadd.s32 $0xFFFFFFFF  }
0xb7: {  	_ =	strace $0x9000004B  }
0xb8: {  	_ =	sfence  }
0xb9: {  	s30 =	sld [smem:$0x0];
	_ =	sdelay $0x2  }
0xba: {  	s31 =	sshll.u32 s1, $0xD;
	s1 =	sshrl.u32 s1, $0x2  }
0xbb: {  	s3 =	sand.u32 $0x4000, s31;
	s1 =	sadd.s32 s1, s30  }
0xbc: {  	s0 =	sor.u32 s3, s0;
	s1 =	sshll.u32 s1, $0x11  }
0xbd: {  	s0 =	sor.u32 s1, s0  }
0xbe: {  	s0 =	sadd.s32 $0x8F2B, s0  }
0xbf: {  	[sflag:s0] =	ssyncadd.remote.s32 $0x1  }
0xc0: {  	_ =	sfence.sel $0xFFFF  }
0xc1: {  	[dreg:$0x0] =	wrdreg $0xFFFFFFFF;
	(pc) =	sbr.abs _section_cstart, $3  }
0xc2: {  	[dreg:$0x1] =	wrdreg $0xFFFFFFFF  }
0xc3: {  	_ =	task.clear_ibuf [dreg:s7], $0x2FFFF;
	_ =	strace $0x9FFFFFFF  }
0xc4: {  	(tm) =	ssettm $0x7FFFFFFF  }
0xc5: {  	_ =	shalt  }
tec
execute0_lowered:
.L_overlay_start_1:
0x0: {  	(tag) =	ssettag $0x1  }
0x1: {  	s0 =	rddreg [dreg:$0x0]  }
0x2: {  	s3 =	rddreg [dreg:$0x2]  }
0x3: {  	s4 =	rddreg [dreg:$0x3]  }
0x4: {  	s5 =	stileid.u32;
	s1 =	srdreg.scid  }
0x5: {  	s8 =	simm.s32 $0x0;
	s14 =	simm.s32 $0x6800;
	s16 =	simm.s32 $0x80  }
0x6: {  	s17 =	simm.s32 $0x2800;
	s18 =	simm.s32 $0x3000;
	s20 =	simm.s32 $0x3800  }
0x7: {  	s22 =	simm.s32 $0x4000;
	s24 =	simm.s32 $0x4800;
	s29 =	simm.s32 $0x5800  }
0x8: {  	s31 =	simm.s32 $0x6000;
	s15 =	simm.s32 $0x4;
	s19 =	simm.s32 $0x5  }
0x9: {  	s21 =	simm.s32 $0x6;
	s23 =	simm.s32 $0x7;
	s25 =	simm.s32 $0x8  }
0xa: {  	s28 =	simm.s32 $0x9;
	s30 =	simm.s32 $0xA;
	s13 =	simm.s32 $0x0  }
0xb: {  	s2 =	smul.u32 $0x2800, s5;
	s1 =	sand.u32 $0x1, s1;
	[smem:$0x7FF] =	sst s8  }
0xc: {  	s5 =	sshll.u32 s5, $0x1;
	s6 =	smul.u32 $0x28000, s1;
	_ =	strace $0x8000004A  }
0xd: {  	s5 =	sor.u32 s1, s5;
	s1 =	ssub.s32 $0x2, s1;
	[dreg:$0xc] =	wrdreg s13  }
0xe: {  	s7 =	sshrl.u32 s2, $0x3;
	s5 =	smul.u32 $0x280, s5;
	s26 =	sshrl.u32 s1, $0x1  }
0xf: {  	s9 =	sadd.s32 s2, s3;
	s6 =	sadd.s32 s2, s6;
	s7 =	sadd.s32 s7, s0  }
0x10: {  	s1 =	ssub.s32 s1, s26;
	[dreg:$0x6] =	wrdreg s9;
	s2 =	sadd.s32 s2, s4  }
0x11: {  	s26 =	simm.s32 $0x5000;
	s9 =	simm.s32 $0xD;
	s6 =	sshrl.u32 s6, $0x3  }
0x12: {  	s5 =	sadd.s32 s5, s0;
	s7 =	sadd.s32 $0x16C00, s7;
	[dreg:$0x7] =	wrdreg s2  }
0x13: {  	s12 =	smax.u32 s1, $0x1;
	s1 =	simm.s32 $0x2;
	s2 =	simm.s32 $0x3  }
0x14: {  	s0 =	sadd.s32 s6, s0;
	[dreg:$0x5] =	wrdreg s7;
	s10 =	sadd.s32 $0x11C00, s5  }
0x15: {  	s11 =	sadd.s32 $0x2C00, s5;
	[dreg:$0xb] =	wrdreg s12;
	s6 =	simm.s32 $0xB  }
0x16: {  	s7 =	simm.s32 $0xC;
	s12 =	simm.s32 $0x10;
	[dreg:$0x8] =	wrdreg s10  }
0x17: {  	[dreg:$0x9] =	wrdreg s11;
	s0 =	sadd.s32 $0x1BC00, s0;
	s10 =	simm.s32 $0xE  }
0x18: {  	s11 =	simm.s32 $0xF;
	[dreg:$0xa] =	wrdreg s0;
	s0 =	simm.s32 $0x1  }
.LBB2_1:
0x19: {  	s13 =	simm.s32 $0x11;
	s5 =	rddreg [dreg:$0x5]  }
0x1a: {  	[tilespmem:s14], [sflag:$0x11] =	stream.linear.gather [hbm4b:s5+s8], $0x2800, $0x38;
	[tilespmem:$0xE000] =	vst v63  }
0x1b: {  	_ =	swait.ge [sflag:s13], $0x2800  }
0x1c: {  	[sflag:s13] =	ssyncset.done $0x0  }
0x1d: {  	s5 =	rddreg [dreg:$0x6];
	[sflag:s13] =	ssyncadd.s32 $0xFFFFD800  }
0x1e: {  	[spmem:s5] =	stream.linear.scatter [tilespmem:s14], [sflag:$0x11], $0x2800, $0x38;
	[tilespmem:$0xE000] =	vst v63  }
0x1f: {  	_ =	swait.ge [sflag:s13], $0x2800  }
0x20: {  	[sflag:s13] =	ssyncset.done $0x0  }
0x21: {  	[sflag:s13] =	ssyncadd.s32 $0xFFFFD800  }
0x22: {  	s5 =	rddreg [dreg:$0x1]  }
0x23: {  	[tilespmem:s14], [sflag:$0x11] =	stream.linear.gather [hbm4b:s5+s8], $0x2800, $0x38;
	[tilespmem:$0xE000] =	vst v63  }
0x24: {  	_ =	swait.ge [sflag:s13], $0x2800  }
0x25: {  	[sflag:s13] =	ssyncset.done $0x0  }
0x26: {  	s5 =	rddreg [dreg:$0x7];
	[sflag:s13] =	ssyncadd.s32 $0xFFFFD800  }
0x27: {  	[spmem:s5] =	stream.linear.scatter [tilespmem:s14], [sflag:$0x11], $0x2800, $0x38;
	[tilespmem:$0xE000] =	vst v63  }
0x28: {  	_ =	swait.ge [sflag:s13], $0x2800  }
0x29: {  	[sflag:s13] =	ssyncset.done $0x0  }
0x2a: {  	s14 =	rddreg [dreg:$0x8];
	[sflag:s13] =	ssyncadd.s32 $0xFFFFD800  }
0x2b: {  	[tilespmem:s8], [sflag:$0x11] =	stream.linear.gather [hbm4b:s14+s8], $0x1400, $0x38;
	[tilespmem:$0xE000] =	vst v63  }
0x2c: {  	_ =	swait.ge [sflag:s13], $0x1400  }
0x2d: {  	[sflag:s13] =	ssyncset.done $0x0  }
0x2e: {  	s14 =	simm.s32 $0x1400;
	s5 =	rddreg [dreg:$0x9];
	[sflag:s13] =	ssyncadd.s32 $0xFFFFEC00  }
0x2f: {  	[tilespmem:s14], [sflag:$0x11] =	stream.linear.gather [hbm4b:s5+s8], $0x1400, $0x38;
	[tilespmem:$0xE000] =	vst v63  }
0x30: {  	_ =	swait.ge [sflag:s13], $0x1400  }
0x31: {  	[sflag:s13] =	ssyncset.done $0x0  }
0x32: {  	[sflag:s13] =	ssyncadd.s32 $0xFFFFEC00  }
0x33: {  	[bflag:$0x0] =	sbarrier.arrive $0xFFFF  }
0x34: {  	[tilespmem:s17], [sflag:$0x1] =	stream.indirect.gather [spmem:s3], $0x10, s8, s16, $0xb8;
	[tilespmem:$0xE000] =	vst v63  }
0x35: {  	_ = 	snop  }
0x36: {  	[tilespmem:s18], [sflag:$0x2] =	stream.indirect.gather [spmem:s3], $0x10, s16, s16, $0xb8;
	[tilespmem:$0xE000] =	vst v63  }
0x37: {  	s8 =	simm.s32 $0x100  }
0x38: {  	[tilespmem:s20], [sflag:$0x3] =	stream.indirect.gather [spmem:s3], $0x10, s8, s16, $0xb8;
	[tilespmem:$0xE000] =	vst v63  }
0x39: {  	s13 =	simm.s32 $0x180  }
0x3a: {  	[tilespmem:s22], [sflag:$0x4] =	stream.indirect.gather [spmem:s3], $0x10, s13, s16, $0xb8;
	[tilespmem:$0xE000] =	vst v63  }
0x3b: {  	s14 =	simm.s32 $0x200  }
0x3c: {  	[tilespmem:s24], [sflag:$0x5] =	stream.indirect.gather [spmem:s3], $0x10, s14, s16, $0xb8;
	[tilespmem:$0xE000] =	vst v63  }
0x3d: {  	s8 =	simm.s32 $0x280  }
0x3e: {  	[tilespmem:s26], [sflag:$0x6] =	stream.indirect.gather [spmem:s3], $0x10, s8, s16, $0xb8;
	[tilespmem:$0xE000] =	vst v63  }
0x3f: {  	s13 =	simm.s32 $0x300  }
0x40: {  	[tilespmem:s29], [sflag:$0x7] =	stream.indirect.gather [spmem:s3], $0x10, s13, s16, $0xb8;
	[tilespmem:$0xE000] =	vst v63  }
0x41: {  	s14 =	simm.s32 $0x380  }
0x42: {  	[tilespmem:s31], [sflag:$0x8] =	stream.indirect.gather [spmem:s3], $0x10, s14, s16, $0xb8;
	[tilespmem:$0xE000] =	vst v63  }
0x43: {  	_ =	swait.ge [sflag:s0], $0x800  }
0x44: {  	[sflag:s0] =	ssyncset.done $0x0  }
0x45: {  	s8 =	simm.s32 $0x1400;
	[sflag:s0] =	ssyncadd.s32 $0xFFFFF800  }
0x46: {  	[spmem:s4] =	stream.indirect.scatter.add.f32 [tilespmem:s17], [sflag:$0x9], $0x10, s8, s16, $0xb8;
	[tilespmem:$0xE000] =	vst v63  }
0x47: {  	_ =	swait.ge [sflag:s1], $0x800  }
0x48: {  	[sflag:s1] =	ssyncset.done $0x0  }
0x49: {  	s13 =	simm.s32 $0x1480;
	[sflag:s1] =	ssyncadd.s32 $0xFFFFF800  }
0x4a: {  	[spmem:s4] =	stream.indirect.scatter.add.f32 [tilespmem:s18], [sflag:$0xA], $0x10, s13, s16, $0xb8;
	[tilespmem:$0xE000] =	vst v63  }
0x4b: {  	_ =	swait.ge [sflag:s2], $0x800  }
0x4c: {  	[sflag:s2] =	ssyncset.done $0x0  }
0x4d: {  	s14 =	simm.s32 $0x1500;
	[sflag:s2] =	ssyncadd.s32 $0xFFFFF800  }
0x4e: {  	[spmem:s4] =	stream.indirect.scatter.add.f32 [tilespmem:s20], [sflag:$0xB], $0x10, s14, s16, $0xb8;
	[tilespmem:$0xE000] =	vst v63  }
0x4f: {  	_ =	swait.ge [sflag:s15], $0x800  }
0x50: {  	[sflag:s15] =	ssyncset.done $0x0  }
0x51: {  	s8 =	simm.s32 $0x1580;
	[sflag:s15] =	ssyncadd.s32 $0xFFFFF800  }
0x52: {  	[spmem:s4] =	stream.indirect.scatter.add.f32 [tilespmem:s22], [sflag:$0xC], $0x10, s8, s16, $0xb8;
	[tilespmem:$0xE000] =	vst v63  }
0x53: {  	_ =	swait.ge [sflag:s19], $0x800  }
0x54: {  	[sflag:s19] =	ssyncset.done $0x0  }
0x55: {  	s13 =	simm.s32 $0x1600;
	[sflag:s19] =	ssyncadd.s32 $0xFFFFF800  }
0x56: {  	[spmem:s4] =	stream.indirect.scatter.add.f32 [tilespmem:s24], [sflag:$0xD], $0x10, s13, s16, $0xb8;
	[tilespmem:$0xE000] =	vst v63  }
0x57: {  	_ =	swait.ge [sflag:s21], $0x800  }
0x58: {  	[sflag:s21] =	ssyncset.done $0x0  }
0x59: {  	s14 =	simm.s32 $0x1680;
	[sflag:s21] =	ssyncadd.s32 $0xFFFFF800  }
0x5a: {  	[spmem:s4] =	stream.indirect.scatter.add.f32 [tilespmem:s26], [sflag:$0xE], $0x10, s14, s16, $0xb8;
	[tilespmem:$0xE000] =	vst v63  }
0x5b: {  	_ =	swait.ge [sflag:s23], $0x800  }
0x5c: {  	[sflag:s23] =	ssyncset.done $0x0  }
0x5d: {  	s8 =	simm.s32 $0x1700;
	[sflag:s23] =	ssyncadd.s32 $0xFFFFF800  }
0x5e: {  	[spmem:s4] =	stream.indirect.scatter.add.f32 [tilespmem:s29], [sflag:$0xF], $0x10, s8, s16, $0xb8;
	[tilespmem:$0xE000] =	vst v63  }
0x5f: {  	_ =	swait.ge [sflag:s25], $0x800  }
0x60: {  	[sflag:s25] =	ssyncset.done $0x0  }
0x61: {  	s13 =	simm.s32 $0x1780;
	[sflag:s25] =	ssyncadd.s32 $0xFFFFF800  }
0x62: {  	[spmem:s4] =	stream.indirect.scatter.add.f32 [tilespmem:s31], [sflag:$0x10], $0x10, s13, s16, $0xb8;
	[tilespmem:$0xE000] =	vst v63  }
0x63: {  	_ =	swait.ge [sflag:s28], $0x800  }
0x64: {  	[sflag:s28] =	ssyncset.done $0x0  }
0x65: {  	s14 =	simm.s32 $0x400;
	[sflag:s28] =	ssyncadd.s32 $0xFFFFF800  }
0x66: {  	[tilespmem:s17], [sflag:$0x1] =	stream.indirect.gather [spmem:s3], $0x10, s14, s16, $0xb8;
	[tilespmem:$0xE000] =	vst v63  }
0x67: {  	_ =	swait.ge [sflag:s30], $0x800  }
0x68: {  	[sflag:s30] =	ssyncset.done $0x0  }
0x69: {  	s8 =	simm.s32 $0x480;
	[sflag:s30] =	ssyncadd.s32 $0xFFFFF800  }
0x6a: {  	[tilespmem:s18], [sflag:$0x2] =	stream.indirect.gather [spmem:s3], $0x10, s8, s16, $0xb8;
	[tilespmem:$0xE000] =	vst v63  }
0x6b: {  	_ =	swait.ge [sflag:s6], $0x800  }
0x6c: {  	[sflag:s6] =	ssyncset.done $0x0  }
0x6d: {  	s13 =	simm.s32 $0x500;
	[sflag:s6] =	ssyncadd.s32 $0xFFFFF800  }
0x6e: {  	[tilespmem:s20], [sflag:$0x3] =	stream.indirect.gather [spmem:s3], $0x10, s13, s16, $0xb8;
	[tilespmem:$0xE000] =	vst v63  }
0x6f: {  	_ =	swait.ge [sflag:s7], $0x800  }
0x70: {  	[sflag:s7] =	ssyncset.done $0x0  }
0x71: {  	s14 =	simm.s32 $0x580;
	[sflag:s7] =	ssyncadd.s32 $0xFFFFF800  }
0x72: {  	[tilespmem:s22], [sflag:$0x4] =	stream.indirect.gather [spmem:s3], $0x10, s14, s16, $0xb8;
	[tilespmem:$0xE000] =	vst v63  }
0x73: {  	_ =	swait.ge [sflag:s9], $0x800  }
0x74: {  	[sflag:s9] =	ssyncset.done $0x0  }
0x75: {  	s8 =	simm.s32 $0x600;
	[sflag:s9] =	ssyncadd.s32 $0xFFFFF800  }
0x76: {  	[tilespmem:s24], [sflag:$0x5] =	stream.indirect.gather [spmem:s3], $0x10, s8, s16, $0xb8;
	[tilespmem:$0xE000] =	vst v63  }
0x77: {  	_ =	swait.ge [sflag:s10], $0x800  }
0x78: {  	[sflag:s10] =	ssyncset.done $0x0  }
0x79: {  	s13 =	simm.s32 $0x680;
	[sflag:s10] =	ssyncadd.s32 $0xFFFFF800  }
0x7a: {  	[tilespmem:s26], [sflag:$0x6] =	stream.indirect.gather [spmem:s3], $0x10, s13, s16, $0xb8;
	[tilespmem:$0xE000] =	vst v63  }
0x7b: {  	_ =	swait.ge [sflag:s11], $0x800  }
0x7c: {  	[sflag:s11] =	ssyncset.done $0x0  }
0x7d: {  	s14 =	simm.s32 $0x700;
	[sflag:s11] =	ssyncadd.s32 $0xFFFFF800  }
0x7e: {  	[tilespmem:s29], [sflag:$0x7] =	stream.indirect.gather [spmem:s3], $0x10, s14, s16, $0xb8;
	[tilespmem:$0xE000] =	vst v63  }
0x7f: {  	_ =	swait.ge [sflag:s12], $0x800  }
0x80: {  	[sflag:s12] =	ssyncset.done $0x0  }
0x81: {  	s5 =	simm.s32 $0x1000;
	s13 =	simm.s32 $0x780;
	[sflag:s12] =	ssyncadd.s32 $0xFFFFF800  }
.LBB2_2:
0x82: {  	[tilespmem:s31], [sflag:$0x8] =	stream.indirect.gather [spmem:s3], $0x10, s13, s16, $0xb8;
	[tilespmem:$0xE000] =	vst v63  }
0x83: {  	s13 =	smov.u32 s5  }
0x84: {  	p0 =	sne.s32 s5, $0x3000;
	s5 =	sadd.s32 $0x1000, s5;
	_ =	swait.ge [sflag:s0], $0x800  }
0x85: {  	s13 =	sshra.s32 s13, $0x2;
	[sflag:s0] =	ssyncset.done $0x0  }
0x86: {  	s8 =	sadd.s32 $0x1400, s13;
	[sflag:s0] =	ssyncadd.s32 $0xFFFFF800  }
0x87: {  	[spmem:s4] =	stream.indirect.scatter.add.f32 [tilespmem:s17], [sflag:$0x9], $0x10, s8, s16, $0xb8;
	[tilespmem:$0xE000] =	vst v63  }
0x88: {  	_ =	swait.ge [sflag:s1], $0x800  }
0x89: {  	[sflag:s1] =	ssyncset.done $0x0  }
0x8a: {  	s8 =	sadd.s32 $0x1480, s13;
	[sflag:s1] =	ssyncadd.s32 $0xFFFFF800  }
0x8b: {  	[spmem:s4] =	stream.indirect.scatter.add.f32 [tilespmem:s18], [sflag:$0xA], $0x10, s8, s16, $0xb8;
	[tilespmem:$0xE000] =	vst v63  }
0x8c: {  	_ =	swait.ge [sflag:s2], $0x800  }
0x8d: {  	[sflag:s2] =	ssyncset.done $0x0  }
0x8e: {  	s8 =	sadd.s32 $0x1500, s13;
	[sflag:s2] =	ssyncadd.s32 $0xFFFFF800  }
0x8f: {  	[spmem:s4] =	stream.indirect.scatter.add.f32 [tilespmem:s20], [sflag:$0xB], $0x10, s8, s16, $0xb8;
	[tilespmem:$0xE000] =	vst v63  }
0x90: {  	_ =	swait.ge [sflag:s15], $0x800  }
0x91: {  	[sflag:s15] =	ssyncset.done $0x0  }
0x92: {  	s8 =	sadd.s32 $0x1580, s13;
	[sflag:s15] =	ssyncadd.s32 $0xFFFFF800  }
0x93: {  	[spmem:s4] =	stream.indirect.scatter.add.f32 [tilespmem:s22], [sflag:$0xC], $0x10, s8, s16, $0xb8;
	[tilespmem:$0xE000] =	vst v63  }
0x94: {  	_ =	swait.ge [sflag:s19], $0x800  }
0x95: {  	[sflag:s19] =	ssyncset.done $0x0  }
0x96: {  	s8 =	sadd.s32 $0x1600, s13;
	[sflag:s19] =	ssyncadd.s32 $0xFFFFF800  }
0x97: {  	[spmem:s4] =	stream.indirect.scatter.add.f32 [tilespmem:s24], [sflag:$0xD], $0x10, s8, s16, $0xb8;
	[tilespmem:$0xE000] =	vst v63  }
0x98: {  	_ =	swait.ge [sflag:s21], $0x800  }
0x99: {  	[sflag:s21] =	ssyncset.done $0x0  }
0x9a: {  	s8 =	sadd.s32 $0x1680, s13;
	[sflag:s21] =	ssyncadd.s32 $0xFFFFF800  }
0x9b: {  	[spmem:s4] =	stream.indirect.scatter.add.f32 [tilespmem:s26], [sflag:$0xE], $0x10, s8, s16, $0xb8;
	[tilespmem:$0xE000] =	vst v63  }
0x9c: {  	_ =	swait.ge [sflag:s23], $0x800  }
0x9d: {  	[sflag:s23] =	ssyncset.done $0x0  }
0x9e: {  	s8 =	sadd.s32 $0x1700, s13;
	[sflag:s23] =	ssyncadd.s32 $0xFFFFF800  }
0x9f: {  	[spmem:s4] =	stream.indirect.scatter.add.f32 [tilespmem:s29], [sflag:$0xF], $0x10, s8, s16, $0xb8;
	[tilespmem:$0xE000] =	vst v63  }
0xa0: {  	_ =	swait.ge [sflag:s25], $0x800  }
0xa1: {  	[sflag:s25] =	ssyncset.done $0x0  }
0xa2: {  	s8 =	sadd.s32 $0x1780, s13;
	[sflag:s25] =	ssyncadd.s32 $0xFFFFF800  }
0xa3: {  	[spmem:s4] =	stream.indirect.scatter.add.f32 [tilespmem:s31], [sflag:$0x10], $0x10, s8, s16, $0xb8;
	[tilespmem:$0xE000] =	vst v63  }
0xa4: {  	_ =	swait.ge [sflag:s28], $0x800  }
0xa5: {  	[sflag:s28] =	ssyncset.done $0x0  }
0xa6: {  	s8 =	sadd.s32 $0x400, s13;
	[sflag:s28] =	ssyncadd.s32 $0xFFFFF800  }
0xa7: {  	[tilespmem:s17], [sflag:$0x1] =	stream.indirect.gather [spmem:s3], $0x10, s8, s16, $0xb8;
	[tilespmem:$0xE000] =	vst v63  }
0xa8: {  	_ =	swait.ge [sflag:s30], $0x800  }
0xa9: {  	[sflag:s30] =	ssyncset.done $0x0  }
0xaa: {  	s8 =	sadd.s32 $0x480, s13;
	[sflag:s30] =	ssyncadd.s32 $0xFFFFF800  }
0xab: {  	[tilespmem:s18], [sflag:$0x2] =	stream.indirect.gather [spmem:s3], $0x10, s8, s16, $0xb8;
	[tilespmem:$0xE000] =	vst v63  }
0xac: {  	_ =	swait.ge [sflag:s6], $0x800  }
0xad: {  	[sflag:s6] =	ssyncset.done $0x0  }
0xae: {  	s8 =	sadd.s32 $0x500, s13;
	[sflag:s6] =	ssyncadd.s32 $0xFFFFF800  }
0xaf: {  	[tilespmem:s20], [sflag:$0x3] =	stream.indirect.gather [spmem:s3], $0x10, s8, s16, $0xb8;
	[tilespmem:$0xE000] =	vst v63  }
0xb0: {  	_ =	swait.ge [sflag:s7], $0x800  }
0xb1: {  	[sflag:s7] =	ssyncset.done $0x0  }
0xb2: {  	s8 =	sadd.s32 $0x580, s13;
	[sflag:s7] =	ssyncadd.s32 $0xFFFFF800  }
0xb3: {  	[tilespmem:s22], [sflag:$0x4] =	stream.indirect.gather [spmem:s3], $0x10, s8, s16, $0xb8;
	[tilespmem:$0xE000] =	vst v63  }
0xb4: {  	_ =	swait.ge [sflag:s9], $0x800  }
0xb5: {  	[sflag:s9] =	ssyncset.done $0x0  }
0xb6: {  	s8 =	sadd.s32 $0x600, s13;
	[sflag:s9] =	ssyncadd.s32 $0xFFFFF800  }
0xb7: {  	[tilespmem:s24], [sflag:$0x5] =	stream.indirect.gather [spmem:s3], $0x10, s8, s16, $0xb8;
	[tilespmem:$0xE000] =	vst v63  }
0xb8: {  	_ =	swait.ge [sflag:s10], $0x800  }
0xb9: {  	[sflag:s10] =	ssyncset.done $0x0  }
0xba: {  	s8 =	sadd.s32 $0x680, s13;
	[sflag:s10] =	ssyncadd.s32 $0xFFFFF800  }
0xbb: {  	[tilespmem:s26], [sflag:$0x6] =	stream.indirect.gather [spmem:s3], $0x10, s8, s16, $0xb8;
	[tilespmem:$0xE000] =	vst v63  }
0xbc: {  	_ =	swait.ge [sflag:s11], $0x800  }
0xbd: {  	[sflag:s11] =	ssyncset.done $0x0  }
.Ltmp0:
0xbe: {  	s8 =	sadd.s32 $0x700, s13;
	[sflag:s11] =	ssyncadd.s32 $0xFFFFF800;
	(pc) =	sbr.rel @p0 .LBB2_2-.Ltmp0, $4  }
0xbf: {  	[tilespmem:s29], [sflag:$0x7] =	stream.indirect.gather [spmem:s3], $0x10, s8, s16, $0xb8;
	[tilespmem:$0xE000] =	vst v63  }
0xc0: {  	_ =	swait.ge [sflag:s12], $0x800  }
0xc1: {  	[sflag:s12] =	ssyncset.done $0x0  }
0xc2: {  	s13 =	sadd.s32 $0x780, s13;
	[sflag:s12] =	ssyncadd.s32 $0xFFFFF800  }
0xc3: {  	[tilespmem:s31], [sflag:$0x8] =	stream.indirect.gather [spmem:s3], $0x10, s13, s16, $0xb8;
	[tilespmem:$0xE000] =	vst v63  }
0xc4: {  	_ =	swait.ge [sflag:s0], $0x800  }
0xc5: {  	[sflag:s0] =	ssyncset.done $0x0  }
0xc6: {  	s5 =	simm.s32 $0x2400;
	[sflag:s0] =	ssyncadd.s32 $0xFFFFF800  }
0xc7: {  	[spmem:s4] =	stream.indirect.scatter.add.f32 [tilespmem:s17], [sflag:$0x9], $0x10, s5, s16, $0xb8;
	[tilespmem:$0xE000] =	vst v63  }
0xc8: {  	_ =	swait.ge [sflag:s1], $0x800  }
0xc9: {  	[sflag:s1] =	ssyncset.done $0x0  }
0xca: {  	s8 =	simm.s32 $0x2480;
	[sflag:s1] =	ssyncadd.s32 $0xFFFFF800  }
0xcb: {  	[spmem:s4] =	stream.indirect.scatter.add.f32 [tilespmem:s18], [sflag:$0xA], $0x10, s8, s16, $0xb8;
	[tilespmem:$0xE000] =	vst v63  }
0xcc: {  	_ =	swait.ge [sflag:s2], $0x800  }
0xcd: {  	[sflag:s2] =	ssyncset.done $0x0  }
0xce: {  	s13 =	simm.s32 $0x2500;
	[sflag:s2] =	ssyncadd.s32 $0xFFFFF800  }
0xcf: {  	[spmem:s4] =	stream.indirect.scatter.add.f32 [tilespmem:s20], [sflag:$0xB], $0x10, s13, s16, $0xb8;
	[tilespmem:$0xE000] =	vst v63  }
0xd0: {  	_ =	swait.ge [sflag:s15], $0x800  }
0xd1: {  	[sflag:s15] =	ssyncset.done $0x0  }
0xd2: {  	s14 =	simm.s32 $0x2580;
	[sflag:s15] =	ssyncadd.s32 $0xFFFFF800  }
0xd3: {  	[spmem:s4] =	stream.indirect.scatter.add.f32 [tilespmem:s22], [sflag:$0xC], $0x10, s14, s16, $0xb8;
	[tilespmem:$0xE000] =	vst v63  }
0xd4: {  	_ =	swait.ge [sflag:s19], $0x800  }
0xd5: {  	[sflag:s19] =	ssyncset.done $0x0  }
0xd6: {  	s8 =	simm.s32 $0x2600;
	[sflag:s19] =	ssyncadd.s32 $0xFFFFF800  }
0xd7: {  	[spmem:s4] =	stream.indirect.scatter.add.f32 [tilespmem:s24], [sflag:$0xD], $0x10, s8, s16, $0xb8;
	[tilespmem:$0xE000] =	vst v63  }
0xd8: {  	_ =	swait.ge [sflag:s21], $0x800  }
0xd9: {  	[sflag:s21] =	ssyncset.done $0x0  }
0xda: {  	s13 =	simm.s32 $0x2680;
	[sflag:s21] =	ssyncadd.s32 $0xFFFFF800  }
0xdb: {  	[spmem:s4] =	stream.indirect.scatter.add.f32 [tilespmem:s26], [sflag:$0xE], $0x10, s13, s16, $0xb8;
	[tilespmem:$0xE000] =	vst v63  }
0xdc: {  	_ =	swait.ge [sflag:s23], $0x800  }
0xdd: {  	[sflag:s23] =	ssyncset.done $0x0  }
0xde: {  	s14 =	simm.s32 $0x2700;
	[sflag:s23] =	ssyncadd.s32 $0xFFFFF800  }
0xdf: {  	[spmem:s4] =	stream.indirect.scatter.add.f32 [tilespmem:s29], [sflag:$0xF], $0x10, s14, s16, $0xb8;
	[tilespmem:$0xE000] =	vst v63  }
0xe0: {  	_ =	swait.ge [sflag:s25], $0x800  }
0xe1: {  	[sflag:s25] =	ssyncset.done $0x0  }
0xe2: {  	s8 =	simm.s32 $0x2780;
	[sflag:s25] =	ssyncadd.s32 $0xFFFFF800  }
0xe3: {  	[spmem:s4] =	stream.indirect.scatter.add.f32 [tilespmem:s31], [sflag:$0x10], $0x10, s8, s16, $0xb8;
	[tilespmem:$0xE000] =	vst v63  }
0xe4: {  	_ =	swait.ge [sflag:s28], $0x800  }
0xe5: {  	[sflag:s28] =	ssyncset.done $0x0  }
0xe6: {  	[sflag:s28] =	ssyncadd.s32 $0xFFFFF800  }
0xe7: {  	_ =	swait.ge [sflag:s30], $0x800  }
0xe8: {  	[sflag:s30] =	ssyncset.done $0x0  }
0xe9: {  	[sflag:s30] =	ssyncadd.s32 $0xFFFFF800  }
0xea: {  	_ =	swait.ge [sflag:s6], $0x800  }
0xeb: {  	[sflag:s6] =	ssyncset.done $0x0  }
0xec: {  	[sflag:s6] =	ssyncadd.s32 $0xFFFFF800  }
0xed: {  	_ =	swait.ge [sflag:s7], $0x800  }
0xee: {  	[sflag:s7] =	ssyncset.done $0x0  }
0xef: {  	[sflag:s7] =	ssyncadd.s32 $0xFFFFF800  }
0xf0: {  	_ =	swait.ge [sflag:s9], $0x800  }
0xf1: {  	[sflag:s9] =	ssyncset.done $0x0  }
0xf2: {  	[sflag:s9] =	ssyncadd.s32 $0xFFFFF800  }
0xf3: {  	_ =	swait.ge [sflag:s10], $0x800  }
0xf4: {  	[sflag:s10] =	ssyncset.done $0x0  }
0xf5: {  	[sflag:s10] =	ssyncadd.s32 $0xFFFFF800  }
0xf6: {  	_ =	swait.ge [sflag:s11], $0x800  }
0xf7: {  	[sflag:s11] =	ssyncset.done $0x0  }
0xf8: {  	[sflag:s11] =	ssyncadd.s32 $0xFFFFF800  }
0xf9: {  	_ =	swait.ge [sflag:s12], $0x800  }
0xfa: {  	[sflag:s12] =	ssyncset.done $0x0  }
0xfb: {  	[sflag:s12] =	ssyncadd.s32 $0xFFFFF800  }
0xfc: {  	[bflag:$0x0] =	sbarrier.arrive $0xFFFF  }
0xfd: {  	s14 =	simm.s32 $0x6800;
	s13 =	rddreg [dreg:$0x7]  }
0xfe: {  	[tilespmem:s14], [sflag:$0x11] =	stream.linear.gather [spmem:s13], $0x2800, $0x38;
	[tilespmem:$0xE000] =	vst v63  }
0xff: {  	s13 =	simm.s32 $0x11  }
0x100: {  	_ =	swait.ge [sflag:s13], $0x2800  }
0x101: {  	[sflag:s13] =	ssyncset.done $0x0  }
0x102: {  	s8 =	simm.s32 $0x0;
	s5 =	rddreg [dreg:$0xa];
	[sflag:s13] =	ssyncadd.s32 $0xFFFFD800  }
0x103: {  	[hbm4b:s5+s8] =	stream.linear.scatter [tilespmem:s14], [sflag:$0x11], $0x2800, $0x38;
	[tilespmem:$0xE000] =	vst v63  }
0x104: {  	_ =	swait.ge [sflag:s13], $0x2800  }
0x105: {  	s5 =	rddreg [dreg:$0xc]  }
0x106: {  	[sflag:s13] =	ssyncset.done $0x0;
	s13 =	rddreg [dreg:$0xb];
	s8 =	sadd.s32 $0x1, s5  }
0x107: {  	p0 =	sne.s32 s8, s13  }
.Ltmp1:
0x108: {  	_ = 	snop;
	(pc) =	sbr.rel @p0 .LBB2_1-.Ltmp1, $3  }
0x109: {  	_ =	sdelay $0x1  }
0x10a: {  	s13 =	simm.s32 $0x11  }
0x10b: {  	[dreg:$0xc] =	wrdreg s8;
	s8 =	simm.s32 $0x0;
	[sflag:s13] =	ssyncadd.s32 $0xFFFFD800  }
0x10c: {  	_ =	sfence.sel $0x180000  }
0x10d: {  	[bflag:$0x0] =	sbarrier.arrive $0xFFFF  }
0x10e: {  	_ =	strace $0x9000004A  }
0x10f: {  	s0 =	stileid.u32;
	[bflag:$0x2] =	sbarrier.arrive $0xFFFF  }
0x110: {  	p0 =	sne.s32 s0, $0x0;
	s0 =	rddreg [dreg:$0x4]  }
0x111: {  	s0 =	sadd.s32 @!p0 $0x100000, s0  }
0x112: {  	[sflag:s0] =	ssyncadd.tile.s32 @!p0 $0x1;
	_ =	shalt  }
.Lfunc_end2:
_tile_overlayer_lowered:
.L_overlay_start_2:
0x113: {  	(tag) =	ssettag $0x2  }
0x114: {  	s0 =	rddreg [dreg:$0x0];
	s2 =	stileid.u32  }
0x115: {  	s1 =	rddreg [dreg:$0x1];
	p0 =	sne.s32 s2, $0x0  }
0x116: {  	s3 =	rddreg [dreg:$0x2];
	[bflag:$0x3] =	sbarrier.arrive $0xFFFF;
	s2 =	simm.s32 @!p0 $0x1C11  }
0x117: {  	[timem:s3], [sflag:s2] =	dma.local @!p0 [hbm:s0], s1  }
0x118: {  	s0 =	simm.s32 @!p0 $0x11  }
0x119: {  	_ =	swait.ge @!p0 [sflag:s0], s1  }
0x11a: {  	s1 =	ssub.s32 @!p0 $0x0, s1;
	[sflag:s0] =	ssyncset.done @!p0 $0x0  }
0x11b: {  	[sflag:s0] =	ssyncadd.s32 @!p0 s1  }
0x11c: {  	[bflag:$0x3] =	sbarrier.arrive $0xFFFF  }
0x11d: {  	_ =	shalt  }

// kernel: kernel.16.cloned.1.call-start
scs
__scs_entry_jumppad:
0x0: {  	(pc) =	sbr.rel $0x88, $3  }
0x1: {  	(tag) =	ssettag $0x0;
	lr =	simm.s32 $0x1  }
0x2: {  	[smem:$0x3F91] =	sst lr;
	_ =	strace $0xD0000000  }
0x3: {  	_ = 	snop  }
0x4: {  	_ = 	snop  }
0x5: {  	_ = 	snop  }
0x6: {  	_ = 	snop  }
0x7: {  	_ = 	snop  }
__scs_overlays_trampoline_lowered:
0x8: {  	[smem:$0x3FA0] =	sst s0  }
0x9: {  	[smem:$0x3FA1] =	sst s1  }
0xa: {  	[smem:$0x3FA2] =	sst s2  }
0xb: {  	[smem:$0x3FA3] =	sst s3  }
0xc: {  	[smem:$0x3FA4] =	sst s4  }
0xd: {  	[smem:$0x3FA5] =	sst s5  }
0xe: {  	[smem:$0x3FA6] =	sst s6  }
0xf: {  	[smem:$0x3FA7] =	sst s7  }
0x10: {  	[smem:$0x3FA8] =	sst s8  }
0x11: {  	[smem:$0x3FA9] =	sst s9;
	s0 =	simm.s32 @!p0 $0x0  }
0x12: {  	s1 =	sld [smem:$0x3F8F];
	s0 =	simm.s32 @p0 $0x1  }
0x13: {  	[smem:$0x3FAA] =	sst s0;
	s0 =	simm.s32 @!p1 $0x0  }
0x14: {  	s2 =	sld [smem:$0x3F8E];
	s0 =	simm.s32 @p1 $0x1  }
0x15: {  	[smem:$0x3FAB] =	sst s0;
	s0 =	simm.s32 @!p2 $0x0  }
0x16: {  	s3 =	sld [smem:$0x3FDB];
	s0 =	simm.s32 @p2 $0x1  }
0x17: {  	s4 =	simm.s32 $0x1BF5;
	[smem:$0x3FAD] =	sst s0  }
0x18: {  	s0 =	sld [smem:$0x3F90];
	_ =	swait.ge [sflag:s4], $0x0  }
0x19: {  	s7 =	sld [smem:$0x3F91]  }
0x1a: {  	s8 =	sadd.s32 $0xFFFFE003, lr  }
0x1b: {  	s9 =	sadd.s32 $0xFFFFFEF7, lr;
	s5 =	simm.s32 $0xFFFFFFFF;
	p2 =	slt.u32 s8, $0xFFFFF086  }
0x1c: {  	p1 =	slt.u32 s9, $0xF7A;
	s5 =	simm.s32 @!p2 $0x0  }
0x1d: {  	s5 =	simm.s32 @p1 $0x1;
	p0 =	seq.s32 s7, s2  }
0x1e: {  	s7 =	smul.u32 @!p0 $0xF7A, s2;
	p2 =	seq.s32 @!p0 s5, $0x0  }
0x1f: {  	s9 =	smul.u32 $0xF7A, s1;
	s8 =	simm.s32 @!p0 $0x1BF5;
	p2 =	por !p2, p0  }
0x20: {  	[sflag:s8] =	ssyncset.s32 @!p0 $0xFFFFF086;
	s6 =	sadd.s32 @!p0 s3, s7;
	s7 =	simm.s32 @!p0 $0x108  }
0x21: {  	s3 =	sadd.s32 s3, s9;
	s6 =	sadd.s32 @!p0 $0x88, s6;
	s7 =	simm.s32 @p2 $0x1082  }
0x22: {  	[simem:s7], [sflag:s8] =	dma.local @!p0 [hbm:s6], $0xF7A  }
0x23: {  	s9 =	sor.u32 $0xD0000000, s2;
	s6 =	simm.s32 $0x108;
	_ =	swait.ge @!p0 [sflag:s8], $0x0  }
0x24: {  	s3 =	sadd.s32 $0x88, s3;
	s6 =	simm.s32 @!p1 $0x1082;
	[sflag:s4] =	ssyncset.s32 $0xFFFFF086  }
0x25: {  	[simem:s6], [sflag:s4] =	dma.local [hbm:s3], $0xF7A  }
0x26: {  	[smem:$0x3F91] =	sst s1;
	(tag) =	ssettag s2;
	_ =	strace s9  }
0x27: {  	s1 =	sld [smem:$0x3FA1]  }
0x28: {  	s2 =	sld [smem:$0x3FA2]  }
0x29: {  	s4 =	sld [smem:$0x3FA4]  }
0x2a: {  	p0 =	seq.s32 s5, $0x0;
	s5 =	sld [smem:$0x3FA5]  }
0x2b: {  	s6 =	sld [smem:$0x3FA6]  }
0x2c: {  	s7 =	sld [smem:$0x3FA7]  }
0x2d: {  	s3 =	simm.s32 $0x108;
	s8 =	sld [smem:$0x3FA8]  }
0x2e: {  	s3 =	simm.s32 @!p0 $0x1082;
	s9 =	sld [smem:$0x3FA9]  }
0x2f: {  	lr =	sadd.s32 s0, s3;
	s0 =	sld [smem:$0x3FA0]  }
0x30: {  	s3 =	sld [smem:$0x3FA3]  }
0x31: {  	[smem:$0x3FAC] =	sst s10  }
0x32: {  	s10 =	sld [smem:$0x3FAA];
	_ =	sdelay $0x3  }
0x33: {  	p0 =	seq.s32 s10, $0x1;
	s10 =	sld [smem:$0x3FAC];
	_ =	sdelay $0x3  }
0x34: {  	[smem:$0x3FAC] =	sst s10  }
0x35: {  	s10 =	sld [smem:$0x3FAB];
	_ =	sdelay $0x3  }
0x36: {  	p1 =	seq.s32 s10, $0x1;
	s10 =	sld [smem:$0x3FAC];
	_ =	sdelay $0x3  }
0x37: {  	[smem:$0x3FAC] =	sst s10  }
0x38: {  	s10 =	sld [smem:$0x3FAD]  }
0x39: {  	_ = 	snop;
	(pc) =	sbr.ind lr, $3  }
0x3a: {  	_ = 	snop  }
0x3b: {  	_ = 	snop  }
0x3c: {  	p2 =	seq.s32 s10, $0x1;
	s10 =	sld [smem:$0x3FAC]  }
0x3d: {  	_ =	shalt  }
0x3e: {  	_ =	shalt  }
0x3f: {  	_ =	shalt  }
0x40: {  	_ =	shalt  }
0x41: {  	_ =	shalt  }
0x42: {  	_ =	shalt  }
0x43: {  	_ =	shalt  }
0x44: {  	_ =	shalt  }
0x45: {  	_ =	shalt  }
0x46: {  	_ =	shalt  }
0x47: {  	_ =	shalt  }
0x48: {  	_ =	shalt  }
0x49: {  	_ =	shalt  }
0x4a: {  	_ =	shalt  }
0x4b: {  	_ =	shalt  }
0x4c: {  	_ =	shalt  }
0x4d: {  	_ =	shalt  }
0x4e: {  	_ =	shalt  }
0x4f: {  	_ =	shalt  }
0x50: {  	_ =	shalt  }
0x51: {  	_ =	shalt  }
0x52: {  	_ =	shalt  }
0x53: {  	_ =	shalt  }
0x54: {  	_ =	shalt  }
0x55: {  	_ =	shalt  }
0x56: {  	_ =	shalt  }
0x57: {  	_ =	shalt  }
0x58: {  	_ =	shalt  }
0x59: {  	_ =	shalt  }
0x5a: {  	_ =	shalt  }
0x5b: {  	_ =	shalt  }
0x5c: {  	_ =	shalt  }
0x5d: {  	_ =	shalt  }
0x5e: {  	_ =	shalt  }
0x5f: {  	_ =	shalt  }
0x60: {  	_ =	shalt  }
0x61: {  	_ =	shalt  }
0x62: {  	_ =	shalt  }
0x63: {  	_ =	shalt  }
0x64: {  	_ =	shalt  }
0x65: {  	_ =	shalt  }
0x66: {  	_ =	shalt  }
0x67: {  	_ =	shalt  }
0x68: {  	_ =	shalt  }
0x69: {  	_ =	shalt  }
0x6a: {  	_ =	shalt  }
0x6b: {  	_ =	shalt  }
0x6c: {  	_ =	shalt  }
0x6d: {  	_ =	shalt  }
0x6e: {  	_ =	shalt  }
0x6f: {  	_ =	shalt  }
0x70: {  	_ =	shalt  }
0x71: {  	_ =	shalt  }
0x72: {  	_ =	shalt  }
0x73: {  	_ =	shalt  }
0x74: {  	_ =	shalt  }
0x75: {  	_ =	shalt  }
0x76: {  	_ =	shalt  }
0x77: {  	_ =	shalt  }
0x78: {  	_ =	shalt  }
0x79: {  	_ =	shalt  }
0x7a: {  	_ =	shalt  }
0x7b: {  	_ =	shalt  }
0x7c: {  	_ =	shalt  }
0x7d: {  	_ =	shalt  }
0x7e: {  	_ =	shalt  }
0x7f: {  	_ =	shalt  }
0x80: {  	_ =	shalt  }
0x81: {  	_ =	shalt  }
0x82: {  	_ =	shalt  }
0x83: {  	_ =	shalt  }
0x84: {  	_ =	shalt  }
0x85: {  	_ =	shalt  }
0x86: {  	_ =	shalt  }
0x87: {  	_ =	shalt  }
.Lfunc_end0:
.L_simem_size_0:
called_computation.2_lowered:
.L_overlay_start_0:
0x88: {  	s2 =	sld [smem:$0x3FD9]  }
0x89: {  	s3 =	sld [smem:$0x3FFE];
	_ =	sdelay $0x1  }
0x8a: {  	s1 =	srdreg.scid  }
0x8b: {  	s0 =	sand.u32 $0x1, s1  }
0x8c: {  	s17 =	sshll.u32 s0, $0xA;
	s2 =	sadd.s32 s3, s2  }
0x8d: {  	s2 =	sadd.s32 s2, s17  }
0x8e: {  	[smem:$0x3FB8] =	sst s2  }
0x8f: {  	_ = 	snop  }
0x90: {  	s2 =	sld [smem:$0x3FD0];
	(tm) =	ssettm $0x1  }
0x91: {  	s18 =	sld [smem:$0x3FFB];
	_ =	sdelay $0x3  }
0x92: {  	_ =	strace s18  }
0x93: {  	s3 =	sld [smem:$0x3FFC];
	_ =	sdelay $0x3  }
0x94: {  	_ =	strace s3  }
0x95: {  	s3 =	sld [smem:$0x3FFD];
	_ =	sdelay $0x3  }
0x96: {  	_ =	strace s3  }
0x97: {  	_ =	strace $0x8FFFFFFF  }
0x98: {  	s19 =	sld [smem:$0x3FDB];
	_ =	sdelay $0x1  }
0x99: {  	s4 =	simm.s32 $_scs_section_size  }
0x9a: {  	s5 =	simm.s32 $_size__tile_overlayer_lowered;
	s6 =	simm.s32 $_tile_overlayer_lowered  }
0x9b: {  	s22 =	simm.s32 $0x1BFF;
	s21 =	sshll.u32 s6, $0x1;
	s3 =	sadd.s32 s4, s19  }
0x9c: {  	s7 =	simm.s32 $0x0;
	s20 =	sshll.u32 s5, $0x1;
	s5 =	sadd.s32 s21, s3  }
0x9d: {  	[timem:s7], [sflag:s22] =	dma.local [hbm:s5], s20  }
0x9e: {  	_ =	swait.ge [sflag:s22], s20  }
0x9f: {  	s4 =	ssub.s32 $0x0, s20;
	[sflag:s22] =	ssyncset.done $0x0  }
0xa0: {  	[sflag:s22] =	ssyncadd.s32 s4;
	_ =	sdelay $0x1  }
0xa1: {  	s23 =	simm.s32 $0x1B8B  }
0xa2: {  	_ =	swait.ge [sflag:s23], $0x1  }
0xa3: {  	[sflag:s23] =	ssyncset.done $0x0  }
0xa4: {  	s25 =	simm.s32 $0x1B8E;
	s24 =	sld [smem:$0x3FFE];
	[sflag:s23] =	ssyncadd.s32 $0xFFFFFFFF  }
0xa5: {  	s26 =	simm.s32 $execute0_lowered;
	[smem:$0x3FD2] =	sst s25  }
0xa6: {  	s5 =	sshll.u32 s26, $0x1;
	_ =	strace $0x8000004C;
	[dreg:$0x1] =	wrdreg $0xFFFFFFFF  }
0xa7: {  	s28 =	simm.s32 $_size_execute0_lowered;
	s3 =	sadd.s32 s3, s5;
	[dreg:$0x0] =	wrdreg $0x0  }
0xa8: {  	s5 =	sshll.u32 s28, $0x1;
	[dreg:$0x2] =	wrdreg s3  }
0xa9: {  	[dreg:$0x3] =	wrdreg s5  }
0xaa: {  	[dreg:$0x4] =	wrdreg $0xC0  }
0xab: {  	_ =	task [dreg:s7], $0x5FFFF  }
0xac: {  	[dreg:$0x1] =	wrdreg $0xFFFFFFFF  }
0xad: {  	[dreg:$0x0] =	wrdreg $0x60  }
0xae: {  	[dreg:$0x2] =	wrdreg s24  }
0xaf: {  	[dreg:$0x3] =	wrdreg s2  }
0xb0: {  	[dreg:$0x4] =	wrdreg $0x90000  }
0xb1: {  	[dreg:$0x5] =	wrdreg $0xB8000  }
0xb2: {  	[dreg:$0x6] =	wrdreg $0x9  }
0xb3: {  	_ =	task.clear_ibuf [dreg:s7], $0x7FFFF;
	_ =	strace $0x9000004C  }
0xb4: {  	s29 =	simm.s32 $0x9;
	_ =	strace $0x8000004E  }
0xb5: {  	_ =	swait.ge [sflag:s29], $0x1  }
0xb6: {  	[sflag:s29] =	ssyncadd.s32 $0xFFFFFFFF  }
0xb7: {  	_ =	strace $0x9000004E  }
0xb8: {  	_ =	sfence  }
0xb9: {  	s30 =	sld [smem:$0x0];
	_ =	sdelay $0x2  }
0xba: {  	s31 =	sshll.u32 s1, $0xD;
	s1 =	sshrl.u32 s1, $0x2  }
0xbb: {  	s3 =	sand.u32 $0x4000, s31;
	s1 =	sadd.s32 s1, s30  }
0xbc: {  	s0 =	sor.u32 s3, s0;
	s1 =	sshll.u32 s1, $0x11  }
0xbd: {  	s0 =	sor.u32 s1, s0  }
0xbe: {  	s0 =	sadd.s32 $0x8F2B, s0  }
0xbf: {  	[sflag:s0] =	ssyncadd.remote.s32 $0x1  }
0xc0: {  	_ =	sfence.sel $0xFFFF  }
0xc1: {  	[dreg:$0x0] =	wrdreg $0xFFFFFFFF;
	(pc) =	sbr.abs _section_cstart, $3  }
0xc2: {  	[dreg:$0x1] =	wrdreg $0xFFFFFFFF  }
0xc3: {  	_ =	task.clear_ibuf [dreg:s7], $0x2FFFF;
	_ =	strace $0x9FFFFFFF  }
0xc4: {  	(tm) =	ssettm $0x7FFFFFFF  }
0xc5: {  	_ =	shalt  }
tec
execute0_lowered:
.L_overlay_start_1:
0x0: {  	(tag) =	ssettag $0x1  }
0x1: {  	s0 =	rddreg [dreg:$0x0]  }
0x2: {  	s3 =	rddreg [dreg:$0x2]  }
0x3: {  	s4 =	rddreg [dreg:$0x3]  }
0x4: {  	s5 =	stileid.u32;
	s1 =	srdreg.scid  }
0x5: {  	s8 =	simm.s32 $0x0;
	s14 =	simm.s32 $0x6800;
	s16 =	simm.s32 $0x80  }
0x6: {  	s17 =	simm.s32 $0x2800;
	s18 =	simm.s32 $0x3000;
	s20 =	simm.s32 $0x3800  }
0x7: {  	s22 =	simm.s32 $0x4000;
	s24 =	simm.s32 $0x4800;
	s29 =	simm.s32 $0x5800  }
0x8: {  	s31 =	simm.s32 $0x6000;
	s15 =	simm.s32 $0x4;
	s19 =	simm.s32 $0x5  }
0x9: {  	s21 =	simm.s32 $0x6;
	s23 =	simm.s32 $0x7;
	s25 =	simm.s32 $0x8  }
0xa: {  	s28 =	simm.s32 $0x9;
	s30 =	simm.s32 $0xA;
	s13 =	simm.s32 $0x0  }
0xb: {  	s2 =	smul.u32 $0x2800, s5;
	s1 =	sand.u32 $0x1, s1;
	[smem:$0x7FF] =	sst s8  }
0xc: {  	s5 =	sshll.u32 s5, $0x1;
	s6 =	smul.u32 $0x28000, s1;
	_ =	strace $0x8000004D  }
0xd: {  	s5 =	sor.u32 s1, s5;
	s1 =	ssub.s32 $0x2, s1;
	[dreg:$0xc] =	wrdreg s13  }
0xe: {  	s7 =	sshrl.u32 s2, $0x3;
	s5 =	smul.u32 $0x280, s5;
	s26 =	sshrl.u32 s1, $0x1  }
0xf: {  	s9 =	sadd.s32 s2, s3;
	s6 =	sadd.s32 s2, s6;
	s7 =	sadd.s32 s7, s0  }
0x10: {  	s1 =	ssub.s32 s1, s26;
	[dreg:$0x6] =	wrdreg s9;
	s2 =	sadd.s32 s2, s4  }
0x11: {  	s26 =	simm.s32 $0x5000;
	s9 =	simm.s32 $0xD;
	s6 =	sshrl.u32 s6, $0x3  }
0x12: {  	s5 =	sadd.s32 s5, s0;
	s7 =	sadd.s32 $0x7C00, s7;
	[dreg:$0x7] =	wrdreg s2  }
0x13: {  	s12 =	smax.u32 s1, $0x1;
	s1 =	simm.s32 $0x2;
	s2 =	simm.s32 $0x3  }
0x14: {  	s0 =	sadd.s32 s6, s0;
	[dreg:$0x5] =	wrdreg s7;
	s10 =	sadd.s32 $0x11C00, s5  }
0x15: {  	s11 =	sadd.s32 $0x2C00, s5;
	[dreg:$0xb] =	wrdreg s12;
	s6 =	simm.s32 $0xB  }
0x16: {  	s7 =	simm.s32 $0xC;
	s12 =	simm.s32 $0x10;
	[dreg:$0x8] =	wrdreg s10  }
0x17: {  	[dreg:$0x9] =	wrdreg s11;
	s0 =	sadd.s32 $0x16C00, s0;
	s10 =	simm.s32 $0xE  }
0x18: {  	s11 =	simm.s32 $0xF;
	[dreg:$0xa] =	wrdreg s0;
	s0 =	simm.s32 $0x1  }
.LBB2_1:
0x19: {  	s13 =	simm.s32 $0x11;
	s5 =	rddreg [dreg:$0x5]  }
0x1a: {  	[tilespmem:s14], [sflag:$0x11] =	stream.linear.gather [hbm4b:s5+s8], $0x2800, $0x38;
	[tilespmem:$0xE000] =	vst v63  }
0x1b: {  	_ =	swait.ge [sflag:s13], $0x2800  }
0x1c: {  	[sflag:s13] =	ssyncset.done $0x0  }
0x1d: {  	s5 =	rddreg [dreg:$0x6];
	[sflag:s13] =	ssyncadd.s32 $0xFFFFD800  }
0x1e: {  	[spmem:s5] =	stream.linear.scatter [tilespmem:s14], [sflag:$0x11], $0x2800, $0x38;
	[tilespmem:$0xE000] =	vst v63  }
0x1f: {  	_ =	swait.ge [sflag:s13], $0x2800  }
0x20: {  	[sflag:s13] =	ssyncset.done $0x0  }
0x21: {  	[sflag:s13] =	ssyncadd.s32 $0xFFFFD800  }
0x22: {  	s5 =	rddreg [dreg:$0x1]  }
0x23: {  	[tilespmem:s14], [sflag:$0x11] =	stream.linear.gather [hbm4b:s5+s8], $0x2800, $0x38;
	[tilespmem:$0xE000] =	vst v63  }
0x24: {  	_ =	swait.ge [sflag:s13], $0x2800  }
0x25: {  	[sflag:s13] =	ssyncset.done $0x0  }
0x26: {  	s5 =	rddreg [dreg:$0x7];
	[sflag:s13] =	ssyncadd.s32 $0xFFFFD800  }
0x27: {  	[spmem:s5] =	stream.linear.scatter [tilespmem:s14], [sflag:$0x11], $0x2800, $0x38;
	[tilespmem:$0xE000] =	vst v63  }
0x28: {  	_ =	swait.ge [sflag:s13], $0x2800  }
0x29: {  	[sflag:s13] =	ssyncset.done $0x0  }
0x2a: {  	s14 =	rddreg [dreg:$0x8];
	[sflag:s13] =	ssyncadd.s32 $0xFFFFD800  }
0x2b: {  	[tilespmem:s8], [sflag:$0x11] =	stream.linear.gather [hbm4b:s14+s8], $0x1400, $0x38;
	[tilespmem:$0xE000] =	vst v63  }
0x2c: {  	_ =	swait.ge [sflag:s13], $0x1400  }
0x2d: {  	[sflag:s13] =	ssyncset.done $0x0  }
0x2e: {  	s14 =	simm.s32 $0x1400;
	s5 =	rddreg [dreg:$0x9];
	[sflag:s13] =	ssyncadd.s32 $0xFFFFEC00  }
0x2f: {  	[tilespmem:s14], [sflag:$0x11] =	stream.linear.gather [hbm4b:s5+s8], $0x1400, $0x38;
	[tilespmem:$0xE000] =	vst v63  }
0x30: {  	_ =	swait.ge [sflag:s13], $0x1400  }
0x31: {  	[sflag:s13] =	ssyncset.done $0x0  }
0x32: {  	[sflag:s13] =	ssyncadd.s32 $0xFFFFEC00  }
0x33: {  	[bflag:$0x0] =	sbarrier.arrive $0xFFFF  }
0x34: {  	[tilespmem:s17], [sflag:$0x1] =	stream.indirect.gather [spmem:s3], $0x10, s8, s16, $0xb8;
	[tilespmem:$0xE000] =	vst v63  }
0x35: {  	_ = 	snop  }
0x36: {  	[tilespmem:s18], [sflag:$0x2] =	stream.indirect.gather [spmem:s3], $0x10, s16, s16, $0xb8;
	[tilespmem:$0xE000] =	vst v63  }
0x37: {  	s8 =	simm.s32 $0x100  }
0x38: {  	[tilespmem:s20], [sflag:$0x3] =	stream.indirect.gather [spmem:s3], $0x10, s8, s16, $0xb8;
	[tilespmem:$0xE000] =	vst v63  }
0x39: {  	s13 =	simm.s32 $0x180  }
0x3a: {  	[tilespmem:s22], [sflag:$0x4] =	stream.indirect.gather [spmem:s3], $0x10, s13, s16, $0xb8;
	[tilespmem:$0xE000] =	vst v63  }
0x3b: {  	s14 =	simm.s32 $0x200  }
0x3c: {  	[tilespmem:s24], [sflag:$0x5] =	stream.indirect.gather [spmem:s3], $0x10, s14, s16, $0xb8;
	[tilespmem:$0xE000] =	vst v63  }
0x3d: {  	s8 =	simm.s32 $0x280  }
0x3e: {  	[tilespmem:s26], [sflag:$0x6] =	stream.indirect.gather [spmem:s3], $0x10, s8, s16, $0xb8;
	[tilespmem:$0xE000] =	vst v63  }
0x3f: {  	s13 =	simm.s32 $0x300  }
0x40: {  	[tilespmem:s29], [sflag:$0x7] =	stream.indirect.gather [spmem:s3], $0x10, s13, s16, $0xb8;
	[tilespmem:$0xE000] =	vst v63  }
0x41: {  	s14 =	simm.s32 $0x380  }
0x42: {  	[tilespmem:s31], [sflag:$0x8] =	stream.indirect.gather [spmem:s3], $0x10, s14, s16, $0xb8;
	[tilespmem:$0xE000] =	vst v63  }
0x43: {  	_ =	swait.ge [sflag:s0], $0x800  }
0x44: {  	[sflag:s0] =	ssyncset.done $0x0  }
0x45: {  	s8 =	simm.s32 $0x1400;
	[sflag:s0] =	ssyncadd.s32 $0xFFFFF800  }
0x46: {  	[spmem:s4] =	stream.indirect.scatter.add.f32 [tilespmem:s17], [sflag:$0x9], $0x10, s8, s16, $0xb8;
	[tilespmem:$0xE000] =	vst v63  }
0x47: {  	_ =	swait.ge [sflag:s1], $0x800  }
0x48: {  	[sflag:s1] =	ssyncset.done $0x0  }
0x49: {  	s13 =	simm.s32 $0x1480;
	[sflag:s1] =	ssyncadd.s32 $0xFFFFF800  }
0x4a: {  	[spmem:s4] =	stream.indirect.scatter.add.f32 [tilespmem:s18], [sflag:$0xA], $0x10, s13, s16, $0xb8;
	[tilespmem:$0xE000] =	vst v63  }
0x4b: {  	_ =	swait.ge [sflag:s2], $0x800  }
0x4c: {  	[sflag:s2] =	ssyncset.done $0x0  }
0x4d: {  	s14 =	simm.s32 $0x1500;
	[sflag:s2] =	ssyncadd.s32 $0xFFFFF800  }
0x4e: {  	[spmem:s4] =	stream.indirect.scatter.add.f32 [tilespmem:s20], [sflag:$0xB], $0x10, s14, s16, $0xb8;
	[tilespmem:$0xE000] =	vst v63  }
0x4f: {  	_ =	swait.ge [sflag:s15], $0x800  }
0x50: {  	[sflag:s15] =	ssyncset.done $0x0  }
0x51: {  	s8 =	simm.s32 $0x1580;
	[sflag:s15] =	ssyncadd.s32 $0xFFFFF800  }
0x52: {  	[spmem:s4] =	stream.indirect.scatter.add.f32 [tilespmem:s22], [sflag:$0xC], $0x10, s8, s16, $0xb8;
	[tilespmem:$0xE000] =	vst v63  }
0x53: {  	_ =	swait.ge [sflag:s19], $0x800  }
0x54: {  	[sflag:s19] =	ssyncset.done $0x0  }
0x55: {  	s13 =	simm.s32 $0x1600;
	[sflag:s19] =	ssyncadd.s32 $0xFFFFF800  }
0x56: {  	[spmem:s4] =	stream.indirect.scatter.add.f32 [tilespmem:s24], [sflag:$0xD], $0x10, s13, s16, $0xb8;
	[tilespmem:$0xE000] =	vst v63  }
0x57: {  	_ =	swait.ge [sflag:s21], $0x800  }
0x58: {  	[sflag:s21] =	ssyncset.done $0x0  }
0x59: {  	s14 =	simm.s32 $0x1680;
	[sflag:s21] =	ssyncadd.s32 $0xFFFFF800  }
0x5a: {  	[spmem:s4] =	stream.indirect.scatter.add.f32 [tilespmem:s26], [sflag:$0xE], $0x10, s14, s16, $0xb8;
	[tilespmem:$0xE000] =	vst v63  }
0x5b: {  	_ =	swait.ge [sflag:s23], $0x800  }
0x5c: {  	[sflag:s23] =	ssyncset.done $0x0  }
0x5d: {  	s8 =	simm.s32 $0x1700;
	[sflag:s23] =	ssyncadd.s32 $0xFFFFF800  }
0x5e: {  	[spmem:s4] =	stream.indirect.scatter.add.f32 [tilespmem:s29], [sflag:$0xF], $0x10, s8, s16, $0xb8;
	[tilespmem:$0xE000] =	vst v63  }
0x5f: {  	_ =	swait.ge [sflag:s25], $0x800  }
0x60: {  	[sflag:s25] =	ssyncset.done $0x0  }
0x61: {  	s13 =	simm.s32 $0x1780;
	[sflag:s25] =	ssyncadd.s32 $0xFFFFF800  }
0x62: {  	[spmem:s4] =	stream.indirect.scatter.add.f32 [tilespmem:s31], [sflag:$0x10], $0x10, s13, s16, $0xb8;
	[tilespmem:$0xE000] =	vst v63  }
0x63: {  	_ =	swait.ge [sflag:s28], $0x800  }
0x64: {  	[sflag:s28] =	ssyncset.done $0x0  }
0x65: {  	s14 =	simm.s32 $0x400;
	[sflag:s28] =	ssyncadd.s32 $0xFFFFF800  }
0x66: {  	[tilespmem:s17], [sflag:$0x1] =	stream.indirect.gather [spmem:s3], $0x10, s14, s16, $0xb8;
	[tilespmem:$0xE000] =	vst v63  }
0x67: {  	_ =	swait.ge [sflag:s30], $0x800  }
0x68: {  	[sflag:s30] =	ssyncset.done $0x0  }
0x69: {  	s8 =	simm.s32 $0x480;
	[sflag:s30] =	ssyncadd.s32 $0xFFFFF800  }
0x6a: {  	[tilespmem:s18], [sflag:$0x2] =	stream.indirect.gather [spmem:s3], $0x10, s8, s16, $0xb8;
	[tilespmem:$0xE000] =	vst v63  }
0x6b: {  	_ =	swait.ge [sflag:s6], $0x800  }
0x6c: {  	[sflag:s6] =	ssyncset.done $0x0  }
0x6d: {  	s13 =	simm.s32 $0x500;
	[sflag:s6] =	ssyncadd.s32 $0xFFFFF800  }
0x6e: {  	[tilespmem:s20], [sflag:$0x3] =	stream.indirect.gather [spmem:s3], $0x10, s13, s16, $0xb8;
	[tilespmem:$0xE000] =	vst v63  }
0x6f: {  	_ =	swait.ge [sflag:s7], $0x800  }
0x70: {  	[sflag:s7] =	ssyncset.done $0x0  }
0x71: {  	s14 =	simm.s32 $0x580;
	[sflag:s7] =	ssyncadd.s32 $0xFFFFF800  }
0x72: {  	[tilespmem:s22], [sflag:$0x4] =	stream.indirect.gather [spmem:s3], $0x10, s14, s16, $0xb8;
	[tilespmem:$0xE000] =	vst v63  }
0x73: {  	_ =	swait.ge [sflag:s9], $0x800  }
0x74: {  	[sflag:s9] =	ssyncset.done $0x0  }
0x75: {  	s8 =	simm.s32 $0x600;
	[sflag:s9] =	ssyncadd.s32 $0xFFFFF800  }
0x76: {  	[tilespmem:s24], [sflag:$0x5] =	stream.indirect.gather [spmem:s3], $0x10, s8, s16, $0xb8;
	[tilespmem:$0xE000] =	vst v63  }
0x77: {  	_ =	swait.ge [sflag:s10], $0x800  }
0x78: {  	[sflag:s10] =	ssyncset.done $0x0  }
0x79: {  	s13 =	simm.s32 $0x680;
	[sflag:s10] =	ssyncadd.s32 $0xFFFFF800  }
0x7a: {  	[tilespmem:s26], [sflag:$0x6] =	stream.indirect.gather [spmem:s3], $0x10, s13, s16, $0xb8;
	[tilespmem:$0xE000] =	vst v63  }
0x7b: {  	_ =	swait.ge [sflag:s11], $0x800  }
0x7c: {  	[sflag:s11] =	ssyncset.done $0x0  }
0x7d: {  	s14 =	simm.s32 $0x700;
	[sflag:s11] =	ssyncadd.s32 $0xFFFFF800  }
0x7e: {  	[tilespmem:s29], [sflag:$0x7] =	stream.indirect.gather [spmem:s3], $0x10, s14, s16, $0xb8;
	[tilespmem:$0xE000] =	vst v63  }
0x7f: {  	_ =	swait.ge [sflag:s12], $0x800  }
0x80: {  	[sflag:s12] =	ssyncset.done $0x0  }
0x81: {  	s5 =	simm.s32 $0x1000;
	s13 =	simm.s32 $0x780;
	[sflag:s12] =	ssyncadd.s32 $0xFFFFF800  }
.LBB2_2:
0x82: {  	[tilespmem:s31], [sflag:$0x8] =	stream.indirect.gather [spmem:s3], $0x10, s13, s16, $0xb8;
	[tilespmem:$0xE000] =	vst v63  }
0x83: {  	s13 =	smov.u32 s5  }
0x84: {  	p0 =	sne.s32 s5, $0x3000;
	s5 =	sadd.s32 $0x1000, s5;
	_ =	swait.ge [sflag:s0], $0x800  }
0x85: {  	s13 =	sshra.s32 s13, $0x2;
	[sflag:s0] =	ssyncset.done $0x0  }
0x86: {  	s8 =	sadd.s32 $0x1400, s13;
	[sflag:s0] =	ssyncadd.s32 $0xFFFFF800  }
0x87: {  	[spmem:s4] =	stream.indirect.scatter.add.f32 [tilespmem:s17], [sflag:$0x9], $0x10, s8, s16, $0xb8;
	[tilespmem:$0xE000] =	vst v63  }
0x88: {  	_ =	swait.ge [sflag:s1], $0x800  }
0x89: {  	[sflag:s1] =	ssyncset.done $0x0  }
0x8a: {  	s8 =	sadd.s32 $0x1480, s13;
	[sflag:s1] =	ssyncadd.s32 $0xFFFFF800  }
0x8b: {  	[spmem:s4] =	stream.indirect.scatter.add.f32 [tilespmem:s18], [sflag:$0xA], $0x10, s8, s16, $0xb8;
	[tilespmem:$0xE000] =	vst v63  }
0x8c: {  	_ =	swait.ge [sflag:s2], $0x800  }
0x8d: {  	[sflag:s2] =	ssyncset.done $0x0  }
0x8e: {  	s8 =	sadd.s32 $0x1500, s13;
	[sflag:s2] =	ssyncadd.s32 $0xFFFFF800  }
0x8f: {  	[spmem:s4] =	stream.indirect.scatter.add.f32 [tilespmem:s20], [sflag:$0xB], $0x10, s8, s16, $0xb8;
	[tilespmem:$0xE000] =	vst v63  }
0x90: {  	_ =	swait.ge [sflag:s15], $0x800  }
0x91: {  	[sflag:s15] =	ssyncset.done $0x0  }
0x92: {  	s8 =	sadd.s32 $0x1580, s13;
	[sflag:s15] =	ssyncadd.s32 $0xFFFFF800  }
0x93: {  	[spmem:s4] =	stream.indirect.scatter.add.f32 [tilespmem:s22], [sflag:$0xC], $0x10, s8, s16, $0xb8;
	[tilespmem:$0xE000] =	vst v63  }
0x94: {  	_ =	swait.ge [sflag:s19], $0x800  }
0x95: {  	[sflag:s19] =	ssyncset.done $0x0  }
0x96: {  	s8 =	sadd.s32 $0x1600, s13;
	[sflag:s19] =	ssyncadd.s32 $0xFFFFF800  }
0x97: {  	[spmem:s4] =	stream.indirect.scatter.add.f32 [tilespmem:s24], [sflag:$0xD], $0x10, s8, s16, $0xb8;
	[tilespmem:$0xE000] =	vst v63  }
0x98: {  	_ =	swait.ge [sflag:s21], $0x800  }
0x99: {  	[sflag:s21] =	ssyncset.done $0x0  }
0x9a: {  	s8 =	sadd.s32 $0x1680, s13;
	[sflag:s21] =	ssyncadd.s32 $0xFFFFF800  }
0x9b: {  	[spmem:s4] =	stream.indirect.scatter.add.f32 [tilespmem:s26], [sflag:$0xE], $0x10, s8, s16, $0xb8;
	[tilespmem:$0xE000] =	vst v63  }
0x9c: {  	_ =	swait.ge [sflag:s23], $0x800  }
0x9d: {  	[sflag:s23] =	ssyncset.done $0x0  }
0x9e: {  	s8 =	sadd.s32 $0x1700, s13;
	[sflag:s23] =	ssyncadd.s32 $0xFFFFF800  }
0x9f: {  	[spmem:s4] =	stream.indirect.scatter.add.f32 [tilespmem:s29], [sflag:$0xF], $0x10, s8, s16, $0xb8;
	[tilespmem:$0xE000] =	vst v63  }
0xa0: {  	_ =	swait.ge [sflag:s25], $0x800  }
0xa1: {  	[sflag:s25] =	ssyncset.done $0x0  }
0xa2: {  	s8 =	sadd.s32 $0x1780, s13;
	[sflag:s25] =	ssyncadd.s32 $0xFFFFF800  }
0xa3: {  	[spmem:s4] =	stream.indirect.scatter.add.f32 [tilespmem:s31], [sflag:$0x10], $0x10, s8, s16, $0xb8;
	[tilespmem:$0xE000] =	vst v63  }
0xa4: {  	_ =	swait.ge [sflag:s28], $0x800  }
0xa5: {  	[sflag:s28] =	ssyncset.done $0x0  }
0xa6: {  	s8 =	sadd.s32 $0x400, s13;
	[sflag:s28] =	ssyncadd.s32 $0xFFFFF800  }
0xa7: {  	[tilespmem:s17], [sflag:$0x1] =	stream.indirect.gather [spmem:s3], $0x10, s8, s16, $0xb8;
	[tilespmem:$0xE000] =	vst v63  }
0xa8: {  	_ =	swait.ge [sflag:s30], $0x800  }
0xa9: {  	[sflag:s30] =	ssyncset.done $0x0  }
0xaa: {  	s8 =	sadd.s32 $0x480, s13;
	[sflag:s30] =	ssyncadd.s32 $0xFFFFF800  }
0xab: {  	[tilespmem:s18], [sflag:$0x2] =	stream.indirect.gather [spmem:s3], $0x10, s8, s16, $0xb8;
	[tilespmem:$0xE000] =	vst v63  }
0xac: {  	_ =	swait.ge [sflag:s6], $0x800  }
0xad: {  	[sflag:s6] =	ssyncset.done $0x0  }
0xae: {  	s8 =	sadd.s32 $0x500, s13;
	[sflag:s6] =	ssyncadd.s32 $0xFFFFF800  }
0xaf: {  	[tilespmem:s20], [sflag:$0x3] =	stream.indirect.gather [spmem:s3], $0x10, s8, s16, $0xb8;
	[tilespmem:$0xE000] =	vst v63  }
0xb0: {  	_ =	swait.ge [sflag:s7], $0x800  }
0xb1: {  	[sflag:s7] =	ssyncset.done $0x0  }
0xb2: {  	s8 =	sadd.s32 $0x580, s13;
	[sflag:s7] =	ssyncadd.s32 $0xFFFFF800  }
0xb3: {  	[tilespmem:s22], [sflag:$0x4] =	stream.indirect.gather [spmem:s3], $0x10, s8, s16, $0xb8;
	[tilespmem:$0xE000] =	vst v63  }
0xb4: {  	_ =	swait.ge [sflag:s9], $0x800  }
0xb5: {  	[sflag:s9] =	ssyncset.done $0x0  }
0xb6: {  	s8 =	sadd.s32 $0x600, s13;
	[sflag:s9] =	ssyncadd.s32 $0xFFFFF800  }
0xb7: {  	[tilespmem:s24], [sflag:$0x5] =	stream.indirect.gather [spmem:s3], $0x10, s8, s16, $0xb8;
	[tilespmem:$0xE000] =	vst v63  }
0xb8: {  	_ =	swait.ge [sflag:s10], $0x800  }
0xb9: {  	[sflag:s10] =	ssyncset.done $0x0  }
0xba: {  	s8 =	sadd.s32 $0x680, s13;
	[sflag:s10] =	ssyncadd.s32 $0xFFFFF800  }
0xbb: {  	[tilespmem:s26], [sflag:$0x6] =	stream.indirect.gather [spmem:s3], $0x10, s8, s16, $0xb8;
	[tilespmem:$0xE000] =	vst v63  }
0xbc: {  	_ =	swait.ge [sflag:s11], $0x800  }
0xbd: {  	[sflag:s11] =	ssyncset.done $0x0  }
.Ltmp0:
0xbe: {  	s8 =	sadd.s32 $0x700, s13;
	[sflag:s11] =	ssyncadd.s32 $0xFFFFF800;
	(pc) =	sbr.rel @p0 .LBB2_2-.Ltmp0, $4  }
0xbf: {  	[tilespmem:s29], [sflag:$0x7] =	stream.indirect.gather [spmem:s3], $0x10, s8, s16, $0xb8;
	[tilespmem:$0xE000] =	vst v63  }
0xc0: {  	_ =	swait.ge [sflag:s12], $0x800  }
0xc1: {  	[sflag:s12] =	ssyncset.done $0x0  }
0xc2: {  	s13 =	sadd.s32 $0x780, s13;
	[sflag:s12] =	ssyncadd.s32 $0xFFFFF800  }
0xc3: {  	[tilespmem:s31], [sflag:$0x8] =	stream.indirect.gather [spmem:s3], $0x10, s13, s16, $0xb8;
	[tilespmem:$0xE000] =	vst v63  }
0xc4: {  	_ =	swait.ge [sflag:s0], $0x800  }
0xc5: {  	[sflag:s0] =	ssyncset.done $0x0  }
0xc6: {  	s5 =	simm.s32 $0x2400;
	[sflag:s0] =	ssyncadd.s32 $0xFFFFF800  }
0xc7: {  	[spmem:s4] =	stream.indirect.scatter.add.f32 [tilespmem:s17], [sflag:$0x9], $0x10, s5, s16, $0xb8;
	[tilespmem:$0xE000] =	vst v63  }
0xc8: {  	_ =	swait.ge [sflag:s1], $0x800  }
0xc9: {  	[sflag:s1] =	ssyncset.done $0x0  }
0xca: {  	s8 =	simm.s32 $0x2480;
	[sflag:s1] =	ssyncadd.s32 $0xFFFFF800  }
0xcb: {  	[spmem:s4] =	stream.indirect.scatter.add.f32 [tilespmem:s18], [sflag:$0xA], $0x10, s8, s16, $0xb8;
	[tilespmem:$0xE000] =	vst v63  }
0xcc: {  	_ =	swait.ge [sflag:s2], $0x800  }
0xcd: {  	[sflag:s2] =	ssyncset.done $0x0  }
0xce: {  	s13 =	simm.s32 $0x2500;
	[sflag:s2] =	ssyncadd.s32 $0xFFFFF800  }
0xcf: {  	[spmem:s4] =	stream.indirect.scatter.add.f32 [tilespmem:s20], [sflag:$0xB], $0x10, s13, s16, $0xb8;
	[tilespmem:$0xE000] =	vst v63  }
0xd0: {  	_ =	swait.ge [sflag:s15], $0x800  }
0xd1: {  	[sflag:s15] =	ssyncset.done $0x0  }
0xd2: {  	s14 =	simm.s32 $0x2580;
	[sflag:s15] =	ssyncadd.s32 $0xFFFFF800  }
0xd3: {  	[spmem:s4] =	stream.indirect.scatter.add.f32 [tilespmem:s22], [sflag:$0xC], $0x10, s14, s16, $0xb8;
	[tilespmem:$0xE000] =	vst v63  }
0xd4: {  	_ =	swait.ge [sflag:s19], $0x800  }
0xd5: {  	[sflag:s19] =	ssyncset.done $0x0  }
0xd6: {  	s8 =	simm.s32 $0x2600;
	[sflag:s19] =	ssyncadd.s32 $0xFFFFF800  }
0xd7: {  	[spmem:s4] =	stream.indirect.scatter.add.f32 [tilespmem:s24], [sflag:$0xD], $0x10, s8, s16, $0xb8;
	[tilespmem:$0xE000] =	vst v63  }
0xd8: {  	_ =	swait.ge [sflag:s21], $0x800  }
0xd9: {  	[sflag:s21] =	ssyncset.done $0x0  }
0xda: {  	s13 =	simm.s32 $0x2680;
	[sflag:s21] =	ssyncadd.s32 $0xFFFFF800  }
0xdb: {  	[spmem:s4] =	stream.indirect.scatter.add.f32 [tilespmem:s26], [sflag:$0xE], $0x10, s13, s16, $0xb8;
	[tilespmem:$0xE000] =	vst v63  }
0xdc: {  	_ =	swait.ge [sflag:s23], $0x800  }
0xdd: {  	[sflag:s23] =	ssyncset.done $0x0  }
0xde: {  	s14 =	simm.s32 $0x2700;
	[sflag:s23] =	ssyncadd.s32 $0xFFFFF800  }
0xdf: {  	[spmem:s4] =	stream.indirect.scatter.add.f32 [tilespmem:s29], [sflag:$0xF], $0x10, s14, s16, $0xb8;
	[tilespmem:$0xE000] =	vst v63  }
0xe0: {  	_ =	swait.ge [sflag:s25], $0x800  }
0xe1: {  	[sflag:s25] =	ssyncset.done $0x0  }
0xe2: {  	s8 =	simm.s32 $0x2780;
	[sflag:s25] =	ssyncadd.s32 $0xFFFFF800  }
0xe3: {  	[spmem:s4] =	stream.indirect.scatter.add.f32 [tilespmem:s31], [sflag:$0x10], $0x10, s8, s16, $0xb8;
	[tilespmem:$0xE000] =	vst v63  }
0xe4: {  	_ =	swait.ge [sflag:s28], $0x800  }
0xe5: {  	[sflag:s28] =	ssyncset.done $0x0  }
0xe6: {  	[sflag:s28] =	ssyncadd.s32 $0xFFFFF800  }
0xe7: {  	_ =	swait.ge [sflag:s30], $0x800  }
0xe8: {  	[sflag:s30] =	ssyncset.done $0x0  }
0xe9: {  	[sflag:s30] =	ssyncadd.s32 $0xFFFFF800  }
0xea: {  	_ =	swait.ge [sflag:s6], $0x800  }
0xeb: {  	[sflag:s6] =	ssyncset.done $0x0  }
0xec: {  	[sflag:s6] =	ssyncadd.s32 $0xFFFFF800  }
0xed: {  	_ =	swait.ge [sflag:s7], $0x800  }
0xee: {  	[sflag:s7] =	ssyncset.done $0x0  }
0xef: {  	[sflag:s7] =	ssyncadd.s32 $0xFFFFF800  }
0xf0: {  	_ =	swait.ge [sflag:s9], $0x800  }
0xf1: {  	[sflag:s9] =	ssyncset.done $0x0  }
0xf2: {  	[sflag:s9] =	ssyncadd.s32 $0xFFFFF800  }
0xf3: {  	_ =	swait.ge [sflag:s10], $0x800  }
0xf4: {  	[sflag:s10] =	ssyncset.done $0x0  }
0xf5: {  	[sflag:s10] =	ssyncadd.s32 $0xFFFFF800  }
0xf6: {  	_ =	swait.ge [sflag:s11], $0x800  }
0xf7: {  	[sflag:s11] =	ssyncset.done $0x0  }
0xf8: {  	[sflag:s11] =	ssyncadd.s32 $0xFFFFF800  }
0xf9: {  	_ =	swait.ge [sflag:s12], $0x800  }
0xfa: {  	[sflag:s12] =	ssyncset.done $0x0  }
0xfb: {  	[sflag:s12] =	ssyncadd.s32 $0xFFFFF800  }
0xfc: {  	[bflag:$0x0] =	sbarrier.arrive $0xFFFF  }
0xfd: {  	s14 =	simm.s32 $0x6800;
	s13 =	rddreg [dreg:$0x7]  }
0xfe: {  	[tilespmem:s14], [sflag:$0x11] =	stream.linear.gather [spmem:s13], $0x2800, $0x38;
	[tilespmem:$0xE000] =	vst v63  }
0xff: {  	s13 =	simm.s32 $0x11  }
0x100: {  	_ =	swait.ge [sflag:s13], $0x2800  }
0x101: {  	[sflag:s13] =	ssyncset.done $0x0  }
0x102: {  	s8 =	simm.s32 $0x0;
	s5 =	rddreg [dreg:$0xa];
	[sflag:s13] =	ssyncadd.s32 $0xFFFFD800  }
0x103: {  	[hbm4b:s5+s8] =	stream.linear.scatter [tilespmem:s14], [sflag:$0x11], $0x2800, $0x38;
	[tilespmem:$0xE000] =	vst v63  }
0x104: {  	_ =	swait.ge [sflag:s13], $0x2800  }
0x105: {  	s5 =	rddreg [dreg:$0xc]  }
0x106: {  	[sflag:s13] =	ssyncset.done $0x0;
	s13 =	rddreg [dreg:$0xb];
	s8 =	sadd.s32 $0x1, s5  }
0x107: {  	p0 =	sne.s32 s8, s13  }
.Ltmp1:
0x108: {  	_ = 	snop;
	(pc) =	sbr.rel @p0 .LBB2_1-.Ltmp1, $3  }
0x109: {  	_ =	sdelay $0x1  }
0x10a: {  	s13 =	simm.s32 $0x11  }
0x10b: {  	[dreg:$0xc] =	wrdreg s8;
	s8 =	simm.s32 $0x0;
	[sflag:s13] =	ssyncadd.s32 $0xFFFFD800  }
0x10c: {  	_ =	sfence.sel $0x180000  }
0x10d: {  	[bflag:$0x0] =	sbarrier.arrive $0xFFFF  }
0x10e: {  	_ =	strace $0x9000004D  }
0x10f: {  	s0 =	stileid.u32;
	[bflag:$0x2] =	sbarrier.arrive $0xFFFF  }
0x110: {  	p0 =	sne.s32 s0, $0x0;
	s0 =	rddreg [dreg:$0x4]  }
0x111: {  	s0 =	sadd.s32 @!p0 $0x100000, s0  }
0x112: {  	[sflag:s0] =	ssyncadd.tile.s32 @!p0 $0x1;
	_ =	shalt  }
.Lfunc_end2:
_tile_overlayer_lowered:
.L_overlay_start_2:
0x113: {  	(tag) =	ssettag $0x2  }
0x114: {  	s0 =	rddreg [dreg:$0x0];
	s2 =	stileid.u32  }
0x115: {  	s1 =	rddreg [dreg:$0x1];
	p0 =	sne.s32 s2, $0x0  }
0x116: {  	s3 =	rddreg [dreg:$0x2];
	[bflag:$0x3] =	sbarrier.arrive $0xFFFF;
	s2 =	simm.s32 @!p0 $0x1C11  }
0x117: {  	[timem:s3], [sflag:s2] =	dma.local @!p0 [hbm:s0], s1  }
0x118: {  	s0 =	simm.s32 @!p0 $0x11  }
0x119: {  	_ =	swait.ge @!p0 [sflag:s0], s1  }
0x11a: {  	s1 =	ssub.s32 @!p0 $0x0, s1;
	[sflag:s0] =	ssyncset.done @!p0 $0x0  }
0x11b: {  	[sflag:s0] =	ssyncadd.s32 @!p0 s1  }
0x11c: {  	[bflag:$0x3] =	sbarrier.arrive $0xFFFF  }
0x11d: {  	_ =	shalt  }

// kernel: kernel.19.cloned.1.call-start
scs
__scs_entry_jumppad:
0x0: {  	(pc) =	sbr.rel $0x88, $3  }
0x1: {  	(tag) =	ssettag $0x0;
	lr =	simm.s32 $0x1  }
0x2: {  	[smem:$0x3F91] =	sst lr;
	_ =	strace $0xD0000000  }
0x3: {  	_ = 	snop  }
0x4: {  	_ = 	snop  }
0x5: {  	_ = 	snop  }
0x6: {  	_ = 	snop  }
0x7: {  	_ = 	snop  }
__scs_overlays_trampoline_lowered:
0x8: {  	[smem:$0x3FA0] =	sst s0  }
0x9: {  	[smem:$0x3FA1] =	sst s1  }
0xa: {  	[smem:$0x3FA2] =	sst s2  }
0xb: {  	[smem:$0x3FA3] =	sst s3  }
0xc: {  	[smem:$0x3FA4] =	sst s4  }
0xd: {  	[smem:$0x3FA5] =	sst s5  }
0xe: {  	[smem:$0x3FA6] =	sst s6  }
0xf: {  	[smem:$0x3FA7] =	sst s7  }
0x10: {  	[smem:$0x3FA8] =	sst s8  }
0x11: {  	[smem:$0x3FA9] =	sst s9;
	s0 =	simm.s32 @!p0 $0x0  }
0x12: {  	s1 =	sld [smem:$0x3F8F];
	s0 =	simm.s32 @p0 $0x1  }
0x13: {  	[smem:$0x3FAA] =	sst s0;
	s0 =	simm.s32 @!p1 $0x0  }
0x14: {  	s2 =	sld [smem:$0x3F8E];
	s0 =	simm.s32 @p1 $0x1  }
0x15: {  	[smem:$0x3FAB] =	sst s0;
	s0 =	simm.s32 @!p2 $0x0  }
0x16: {  	s3 =	sld [smem:$0x3FDB];
	s0 =	simm.s32 @p2 $0x1  }
0x17: {  	s4 =	simm.s32 $0x1BF5;
	[smem:$0x3FAD] =	sst s0  }
0x18: {  	s0 =	sld [smem:$0x3F90];
	_ =	swait.ge [sflag:s4], $0x0  }
0x19: {  	s7 =	sld [smem:$0x3F91]  }
0x1a: {  	s8 =	sadd.s32 $0xFFFFE003, lr  }
0x1b: {  	s9 =	sadd.s32 $0xFFFFFEF7, lr;
	s5 =	simm.s32 $0xFFFFFFFF;
	p2 =	slt.u32 s8, $0xFFFFF086  }
0x1c: {  	p1 =	slt.u32 s9, $0xF7A;
	s5 =	simm.s32 @!p2 $0x0  }
0x1d: {  	s5 =	simm.s32 @p1 $0x1;
	p0 =	seq.s32 s7, s2  }
0x1e: {  	s7 =	smul.u32 @!p0 $0xF7A, s2;
	p2 =	seq.s32 @!p0 s5, $0x0  }
0x1f: {  	s9 =	smul.u32 $0xF7A, s1;
	s8 =	simm.s32 @!p0 $0x1BF5;
	p2 =	por !p2, p0  }
0x20: {  	[sflag:s8] =	ssyncset.s32 @!p0 $0xFFFFF086;
	s6 =	sadd.s32 @!p0 s3, s7;
	s7 =	simm.s32 @!p0 $0x108  }
0x21: {  	s3 =	sadd.s32 s3, s9;
	s6 =	sadd.s32 @!p0 $0x88, s6;
	s7 =	simm.s32 @p2 $0x1082  }
0x22: {  	[simem:s7], [sflag:s8] =	dma.local @!p0 [hbm:s6], $0xF7A  }
0x23: {  	s9 =	sor.u32 $0xD0000000, s2;
	s6 =	simm.s32 $0x108;
	_ =	swait.ge @!p0 [sflag:s8], $0x0  }
0x24: {  	s3 =	sadd.s32 $0x88, s3;
	s6 =	simm.s32 @!p1 $0x1082;
	[sflag:s4] =	ssyncset.s32 $0xFFFFF086  }
0x25: {  	[simem:s6], [sflag:s4] =	dma.local [hbm:s3], $0xF7A  }
0x26: {  	[smem:$0x3F91] =	sst s1;
	(tag) =	ssettag s2;
	_ =	strace s9  }
0x27: {  	s1 =	sld [smem:$0x3FA1]  }
0x28: {  	s2 =	sld [smem:$0x3FA2]  }
0x29: {  	s4 =	sld [smem:$0x3FA4]  }
0x2a: {  	p0 =	seq.s32 s5, $0x0;
	s5 =	sld [smem:$0x3FA5]  }
0x2b: {  	s6 =	sld [smem:$0x3FA6]  }
0x2c: {  	s7 =	sld [smem:$0x3FA7]  }
0x2d: {  	s3 =	simm.s32 $0x108;
	s8 =	sld [smem:$0x3FA8]  }
0x2e: {  	s3 =	simm.s32 @!p0 $0x1082;
	s9 =	sld [smem:$0x3FA9]  }
0x2f: {  	lr =	sadd.s32 s0, s3;
	s0 =	sld [smem:$0x3FA0]  }
0x30: {  	s3 =	sld [smem:$0x3FA3]  }
0x31: {  	[smem:$0x3FAC] =	sst s10  }
0x32: {  	s10 =	sld [smem:$0x3FAA];
	_ =	sdelay $0x3  }
0x33: {  	p0 =	seq.s32 s10, $0x1;
	s10 =	sld [smem:$0x3FAC];
	_ =	sdelay $0x3  }
0x34: {  	[smem:$0x3FAC] =	sst s10  }
0x35: {  	s10 =	sld [smem:$0x3FAB];
	_ =	sdelay $0x3  }
0x36: {  	p1 =	seq.s32 s10, $0x1;
	s10 =	sld [smem:$0x3FAC];
	_ =	sdelay $0x3  }
0x37: {  	[smem:$0x3FAC] =	sst s10  }
0x38: {  	s10 =	sld [smem:$0x3FAD]  }
0x39: {  	_ = 	snop;
	(pc) =	sbr.ind lr, $3  }
0x3a: {  	_ = 	snop  }
0x3b: {  	_ = 	snop  }
0x3c: {  	p2 =	seq.s32 s10, $0x1;
	s10 =	sld [smem:$0x3FAC]  }
0x3d: {  	_ =	shalt  }
0x3e: {  	_ =	shalt  }
0x3f: {  	_ =	shalt  }
0x40: {  	_ =	shalt  }
0x41: {  	_ =	shalt  }
0x42: {  	_ =	shalt  }
0x43: {  	_ =	shalt  }
0x44: {  	_ =	shalt  }
0x45: {  	_ =	shalt  }
0x46: {  	_ =	shalt  }
0x47: {  	_ =	shalt  }
0x48: {  	_ =	shalt  }
0x49: {  	_ =	shalt  }
0x4a: {  	_ =	shalt  }
0x4b: {  	_ =	shalt  }
0x4c: {  	_ =	shalt  }
0x4d: {  	_ =	shalt  }
0x4e: {  	_ =	shalt  }
0x4f: {  	_ =	shalt  }
0x50: {  	_ =	shalt  }
0x51: {  	_ =	shalt  }
0x52: {  	_ =	shalt  }
0x53: {  	_ =	shalt  }
0x54: {  	_ =	shalt  }
0x55: {  	_ =	shalt  }
0x56: {  	_ =	shalt  }
0x57: {  	_ =	shalt  }
0x58: {  	_ =	shalt  }
0x59: {  	_ =	shalt  }
0x5a: {  	_ =	shalt  }
0x5b: {  	_ =	shalt  }
0x5c: {  	_ =	shalt  }
0x5d: {  	_ =	shalt  }
0x5e: {  	_ =	shalt  }
0x5f: {  	_ =	shalt  }
0x60: {  	_ =	shalt  }
0x61: {  	_ =	shalt  }
0x62: {  	_ =	shalt  }
0x63: {  	_ =	shalt  }
0x64: {  	_ =	shalt  }
0x65: {  	_ =	shalt  }
0x66: {  	_ =	shalt  }
0x67: {  	_ =	shalt  }
0x68: {  	_ =	shalt  }
0x69: {  	_ =	shalt  }
0x6a: {  	_ =	shalt  }
0x6b: {  	_ =	shalt  }
0x6c: {  	_ =	shalt  }
0x6d: {  	_ =	shalt  }
0x6e: {  	_ =	shalt  }
0x6f: {  	_ =	shalt  }
0x70: {  	_ =	shalt  }
0x71: {  	_ =	shalt  }
0x72: {  	_ =	shalt  }
0x73: {  	_ =	shalt  }
0x74: {  	_ =	shalt  }
0x75: {  	_ =	shalt  }
0x76: {  	_ =	shalt  }
0x77: {  	_ =	shalt  }
0x78: {  	_ =	shalt  }
0x79: {  	_ =	shalt  }
0x7a: {  	_ =	shalt  }
0x7b: {  	_ =	shalt  }
0x7c: {  	_ =	shalt  }
0x7d: {  	_ =	shalt  }
0x7e: {  	_ =	shalt  }
0x7f: {  	_ =	shalt  }
0x80: {  	_ =	shalt  }
0x81: {  	_ =	shalt  }
0x82: {  	_ =	shalt  }
0x83: {  	_ =	shalt  }
0x84: {  	_ =	shalt  }
0x85: {  	_ =	shalt  }
0x86: {  	_ =	shalt  }
0x87: {  	_ =	shalt  }
.Lfunc_end0:
.L_simem_size_0:
called_computation.3_lowered:
.L_overlay_start_0:
0x88: {  	s2 =	sld [smem:$0x3FD9]  }
0x89: {  	s3 =	sld [smem:$0x3FFE];
	_ =	sdelay $0x1  }
0x8a: {  	s1 =	srdreg.scid  }
0x8b: {  	s0 =	sand.u32 $0x1, s1  }
0x8c: {  	s17 =	sshll.u32 s0, $0xA;
	s2 =	sadd.s32 s3, s2  }
0x8d: {  	s2 =	sadd.s32 s2, s17  }
0x8e: {  	[smem:$0x3FB8] =	sst s2  }
0x8f: {  	_ = 	snop  }
0x90: {  	s2 =	sld [smem:$0x3FD0];
	(tm) =	ssettm $0x1  }
0x91: {  	s18 =	sld [smem:$0x3FFB];
	_ =	sdelay $0x3  }
0x92: {  	_ =	strace s18  }
0x93: {  	s3 =	sld [smem:$0x3FFC];
	_ =	sdelay $0x3  }
0x94: {  	_ =	strace s3  }
0x95: {  	s3 =	sld [smem:$0x3FFD];
	_ =	sdelay $0x3  }
0x96: {  	_ =	strace s3  }
0x97: {  	_ =	strace $0x8FFFFFFF  }
0x98: {  	s19 =	sld [smem:$0x3FDB];
	_ =	sdelay $0x1  }
0x99: {  	s4 =	simm.s32 $_scs_section_size  }
0x9a: {  	s5 =	simm.s32 $_size__tile_overlayer_lowered;
	s6 =	simm.s32 $_tile_overlayer_lowered  }
0x9b: {  	s22 =	simm.s32 $0x1BFF;
	s21 =	sshll.u32 s6, $0x1;
	s3 =	sadd.s32 s4, s19  }
0x9c: {  	s7 =	simm.s32 $0x0;
	s20 =	sshll.u32 s5, $0x1;
	s5 =	sadd.s32 s21, s3  }
0x9d: {  	[timem:s7], [sflag:s22] =	dma.local [hbm:s5], s20  }
0x9e: {  	_ =	swait.ge [sflag:s22], s20  }
0x9f: {  	s4 =	ssub.s32 $0x0, s20;
	[sflag:s22] =	ssyncset.done $0x0  }
0xa0: {  	[sflag:s22] =	ssyncadd.s32 s4;
	_ =	sdelay $0x1  }
0xa1: {  	s23 =	simm.s32 $0x1B8B  }
0xa2: {  	_ =	swait.ge [sflag:s23], $0x1  }
0xa3: {  	[sflag:s23] =	ssyncset.done $0x0  }
0xa4: {  	s25 =	simm.s32 $0x1B8E;
	s24 =	sld [smem:$0x3FFE];
	[sflag:s23] =	ssyncadd.s32 $0xFFFFFFFF  }
0xa5: {  	s26 =	simm.s32 $execute0_lowered;
	[smem:$0x3FD2] =	sst s25  }
0xa6: {  	s5 =	sshll.u32 s26, $0x1;
	_ =	strace $0x8000004F;
	[dreg:$0x1] =	wrdreg $0xFFFFFFFF  }
0xa7: {  	s28 =	simm.s32 $_size_execute0_lowered;
	s3 =	sadd.s32 s3, s5;
	[dreg:$0x0] =	wrdreg $0x0  }
0xa8: {  	s5 =	sshll.u32 s28, $0x1;
	[dreg:$0x2] =	wrdreg s3  }
0xa9: {  	[dreg:$0x3] =	wrdreg s5  }
0xaa: {  	[dreg:$0x4] =	wrdreg $0xC0  }
0xab: {  	_ =	task [dreg:s7], $0x5FFFF  }
0xac: {  	[dreg:$0x1] =	wrdreg $0xFFFFFFFF  }
0xad: {  	[dreg:$0x0] =	wrdreg $0x60  }
0xae: {  	[dreg:$0x2] =	wrdreg s24  }
0xaf: {  	[dreg:$0x3] =	wrdreg s2  }
0xb0: {  	[dreg:$0x4] =	wrdreg $0x90000  }
0xb1: {  	[dreg:$0x5] =	wrdreg $0xB8000  }
0xb2: {  	[dreg:$0x6] =	wrdreg $0x9  }
0xb3: {  	_ =	task.clear_ibuf [dreg:s7], $0x7FFFF;
	_ =	strace $0x9000004F  }
0xb4: {  	s29 =	simm.s32 $0x9;
	_ =	strace $0x80000051  }
0xb5: {  	_ =	swait.ge [sflag:s29], $0x1  }
0xb6: {  	[sflag:s29] =	ssyncadd.s32 $0xFFFFFFFF  }
0xb7: {  	_ =	strace $0x90000051  }
0xb8: {  	_ =	sfence  }
0xb9: {  	s30 =	sld [smem:$0x0];
	_ =	sdelay $0x2  }
0xba: {  	s31 =	sshll.u32 s1, $0xD;
	s1 =	sshrl.u32 s1, $0x2  }
0xbb: {  	s3 =	sand.u32 $0x4000, s31;
	s1 =	sadd.s32 s1, s30  }
0xbc: {  	s0 =	sor.u32 s3, s0;
	s1 =	sshll.u32 s1, $0x11  }
0xbd: {  	s0 =	sor.u32 s1, s0  }
0xbe: {  	s0 =	sadd.s32 $0x8F2B, s0  }
0xbf: {  	[sflag:s0] =	ssyncadd.remote.s32 $0x1  }
0xc0: {  	_ =	sfence.sel $0xFFFF  }
0xc1: {  	[dreg:$0x0] =	wrdreg $0xFFFFFFFF;
	(pc) =	sbr.abs _section_cstart, $3  }
0xc2: {  	[dreg:$0x1] =	wrdreg $0xFFFFFFFF  }
0xc3: {  	_ =	task.clear_ibuf [dreg:s7], $0x2FFFF;
	_ =	strace $0x9FFFFFFF  }
0xc4: {  	(tm) =	ssettm $0x7FFFFFFF  }
0xc5: {  	_ =	shalt  }
tec
execute0_lowered:
.L_overlay_start_1:
0x0: {  	(tag) =	ssettag $0x1  }
0x1: {  	s0 =	rddreg [dreg:$0x0]  }
0x2: {  	s3 =	rddreg [dreg:$0x2]  }
0x3: {  	s4 =	rddreg [dreg:$0x3]  }
0x4: {  	s5 =	stileid.u32;
	s1 =	srdreg.scid  }
0x5: {  	s8 =	simm.s32 $0x0;
	s14 =	simm.s32 $0x6800;
	s16 =	simm.s32 $0x80  }
0x6: {  	s17 =	simm.s32 $0x2800;
	s18 =	simm.s32 $0x3000;
	s20 =	simm.s32 $0x3800  }
0x7: {  	s22 =	simm.s32 $0x4000;
	s24 =	simm.s32 $0x4800;
	s29 =	simm.s32 $0x5800  }
0x8: {  	s31 =	simm.s32 $0x6000;
	s15 =	simm.s32 $0x4;
	s19 =	simm.s32 $0x5  }
0x9: {  	s21 =	simm.s32 $0x6;
	s23 =	simm.s32 $0x7;
	s25 =	simm.s32 $0x8  }
0xa: {  	s28 =	simm.s32 $0x9;
	s30 =	simm.s32 $0xA;
	s13 =	simm.s32 $0x0  }
0xb: {  	s2 =	smul.u32 $0x2800, s5;
	s1 =	sand.u32 $0x1, s1;
	[smem:$0x7FF] =	sst s8  }
0xc: {  	s5 =	sshll.u32 s5, $0x1;
	s6 =	smul.u32 $0x28000, s1;
	_ =	strace $0x80000050  }
0xd: {  	s5 =	sor.u32 s1, s5;
	s1 =	ssub.s32 $0x2, s1;
	[dreg:$0xc] =	wrdreg s13  }
0xe: {  	s7 =	sshrl.u32 s2, $0x3;
	s5 =	smul.u32 $0x280, s5;
	s26 =	sshrl.u32 s1, $0x1  }
0xf: {  	s9 =	sadd.s32 s2, s3;
	s6 =	sadd.s32 s2, s6;
	s7 =	sadd.s32 s7, s0  }
0x10: {  	s1 =	ssub.s32 s1, s26;
	[dreg:$0x6] =	wrdreg s9;
	s2 =	sadd.s32 s2, s4  }
0x11: {  	s26 =	simm.s32 $0x5000;
	s9 =	simm.s32 $0xD;
	s6 =	sshrl.u32 s6, $0x3  }
0x12: {  	s5 =	sadd.s32 s5, s0;
	s7 =	sadd.s32 $0x7C00, s7;
	[dreg:$0x7] =	wrdreg s2  }
0x13: {  	s12 =	smax.u32 s1, $0x1;
	s1 =	simm.s32 $0x2;
	s2 =	simm.s32 $0x3  }
0x14: {  	s0 =	sadd.s32 s6, s0;
	[dreg:$0x5] =	wrdreg s7;
	s10 =	sadd.s32 $0x11C00, s5  }
0x15: {  	s11 =	sadd.s32 $0x2C00, s5;
	[dreg:$0xb] =	wrdreg s12;
	s6 =	simm.s32 $0xB  }
0x16: {  	s7 =	simm.s32 $0xC;
	s12 =	simm.s32 $0x10;
	[dreg:$0x8] =	wrdreg s10  }
0x17: {  	[dreg:$0x9] =	wrdreg s11;
	s0 =	sadd.s32 $0x16C00, s0;
	s10 =	simm.s32 $0xE  }
0x18: {  	s11 =	simm.s32 $0xF;
	[dreg:$0xa] =	wrdreg s0;
	s0 =	simm.s32 $0x1  }
.LBB2_1:
0x19: {  	s13 =	simm.s32 $0x11;
	s5 =	rddreg [dreg:$0x5]  }
0x1a: {  	[tilespmem:s14], [sflag:$0x11] =	stream.linear.gather [hbm4b:s5+s8], $0x2800, $0x38;
	[tilespmem:$0xE000] =	vst v63  }
0x1b: {  	_ =	swait.ge [sflag:s13], $0x2800  }
0x1c: {  	[sflag:s13] =	ssyncset.done $0x0  }
0x1d: {  	s5 =	rddreg [dreg:$0x6];
	[sflag:s13] =	ssyncadd.s32 $0xFFFFD800  }
0x1e: {  	[spmem:s5] =	stream.linear.scatter [tilespmem:s14], [sflag:$0x11], $0x2800, $0x38;
	[tilespmem:$0xE000] =	vst v63  }
0x1f: {  	_ =	swait.ge [sflag:s13], $0x2800  }
0x20: {  	[sflag:s13] =	ssyncset.done $0x0  }
0x21: {  	[sflag:s13] =	ssyncadd.s32 $0xFFFFD800  }
0x22: {  	s5 =	rddreg [dreg:$0x1]  }
0x23: {  	[tilespmem:s14], [sflag:$0x11] =	stream.linear.gather [hbm4b:s5+s8], $0x2800, $0x38;
	[tilespmem:$0xE000] =	vst v63  }
0x24: {  	_ =	swait.ge [sflag:s13], $0x2800  }
0x25: {  	[sflag:s13] =	ssyncset.done $0x0  }
0x26: {  	s5 =	rddreg [dreg:$0x7];
	[sflag:s13] =	ssyncadd.s32 $0xFFFFD800  }
0x27: {  	[spmem:s5] =	stream.linear.scatter [tilespmem:s14], [sflag:$0x11], $0x2800, $0x38;
	[tilespmem:$0xE000] =	vst v63  }
0x28: {  	_ =	swait.ge [sflag:s13], $0x2800  }
0x29: {  	[sflag:s13] =	ssyncset.done $0x0  }
0x2a: {  	s14 =	rddreg [dreg:$0x8];
	[sflag:s13] =	ssyncadd.s32 $0xFFFFD800  }
0x2b: {  	[tilespmem:s8], [sflag:$0x11] =	stream.linear.gather [hbm4b:s14+s8], $0x1400, $0x38;
	[tilespmem:$0xE000] =	vst v63  }
0x2c: {  	_ =	swait.ge [sflag:s13], $0x1400  }
0x2d: {  	[sflag:s13] =	ssyncset.done $0x0  }
0x2e: {  	s14 =	simm.s32 $0x1400;
	s5 =	rddreg [dreg:$0x9];
	[sflag:s13] =	ssyncadd.s32 $0xFFFFEC00  }
0x2f: {  	[tilespmem:s14], [sflag:$0x11] =	stream.linear.gather [hbm4b:s5+s8], $0x1400, $0x38;
	[tilespmem:$0xE000] =	vst v63  }
0x30: {  	_ =	swait.ge [sflag:s13], $0x1400  }
0x31: {  	[sflag:s13] =	ssyncset.done $0x0  }
0x32: {  	[sflag:s13] =	ssyncadd.s32 $0xFFFFEC00  }
0x33: {  	[bflag:$0x0] =	sbarrier.arrive $0xFFFF  }
0x34: {  	[tilespmem:s17], [sflag:$0x1] =	stream.indirect.gather [spmem:s3], $0x10, s8, s16, $0xb8;
	[tilespmem:$0xE000] =	vst v63  }
0x35: {  	_ = 	snop  }
0x36: {  	[tilespmem:s18], [sflag:$0x2] =	stream.indirect.gather [spmem:s3], $0x10, s16, s16, $0xb8;
	[tilespmem:$0xE000] =	vst v63  }
0x37: {  	s8 =	simm.s32 $0x100  }
0x38: {  	[tilespmem:s20], [sflag:$0x3] =	stream.indirect.gather [spmem:s3], $0x10, s8, s16, $0xb8;
	[tilespmem:$0xE000] =	vst v63  }
0x39: {  	s13 =	simm.s32 $0x180  }
0x3a: {  	[tilespmem:s22], [sflag:$0x4] =	stream.indirect.gather [spmem:s3], $0x10, s13, s16, $0xb8;
	[tilespmem:$0xE000] =	vst v63  }
0x3b: {  	s14 =	simm.s32 $0x200  }
0x3c: {  	[tilespmem:s24], [sflag:$0x5] =	stream.indirect.gather [spmem:s3], $0x10, s14, s16, $0xb8;
	[tilespmem:$0xE000] =	vst v63  }
0x3d: {  	s8 =	simm.s32 $0x280  }
0x3e: {  	[tilespmem:s26], [sflag:$0x6] =	stream.indirect.gather [spmem:s3], $0x10, s8, s16, $0xb8;
	[tilespmem:$0xE000] =	vst v63  }
0x3f: {  	s13 =	simm.s32 $0x300  }
0x40: {  	[tilespmem:s29], [sflag:$0x7] =	stream.indirect.gather [spmem:s3], $0x10, s13, s16, $0xb8;
	[tilespmem:$0xE000] =	vst v63  }
0x41: {  	s14 =	simm.s32 $0x380  }
0x42: {  	[tilespmem:s31], [sflag:$0x8] =	stream.indirect.gather [spmem:s3], $0x10, s14, s16, $0xb8;
	[tilespmem:$0xE000] =	vst v63  }
0x43: {  	_ =	swait.ge [sflag:s0], $0x800  }
0x44: {  	[sflag:s0] =	ssyncset.done $0x0  }
0x45: {  	s8 =	simm.s32 $0x1400;
	[sflag:s0] =	ssyncadd.s32 $0xFFFFF800  }
0x46: {  	[spmem:s4] =	stream.indirect.scatter.add.f32 [tilespmem:s17], [sflag:$0x9], $0x10, s8, s16, $0xb8;
	[tilespmem:$0xE000] =	vst v63  }
0x47: {  	_ =	swait.ge [sflag:s1], $0x800  }
0x48: {  	[sflag:s1] =	ssyncset.done $0x0  }
0x49: {  	s13 =	simm.s32 $0x1480;
	[sflag:s1] =	ssyncadd.s32 $0xFFFFF800  }
0x4a: {  	[spmem:s4] =	stream.indirect.scatter.add.f32 [tilespmem:s18], [sflag:$0xA], $0x10, s13, s16, $0xb8;
	[tilespmem:$0xE000] =	vst v63  }
0x4b: {  	_ =	swait.ge [sflag:s2], $0x800  }
0x4c: {  	[sflag:s2] =	ssyncset.done $0x0  }
0x4d: {  	s14 =	simm.s32 $0x1500;
	[sflag:s2] =	ssyncadd.s32 $0xFFFFF800  }
0x4e: {  	[spmem:s4] =	stream.indirect.scatter.add.f32 [tilespmem:s20], [sflag:$0xB], $0x10, s14, s16, $0xb8;
	[tilespmem:$0xE000] =	vst v63  }
0x4f: {  	_ =	swait.ge [sflag:s15], $0x800  }
0x50: {  	[sflag:s15] =	ssyncset.done $0x0  }
0x51: {  	s8 =	simm.s32 $0x1580;
	[sflag:s15] =	ssyncadd.s32 $0xFFFFF800  }
0x52: {  	[spmem:s4] =	stream.indirect.scatter.add.f32 [tilespmem:s22], [sflag:$0xC], $0x10, s8, s16, $0xb8;
	[tilespmem:$0xE000] =	vst v63  }
0x53: {  	_ =	swait.ge [sflag:s19], $0x800  }
0x54: {  	[sflag:s19] =	ssyncset.done $0x0  }
0x55: {  	s13 =	simm.s32 $0x1600;
	[sflag:s19] =	ssyncadd.s32 $0xFFFFF800  }
0x56: {  	[spmem:s4] =	stream.indirect.scatter.add.f32 [tilespmem:s24], [sflag:$0xD], $0x10, s13, s16, $0xb8;
	[tilespmem:$0xE000] =	vst v63  }
0x57: {  	_ =	swait.ge [sflag:s21], $0x800  }
0x58: {  	[sflag:s21] =	ssyncset.done $0x0  }
0x59: {  	s14 =	simm.s32 $0x1680;
	[sflag:s21] =	ssyncadd.s32 $0xFFFFF800  }
0x5a: {  	[spmem:s4] =	stream.indirect.scatter.add.f32 [tilespmem:s26], [sflag:$0xE], $0x10, s14, s16, $0xb8;
	[tilespmem:$0xE000] =	vst v63  }
0x5b: {  	_ =	swait.ge [sflag:s23], $0x800  }
0x5c: {  	[sflag:s23] =	ssyncset.done $0x0  }
0x5d: {  	s8 =	simm.s32 $0x1700;
	[sflag:s23] =	ssyncadd.s32 $0xFFFFF800  }
0x5e: {  	[spmem:s4] =	stream.indirect.scatter.add.f32 [tilespmem:s29], [sflag:$0xF], $0x10, s8, s16, $0xb8;
	[tilespmem:$0xE000] =	vst v63  }
0x5f: {  	_ =	swait.ge [sflag:s25], $0x800  }
0x60: {  	[sflag:s25] =	ssyncset.done $0x0  }
0x61: {  	s13 =	simm.s32 $0x1780;
	[sflag:s25] =	ssyncadd.s32 $0xFFFFF800  }
0x62: {  	[spmem:s4] =	stream.indirect.scatter.add.f32 [tilespmem:s31], [sflag:$0x10], $0x10, s13, s16, $0xb8;
	[tilespmem:$0xE000] =	vst v63  }
0x63: {  	_ =	swait.ge [sflag:s28], $0x800  }
0x64: {  	[sflag:s28] =	ssyncset.done $0x0  }
0x65: {  	s14 =	simm.s32 $0x400;
	[sflag:s28] =	ssyncadd.s32 $0xFFFFF800  }
0x66: {  	[tilespmem:s17], [sflag:$0x1] =	stream.indirect.gather [spmem:s3], $0x10, s14, s16, $0xb8;
	[tilespmem:$0xE000] =	vst v63  }
0x67: {  	_ =	swait.ge [sflag:s30], $0x800  }
0x68: {  	[sflag:s30] =	ssyncset.done $0x0  }
0x69: {  	s8 =	simm.s32 $0x480;
	[sflag:s30] =	ssyncadd.s32 $0xFFFFF800  }
0x6a: {  	[tilespmem:s18], [sflag:$0x2] =	stream.indirect.gather [spmem:s3], $0x10, s8, s16, $0xb8;
	[tilespmem:$0xE000] =	vst v63  }
0x6b: {  	_ =	swait.ge [sflag:s6], $0x800  }
0x6c: {  	[sflag:s6] =	ssyncset.done $0x0  }
0x6d: {  	s13 =	simm.s32 $0x500;
	[sflag:s6] =	ssyncadd.s32 $0xFFFFF800  }
0x6e: {  	[tilespmem:s20], [sflag:$0x3] =	stream.indirect.gather [spmem:s3], $0x10, s13, s16, $0xb8;
	[tilespmem:$0xE000] =	vst v63  }
0x6f: {  	_ =	swait.ge [sflag:s7], $0x800  }
0x70: {  	[sflag:s7] =	ssyncset.done $0x0  }
0x71: {  	s14 =	simm.s32 $0x580;
	[sflag:s7] =	ssyncadd.s32 $0xFFFFF800  }
0x72: {  	[tilespmem:s22], [sflag:$0x4] =	stream.indirect.gather [spmem:s3], $0x10, s14, s16, $0xb8;
	[tilespmem:$0xE000] =	vst v63  }
0x73: {  	_ =	swait.ge [sflag:s9], $0x800  }
0x74: {  	[sflag:s9] =	ssyncset.done $0x0  }
0x75: {  	s8 =	simm.s32 $0x600;
	[sflag:s9] =	ssyncadd.s32 $0xFFFFF800  }
0x76: {  	[tilespmem:s24], [sflag:$0x5] =	stream.indirect.gather [spmem:s3], $0x10, s8, s16, $0xb8;
	[tilespmem:$0xE000] =	vst v63  }
0x77: {  	_ =	swait.ge [sflag:s10], $0x800  }
0x78: {  	[sflag:s10] =	ssyncset.done $0x0  }
0x79: {  	s13 =	simm.s32 $0x680;
	[sflag:s10] =	ssyncadd.s32 $0xFFFFF800  }
0x7a: {  	[tilespmem:s26], [sflag:$0x6] =	stream.indirect.gather [spmem:s3], $0x10, s13, s16, $0xb8;
	[tilespmem:$0xE000] =	vst v63  }
0x7b: {  	_ =	swait.ge [sflag:s11], $0x800  }
0x7c: {  	[sflag:s11] =	ssyncset.done $0x0  }
0x7d: {  	s14 =	simm.s32 $0x700;
	[sflag:s11] =	ssyncadd.s32 $0xFFFFF800  }
0x7e: {  	[tilespmem:s29], [sflag:$0x7] =	stream.indirect.gather [spmem:s3], $0x10, s14, s16, $0xb8;
	[tilespmem:$0xE000] =	vst v63  }
0x7f: {  	_ =	swait.ge [sflag:s12], $0x800  }
0x80: {  	[sflag:s12] =	ssyncset.done $0x0  }
0x81: {  	s5 =	simm.s32 $0x1000;
	s13 =	simm.s32 $0x780;
	[sflag:s12] =	ssyncadd.s32 $0xFFFFF800  }
.LBB2_2:
0x82: {  	[tilespmem:s31], [sflag:$0x8] =	stream.indirect.gather [spmem:s3], $0x10, s13, s16, $0xb8;
	[tilespmem:$0xE000] =	vst v63  }
0x83: {  	s13 =	smov.u32 s5  }
0x84: {  	p0 =	sne.s32 s5, $0x3000;
	s5 =	sadd.s32 $0x1000, s5;
	_ =	swait.ge [sflag:s0], $0x800  }
0x85: {  	s13 =	sshra.s32 s13, $0x2;
	[sflag:s0] =	ssyncset.done $0x0  }
0x86: {  	s8 =	sadd.s32 $0x1400, s13;
	[sflag:s0] =	ssyncadd.s32 $0xFFFFF800  }
0x87: {  	[spmem:s4] =	stream.indirect.scatter.add.f32 [tilespmem:s17], [sflag:$0x9], $0x10, s8, s16, $0xb8;
	[tilespmem:$0xE000] =	vst v63  }
0x88: {  	_ =	swait.ge [sflag:s1], $0x800  }
0x89: {  	[sflag:s1] =	ssyncset.done $0x0  }
0x8a: {  	s8 =	sadd.s32 $0x1480, s13;
	[sflag:s1] =	ssyncadd.s32 $0xFFFFF800  }
0x8b: {  	[spmem:s4] =	stream.indirect.scatter.add.f32 [tilespmem:s18], [sflag:$0xA], $0x10, s8, s16, $0xb8;
	[tilespmem:$0xE000] =	vst v63  }
0x8c: {  	_ =	swait.ge [sflag:s2], $0x800  }
0x8d: {  	[sflag:s2] =	ssyncset.done $0x0  }
0x8e: {  	s8 =	sadd.s32 $0x1500, s13;
	[sflag:s2] =	ssyncadd.s32 $0xFFFFF800  }
0x8f: {  	[spmem:s4] =	stream.indirect.scatter.add.f32 [tilespmem:s20], [sflag:$0xB], $0x10, s8, s16, $0xb8;
	[tilespmem:$0xE000] =	vst v63  }
0x90: {  	_ =	swait.ge [sflag:s15], $0x800  }
0x91: {  	[sflag:s15] =	ssyncset.done $0x0  }
0x92: {  	s8 =	sadd.s32 $0x1580, s13;
	[sflag:s15] =	ssyncadd.s32 $0xFFFFF800  }
0x93: {  	[spmem:s4] =	stream.indirect.scatter.add.f32 [tilespmem:s22], [sflag:$0xC], $0x10, s8, s16, $0xb8;
	[tilespmem:$0xE000] =	vst v63  }
0x94: {  	_ =	swait.ge [sflag:s19], $0x800  }
0x95: {  	[sflag:s19] =	ssyncset.done $0x0  }
0x96: {  	s8 =	sadd.s32 $0x1600, s13;
	[sflag:s19] =	ssyncadd.s32 $0xFFFFF800  }
0x97: {  	[spmem:s4] =	stream.indirect.scatter.add.f32 [tilespmem:s24], [sflag:$0xD], $0x10, s8, s16, $0xb8;
	[tilespmem:$0xE000] =	vst v63  }
0x98: {  	_ =	swait.ge [sflag:s21], $0x800  }
0x99: {  	[sflag:s21] =	ssyncset.done $0x0  }
0x9a: {  	s8 =	sadd.s32 $0x1680, s13;
	[sflag:s21] =	ssyncadd.s32 $0xFFFFF800  }
0x9b: {  	[spmem:s4] =	stream.indirect.scatter.add.f32 [tilespmem:s26], [sflag:$0xE], $0x10, s8, s16, $0xb8;
	[tilespmem:$0xE000] =	vst v63  }
0x9c: {  	_ =	swait.ge [sflag:s23], $0x800  }
0x9d: {  	[sflag:s23] =	ssyncset.done $0x0  }
0x9e: {  	s8 =	sadd.s32 $0x1700, s13;
	[sflag:s23] =	ssyncadd.s32 $0xFFFFF800  }
0x9f: {  	[spmem:s4] =	stream.indirect.scatter.add.f32 [tilespmem:s29], [sflag:$0xF], $0x10, s8, s16, $0xb8;
	[tilespmem:$0xE000] =	vst v63  }
0xa0: {  	_ =	swait.ge [sflag:s25], $0x800  }
0xa1: {  	[sflag:s25] =	ssyncset.done $0x0  }
0xa2: {  	s8 =	sadd.s32 $0x1780, s13;
	[sflag:s25] =	ssyncadd.s32 $0xFFFFF800  }
0xa3: {  	[spmem:s4] =	stream.indirect.scatter.add.f32 [tilespmem:s31], [sflag:$0x10], $0x10, s8, s16, $0xb8;
	[tilespmem:$0xE000] =	vst v63  }
0xa4: {  	_ =	swait.ge [sflag:s28], $0x800  }
0xa5: {  	[sflag:s28] =	ssyncset.done $0x0  }
0xa6: {  	s8 =	sadd.s32 $0x400, s13;
	[sflag:s28] =	ssyncadd.s32 $0xFFFFF800  }
0xa7: {  	[tilespmem:s17], [sflag:$0x1] =	stream.indirect.gather [spmem:s3], $0x10, s8, s16, $0xb8;
	[tilespmem:$0xE000] =	vst v63  }
0xa8: {  	_ =	swait.ge [sflag:s30], $0x800  }
0xa9: {  	[sflag:s30] =	ssyncset.done $0x0  }
0xaa: {  	s8 =	sadd.s32 $0x480, s13;
	[sflag:s30] =	ssyncadd.s32 $0xFFFFF800  }
0xab: {  	[tilespmem:s18], [sflag:$0x2] =	stream.indirect.gather [spmem:s3], $0x10, s8, s16, $0xb8;
	[tilespmem:$0xE000] =	vst v63  }
0xac: {  	_ =	swait.ge [sflag:s6], $0x800  }
0xad: {  	[sflag:s6] =	ssyncset.done $0x0  }
0xae: {  	s8 =	sadd.s32 $0x500, s13;
	[sflag:s6] =	ssyncadd.s32 $0xFFFFF800  }
0xaf: {  	[tilespmem:s20], [sflag:$0x3] =	stream.indirect.gather [spmem:s3], $0x10, s8, s16, $0xb8;
	[tilespmem:$0xE000] =	vst v63  }
0xb0: {  	_ =	swait.ge [sflag:s7], $0x800  }
0xb1: {  	[sflag:s7] =	ssyncset.done $0x0  }
0xb2: {  	s8 =	sadd.s32 $0x580, s13;
	[sflag:s7] =	ssyncadd.s32 $0xFFFFF800  }
0xb3: {  	[tilespmem:s22], [sflag:$0x4] =	stream.indirect.gather [spmem:s3], $0x10, s8, s16, $0xb8;
	[tilespmem:$0xE000] =	vst v63  }
0xb4: {  	_ =	swait.ge [sflag:s9], $0x800  }
0xb5: {  	[sflag:s9] =	ssyncset.done $0x0  }
0xb6: {  	s8 =	sadd.s32 $0x600, s13;
	[sflag:s9] =	ssyncadd.s32 $0xFFFFF800  }
0xb7: {  	[tilespmem:s24], [sflag:$0x5] =	stream.indirect.gather [spmem:s3], $0x10, s8, s16, $0xb8;
	[tilespmem:$0xE000] =	vst v63  }
0xb8: {  	_ =	swait.ge [sflag:s10], $0x800  }
0xb9: {  	[sflag:s10] =	ssyncset.done $0x0  }
0xba: {  	s8 =	sadd.s32 $0x680, s13;
	[sflag:s10] =	ssyncadd.s32 $0xFFFFF800  }
0xbb: {  	[tilespmem:s26], [sflag:$0x6] =	stream.indirect.gather [spmem:s3], $0x10, s8, s16, $0xb8;
	[tilespmem:$0xE000] =	vst v63  }
0xbc: {  	_ =	swait.ge [sflag:s11], $0x800  }
0xbd: {  	[sflag:s11] =	ssyncset.done $0x0  }
.Ltmp0:
0xbe: {  	s8 =	sadd.s32 $0x700, s13;
	[sflag:s11] =	ssyncadd.s32 $0xFFFFF800;
	(pc) =	sbr.rel @p0 .LBB2_2-.Ltmp0, $4  }
0xbf: {  	[tilespmem:s29], [sflag:$0x7] =	stream.indirect.gather [spmem:s3], $0x10, s8, s16, $0xb8;
	[tilespmem:$0xE000] =	vst v63  }
0xc0: {  	_ =	swait.ge [sflag:s12], $0x800  }
0xc1: {  	[sflag:s12] =	ssyncset.done $0x0  }
0xc2: {  	s13 =	sadd.s32 $0x780, s13;
	[sflag:s12] =	ssyncadd.s32 $0xFFFFF800  }
0xc3: {  	[tilespmem:s31], [sflag:$0x8] =	stream.indirect.gather [spmem:s3], $0x10, s13, s16, $0xb8;
	[tilespmem:$0xE000] =	vst v63  }
0xc4: {  	_ =	swait.ge [sflag:s0], $0x800  }
0xc5: {  	[sflag:s0] =	ssyncset.done $0x0  }
0xc6: {  	s5 =	simm.s32 $0x2400;
	[sflag:s0] =	ssyncadd.s32 $0xFFFFF800  }
0xc7: {  	[spmem:s4] =	stream.indirect.scatter.add.f32 [tilespmem:s17], [sflag:$0x9], $0x10, s5, s16, $0xb8;
	[tilespmem:$0xE000] =	vst v63  }
0xc8: {  	_ =	swait.ge [sflag:s1], $0x800  }
0xc9: {  	[sflag:s1] =	ssyncset.done $0x0  }
0xca: {  	s8 =	simm.s32 $0x2480;
	[sflag:s1] =	ssyncadd.s32 $0xFFFFF800  }
0xcb: {  	[spmem:s4] =	stream.indirect.scatter.add.f32 [tilespmem:s18], [sflag:$0xA], $0x10, s8, s16, $0xb8;
	[tilespmem:$0xE000] =	vst v63  }
0xcc: {  	_ =	swait.ge [sflag:s2], $0x800  }
0xcd: {  	[sflag:s2] =	ssyncset.done $0x0  }
0xce: {  	s13 =	simm.s32 $0x2500;
	[sflag:s2] =	ssyncadd.s32 $0xFFFFF800  }
0xcf: {  	[spmem:s4] =	stream.indirect.scatter.add.f32 [tilespmem:s20], [sflag:$0xB], $0x10, s13, s16, $0xb8;
	[tilespmem:$0xE000] =	vst v63  }
0xd0: {  	_ =	swait.ge [sflag:s15], $0x800  }
0xd1: {  	[sflag:s15] =	ssyncset.done $0x0  }
0xd2: {  	s14 =	simm.s32 $0x2580;
	[sflag:s15] =	ssyncadd.s32 $0xFFFFF800  }
0xd3: {  	[spmem:s4] =	stream.indirect.scatter.add.f32 [tilespmem:s22], [sflag:$0xC], $0x10, s14, s16, $0xb8;
	[tilespmem:$0xE000] =	vst v63  }
0xd4: {  	_ =	swait.ge [sflag:s19], $0x800  }
0xd5: {  	[sflag:s19] =	ssyncset.done $0x0  }
0xd6: {  	s8 =	simm.s32 $0x2600;
	[sflag:s19] =	ssyncadd.s32 $0xFFFFF800  }
0xd7: {  	[spmem:s4] =	stream.indirect.scatter.add.f32 [tilespmem:s24], [sflag:$0xD], $0x10, s8, s16, $0xb8;
	[tilespmem:$0xE000] =	vst v63  }
0xd8: {  	_ =	swait.ge [sflag:s21], $0x800  }
0xd9: {  	[sflag:s21] =	ssyncset.done $0x0  }
0xda: {  	s13 =	simm.s32 $0x2680;
	[sflag:s21] =	ssyncadd.s32 $0xFFFFF800  }
0xdb: {  	[spmem:s4] =	stream.indirect.scatter.add.f32 [tilespmem:s26], [sflag:$0xE], $0x10, s13, s16, $0xb8;
	[tilespmem:$0xE000] =	vst v63  }
0xdc: {  	_ =	swait.ge [sflag:s23], $0x800  }
0xdd: {  	[sflag:s23] =	ssyncset.done $0x0  }
0xde: {  	s14 =	simm.s32 $0x2700;
	[sflag:s23] =	ssyncadd.s32 $0xFFFFF800  }
0xdf: {  	[spmem:s4] =	stream.indirect.scatter.add.f32 [tilespmem:s29], [sflag:$0xF], $0x10, s14, s16, $0xb8;
	[tilespmem:$0xE000] =	vst v63  }
0xe0: {  	_ =	swait.ge [sflag:s25], $0x800  }
0xe1: {  	[sflag:s25] =	ssyncset.done $0x0  }
0xe2: {  	s8 =	simm.s32 $0x2780;
	[sflag:s25] =	ssyncadd.s32 $0xFFFFF800  }
0xe3: {  	[spmem:s4] =	stream.indirect.scatter.add.f32 [tilespmem:s31], [sflag:$0x10], $0x10, s8, s16, $0xb8;
	[tilespmem:$0xE000] =	vst v63  }
0xe4: {  	_ =	swait.ge [sflag:s28], $0x800  }
0xe5: {  	[sflag:s28] =	ssyncset.done $0x0  }
0xe6: {  	[sflag:s28] =	ssyncadd.s32 $0xFFFFF800  }
0xe7: {  	_ =	swait.ge [sflag:s30], $0x800  }
0xe8: {  	[sflag:s30] =	ssyncset.done $0x0  }
0xe9: {  	[sflag:s30] =	ssyncadd.s32 $0xFFFFF800  }
0xea: {  	_ =	swait.ge [sflag:s6], $0x800  }
0xeb: {  	[sflag:s6] =	ssyncset.done $0x0  }
0xec: {  	[sflag:s6] =	ssyncadd.s32 $0xFFFFF800  }
0xed: {  	_ =	swait.ge [sflag:s7], $0x800  }
0xee: {  	[sflag:s7] =	ssyncset.done $0x0  }
0xef: {  	[sflag:s7] =	ssyncadd.s32 $0xFFFFF800  }
0xf0: {  	_ =	swait.ge [sflag:s9], $0x800  }
0xf1: {  	[sflag:s9] =	ssyncset.done $0x0  }
0xf2: {  	[sflag:s9] =	ssyncadd.s32 $0xFFFFF800  }
0xf3: {  	_ =	swait.ge [sflag:s10], $0x800  }
0xf4: {  	[sflag:s10] =	ssyncset.done $0x0  }
0xf5: {  	[sflag:s10] =	ssyncadd.s32 $0xFFFFF800  }
0xf6: {  	_ =	swait.ge [sflag:s11], $0x800  }
0xf7: {  	[sflag:s11] =	ssyncset.done $0x0  }
0xf8: {  	[sflag:s11] =	ssyncadd.s32 $0xFFFFF800  }
0xf9: {  	_ =	swait.ge [sflag:s12], $0x800  }
0xfa: {  	[sflag:s12] =	ssyncset.done $0x0  }
0xfb: {  	[sflag:s12] =	ssyncadd.s32 $0xFFFFF800  }
0xfc: {  	[bflag:$0x0] =	sbarrier.arrive $0xFFFF  }
0xfd: {  	s14 =	simm.s32 $0x6800;
	s13 =	rddreg [dreg:$0x7]  }
0xfe: {  	[tilespmem:s14], [sflag:$0x11] =	stream.linear.gather [spmem:s13], $0x2800, $0x38;
	[tilespmem:$0xE000] =	vst v63  }
0xff: {  	s13 =	simm.s32 $0x11  }
0x100: {  	_ =	swait.ge [sflag:s13], $0x2800  }
0x101: {  	[sflag:s13] =	ssyncset.done $0x0  }
0x102: {  	s8 =	simm.s32 $0x0;
	s5 =	rddreg [dreg:$0xa];
	[sflag:s13] =	ssyncadd.s32 $0xFFFFD800  }
0x103: {  	[hbm4b:s5+s8] =	stream.linear.scatter [tilespmem:s14], [sflag:$0x11], $0x2800, $0x38;
	[tilespmem:$0xE000] =	vst v63  }
0x104: {  	_ =	swait.ge [sflag:s13], $0x2800  }
0x105: {  	s5 =	rddreg [dreg:$0xc]  }
0x106: {  	[sflag:s13] =	ssyncset.done $0x0;
	s13 =	rddreg [dreg:$0xb];
	s8 =	sadd.s32 $0x1, s5  }
0x107: {  	p0 =	sne.s32 s8, s13  }
.Ltmp1:
0x108: {  	_ = 	snop;
	(pc) =	sbr.rel @p0 .LBB2_1-.Ltmp1, $3  }
0x109: {  	_ =	sdelay $0x1  }
0x10a: {  	s13 =	simm.s32 $0x11  }
0x10b: {  	[dreg:$0xc] =	wrdreg s8;
	s8 =	simm.s32 $0x0;
	[sflag:s13] =	ssyncadd.s32 $0xFFFFD800  }
0x10c: {  	_ =	sfence.sel $0x180000  }
0x10d: {  	[bflag:$0x0] =	sbarrier.arrive $0xFFFF  }
0x10e: {  	_ =	strace $0x90000050  }
0x10f: {  	s0 =	stileid.u32;
	[bflag:$0x2] =	sbarrier.arrive $0xFFFF  }
0x110: {  	p0 =	sne.s32 s0, $0x0;
	s0 =	rddreg [dreg:$0x4]  }
0x111: {  	s0 =	sadd.s32 @!p0 $0x100000, s0  }
0x112: {  	[sflag:s0] =	ssyncadd.tile.s32 @!p0 $0x1;
	_ =	shalt  }
.Lfunc_end2:
_tile_overlayer_lowered:
.L_overlay_start_2:
0x113: {  	(tag) =	ssettag $0x2  }
0x114: {  	s0 =	rddreg [dreg:$0x0];
	s2 =	stileid.u32  }
0x115: {  	s1 =	rddreg [dreg:$0x1];
	p0 =	sne.s32 s2, $0x0  }
0x116: {  	s3 =	rddreg [dreg:$0x2];
	[bflag:$0x3] =	sbarrier.arrive $0xFFFF;
	s2 =	simm.s32 @!p0 $0x1C11  }
0x117: {  	[timem:s3], [sflag:s2] =	dma.local @!p0 [hbm:s0], s1  }
0x118: {  	s0 =	simm.s32 @!p0 $0x11  }
0x119: {  	_ =	swait.ge @!p0 [sflag:s0], s1  }
0x11a: {  	s1 =	ssub.s32 @!p0 $0x0, s1;
	[sflag:s0] =	ssyncset.done @!p0 $0x0  }
0x11b: {  	[sflag:s0] =	ssyncadd.s32 @!p0 s1  }
0x11c: {  	[bflag:$0x3] =	sbarrier.arrive $0xFFFF  }
0x11d: {  	_ =	shalt  }

</sc_bundles>
